<compile_context>
chip_gen: v7x
topology: tpu7x:2x2x1
jax: 0.10.2.dev20260603
libtpu: 0.0.44.dev20260713+nightly
codegen_flags: <defaults>
</compile_context>

<pallas_src>
import functools

import jax
import jax.numpy as jnp
from jax import lax
from jax.experimental import pallas as pl
from jax.experimental.pallas import tpu as pltpu
from jax.experimental.pallas import tpu_sc as plsc

N_USERS = 5000
N_ITEMS = 5000
EMB = 128
N = N_USERS + N_ITEMS
E = 320000

NC = 2
NS = 16
NW = NC * NS
B = 128
NB0 = 80
NB_MAX = NB0
CH = 8
N_PAD = 10240

ROWS_PER_TILE = N_PAD // NS
ROW_CHUNK = 128
N_ROW_CHUNKS = ROWS_PER_TILE // ROW_CHUNK


def _sc_spmm_kernel(emb0_hbm, row_hbm, col_hbm, val_hbm, out_hbm,
                    acc, rowr, colr, valr, gbuf0, gbuf1,
                    gsem0, gsem1, ssem0, ssem1, wsem0, wsem1):
    c = lax.axis_index("c")
    s = lax.axis_index("s")
    w = c * NS + s
    nb = NB0

    def issue_win(off, slot, sem):
        pltpu.async_copy(row_hbm.at[w, pl.ds(off, CH)], rowr.at[slot], sem)
        pltpu.async_copy(col_hbm.at[w, pl.ds(off, CH)], colr.at[slot], sem)
        pltpu.async_copy(val_hbm.at[w, pl.ds(off, CH)], valr.at[slot], sem)

    def wait_win(off, slot, sem):
        pltpu.make_async_copy(row_hbm.at[w, pl.ds(off, CH)], rowr.at[slot], sem).wait()
        pltpu.make_async_copy(col_hbm.at[w, pl.ds(off, CH)], colr.at[slot], sem).wait()
        pltpu.make_async_copy(val_hbm.at[w, pl.ds(off, CH)], valr.at[slot], sem).wait()

    base = s * ROWS_PER_TILE

    issue_win(0, 0, wsem0)
    issue_win(CH, 1, wsem1)

    def zrow(i, _):
        for r in range(8):
            gbuf0[i, pl.ds(r * 16, 16)] = jnp.zeros((16,), jnp.float32)
        return 0
    lax.fori_loop(0, B, zrow, 0)
    for j in range(N_ROW_CHUNKS):
        pltpu.async_copy(
            gbuf0, acc.at[pl.ds(base + j * ROW_CHUNK, ROW_CHUNK)], gsem1)
    for j in range(N_ROW_CHUNKS):
        pltpu.make_async_copy(
            gbuf0, acc.at[pl.ds(base + j * ROW_CHUNK, ROW_CHUNK)],
            gsem1).wait()

    plsc.subcore_barrier()

    def scale(buf, par, k):
        def body(g, _):
            vrow = valr[par, k, pl.ds(g * 16, 16)]
            for j in range(16):
                kk = g * 16 + j
                v = vrow[j]
                for r in range(8):
                    sl = pl.ds(r * 16, 16)
                    buf[kk, sl] = buf[kk, sl] * v
            return 0
        lax.fori_loop(0, B // 16, body, 0)

    def slot(b):
        return lax.rem(lax.div(b, CH), 2), lax.rem(b, CH)

    def batch_pair(g, _):
        b0 = 2 * g
        b1 = b0 + 1
        par, k0 = slot(b0)
        _, k1 = slot(b1)

        @pl.when(g > 0)
        def _():
            parp, kp = slot(b0 - 1)
            pltpu.make_async_copy(gbuf1, acc.at[rowr.at[parp, kp]], ssem1).wait()

        @pl.when((g > 0) & (lax.rem(g, CH // 2) == 0) & (b0 + CH < nb))
        def _():
            off = pl.multiple_of((lax.div(b0, CH) + 1) * CH, CH)

            @pl.when(par == 0)
            def _():
                issue_win(off, 1, wsem1)

            @pl.when(par == 1)
            def _():
                issue_win(off, 0, wsem0)

        pltpu.async_copy(emb0_hbm.at[colr.at[par, k1]], gbuf1, gsem1)

        pltpu.make_async_copy(emb0_hbm.at[colr.at[par, k0]], gbuf0, gsem0).wait()
        scale(gbuf0, par, k0)
        pltpu.async_copy(gbuf0, acc.at[rowr.at[par, k0]], ssem0, add=True)

        pltpu.make_async_copy(emb0_hbm.at[colr.at[par, k1]], gbuf1, gsem1).wait()
        scale(gbuf1, par, k1)
        pltpu.make_async_copy(gbuf0, acc.at[rowr.at[par, k0]], ssem0).wait()

        @pl.when(g < nb // 2 - 1)
        def _():
            parn, kn = slot(b0 + 2)

            @pl.when(lax.rem(b0 + 2, CH) == 0)
            def _():
                offn = pl.multiple_of(lax.div(b0 + 2, CH) * CH, CH)

                @pl.when(parn == 0)
                def _():
                    wait_win(offn, 0, wsem0)

                @pl.when(parn == 1)
                def _():
                    wait_win(offn, 1, wsem1)

            pltpu.async_copy(emb0_hbm.at[colr.at[parn, kn]], gbuf0, gsem0)
        pltpu.async_copy(gbuf1, acc.at[rowr.at[par, k1]], ssem1, add=True)
        return 0

    wait_win(0, 0, wsem0)
    pltpu.async_copy(emb0_hbm.at[colr.at[0, 0]], gbuf0, gsem0)
    lax.fori_loop(0, nb // 2, batch_pair, 0)
    parl, kl = slot(nb - 1)
    pltpu.make_async_copy(gbuf1, acc.at[rowr.at[parl, kl]], ssem1).wait()

    plsc.subcore_barrier()

    for j in range(N_ROW_CHUNKS):
        r0 = base + j * ROW_CHUNK
        pltpu.async_copy(
            acc.at[pl.ds(r0, ROW_CHUNK)], out_hbm.at[c, pl.ds(r0, ROW_CHUNK)],
            ssem0)
    for j in range(N_ROW_CHUNKS):
        r0 = base + j * ROW_CHUNK
        pltpu.make_async_copy(
            acc.at[pl.ds(r0, ROW_CHUNK)], out_hbm.at[c, pl.ds(r0, ROW_CHUNK)],
            ssem0).wait()


def _sc_spmm(emb0, rows, cols, vals):
    out_ref = jax.new_ref(jnp.zeros((NC, N_PAD, EMB), jnp.float32))
    mesh = plsc.VectorSubcoreMesh(core_axis_name="c", subcore_axis_name="s")
    kfn = functools.partial(
        pl.kernel,
        mesh=mesh,
        out_type=(),
        scratch_types=[
            pltpu.VMEM_SHARED((N_PAD, EMB), jnp.float32),
            pltpu.VMEM((2, CH, B), jnp.int32),
            pltpu.VMEM((2, CH, B), jnp.int32),
            pltpu.VMEM((2, CH, B), jnp.float32),
            pltpu.VMEM((B, EMB), jnp.float32),
            pltpu.VMEM((B, EMB), jnp.float32),
            pltpu.SemaphoreType.DMA,
            pltpu.SemaphoreType.DMA,
            pltpu.SemaphoreType.DMA,
            pltpu.SemaphoreType.DMA,
            pltpu.SemaphoreType.DMA,
            pltpu.SemaphoreType.DMA,
        ],
    )(_sc_spmm_kernel)
    kfn(emb0, rows, cols, vals, out_ref)
    return out_ref[...]


def _tc_filter_kernel(emb0_ref, acc_ref, w_ref, out_ref):
    e = emb0_ref[...]
    spmm = acc_ref[0] + acc_ref[1]
    x = 2.0 * e - spmm
    y = jax.nn.sigmoid(jnp.dot(x, w_ref[...], preferred_element_type=jnp.float32))
    out_ref[:, :EMB] = e
    out_ref[:, EMB:] = y


def _tc_filter(emb0, acc, filter_w):
    blk = 1024
    grid = N_PAD // blk
    return pl.pallas_call(
        _tc_filter_kernel,
        grid=(grid,),
        in_specs=[
            pl.BlockSpec((blk, EMB), lambda i: (i, 0)),
            pl.BlockSpec((NC, blk, EMB), lambda i: (0, i, 0)),
            pl.BlockSpec((EMB, EMB), lambda i: (0, 0)),
        ],
        out_specs=pl.BlockSpec((blk, 2 * EMB), lambda i: (i, 0)),
        out_shape=jax.ShapeDtypeStruct((N_PAD, 2 * EMB), jnp.float32),
    )(emb0, acc, filter_w)


@jax.jit
def kernel(adj_indices, adj_values, user_embedding, item_embedding, filter_w):
    pad_rows = jnp.zeros((N_PAD - N, EMB), jnp.float32)
    emb0 = jnp.concatenate([user_embedding, item_embedding, pad_rows], axis=0)

    e_pad = NW * NB0 * B
    npad = e_pad - E
    spread = jnp.arange(npad, dtype=jnp.int32)
    row = jnp.concatenate(
        [adj_indices[0], N + spread % (N_PAD - N)]).reshape(NW, NB0, B)
    col = jnp.concatenate(
        [adj_indices[1], spread % N]).reshape(NW, NB0, B)
    val = jnp.concatenate(
        [adj_values, jnp.zeros((npad,), jnp.float32)]).reshape(NW, NB0, B)

    acc = _sc_spmm(emb0, row, col, val)
    all_emb = _tc_filter(emb0, acc, filter_w)
    return (all_emb[:N_USERS], all_emb[N_USERS:N])

# --- scband reference (transcript-rebuilt; emitter-appended) ---
"""Pipeline reference for scband-scf-4269197492539 (READ-ONLY COPY).

The authoritative reference and input builder live on the scoring server;
editing this copy changes nothing except your own understanding.
"""

import jax, jax.numpy as jnp
import numpy as np

N_USERS = 5000
N_ITEMS = 5000
EMB = 128
N = N_USERS + N_ITEMS
E = 320000


def _xavier_uniform(key, fan_in, fan_out):
    limit = float(np.sqrt(6.0 / (fan_in + fan_out)))
    return jax.random.uniform(key, (fan_in, fan_out), minval=-limit, maxval=limit, dtype=jnp.float32)


def setup_inputs(seed: int = 0) -> dict:
    key = jax.random.key(seed)
    k1, k2, k3, k4 = jax.random.split(key, 4)
    adj_indices = jax.random.randint(k1, (2, E), 0, N, dtype=jnp.int64 if jax.config.jax_enable_x64 else jnp.int32).astype(jnp.int32)
    adj_values = jax.random.uniform(k2, (E,), dtype=jnp.float32)
    user_embedding = _xavier_uniform(k3, N_USERS, EMB)
    item_embedding = _xavier_uniform(k4, N_ITEMS, EMB)
    filter_w = jnp.eye(EMB, dtype=jnp.float32)
    return {
        "adj_indices": adj_indices,
        "adj_values": adj_values,
        "user_embedding": user_embedding,
        "item_embedding": item_embedding,
        "filter_w": filter_w,
    }


def reference(adj_indices, adj_values, user_embedding, item_embedding, filter_w):
    # embeddings = cat(user_emb, item_emb)
    emb0 = jnp.concatenate([user_embedding, item_embedding], axis=0)  # [N, EMB]
    # torch.sparse.mm(adj, embeddings) with adj in COO form:
    # out[row] += val * embeddings[col]
    row = adj_indices[0]
    col = adj_indices[1]
    msg = adj_values[:, None] * jnp.take(emb0, col, axis=0)  # gather [E, EMB]
    spmm = jax.ops.segment_sum(msg, row, num_segments=N)     # scatter-add [N, EMB]
    emb1 = 2.0 * emb0 - spmm
    emb1 = jax.nn.sigmoid(jnp.matmul(emb1, filter_w))
    all_emb = jnp.concatenate([emb0, emb1], axis=1)  # [N, 2*EMB]
    users = all_emb[:N_USERS]
    items = all_emb[N_USERS:]
    return (users, items)

if __name__ == "__main__":
    import jax
    _d = setup_inputs()
    print(jax.jit(kernel)(*tuple(_d.values())))

</pallas_src>

<mosaic_0001>
#map = affine_map<(d0, d1) -> (0, 0)>
#map1 = affine_map<(d0, d1) -> (0, 0, 0)>
module attributes {stable_mosaic.version = 14 : i64} {
  func.func @new_body(%arg0: i32, %arg1: i32, %arg2: memref<10240x128xf32, #tpu.memory_space<hbm>>, %arg3: memref<32x80x128xi32, #tpu.memory_space<hbm>>, %arg4: memref<32x80x128xi32, #tpu.memory_space<hbm>>, %arg5: memref<32x80x128xf32, #tpu.memory_space<hbm>>, %arg6: memref<2x10240x128xf32, #tpu.memory_space<hbm>>, %arg7: memref<2x10240x128xf32, #tpu.memory_space<hbm>>, %arg8: memref<10240x128xf32, #tpu.memory_space<vmem_shared>>, %arg9: memref<2x8x128xi32, #tpu.memory_space<vmem>>, %arg10: memref<2x8x128xi32, #tpu.memory_space<vmem>>, %arg11: memref<2x8x128xf32, #tpu.memory_space<vmem>>, %arg12: memref<128x128xf32, #tpu.memory_space<vmem>>, %arg13: memref<128x128xf32, #tpu.memory_space<vmem>>, %arg14: memref<!tpu.dma_semaphore, #tpu.memory_space<semaphore_mem>>, %arg15: memref<!tpu.dma_semaphore, #tpu.memory_space<semaphore_mem>>, %arg16: memref<!tpu.dma_semaphore, #tpu.memory_space<semaphore_mem>>, %arg17: memref<!tpu.dma_semaphore, #tpu.memory_space<semaphore_mem>>, %arg18: memref<!tpu.dma_semaphore, #tpu.memory_space<semaphore_mem>>, %arg19: memref<!tpu.dma_semaphore, #tpu.memory_space<semaphore_mem>>) attributes {dimension_semantics = [#tpu.dimension_semantics<core_parallel>, #tpu.dimension_semantics<subcore_parallel>], iteration_bounds = array<i64: 2, 16>, scalar_prefetch = 0 : i64, scratch_operands = 12 : i64, tpu.core_type = #tpu.core_type<sc_vector_subcore>, window_params = [{transform_indices = #map}, {transform_indices = #map1}, {transform_indices = #map1}, {transform_indices = #map1}, {transform_indices = #map1}, {transform_indices = #map1}]} {
    %mul3A = arith.constant 16 : i32
    %mul3A_0 = arith.muli %arg0, %mul3A : i32
    %add3A = arith.addi %mul3A_0, %arg1 : i32
    %mul3A_1 = arith.constant 640 : i32
    %mul3A_2 = arith.muli %arg1, %mul3A_1 : i32
    %dma_start3A = arith.constant 0 : i32
    %dma_start3A_3 = arith.constant 0 : i32
    %dma_start3A_4 = arith.constant 0 : i32
    %dma_start3A_5 = tpu.memref_slice %arg9[%dma_start3A, %dma_start3A_3, %dma_start3A_4] : memref<2x8x128xi32, #tpu.memory_space<vmem>> -> memref<1x8x128xi32, #tpu.memory_space<vmem>>
    %dma_start3A_6 = tpu.memref_squeeze %dma_start3A_5 : memref<1x8x128xi32, #tpu.memory_space<vmem>> -> memref<8x128xi32, #tpu.memory_space<vmem>>
    %dma_start3A_7 = arith.constant 0 : i32
    %dma_start3A_8 = arith.constant 0 : i32
    %dma_start3A_9 = tpu.memref_slice %arg3[%add3A, %dma_start3A_7, %dma_start3A_8] : memref<32x80x128xi32, #tpu.memory_space<hbm>> -> memref<1x8x128xi32, #tpu.memory_space<hbm>>
    %dma_start3A_10 = tpu.memref_squeeze %dma_start3A_9 : memref<1x8x128xi32, #tpu.memory_space<hbm>> -> memref<8x128xi32, #tpu.memory_space<hbm>>
    %dma_start3A_11 = arith.constant 0 : i32
    %dma_start3A_12 = arith.constant 0 : i32
    %dma_start3A_13 = tpu.memref_slice %arg9[%dma_start3A, %dma_start3A_11, %dma_start3A_12] : memref<2x8x128xi32, #tpu.memory_space<vmem>> -> memref<1x8x128xi32, #tpu.memory_space<vmem>>
    %dma_start3A_14 = tpu.memref_squeeze %dma_start3A_13 : memref<1x8x128xi32, #tpu.memory_space<vmem>> -> memref<8x128xi32, #tpu.memory_space<vmem>>
    %dma_start3A_15 = arith.constant 0 : i32
    %dma_start3A_16 = arith.constant 0 : i32
    %dma_start3A_17 = tpu.memref_slice %arg3[%add3A, %dma_start3A_15, %dma_start3A_16] : memref<32x80x128xi32, #tpu.memory_space<hbm>> -> memref<1x8x128xi32, #tpu.memory_space<hbm>>
    %dma_start3A_18 = tpu.memref_squeeze %dma_start3A_17 : memref<1x8x128xi32, #tpu.memory_space<hbm>> -> memref<8x128xi32, #tpu.memory_space<hbm>>
    tpu.enqueue_dma source(%dma_start3A_18 : memref<8x128xi32, #tpu.memory_space<hbm>>) target(%dma_start3A_14 : memref<8x128xi32, #tpu.memory_space<vmem>>) target_semaphore(%arg18 : memref<!tpu.dma_semaphore, #tpu.memory_space<semaphore_mem>>)
    %dma_start3A_19 = arith.constant 0 : i32
    %dma_start3A_20 = arith.constant 0 : i32
    %dma_start3A_21 = arith.constant 0 : i32
    %dma_start3A_22 = tpu.memref_slice %arg10[%dma_start3A_19, %dma_start3A_20, %dma_start3A_21] : memref<2x8x128xi32, #tpu.memory_space<vmem>> -> memref<1x8x128xi32, #tpu.memory_space<vmem>>
    %dma_start3A_23 = tpu.memref_squeeze %dma_start3A_22 : memref<1x8x128xi32, #tpu.memory_space<vmem>> -> memref<8x128xi32, #tpu.memory_space<vmem>>
    %dma_start3A_24 = arith.constant 0 : i32
    %dma_start3A_25 = arith.constant 0 : i32
    %dma_start3A_26 = tpu.memref_slice %arg4[%add3A, %dma_start3A_24, %dma_start3A_25] : memref<32x80x128xi32, #tpu.memory_space<hbm>> -> memref<1x8x128xi32, #tpu.memory_space<hbm>>
    %dma_start3A_27 = tpu.memref_squeeze %dma_start3A_26 : memref<1x8x128xi32, #tpu.memory_space<hbm>> -> memref<8x128xi32, #tpu.memory_space<hbm>>
    %dma_start3A_28 = arith.constant 0 : i32
    %dma_start3A_29 = arith.constant 0 : i32
    %dma_start3A_30 = tpu.memref_slice %arg10[%dma_start3A_19, %dma_start3A_28, %dma_start3A_29] : memref<2x8x128xi32, #tpu.memory_space<vmem>> -> memref<1x8x128xi32, #tpu.memory_space<vmem>>
    %dma_start3A_31 = tpu.memref_squeeze %dma_start3A_30 : memref<1x8x128xi32, #tpu.memory_space<vmem>> -> memref<8x128xi32, #tpu.memory_space<vmem>>
    %dma_start3A_32 = arith.constant 0 : i32
    %dma_start3A_33 = arith.constant 0 : i32
    %dma_start3A_34 = tpu.memref_slice %arg4[%add3A, %dma_start3A_32, %dma_start3A_33] : memref<32x80x128xi32, #tpu.memory_space<hbm>> -> memref<1x8x128xi32, #tpu.memory_space<hbm>>
    %dma_start3A_35 = tpu.memref_squeeze %dma_start3A_34 : memref<1x8x128xi32, #tpu.memory_space<hbm>> -> memref<8x128xi32, #tpu.memory_space<hbm>>
    tpu.enqueue_dma source(%dma_start3A_35 : memref<8x128xi32, #tpu.memory_space<hbm>>) target(%dma_start3A_31 : memref<8x128xi32, #tpu.memory_space<vmem>>) target_semaphore(%arg18 : memref<!tpu.dma_semaphore, #tpu.memory_space<semaphore_mem>>)
    %dma_start3A_36 = arith.constant 0 : i32
    %dma_start3A_37 = arith.constant 0 : i32
    %dma_start3A_38 = arith.constant 0 : i32
    %dma_start3A_39 = tpu.memref_slice %arg11[%dma_start3A_36, %dma_start3A_37, %dma_start3A_38] : memref<2x8x128xf32, #tpu.memory_space<vmem>> -> memref<1x8x128xf32, #tpu.memory_space<vmem>>
    %dma_start3A_40 = tpu.memref_squeeze %dma_start3A_39 : memref<1x8x128xf32, #tpu.memory_space<vmem>> -> memref<8x128xf32, #tpu.memory_space<vmem>>
    %dma_start3A_41 = arith.constant 0 : i32
    %dma_start3A_42 = arith.constant 0 : i32
    %dma_start3A_43 = tpu.memref_slice %arg5[%add3A, %dma_start3A_41, %dma_start3A_42] : memref<32x80x128xf32, #tpu.memory_space<hbm>> -> memref<1x8x128xf32, #tpu.memory_space<hbm>>
    %dma_start3A_44 = tpu.memref_squeeze %dma_start3A_43 : memref<1x8x128xf32, #tpu.memory_space<hbm>> -> memref<8x128xf32, #tpu.memory_space<hbm>>
    %dma_start3A_45 = arith.constant 0 : i32
    %dma_start3A_46 = arith.constant 0 : i32
    %dma_start3A_47 = tpu.memref_slice %arg11[%dma_start3A_36, %dma_start3A_45, %dma_start3A_46] : memref<2x8x128xf32, #tpu.memory_space<vmem>> -> memref<1x8x128xf32, #tpu.memory_space<vmem>>
    %dma_start3A_48 = tpu.memref_squeeze %dma_start3A_47 : memref<1x8x128xf32, #tpu.memory_space<vmem>> -> memref<8x128xf32, #tpu.memory_space<vmem>>
    %dma_start3A_49 = arith.constant 0 : i32
    %dma_start3A_50 = arith.constant 0 : i32
    %dma_start3A_51 = tpu.memref_slice %arg5[%add3A, %dma_start3A_49, %dma_start3A_50] : memref<32x80x128xf32, #tpu.memory_space<hbm>> -> memref<1x8x128xf32, #tpu.memory_space<hbm>>
    %dma_start3A_52 = tpu.memref_squeeze %dma_start3A_51 : memref<1x8x128xf32, #tpu.memory_space<hbm>> -> memref<8x128xf32, #tpu.memory_space<hbm>>
    tpu.enqueue_dma source(%dma_start3A_52 : memref<8x128xf32, #tpu.memory_space<hbm>>) target(%dma_start3A_48 : memref<8x128xf32, #tpu.memory_space<vmem>>) target_semaphore(%arg18 : memref<!tpu.dma_semaphore, #tpu.memory_space<semaphore_mem>>)
    %dma_start3A_53 = arith.constant 1 : i32
    %dma_start3A_54 = arith.constant 0 : i32
    %dma_start3A_55 = arith.constant 0 : i32
    %dma_start3A_56 = tpu.memref_slice %arg9[%dma_start3A_53, %dma_start3A_54, %dma_start3A_55] : memref<2x8x128xi32, #tpu.memory_space<vmem>> -> memref<1x8x128xi32, #tpu.memory_space<vmem>>
    %dma_start3A_57 = tpu.memref_squeeze %dma_start3A_56 : memref<1x8x128xi32, #tpu.memory_space<vmem>> -> memref<8x128xi32, #tpu.memory_space<vmem>>
    %dma_start3A_58 = arith.constant 8 : i32
    %dma_start3A_59 = arith.constant 0 : i32
    %dma_start3A_60 = tpu.memref_slice %arg3[%add3A, %dma_start3A_58, %dma_start3A_59] : memref<32x80x128xi32, #tpu.memory_space<hbm>> -> memref<1x8x128xi32, #tpu.memory_space<hbm>>
    %dma_start3A_61 = tpu.memref_squeeze %dma_start3A_60 : memref<1x8x128xi32, #tpu.memory_space<hbm>> -> memref<8x128xi32, #tpu.memory_space<hbm>>
    %dma_start3A_62 = arith.constant 0 : i32
    %dma_start3A_63 = arith.constant 0 : i32
    %dma_start3A_64 = tpu.memref_slice %arg9[%dma_start3A_53, %dma_start3A_62, %dma_start3A_63] : memref<2x8x128xi32, #tpu.memory_space<vmem>> -> memref<1x8x128xi32, #tpu.memory_space<vmem>>
    %dma_start3A_65 = tpu.memref_squeeze %dma_start3A_64 : memref<1x8x128xi32, #tpu.memory_space<vmem>> -> memref<8x128xi32, #tpu.memory_space<vmem>>
    %dma_start3A_66 = arith.constant 8 : i32
    %dma_start3A_67 = arith.constant 0 : i32
    %dma_start3A_68 = tpu.memref_slice %arg3[%add3A, %dma_start3A_66, %dma_start3A_67] : memref<32x80x128xi32, #tpu.memory_space<hbm>> -> memref<1x8x128xi32, #tpu.memory_space<hbm>>
    %dma_start3A_69 = tpu.memref_squeeze %dma_start3A_68 : memref<1x8x128xi32, #tpu.memory_space<hbm>> -> memref<8x128xi32, #tpu.memory_space<hbm>>
    tpu.enqueue_dma source(%dma_start3A_69 : memref<8x128xi32, #tpu.memory_space<hbm>>) target(%dma_start3A_65 : memref<8x128xi32, #tpu.memory_space<vmem>>) target_semaphore(%arg19 : memref<!tpu.dma_semaphore, #tpu.memory_space<semaphore_mem>>)
    %dma_start3A_70 = arith.constant 1 : i32
    %dma_start3A_71 = arith.constant 0 : i32
    %dma_start3A_72 = arith.constant 0 : i32
    %dma_start3A_73 = tpu.memref_slice %arg10[%dma_start3A_70, %dma_start3A_71, %dma_start3A_72] : memref<2x8x128xi32, #tpu.memory_space<vmem>> -> memref<1x8x128xi32, #tpu.memory_space<vmem>>
    %dma_start3A_74 = tpu.memref_squeeze %dma_start3A_73 : memref<1x8x128xi32, #tpu.memory_space<vmem>> -> memref<8x128xi32, #tpu.memory_space<vmem>>
    %dma_start3A_75 = arith.constant 8 : i32
    %dma_start3A_76 = arith.constant 0 : i32
    %dma_start3A_77 = tpu.memref_slice %arg4[%add3A, %dma_start3A_75, %dma_start3A_76] : memref<32x80x128xi32, #tpu.memory_space<hbm>> -> memref<1x8x128xi32, #tpu.memory_space<hbm>>
    %dma_start3A_78 = tpu.memref_squeeze %dma_start3A_77 : memref<1x8x128xi32, #tpu.memory_space<hbm>> -> memref<8x128xi32, #tpu.memory_space<hbm>>
    %dma_start3A_79 = arith.constant 0 : i32
    %dma_start3A_80 = arith.constant 0 : i32
    %dma_start3A_81 = tpu.memref_slice %arg10[%dma_start3A_70, %dma_start3A_79, %dma_start3A_80] : memref<2x8x128xi32, #tpu.memory_space<vmem>> -> memref<1x8x128xi32, #tpu.memory_space<vmem>>
    %dma_start3A_82 = tpu.memref_squeeze %dma_start3A_81 : memref<1x8x128xi32, #tpu.memory_space<vmem>> -> memref<8x128xi32, #tpu.memory_space<vmem>>
    %dma_start3A_83 = arith.constant 8 : i32
    %dma_start3A_84 = arith.constant 0 : i32
    %dma_start3A_85 = tpu.memref_slice %arg4[%add3A, %dma_start3A_83, %dma_start3A_84] : memref<32x80x128xi32, #tpu.memory_space<hbm>> -> memref<1x8x128xi32, #tpu.memory_space<hbm>>
    %dma_start3A_86 = tpu.memref_squeeze %dma_start3A_85 : memref<1x8x128xi32, #tpu.memory_space<hbm>> -> memref<8x128xi32, #tpu.memory_space<hbm>>
    tpu.enqueue_dma source(%dma_start3A_86 : memref<8x128xi32, #tpu.memory_space<hbm>>) target(%dma_start3A_82 : memref<8x128xi32, #tpu.memory_space<vmem>>) target_semaphore(%arg19 : memref<!tpu.dma_semaphore, #tpu.memory_space<semaphore_mem>>)
    %dma_start3A_87 = arith.constant 1 : i32
    %dma_start3A_88 = arith.constant 0 : i32
    %dma_start3A_89 = arith.constant 0 : i32
    %dma_start3A_90 = tpu.memref_slice %arg11[%dma_start3A_87, %dma_start3A_88, %dma_start3A_89] : memref<2x8x128xf32, #tpu.memory_space<vmem>> -> memref<1x8x128xf32, #tpu.memory_space<vmem>>
    %dma_start3A_91 = tpu.memref_squeeze %dma_start3A_90 : memref<1x8x128xf32, #tpu.memory_space<vmem>> -> memref<8x128xf32, #tpu.memory_space<vmem>>
    %dma_start3A_92 = arith.constant 8 : i32
    %dma_start3A_93 = arith.constant 0 : i32
    %dma_start3A_94 = tpu.memref_slice %arg5[%add3A, %dma_start3A_92, %dma_start3A_93] : memref<32x80x128xf32, #tpu.memory_space<hbm>> -> memref<1x8x128xf32, #tpu.memory_space<hbm>>
    %dma_start3A_95 = tpu.memref_squeeze %dma_start3A_94 : memref<1x8x128xf32, #tpu.memory_space<hbm>> -> memref<8x128xf32, #tpu.memory_space<hbm>>
    %dma_start3A_96 = arith.constant 0 : i32
    %dma_start3A_97 = arith.constant 0 : i32
    %dma_start3A_98 = tpu.memref_slice %arg11[%dma_start3A_87, %dma_start3A_96, %dma_start3A_97] : memref<2x8x128xf32, #tpu.memory_space<vmem>> -> memref<1x8x128xf32, #tpu.memory_space<vmem>>
    %dma_start3A_99 = tpu.memref_squeeze %dma_start3A_98 : memref<1x8x128xf32, #tpu.memory_space<vmem>> -> memref<8x128xf32, #tpu.memory_space<vmem>>
    %dma_start3A_100 = arith.constant 8 : i32
    %dma_start3A_101 = arith.constant 0 : i32
    %dma_start3A_102 = tpu.memref_slice %arg5[%add3A, %dma_start3A_100, %dma_start3A_101] : memref<32x80x128xf32, #tpu.memory_space<hbm>> -> memref<1x8x128xf32, #tpu.memory_space<hbm>>
    %dma_start3A_103 = tpu.memref_squeeze %dma_start3A_102 : memref<1x8x128xf32, #tpu.memory_space<hbm>> -> memref<8x128xf32, #tpu.memory_space<hbm>>
    tpu.enqueue_dma source(%dma_start3A_103 : memref<8x128xf32, #tpu.memory_space<hbm>>) target(%dma_start3A_99 : memref<8x128xf32, #tpu.memory_space<vmem>>) target_semaphore(%arg19 : memref<!tpu.dma_semaphore, #tpu.memory_space<semaphore_mem>>)
    %scan3A = arith.constant 0 : i32
    %scan3A_104 = arith.constant 0 : i32
    %scan3A_105 = arith.constant 128 : i32
    %scan3A_106 = arith.addi %scan3A_104, %scan3A_105 : i32
    %scan3A_107 = arith.constant 1 : i32
    %scan3A_108 = scf.for %scan3A_318 = %scan3A_104 to %scan3A_106 step %scan3A_107 iter_args(%scan3A_319 = %scan3A) -> (i32)  : i32 {
      %broadcast_in_dim3A = arith.constant 0.000000e+00 : f32
      %broadcast_in_dim3A_320 = vector.broadcast %broadcast_in_dim3A : f32 to vector<16xf32>
      %swap3A = arith.index_cast %scan3A_318 : i32 to index
      %swap3A_321 = arith.constant 0 : index
      %swap3A_322 = tpu.vector_load %arg12[%swap3A, %swap3A_321] {strides = array<i32>} : memref<128x128xf32, #tpu.memory_space<vmem>>, vector<1x16xf32>,
      %swap3A_323 = vector.shape_cast %swap3A_322 : vector<1x16xf32> to vector<16xf32>
      %swap3A_324 = vector.shape_cast %broadcast_in_dim3A_320 : vector<16xf32> to vector<1x16xf32>
      tpu.vector_store %arg12[%swap3A, %swap3A_321], %swap3A_324 {strides = array<i32>} : memref<128x128xf32, #tpu.memory_space<vmem>>, vector<1x16xf32>,
      %broadcast_in_dim3A_325 = arith.constant 0.000000e+00 : f32
      %broadcast_in_dim3A_326 = vector.broadcast %broadcast_in_dim3A_325 : f32 to vector<16xf32>
      %swap3A_327 = arith.index_cast %scan3A_318 : i32 to index
      %swap3A_328 = arith.constant 16 : index
      %swap3A_329 = tpu.vector_load %arg12[%swap3A_327, %swap3A_328] {strides = array<i32>} : memref<128x128xf32, #tpu.memory_space<vmem>>, vector<1x16xf32>,
      %swap3A_330 = vector.shape_cast %swap3A_329 : vector<1x16xf32> to vector<16xf32>
      %swap3A_331 = vector.shape_cast %broadcast_in_dim3A_326 : vector<16xf32> to vector<1x16xf32>
      tpu.vector_store %arg12[%swap3A_327, %swap3A_328], %swap3A_331 {strides = array<i32>} : memref<128x128xf32, #tpu.memory_space<vmem>>, vector<1x16xf32>,
      %broadcast_in_dim3A_332 = arith.constant 0.000000e+00 : f32
      %broadcast_in_dim3A_333 = vector.broadcast %broadcast_in_dim3A_332 : f32 to vector<16xf32>
      %swap3A_334 = arith.index_cast %scan3A_318 : i32 to index
      %swap3A_335 = arith.constant 32 : index
      %swap3A_336 = tpu.vector_load %arg12[%swap3A_334, %swap3A_335] {strides = array<i32>} : memref<128x128xf32, #tpu.memory_space<vmem>>, vector<1x16xf32>,
      %swap3A_337 = vector.shape_cast %swap3A_336 : vector<1x16xf32> to vector<16xf32>
      %swap3A_338 = vector.shape_cast %broadcast_in_dim3A_333 : vector<16xf32> to vector<1x16xf32>
      tpu.vector_store %arg12[%swap3A_334, %swap3A_335], %swap3A_338 {strides = array<i32>} : memref<128x128xf32, #tpu.memory_space<vmem>>, vector<1x16xf32>,
      %broadcast_in_dim3A_339 = arith.constant 0.000000e+00 : f32
      %broadcast_in_dim3A_340 = vector.broadcast %broadcast_in_dim3A_339 : f32 to vector<16xf32>
      %swap3A_341 = arith.index_cast %scan3A_318 : i32 to index
      %swap3A_342 = arith.constant 48 : index
      %swap3A_343 = tpu.vector_load %arg12[%swap3A_341, %swap3A_342] {strides = array<i32>} : memref<128x128xf32, #tpu.memory_space<vmem>>, vector<1x16xf32>,
      %swap3A_344 = vector.shape_cast %swap3A_343 : vector<1x16xf32> to vector<16xf32>
      %swap3A_345 = vector.shape_cast %broadcast_in_dim3A_340 : vector<16xf32> to vector<1x16xf32>
      tpu.vector_store %arg12[%swap3A_341, %swap3A_342], %swap3A_345 {strides = array<i32>} : memref<128x128xf32, #tpu.memory_space<vmem>>, vector<1x16xf32>,
      %broadcast_in_dim3A_346 = arith.constant 0.000000e+00 : f32
      %broadcast_in_dim3A_347 = vector.broadcast %broadcast_in_dim3A_346 : f32 to vector<16xf32>
      %swap3A_348 = arith.index_cast %scan3A_318 : i32 to index
      %swap3A_349 = arith.constant 64 : index
      %swap3A_350 = tpu.vector_load %arg12[%swap3A_348, %swap3A_349] {strides = array<i32>} : memref<128x128xf32, #tpu.memory_space<vmem>>, vector<1x16xf32>,
      %swap3A_351 = vector.shape_cast %swap3A_350 : vector<1x16xf32> to vector<16xf32>
      %swap3A_352 = vector.shape_cast %broadcast_in_dim3A_347 : vector<16xf32> to vector<1x16xf32>
      tpu.vector_store %arg12[%swap3A_348, %swap3A_349], %swap3A_352 {strides = array<i32>} : memref<128x128xf32, #tpu.memory_space<vmem>>, vector<1x16xf32>,
      %broadcast_in_dim3A_353 = arith.constant 0.000000e+00 : f32
      %broadcast_in_dim3A_354 = vector.broadcast %broadcast_in_dim3A_353 : f32 to vector<16xf32>
      %swap3A_355 = arith.index_cast %scan3A_318 : i32 to index
      %swap3A_356 = arith.constant 80 : index
      %swap3A_357 = tpu.vector_load %arg12[%swap3A_355, %swap3A_356] {strides = array<i32>} : memref<128x128xf32, #tpu.memory_space<vmem>>, vector<1x16xf32>,
      %swap3A_358 = vector.shape_cast %swap3A_357 : vector<1x16xf32> to vector<16xf32>
      %swap3A_359 = vector.shape_cast %broadcast_in_dim3A_354 : vector<16xf32> to vector<1x16xf32>
      tpu.vector_store %arg12[%swap3A_355, %swap3A_356], %swap3A_359 {strides = array<i32>} : memref<128x128xf32, #tpu.memory_space<vmem>>, vector<1x16xf32>,
      %broadcast_in_dim3A_360 = arith.constant 0.000000e+00 : f32
      %broadcast_in_dim3A_361 = vector.broadcast %broadcast_in_dim3A_360 : f32 to vector<16xf32>
      %swap3A_362 = arith.index_cast %scan3A_318 : i32 to index
      %swap3A_363 = arith.constant 96 : index
      %swap3A_364 = tpu.vector_load %arg12[%swap3A_362, %swap3A_363] {strides = array<i32>} : memref<128x128xf32, #tpu.memory_space<vmem>>, vector<1x16xf32>,
      %swap3A_365 = vector.shape_cast %swap3A_364 : vector<1x16xf32> to vector<16xf32>
      %swap3A_366 = vector.shape_cast %broadcast_in_dim3A_361 : vector<16xf32> to vector<1x16xf32>
      tpu.vector_store %arg12[%swap3A_362, %swap3A_363], %swap3A_366 {strides = array<i32>} : memref<128x128xf32, #tpu.memory_space<vmem>>, vector<1x16xf32>,
      %broadcast_in_dim3A_367 = arith.constant 0.000000e+00 : f32
      %broadcast_in_dim3A_368 = vector.broadcast %broadcast_in_dim3A_367 : f32 to vector<16xf32>
      %swap3A_369 = arith.index_cast %scan3A_318 : i32 to index
      %swap3A_370 = arith.constant 112 : index
      %swap3A_371 = tpu.vector_load %arg12[%swap3A_369, %swap3A_370] {strides = array<i32>} : memref<128x128xf32, #tpu.memory_space<vmem>>, vector<1x16xf32>,
      %swap3A_372 = vector.shape_cast %swap3A_371 : vector<1x16xf32> to vector<16xf32>
      %swap3A_373 = vector.shape_cast %broadcast_in_dim3A_368 : vector<16xf32> to vector<1x16xf32>
      tpu.vector_store %arg12[%swap3A_369, %swap3A_370], %swap3A_373 {strides = array<i32>} : memref<128x128xf32, #tpu.memory_space<vmem>>, vector<1x16xf32>,
      %scan3A_374 = arith.constant 0 : i32
      scf.yield %scan3A_374 : i32
    }
    %scan3A_109 = arith.constant 128 : i32
    %add3A_110 = arith.constant 0 : i32
    %add3A_111 = arith.addi %mul3A_2, %add3A_110 : i32
    %dma_start3A_112 = arith.constant 0 : i32
    %dma_start3A_113 = tpu.memref_slice %arg8[%add3A_111, %dma_start3A_112] : memref<10240x128xf32, #tpu.memory_space<vmem_shared>> -> memref<128x128xf32, #tpu.memory_space<vmem_shared>>
    %dma_start3A_114 = arith.constant 0 : i32
    %dma_start3A_115 = tpu.memref_slice %arg8[%add3A_111, %dma_start3A_114] : memref<10240x128xf32, #tpu.memory_space<vmem_shared>> -> memref<128x128xf32, #tpu.memory_space<vmem_shared>>
    tpu.enqueue_dma source(%arg12 : memref<128x128xf32, #tpu.memory_space<vmem>>) target(%dma_start3A_115 : memref<128x128xf32, #tpu.memory_space<vmem_shared>>) target_semaphore(%arg15 : memref<!tpu.dma_semaphore, #tpu.memory_space<semaphore_mem>>)
    %add3A_116 = arith.constant 128 : i32
    %add3A_117 = arith.addi %mul3A_2, %add3A_116 : i32
    %dma_start3A_118 = arith.constant 0 : i32
    %dma_start3A_119 = tpu.memref_slice %arg8[%add3A_117, %dma_start3A_118] : memref<10240x128xf32, #tpu.memory_space<vmem_shared>> -> memref<128x128xf32, #tpu.memory_space<vmem_shared>>
    %dma_start3A_120 = arith.constant 0 : i32
    %dma_start3A_121 = tpu.memref_slice %arg8[%add3A_117, %dma_start3A_120] : memref<10240x128xf32, #tpu.memory_space<vmem_shared>> -> memref<128x128xf32, #tpu.memory_space<vmem_shared>>
    tpu.enqueue_dma source(%arg12 : memref<128x128xf32, #tpu.memory_space<vmem>>) target(%dma_start3A_121 : memref<128x128xf32, #tpu.memory_space<vmem_shared>>) target_semaphore(%arg15 : memref<!tpu.dma_semaphore, #tpu.memory_space<semaphore_mem>>)
    %add3A_122 = arith.constant 256 : i32
    %add3A_123 = arith.addi %mul3A_2, %add3A_122 : i32
    %dma_start3A_124 = arith.constant 0 : i32
    %dma_start3A_125 = tpu.memref_slice %arg8[%add3A_123, %dma_start3A_124] : memref<10240x128xf32, #tpu.memory_space<vmem_shared>> -> memref<128x128xf32, #tpu.memory_space<vmem_shared>>
    %dma_start3A_126 = arith.constant 0 : i32
    %dma_start3A_127 = tpu.memref_slice %arg8[%add3A_123, %dma_start3A_126] : memref<10240x128xf32, #tpu.memory_space<vmem_shared>> -> memref<128x128xf32, #tpu.memory_space<vmem_shared>>
    tpu.enqueue_dma source(%arg12 : memref<128x128xf32, #tpu.memory_space<vmem>>) target(%dma_start3A_127 : memref<128x128xf32, #tpu.memory_space<vmem_shared>>) target_semaphore(%arg15 : memref<!tpu.dma_semaphore, #tpu.memory_space<semaphore_mem>>)
    %add3A_128 = arith.constant 384 : i32
    %add3A_129 = arith.addi %mul3A_2, %add3A_128 : i32
    %dma_start3A_130 = arith.constant 0 : i32
    %dma_start3A_131 = tpu.memref_slice %arg8[%add3A_129, %dma_start3A_130] : memref<10240x128xf32, #tpu.memory_space<vmem_shared>> -> memref<128x128xf32, #tpu.memory_space<vmem_shared>>
    %dma_start3A_132 = arith.constant 0 : i32
    %dma_start3A_133 = tpu.memref_slice %arg8[%add3A_129, %dma_start3A_132] : memref<10240x128xf32, #tpu.memory_space<vmem_shared>> -> memref<128x128xf32, #tpu.memory_space<vmem_shared>>
    tpu.enqueue_dma source(%arg12 : memref<128x128xf32, #tpu.memory_space<vmem>>) target(%dma_start3A_133 : memref<128x128xf32, #tpu.memory_space<vmem_shared>>) target_semaphore(%arg15 : memref<!tpu.dma_semaphore, #tpu.memory_space<semaphore_mem>>)
    %add3A_134 = arith.constant 512 : i32
    %add3A_135 = arith.addi %mul3A_2, %add3A_134 : i32
    %dma_start3A_136 = arith.constant 0 : i32
    %dma_start3A_137 = tpu.memref_slice %arg8[%add3A_135, %dma_start3A_136] : memref<10240x128xf32, #tpu.memory_space<vmem_shared>> -> memref<128x128xf32, #tpu.memory_space<vmem_shared>>
    %dma_start3A_138 = arith.constant 0 : i32
    %dma_start3A_139 = tpu.memref_slice %arg8[%add3A_135, %dma_start3A_138] : memref<10240x128xf32, #tpu.memory_space<vmem_shared>> -> memref<128x128xf32, #tpu.memory_space<vmem_shared>>
    tpu.enqueue_dma source(%arg12 : memref<128x128xf32, #tpu.memory_space<vmem>>) target(%dma_start3A_139 : memref<128x128xf32, #tpu.memory_space<vmem_shared>>) target_semaphore(%arg15 : memref<!tpu.dma_semaphore, #tpu.memory_space<semaphore_mem>>)
    %add3A_140 = arith.constant 0 : i32
    %add3A_141 = arith.addi %mul3A_2, %add3A_140 : i32
    %dma_wait3A = arith.constant 0 : i32
    %dma_wait3A_142 = tpu.memref_slice %arg8[%add3A_141, %dma_wait3A] : memref<10240x128xf32, #tpu.memory_space<vmem_shared>> -> memref<128x128xf32, #tpu.memory_space<vmem_shared>>
    %dma_wait3A_143 = arith.constant 0 : i32
    %dma_wait3A_144 = tpu.memref_slice %arg8[%add3A_141, %dma_wait3A_143] : memref<10240x128xf32, #tpu.memory_space<vmem_shared>> -> memref<128x128xf32, #tpu.memory_space<vmem_shared>>
    tpu.wait_dma2 semaphore(%arg15 : memref<!tpu.dma_semaphore, #tpu.memory_space<semaphore_mem>>) src(%arg12 : memref<128x128xf32, #tpu.memory_space<vmem>>) dst(%dma_wait3A_144 : memref<128x128xf32, #tpu.memory_space<vmem_shared>>)
    %add3A_145 = arith.constant 128 : i32
    %add3A_146 = arith.addi %mul3A_2, %add3A_145 : i32
    %dma_wait3A_147 = arith.constant 0 : i32
    %dma_wait3A_148 = tpu.memref_slice %arg8[%add3A_146, %dma_wait3A_147] : memref<10240x128xf32, #tpu.memory_space<vmem_shared>> -> memref<128x128xf32, #tpu.memory_space<vmem_shared>>
    %dma_wait3A_149 = arith.constant 0 : i32
    %dma_wait3A_150 = tpu.memref_slice %arg8[%add3A_146, %dma_wait3A_149] : memref<10240x128xf32, #tpu.memory_space<vmem_shared>> -> memref<128x128xf32, #tpu.memory_space<vmem_shared>>
    tpu.wait_dma2 semaphore(%arg15 : memref<!tpu.dma_semaphore, #tpu.memory_space<semaphore_mem>>) src(%arg12 : memref<128x128xf32, #tpu.memory_space<vmem>>) dst(%dma_wait3A_150 : memref<128x128xf32, #tpu.memory_space<vmem_shared>>)
    %add3A_151 = arith.constant 256 : i32
    %add3A_152 = arith.addi %mul3A_2, %add3A_151 : i32
    %dma_wait3A_153 = arith.constant 0 : i32
    %dma_wait3A_154 = tpu.memref_slice %arg8[%add3A_152, %dma_wait3A_153] : memref<10240x128xf32, #tpu.memory_space<vmem_shared>> -> memref<128x128xf32, #tpu.memory_space<vmem_shared>>
    %dma_wait3A_155 = arith.constant 0 : i32
    %dma_wait3A_156 = tpu.memref_slice %arg8[%add3A_152, %dma_wait3A_155] : memref<10240x128xf32, #tpu.memory_space<vmem_shared>> -> memref<128x128xf32, #tpu.memory_space<vmem_shared>>
    tpu.wait_dma2 semaphore(%arg15 : memref<!tpu.dma_semaphore, #tpu.memory_space<semaphore_mem>>) src(%arg12 : memref<128x128xf32, #tpu.memory_space<vmem>>) dst(%dma_wait3A_156 : memref<128x128xf32, #tpu.memory_space<vmem_shared>>)
    %add3A_157 = arith.constant 384 : i32
    %add3A_158 = arith.addi %mul3A_2, %add3A_157 : i32
    %dma_wait3A_159 = arith.constant 0 : i32
    %dma_wait3A_160 = tpu.memref_slice %arg8[%add3A_158, %dma_wait3A_159] : memref<10240x128xf32, #tpu.memory_space<vmem_shared>> -> memref<128x128xf32, #tpu.memory_space<vmem_shared>>
    %dma_wait3A_161 = arith.constant 0 : i32
    %dma_wait3A_162 = tpu.memref_slice %arg8[%add3A_158, %dma_wait3A_161] : memref<10240x128xf32, #tpu.memory_space<vmem_shared>> -> memref<128x128xf32, #tpu.memory_space<vmem_shared>>
    tpu.wait_dma2 semaphore(%arg15 : memref<!tpu.dma_semaphore, #tpu.memory_space<semaphore_mem>>) src(%arg12 : memref<128x128xf32, #tpu.memory_space<vmem>>) dst(%dma_wait3A_162 : memref<128x128xf32, #tpu.memory_space<vmem_shared>>)
    %add3A_163 = arith.constant 512 : i32
    %add3A_164 = arith.addi %mul3A_2, %add3A_163 : i32
    %dma_wait3A_165 = arith.constant 0 : i32
    %dma_wait3A_166 = tpu.memref_slice %arg8[%add3A_164, %dma_wait3A_165] : memref<10240x128xf32, #tpu.memory_space<vmem_shared>> -> memref<128x128xf32, #tpu.memory_space<vmem_shared>>
    %dma_wait3A_167 = arith.constant 0 : i32
    %dma_wait3A_168 = tpu.memref_slice %arg8[%add3A_164, %dma_wait3A_167] : memref<10240x128xf32, #tpu.memory_space<vmem_shared>> -> memref<128x128xf32, #tpu.memory_space<vmem_shared>>
    tpu.wait_dma2 semaphore(%arg15 : memref<!tpu.dma_semaphore, #tpu.memory_space<semaphore_mem>>) src(%arg12 : memref<128x128xf32, #tpu.memory_space<vmem>>) dst(%dma_wait3A_168 : memref<128x128xf32, #tpu.memory_space<vmem_shared>>)
    %barrier3A = arith.constant 0 : index
    tpu.barrier barrier_id(%barrier3A)
    %dma_wait3A_169 = arith.constant 0 : i32
    %dma_wait3A_170 = arith.constant 0 : i32
    %dma_wait3A_171 = arith.constant 0 : i32
    %dma_wait3A_172 = tpu.memref_slice %arg9[%dma_wait3A_169, %dma_wait3A_170, %dma_wait3A_171] : memref<2x8x128xi32, #tpu.memory_space<vmem>> -> memref<1x8x128xi32, #tpu.memory_space<vmem>>
    %dma_wait3A_173 = tpu.memref_squeeze %dma_wait3A_172 : memref<1x8x128xi32, #tpu.memory_space<vmem>> -> memref<8x128xi32, #tpu.memory_space<vmem>>
    %dma_wait3A_174 = arith.constant 0 : i32
    %dma_wait3A_175 = arith.constant 0 : i32
    %dma_wait3A_176 = tpu.memref_slice %arg3[%add3A, %dma_wait3A_174, %dma_wait3A_175] : memref<32x80x128xi32, #tpu.memory_space<hbm>> -> memref<1x8x128xi32, #tpu.memory_space<hbm>>
    %dma_wait3A_177 = tpu.memref_squeeze %dma_wait3A_176 : memref<1x8x128xi32, #tpu.memory_space<hbm>> -> memref<8x128xi32, #tpu.memory_space<hbm>>
    %dma_wait3A_178 = arith.constant 0 : i32
    %dma_wait3A_179 = arith.constant 0 : i32
    %dma_wait3A_180 = tpu.memref_slice %arg9[%dma_wait3A_169, %dma_wait3A_178, %dma_wait3A_179] : memref<2x8x128xi32, #tpu.memory_space<vmem>> -> memref<1x8x128xi32, #tpu.memory_space<vmem>>
    %dma_wait3A_181 = tpu.memref_squeeze %dma_wait3A_180 : memref<1x8x128xi32, #tpu.memory_space<vmem>> -> memref<8x128xi32, #tpu.memory_space<vmem>>
    %dma_wait3A_182 = arith.constant 0 : i32
    %dma_wait3A_183 = arith.constant 0 : i32
    %dma_wait3A_184 = tpu.memref_slice %arg3[%add3A, %dma_wait3A_182, %dma_wait3A_183] : memref<32x80x128xi32, #tpu.memory_space<hbm>> -> memref<1x8x128xi32, #tpu.memory_space<hbm>>
    %dma_wait3A_185 = tpu.memref_squeeze %dma_wait3A_184 : memref<1x8x128xi32, #tpu.memory_space<hbm>> -> memref<8x128xi32, #tpu.memory_space<hbm>>
    tpu.wait_dma2 semaphore(%arg18 : memref<!tpu.dma_semaphore, #tpu.memory_space<semaphore_mem>>) src(%dma_wait3A_185 : memref<8x128xi32, #tpu.memory_space<hbm>>) dst(%dma_wait3A_181 : memref<8x128xi32, #tpu.memory_space<vmem>>)
    %dma_wait3A_186 = arith.constant 0 : i32
    %dma_wait3A_187 = arith.constant 0 : i32
    %dma_wait3A_188 = arith.constant 0 : i32
    %dma_wait3A_189 = tpu.memref_slice %arg10[%dma_wait3A_186, %dma_wait3A_187, %dma_wait3A_188] : memref<2x8x128xi32, #tpu.memory_space<vmem>> -> memref<1x8x128xi32, #tpu.memory_space<vmem>>
    %dma_wait3A_190 = tpu.memref_squeeze %dma_wait3A_189 : memref<1x8x128xi32, #tpu.memory_space<vmem>> -> memref<8x128xi32, #tpu.memory_space<vmem>>
    %dma_wait3A_191 = arith.constant 0 : i32
    %dma_wait3A_192 = arith.constant 0 : i32
    %dma_wait3A_193 = tpu.memref_slice %arg4[%add3A, %dma_wait3A_191, %dma_wait3A_192] : memref<32x80x128xi32, #tpu.memory_space<hbm>> -> memref<1x8x128xi32, #tpu.memory_space<hbm>>
    %dma_wait3A_194 = tpu.memref_squeeze %dma_wait3A_193 : memref<1x8x128xi32, #tpu.memory_space<hbm>> -> memref<8x128xi32, #tpu.memory_space<hbm>>
    %dma_wait3A_195 = arith.constant 0 : i32
    %dma_wait3A_196 = arith.constant 0 : i32
    %dma_wait3A_197 = tpu.memref_slice %arg10[%dma_wait3A_186, %dma_wait3A_195, %dma_wait3A_196] : memref<2x8x128xi32, #tpu.memory_space<vmem>> -> memref<1x8x128xi32, #tpu.memory_space<vmem>>
    %dma_wait3A_198 = tpu.memref_squeeze %dma_wait3A_197 : memref<1x8x128xi32, #tpu.memory_space<vmem>> -> memref<8x128xi32, #tpu.memory_space<vmem>>
    %dma_wait3A_199 = arith.constant 0 : i32
    %dma_wait3A_200 = arith.constant 0 : i32
    %dma_wait3A_201 = tpu.memref_slice %arg4[%add3A, %dma_wait3A_199, %dma_wait3A_200] : memref<32x80x128xi32, #tpu.memory_space<hbm>> -> memref<1x8x128xi32, #tpu.memory_space<hbm>>
    %dma_wait3A_202 = tpu.memref_squeeze %dma_wait3A_201 : memref<1x8x128xi32, #tpu.memory_space<hbm>> -> memref<8x128xi32, #tpu.memory_space<hbm>>
    tpu.wait_dma2 semaphore(%arg18 : memref<!tpu.dma_semaphore, #tpu.memory_space<semaphore_mem>>) src(%dma_wait3A_202 : memref<8x128xi32, #tpu.memory_space<hbm>>) dst(%dma_wait3A_198 : memref<8x128xi32, #tpu.memory_space<vmem>>)
    %dma_wait3A_203 = arith.constant 0 : i32
    %dma_wait3A_204 = arith.constant 0 : i32
    %dma_wait3A_205 = arith.constant 0 : i32
    %dma_wait3A_206 = tpu.memref_slice %arg11[%dma_wait3A_203, %dma_wait3A_204, %dma_wait3A_205] : memref<2x8x128xf32, #tpu.memory_space<vmem>> -> memref<1x8x128xf32, #tpu.memory_space<vmem>>
    %dma_wait3A_207 = tpu.memref_squeeze %dma_wait3A_206 : memref<1x8x128xf32, #tpu.memory_space<vmem>> -> memref<8x128xf32, #tpu.memory_space<vmem>>
    %dma_wait3A_208 = arith.constant 0 : i32
    %dma_wait3A_209 = arith.constant 0 : i32
    %dma_wait3A_210 = tpu.memref_slice %arg5[%add3A, %dma_wait3A_208, %dma_wait3A_209] : memref<32x80x128xf32, #tpu.memory_space<hbm>> -> memref<1x8x128xf32, #tpu.memory_space<hbm>>
    %dma_wait3A_211 = tpu.memref_squeeze %dma_wait3A_210 : memref<1x8x128xf32, #tpu.memory_space<hbm>> -> memref<8x128xf32, #tpu.memory_space<hbm>>
    %dma_wait3A_212 = arith.constant 0 : i32
    %dma_wait3A_213 = arith.constant 0 : i32
    %dma_wait3A_214 = tpu.memref_slice %arg11[%dma_wait3A_203, %dma_wait3A_212, %dma_wait3A_213] : memref<2x8x128xf32, #tpu.memory_space<vmem>> -> memref<1x8x128xf32, #tpu.memory_space<vmem>>
    %dma_wait3A_215 = tpu.memref_squeeze %dma_wait3A_214 : memref<1x8x128xf32, #tpu.memory_space<vmem>> -> memref<8x128xf32, #tpu.memory_space<vmem>>
    %dma_wait3A_216 = arith.constant 0 : i32
    %dma_wait3A_217 = arith.constant 0 : i32
    %dma_wait3A_218 = tpu.memref_slice %arg5[%add3A, %dma_wait3A_216, %dma_wait3A_217] : memref<32x80x128xf32, #tpu.memory_space<hbm>> -> memref<1x8x128xf32, #tpu.memory_space<hbm>>
    %dma_wait3A_219 = tpu.memref_squeeze %dma_wait3A_218 : memref<1x8x128xf32, #tpu.memory_space<hbm>> -> memref<8x128xf32, #tpu.memory_space<hbm>>
    tpu.wait_dma2 semaphore(%arg18 : memref<!tpu.dma_semaphore, #tpu.memory_space<semaphore_mem>>) src(%dma_wait3A_219 : memref<8x128xf32, #tpu.memory_space<hbm>>) dst(%dma_wait3A_215 : memref<8x128xf32, #tpu.memory_space<vmem>>)
    %dma_start3A_220 = arith.constant 0 : i32
    %dma_start3A_221 = arith.constant 0 : i32
    %dma_start3A_222 = arith.constant 0 : i32
    %dma_start3A_223 = tpu.memref_slice %arg10[%dma_start3A_220, %dma_start3A_221, %dma_start3A_222] : memref<2x8x128xi32, #tpu.memory_space<vmem>> -> memref<1x1x128xi32, #tpu.memory_space<vmem>>
    %dma_start3A_224 = tpu.memref_squeeze %dma_start3A_223 : memref<1x1x128xi32, #tpu.memory_space<vmem>> -> memref<128xi32, #tpu.memory_space<vmem>>
    %dma_start3A_225 = arith.constant 0 : i32
    %dma_start3A_226 = arith.constant 0 : i32
    %dma_start3A_227 = tpu.memref_slice %arg2[%dma_start3A_225, %dma_start3A_226] : memref<10240x128xf32, #tpu.memory_space<hbm>> -> memref<10240x128xf32, #tpu.memory_space<hbm>>
    tpu.enqueue_indirect_dma source(%dma_start3A_227 : memref<10240x128xf32, #tpu.memory_space<hbm>>) target(%arg12 : memref<128x128xf32, #tpu.memory_space<vmem>>) offsets(%dma_start3A_224 : memref<128xi32, #tpu.memory_space<vmem>>) semaphore(%arg14 : memref<!tpu.dma_semaphore, #tpu.memory_space<semaphore_mem>>)
    %scan3A_228 = arith.constant 0 : i32
    %scan3A_229 = arith.constant 0 : i32
    %scan3A_230 = arith.constant 40 : i32
    %scan3A_231 = arith.addi %scan3A_229, %scan3A_230 : i32
    %scan3A_232 = arith.constant 1 : i32
    %scan3A_233 = scf.for %scan3A_318 = %scan3A_229 to %scan3A_231 step %scan3A_232 iter_args(%scan3A_319 = %scan3A_228) -> (i32)  : i32 {
      %mul3A_320 = arith.constant 2 : i32
      %mul3A_321 = arith.muli %mul3A_320, %scan3A_318 : i32
      %add3A_322 = arith.constant 1 : i32
      %add3A_323 = arith.addi %mul3A_321, %add3A_322 : i32
      %div3A_324 = arith.constant 8 : i32
      %div3A_325 = arith.divsi %mul3A_321, %div3A_324 : i32
      %rem3A_326 = arith.constant 2 : i32
      %rem3A_327 = arith.remsi %div3A_325, %rem3A_326 : i32
      %rem3A_328 = arith.constant 8 : i32
      %rem3A_329 = arith.remsi %mul3A_321, %rem3A_328 : i32
      %div3A_330 = arith.constant 8 : i32
      %div3A_331 = arith.divsi %add3A_323, %div3A_330 : i32
      %rem3A_332 = arith.constant 2 : i32
      %rem3A_333 = arith.remsi %div3A_331, %rem3A_332 : i32
      %rem3A_334 = arith.constant 8 : i32
      %rem3A_335 = arith.remsi %add3A_323, %rem3A_334 : i32
      %gt3A = arith.constant 0 : i32
      %gt3A_336 = arith.cmpi sgt, %scan3A_318, %gt3A : i32
      %convert_element_type3A = arith.extui %gt3A_336 : i1 to i32
      %cond3A = arith.constant 0 : i32
      %cond3A_337 = arith.cmpi ne, %convert_element_type3A, %cond3A : i32
      scf.if %cond3A_337 {
        %sub3A = arith.constant 1 : i32
        %sub3A_406 = arith.subi %mul3A_321, %sub3A : i32
        %div3A_407 = arith.constant 8 : i32
        %div3A_408 = arith.divsi %sub3A_406, %div3A_407 : i32
        %rem3A_409 = arith.constant 2 : i32
        %rem3A_410 = arith.remsi %div3A_408, %rem3A_409 : i32
        %rem3A_411 = arith.constant 8 : i32
        %rem3A_412 = arith.remsi %sub3A_406, %rem3A_411 : i32
        %dma_wait3A_413 = arith.constant 0 : i32
        %dma_wait3A_414 = tpu.memref_slice %arg9[%rem3A_410, %rem3A_412, %dma_wait3A_413] : memref<2x8x128xi32, #tpu.memory_space<vmem>> -> memref<1x1x128xi32, #tpu.memory_space<vmem>>
        %dma_wait3A_415 = tpu.memref_squeeze %dma_wait3A_414 : memref<1x1x128xi32, #tpu.memory_space<vmem>> -> memref<128xi32, #tpu.memory_space<vmem>>
        %dma_wait3A_416 = arith.constant 0 : i32
        %dma_wait3A_417 = arith.constant 0 : i32
        %dma_wait3A_418 = tpu.memref_slice %arg8[%dma_wait3A_416, %dma_wait3A_417] : memref<10240x128xf32, #tpu.memory_space<vmem_shared>> -> memref<10240x128xf32, #tpu.memory_space<vmem_shared>>
        tpu.wait_indirect_dma semaphore(%arg17 : memref<!tpu.dma_semaphore, #tpu.memory_space<semaphore_mem>>) src(%arg13 : memref<128x128xf32, #tpu.memory_space<vmem>>) dst(%dma_wait3A_418 : memref<10240x128xf32, #tpu.memory_space<vmem_shared>>)
      } else {
      }
      %gt3A_338 = arith.constant 0 : i32
      %gt3A_339 = arith.cmpi sgt, %scan3A_318, %gt3A_338 : i32
      %rem3A_340 = arith.constant 4 : i32
      %rem3A_341 = arith.remsi %scan3A_318, %rem3A_340 : i32
      %eq3A = arith.constant 0 : i32
      %eq3A_342 = arith.cmpi eq, %rem3A_341, %eq3A : i32
      %and3A = arith.andi %gt3A_339, %eq3A_342 : i1
      %add3A_343 = arith.constant 8 : i32
      %add3A_344 = arith.addi %mul3A_321, %add3A_343 : i32
      %lt3A = arith.constant 80 : i32
      %lt3A_345 = arith.cmpi slt, %add3A_344, %lt3A : i32
      %and3A_346 = arith.andi %and3A, %lt3A_345 : i1
      %convert_element_type3A_347 = arith.extui %and3A_346 : i1 to i32
      %cond3A_348 = arith.constant 0 : i32
      %cond3A_349 = arith.cmpi ne, %convert_element_type3A_347, %cond3A_348 : i32
      scf.if %cond3A_349 {
        %div3A_406 = arith.constant 8 : i32
        %div3A_407 = arith.divsi %mul3A_321, %div3A_406 : i32
        %add3A_408 = arith.constant 1 : i32
        %add3A_409 = arith.addi %div3A_407, %add3A_408 : i32
        %mul3A_410 = arith.constant 8 : i32
        %mul3A_411 = arith.muli %add3A_409, %mul3A_410 : i32
        %multiple_of3A = tpu.assume_multiple %mul3A_411, 8 : i32
        %eq3A_412 = arith.constant 0 : i32
        %eq3A_413 = arith.cmpi eq, %rem3A_327, %eq3A_412 : i32
        %convert_element_type3A_414 = arith.extui %eq3A_413 : i1 to i32
        %cond3A_415 = arith.constant 0 : i32
        %cond3A_416 = arith.cmpi ne, %convert_element_type3A_414, %cond3A_415 : i32
        scf.if %cond3A_416 {
          %dma_start3A_422 = arith.constant 1 : i32
          %dma_start3A_423 = arith.constant 0 : i32
          %dma_start3A_424 = arith.constant 0 : i32
          %dma_start3A_425 = tpu.memref_slice %arg9[%dma_start3A_422, %dma_start3A_423, %dma_start3A_424] : memref<2x8x128xi32, #tpu.memory_space<vmem>> -> memref<1x8x128xi32, #tpu.memory_space<vmem>>
          %dma_start3A_426 = tpu.memref_squeeze %dma_start3A_425 : memref<1x8x128xi32, #tpu.memory_space<vmem>> -> memref<8x128xi32, #tpu.memory_space<vmem>>
          %dma_start3A_427 = arith.constant 0 : i32
          %dma_start3A_428 = tpu.memref_slice %arg3[%add3A, %multiple_of3A, %dma_start3A_427] : memref<32x80x128xi32, #tpu.memory_space<hbm>> -> memref<1x8x128xi32, #tpu.memory_space<hbm>>
          %dma_start3A_429 = tpu.memref_squeeze %dma_start3A_428 : memref<1x8x128xi32, #tpu.memory_space<hbm>> -> memref<8x128xi32, #tpu.memory_space<hbm>>
          %dma_start3A_430 = arith.constant 0 : i32
          %dma_start3A_431 = arith.constant 0 : i32
          %dma_start3A_432 = tpu.memref_slice %arg9[%dma_start3A_422, %dma_start3A_430, %dma_start3A_431] : memref<2x8x128xi32, #tpu.memory_space<vmem>> -> memref<1x8x128xi32, #tpu.memory_space<vmem>>
          %dma_start3A_433 = tpu.memref_squeeze %dma_start3A_432 : memref<1x8x128xi32, #tpu.memory_space<vmem>> -> memref<8x128xi32, #tpu.memory_space<vmem>>
          %dma_start3A_434 = arith.constant 0 : i32
          %dma_start3A_435 = tpu.memref_slice %arg3[%add3A, %multiple_of3A, %dma_start3A_434] : memref<32x80x128xi32, #tpu.memory_space<hbm>> -> memref<1x8x128xi32, #tpu.memory_space<hbm>>
          %dma_start3A_436 = tpu.memref_squeeze %dma_start3A_435 : memref<1x8x128xi32, #tpu.memory_space<hbm>> -> memref<8x128xi32, #tpu.memory_space<hbm>>
          tpu.enqueue_dma source(%dma_start3A_436 : memref<8x128xi32, #tpu.memory_space<hbm>>) target(%dma_start3A_433 : memref<8x128xi32, #tpu.memory_space<vmem>>) target_semaphore(%arg19 : memref<!tpu.dma_semaphore, #tpu.memory_space<semaphore_mem>>)
          %dma_start3A_437 = arith.constant 1 : i32
          %dma_start3A_438 = arith.constant 0 : i32
          %dma_start3A_439 = arith.constant 0 : i32
          %dma_start3A_440 = tpu.memref_slice %arg10[%dma_start3A_437, %dma_start3A_438, %dma_start3A_439] : memref<2x8x128xi32, #tpu.memory_space<vmem>> -> memref<1x8x128xi32, #tpu.memory_space<vmem>>
          %dma_start3A_441 = tpu.memref_squeeze %dma_start3A_440 : memref<1x8x128xi32, #tpu.memory_space<vmem>> -> memref<8x128xi32, #tpu.memory_space<vmem>>
          %dma_start3A_442 = arith.constant 0 : i32
          %dma_start3A_443 = tpu.memref_slice %arg4[%add3A, %multiple_of3A, %dma_start3A_442] : memref<32x80x128xi32, #tpu.memory_space<hbm>> -> memref<1x8x128xi32, #tpu.memory_space<hbm>>
          %dma_start3A_444 = tpu.memref_squeeze %dma_start3A_443 : memref<1x8x128xi32, #tpu.memory_space<hbm>> -> memref<8x128xi32, #tpu.memory_space<hbm>>
          %dma_start3A_445 = arith.constant 0 : i32
          %dma_start3A_446 = arith.constant 0 : i32
          %dma_start3A_447 = tpu.memref_slice %arg10[%dma_start3A_437, %dma_start3A_445, %dma_start3A_446] : memref<2x8x128xi32, #tpu.memory_space<vmem>> -> memref<1x8x128xi32, #tpu.memory_space<vmem>>
          %dma_start3A_448 = tpu.memref_squeeze %dma_start3A_447 : memref<1x8x128xi32, #tpu.memory_space<vmem>> -> memref<8x128xi32, #tpu.memory_space<vmem>>
          %dma_start3A_449 = arith.constant 0 : i32
          %dma_start3A_450 = tpu.memref_slice %arg4[%add3A, %multiple_of3A, %dma_start3A_449] : memref<32x80x128xi32, #tpu.memory_space<hbm>> -> memref<1x8x128xi32, #tpu.memory_space<hbm>>
          %dma_start3A_451 = tpu.memref_squeeze %dma_start3A_450 : memref<1x8x128xi32, #tpu.memory_space<hbm>> -> memref<8x128xi32, #tpu.memory_space<hbm>>
          tpu.enqueue_dma source(%dma_start3A_451 : memref<8x128xi32, #tpu.memory_space<hbm>>) target(%dma_start3A_448 : memref<8x128xi32, #tpu.memory_space<vmem>>) target_semaphore(%arg19 : memref<!tpu.dma_semaphore, #tpu.memory_space<semaphore_mem>>)
          %dma_start3A_452 = arith.constant 1 : i32
          %dma_start3A_453 = arith.constant 0 : i32
          %dma_start3A_454 = arith.constant 0 : i32
          %dma_start3A_455 = tpu.memref_slice %arg11[%dma_start3A_452, %dma_start3A_453, %dma_start3A_454] : memref<2x8x128xf32, #tpu.memory_space<vmem>> -> memref<1x8x128xf32, #tpu.memory_space<vmem>>
          %dma_start3A_456 = tpu.memref_squeeze %dma_start3A_455 : memref<1x8x128xf32, #tpu.memory_space<vmem>> -> memref<8x128xf32, #tpu.memory_space<vmem>>
          %dma_start3A_457 = arith.constant 0 : i32
          %dma_start3A_458 = tpu.memref_slice %arg5[%add3A, %multiple_of3A, %dma_start3A_457] : memref<32x80x128xf32, #tpu.memory_space<hbm>> -> memref<1x8x128xf32, #tpu.memory_space<hbm>>
          %dma_start3A_459 = tpu.memref_squeeze %dma_start3A_458 : memref<1x8x128xf32, #tpu.memory_space<hbm>> -> memref<8x128xf32, #tpu.memory_space<hbm>>
          %dma_start3A_460 = arith.constant 0 : i32
          %dma_start3A_461 = arith.constant 0 : i32
          %dma_start3A_462 = tpu.memref_slice %arg11[%dma_start3A_452, %dma_start3A_460, %dma_start3A_461] : memref<2x8x128xf32, #tpu.memory_space<vmem>> -> memref<1x8x128xf32, #tpu.memory_space<vmem>>
          %dma_start3A_463 = tpu.memref_squeeze %dma_start3A_462 : memref<1x8x128xf32, #tpu.memory_space<vmem>> -> memref<8x128xf32, #tpu.memory_space<vmem>>
          %dma_start3A_464 = arith.constant 0 : i32
          %dma_start3A_465 = tpu.memref_slice %arg5[%add3A, %multiple_of3A, %dma_start3A_464] : memref<32x80x128xf32, #tpu.memory_space<hbm>> -> memref<1x8x128xf32, #tpu.memory_space<hbm>>
          %dma_start3A_466 = tpu.memref_squeeze %dma_start3A_465 : memref<1x8x128xf32, #tpu.memory_space<hbm>> -> memref<8x128xf32, #tpu.memory_space<hbm>>
          tpu.enqueue_dma source(%dma_start3A_466 : memref<8x128xf32, #tpu.memory_space<hbm>>) target(%dma_start3A_463 : memref<8x128xf32, #tpu.memory_space<vmem>>) target_semaphore(%arg19 : memref<!tpu.dma_semaphore, #tpu.memory_space<semaphore_mem>>)
        } else {
        }
        %eq3A_417 = arith.constant 1 : i32
        %eq3A_418 = arith.cmpi eq, %rem3A_327, %eq3A_417 : i32
        %convert_element_type3A_419 = arith.extui %eq3A_418 : i1 to i32
        %cond3A_420 = arith.constant 0 : i32
        %cond3A_421 = arith.cmpi ne, %convert_element_type3A_419, %cond3A_420 : i32
        scf.if %cond3A_421 {
          %dma_start3A_422 = arith.constant 0 : i32
          %dma_start3A_423 = arith.constant 0 : i32
          %dma_start3A_424 = arith.constant 0 : i32
          %dma_start3A_425 = tpu.memref_slice %arg9[%dma_start3A_422, %dma_start3A_423, %dma_start3A_424] : memref<2x8x128xi32, #tpu.memory_space<vmem>> -> memref<1x8x128xi32, #tpu.memory_space<vmem>>
          %dma_start3A_426 = tpu.memref_squeeze %dma_start3A_425 : memref<1x8x128xi32, #tpu.memory_space<vmem>> -> memref<8x128xi32, #tpu.memory_space<vmem>>
          %dma_start3A_427 = arith.constant 0 : i32
          %dma_start3A_428 = tpu.memref_slice %arg3[%add3A, %multiple_of3A, %dma_start3A_427] : memref<32x80x128xi32, #tpu.memory_space<hbm>> -> memref<1x8x128xi32, #tpu.memory_space<hbm>>
          %dma_start3A_429 = tpu.memref_squeeze %dma_start3A_428 : memref<1x8x128xi32, #tpu.memory_space<hbm>> -> memref<8x128xi32, #tpu.memory_space<hbm>>
          %dma_start3A_430 = arith.constant 0 : i32
          %dma_start3A_431 = arith.constant 0 : i32
          %dma_start3A_432 = tpu.memref_slice %arg9[%dma_start3A_422, %dma_start3A_430, %dma_start3A_431] : memref<2x8x128xi32, #tpu.memory_space<vmem>> -> memref<1x8x128xi32, #tpu.memory_space<vmem>>
          %dma_start3A_433 = tpu.memref_squeeze %dma_start3A_432 : memref<1x8x128xi32, #tpu.memory_space<vmem>> -> memref<8x128xi32, #tpu.memory_space<vmem>>
          %dma_start3A_434 = arith.constant 0 : i32
          %dma_start3A_435 = tpu.memref_slice %arg3[%add3A, %multiple_of3A, %dma_start3A_434] : memref<32x80x128xi32, #tpu.memory_space<hbm>> -> memref<1x8x128xi32, #tpu.memory_space<hbm>>
          %dma_start3A_436 = tpu.memref_squeeze %dma_start3A_435 : memref<1x8x128xi32, #tpu.memory_space<hbm>> -> memref<8x128xi32, #tpu.memory_space<hbm>>
          tpu.enqueue_dma source(%dma_start3A_436 : memref<8x128xi32, #tpu.memory_space<hbm>>) target(%dma_start3A_433 : memref<8x128xi32, #tpu.memory_space<vmem>>) target_semaphore(%arg18 : memref<!tpu.dma_semaphore, #tpu.memory_space<semaphore_mem>>)
          %dma_start3A_437 = arith.constant 0 : i32
          %dma_start3A_438 = arith.constant 0 : i32
          %dma_start3A_439 = arith.constant 0 : i32
          %dma_start3A_440 = tpu.memref_slice %arg10[%dma_start3A_437, %dma_start3A_438, %dma_start3A_439] : memref<2x8x128xi32, #tpu.memory_space<vmem>> -> memref<1x8x128xi32, #tpu.memory_space<vmem>>
          %dma_start3A_441 = tpu.memref_squeeze %dma_start3A_440 : memref<1x8x128xi32, #tpu.memory_space<vmem>> -> memref<8x128xi32, #tpu.memory_space<vmem>>
          %dma_start3A_442 = arith.constant 0 : i32
          %dma_start3A_443 = tpu.memref_slice %arg4[%add3A, %multiple_of3A, %dma_start3A_442] : memref<32x80x128xi32, #tpu.memory_space<hbm>> -> memref<1x8x128xi32, #tpu.memory_space<hbm>>
          %dma_start3A_444 = tpu.memref_squeeze %dma_start3A_443 : memref<1x8x128xi32, #tpu.memory_space<hbm>> -> memref<8x128xi32, #tpu.memory_space<hbm>>
          %dma_start3A_445 = arith.constant 0 : i32
          %dma_start3A_446 = arith.constant 0 : i32
          %dma_start3A_447 = tpu.memref_slice %arg10[%dma_start3A_437, %dma_start3A_445, %dma_start3A_446] : memref<2x8x128xi32, #tpu.memory_space<vmem>> -> memref<1x8x128xi32, #tpu.memory_space<vmem>>
          %dma_start3A_448 = tpu.memref_squeeze %dma_start3A_447 : memref<1x8x128xi32, #tpu.memory_space<vmem>> -> memref<8x128xi32, #tpu.memory_space<vmem>>
          %dma_start3A_449 = arith.constant 0 : i32
          %dma_start3A_450 = tpu.memref_slice %arg4[%add3A, %multiple_of3A, %dma_start3A_449] : memref<32x80x128xi32, #tpu.memory_space<hbm>> -> memref<1x8x128xi32, #tpu.memory_space<hbm>>
          %dma_start3A_451 = tpu.memref_squeeze %dma_start3A_450 : memref<1x8x128xi32, #tpu.memory_space<hbm>> -> memref<8x128xi32, #tpu.memory_space<hbm>>
          tpu.enqueue_dma source(%dma_start3A_451 : memref<8x128xi32, #tpu.memory_space<hbm>>) target(%dma_start3A_448 : memref<8x128xi32, #tpu.memory_space<vmem>>) target_semaphore(%arg18 : memref<!tpu.dma_semaphore, #tpu.memory_space<semaphore_mem>>)
          %dma_start3A_452 = arith.constant 0 : i32
          %dma_start3A_453 = arith.constant 0 : i32
          %dma_start3A_454 = arith.constant 0 : i32
          %dma_start3A_455 = tpu.memref_slice %arg11[%dma_start3A_452, %dma_start3A_453, %dma_start3A_454] : memref<2x8x128xf32, #tpu.memory_space<vmem>> -> memref<1x8x128xf32, #tpu.memory_space<vmem>>
          %dma_start3A_456 = tpu.memref_squeeze %dma_start3A_455 : memref<1x8x128xf32, #tpu.memory_space<vmem>> -> memref<8x128xf32, #tpu.memory_space<vmem>>
          %dma_start3A_457 = arith.constant 0 : i32
          %dma_start3A_458 = tpu.memref_slice %arg5[%add3A, %multiple_of3A, %dma_start3A_457] : memref<32x80x128xf32, #tpu.memory_space<hbm>> -> memref<1x8x128xf32, #tpu.memory_space<hbm>>
          %dma_start3A_459 = tpu.memref_squeeze %dma_start3A_458 : memref<1x8x128xf32, #tpu.memory_space<hbm>> -> memref<8x128xf32, #tpu.memory_space<hbm>>
          %dma_start3A_460 = arith.constant 0 : i32
          %dma_start3A_461 = arith.constant 0 : i32
          %dma_start3A_462 = tpu.memref_slice %arg11[%dma_start3A_452, %dma_start3A_460, %dma_start3A_461] : memref<2x8x128xf32, #tpu.memory_space<vmem>> -> memref<1x8x128xf32, #tpu.memory_space<vmem>>
          %dma_start3A_463 = tpu.memref_squeeze %dma_start3A_462 : memref<1x8x128xf32, #tpu.memory_space<vmem>> -> memref<8x128xf32, #tpu.memory_space<vmem>>
          %dma_start3A_464 = arith.constant 0 : i32
          %dma_start3A_465 = tpu.memref_slice %arg5[%add3A, %multiple_of3A, %dma_start3A_464] : memref<32x80x128xf32, #tpu.memory_space<hbm>> -> memref<1x8x128xf32, #tpu.memory_space<hbm>>
          %dma_start3A_466 = tpu.memref_squeeze %dma_start3A_465 : memref<1x8x128xf32, #tpu.memory_space<hbm>> -> memref<8x128xf32, #tpu.memory_space<hbm>>
          tpu.enqueue_dma source(%dma_start3A_466 : memref<8x128xf32, #tpu.memory_space<hbm>>) target(%dma_start3A_463 : memref<8x128xf32, #tpu.memory_space<vmem>>) target_semaphore(%arg18 : memref<!tpu.dma_semaphore, #tpu.memory_space<semaphore_mem>>)
        } else {
        }
      } else {
      }
      %dma_start3A_350 = arith.constant 0 : i32
      %dma_start3A_351 = tpu.memref_slice %arg10[%rem3A_327, %rem3A_335, %dma_start3A_350] : memref<2x8x128xi32, #tpu.memory_space<vmem>> -> memref<1x1x128xi32, #tpu.memory_space<vmem>>
      %dma_start3A_352 = tpu.memref_squeeze %dma_start3A_351 : memref<1x1x128xi32, #tpu.memory_space<vmem>> -> memref<128xi32, #tpu.memory_space<vmem>>
      %dma_start3A_353 = arith.constant 0 : i32
      %dma_start3A_354 = arith.constant 0 : i32
      %dma_start3A_355 = tpu.memref_slice %arg2[%dma_start3A_353, %dma_start3A_354] : memref<10240x128xf32, #tpu.memory_space<hbm>> -> memref<10240x128xf32, #tpu.memory_space<hbm>>
      tpu.enqueue_indirect_dma source(%dma_start3A_355 : memref<10240x128xf32, #tpu.memory_space<hbm>>) target(%arg13 : memref<128x128xf32, #tpu.memory_space<vmem>>) offsets(%dma_start3A_352 : memref<128xi32, #tpu.memory_space<vmem>>) semaphore(%arg15 : memref<!tpu.dma_semaphore, #tpu.memory_space<semaphore_mem>>)
      %dma_wait3A_356 = arith.constant 0 : i32
      %dma_wait3A_357 = tpu.memref_slice %arg10[%rem3A_327, %rem3A_329, %dma_wait3A_356] : memref<2x8x128xi32, #tpu.memory_space<vmem>> -> memref<1x1x128xi32, #tpu.memory_space<vmem>>
      %dma_wait3A_358 = tpu.memref_squeeze %dma_wait3A_357 : memref<1x1x128xi32, #tpu.memory_space<vmem>> -> memref<128xi32, #tpu.memory_space<vmem>>
      %dma_wait3A_359 = arith.constant 0 : i32
      %dma_wait3A_360 = arith.constant 0 : i32
      %dma_wait3A_361 = tpu.memref_slice %arg2[%dma_wait3A_359, %dma_wait3A_360] : memref<10240x128xf32, #tpu.memory_space<hbm>> -> memref<10240x128xf32, #tpu.memory_space<hbm>>
      tpu.wait_indirect_dma semaphore(%arg14 : memref<!tpu.dma_semaphore, #tpu.memory_space<semaphore_mem>>) src(%dma_wait3A_361 : memref<10240x128xf32, #tpu.memory_space<hbm>>) dst(%arg12 : memref<128x128xf32, #tpu.memory_space<vmem>>)
      %scan3A_362 = arith.constant 0 : i32
      %scan3A_363 = arith.constant 0 : i32
      %scan3A_364 = arith.constant 8 : i32
      %scan3A_365 = arith.addi %scan3A_363, %scan3A_364 : i32
      %scan3A_366 = arith.constant 1 : i32
      %scan3A_367 = scf.for %scan3A_406 = %scan3A_363 to %scan3A_365 step %scan3A_366 iter_args(%scan3A_407 = %scan3A_362) -> (i32)  : i32 {
        %mul3A_408 = arith.constant 16 : i32
        %mul3A_409 = arith.muli %scan3A_406, %mul3A_408 : i32
        %get3A = arith.index_cast %rem3A_327 : i32 to index
        %get3A_410 = arith.index_cast %rem3A_329 : i32 to index
        %get3A_411 = arith.index_cast %mul3A_409 : i32 to index
        %get3A_412 = tpu.vector_load %arg11[%get3A, %get3A_410, %get3A_411] {strides = array<i32>} : memref<2x8x128xf32, #tpu.memory_space<vmem>>, vector<1x1x16xf32>,
        %get3A_413 = vector.shape_cast %get3A_412 : vector<1x1x16xf32> to vector<16xf32>
        %mul3A_414 = arith.constant 16 : i32
        %mul3A_415 = arith.muli %scan3A_406, %mul3A_414 : i32
        %add3A_416 = arith.constant 0 : i32
        %add3A_417 = arith.addi %mul3A_415, %add3A_416 : i32
        %slice3A = vector.extract_strided_slice %get3A_413 {offsets = [0], sizes = [1], strides = [1]} : vector<16xf32> to vector<1xf32>
        %squeeze3A = vector.extract %slice3A[0] : f32 from vector<1xf32>
        %get3A_418 = arith.index_cast %add3A_417 : i32 to index
        %get3A_419 = arith.constant 0 : index
        %get3A_420 = tpu.vector_load %arg12[%get3A_418, %get3A_419] {strides = array<i32>} : memref<128x128xf32, #tpu.memory_space<vmem>>, vector<1x16xf32>,
        %get3A_421 = vector.shape_cast %get3A_420 : vector<1x16xf32> to vector<16xf32>
        %mul3A_422 = vector.broadcast %squeeze3A : f32 to vector<16xf32>
        %mul3A_423 = arith.mulf %get3A_421, %mul3A_422 : vector<16xf32>
        %swap3A = arith.index_cast %add3A_417 : i32 to index
        %swap3A_424 = arith.constant 0 : index
        %swap3A_425 = tpu.vector_load %arg12[%swap3A, %swap3A_424] {strides = array<i32>} : memref<128x128xf32, #tpu.memory_space<vmem>>, vector<1x16xf32>,
        %swap3A_426 = vector.shape_cast %swap3A_425 : vector<1x16xf32> to vector<16xf32>
        %swap3A_427 = vector.shape_cast %mul3A_423 : vector<16xf32> to vector<1x16xf32>
        tpu.vector_store %arg12[%swap3A, %swap3A_424], %swap3A_427 {strides = array<i32>} : memref<128x128xf32, #tpu.memory_space<vmem>>, vector<1x16xf32>,
        %get3A_428 = arith.index_cast %add3A_417 : i32 to index
        %get3A_429 = arith.constant 16 : index
        %get3A_430 = tpu.vector_load %arg12[%get3A_428, %get3A_429] {strides = array<i32>} : memref<128x128xf32, #tpu.memory_space<vmem>>, vector<1x16xf32>,
        %get3A_431 = vector.shape_cast %get3A_430 : vector<1x16xf32> to vector<16xf32>
        %mul3A_432 = vector.broadcast %squeeze3A : f32 to vector<16xf32>
        %mul3A_433 = arith.mulf %get3A_431, %mul3A_432 : vector<16xf32>
        %swap3A_434 = arith.index_cast %add3A_417 : i32 to index
        %swap3A_435 = arith.constant 16 : index
        %swap3A_436 = tpu.vector_load %arg12[%swap3A_434, %swap3A_435] {strides = array<i32>} : memref<128x128xf32, #tpu.memory_space<vmem>>, vector<1x16xf32>,
        %swap3A_437 = vector.shape_cast %swap3A_436 : vector<1x16xf32> to vector<16xf32>
        %swap3A_438 = vector.shape_cast %mul3A_433 : vector<16xf32> to vector<1x16xf32>
        tpu.vector_store %arg12[%swap3A_434, %swap3A_435], %swap3A_438 {strides = array<i32>} : memref<128x128xf32, #tpu.memory_space<vmem>>, vector<1x16xf32>,
        %get3A_439 = arith.index_cast %add3A_417 : i32 to index
        %get3A_440 = arith.constant 32 : index
        %get3A_441 = tpu.vector_load %arg12[%get3A_439, %get3A_440] {strides = array<i32>} : memref<128x128xf32, #tpu.memory_space<vmem>>, vector<1x16xf32>,
        %get3A_442 = vector.shape_cast %get3A_441 : vector<1x16xf32> to vector<16xf32>
        %mul3A_443 = vector.broadcast %squeeze3A : f32 to vector<16xf32>
        %mul3A_444 = arith.mulf %get3A_442, %mul3A_443 : vector<16xf32>
        %swap3A_445 = arith.index_cast %add3A_417 : i32 to index
        %swap3A_446 = arith.constant 32 : index
        %swap3A_447 = tpu.vector_load %arg12[%swap3A_445, %swap3A_446] {strides = array<i32>} : memref<128x128xf32, #tpu.memory_space<vmem>>, vector<1x16xf32>,
        %swap3A_448 = vector.shape_cast %swap3A_447 : vector<1x16xf32> to vector<16xf32>
        %swap3A_449 = vector.shape_cast %mul3A_444 : vector<16xf32> to vector<1x16xf32>
        tpu.vector_store %arg12[%swap3A_445, %swap3A_446], %swap3A_449 {strides = array<i32>} : memref<128x128xf32, #tpu.memory_space<vmem>>, vector<1x16xf32>,
        %get3A_450 = arith.index_cast %add3A_417 : i32 to index
        %get3A_451 = arith.constant 48 : index
        %get3A_452 = tpu.vector_load %arg12[%get3A_450, %get3A_451] {strides = array<i32>} : memref<128x128xf32, #tpu.memory_space<vmem>>, vector<1x16xf32>,
        %get3A_453 = vector.shape_cast %get3A_452 : vector<1x16xf32> to vector<16xf32>
        %mul3A_454 = vector.broadcast %squeeze3A : f32 to vector<16xf32>
        %mul3A_455 = arith.mulf %get3A_453, %mul3A_454 : vector<16xf32>
        %swap3A_456 = arith.index_cast %add3A_417 : i32 to index
        %swap3A_457 = arith.constant 48 : index
        %swap3A_458 = tpu.vector_load %arg12[%swap3A_456, %swap3A_457] {strides = array<i32>} : memref<128x128xf32, #tpu.memory_space<vmem>>, vector<1x16xf32>,
        %swap3A_459 = vector.shape_cast %swap3A_458 : vector<1x16xf32> to vector<16xf32>
        %swap3A_460 = vector.shape_cast %mul3A_455 : vector<16xf32> to vector<1x16xf32>
        tpu.vector_store %arg12[%swap3A_456, %swap3A_457], %swap3A_460 {strides = array<i32>} : memref<128x128xf32, #tpu.memory_space<vmem>>, vector<1x16xf32>,
        %get3A_461 = arith.index_cast %add3A_417 : i32 to index
        %get3A_462 = arith.constant 64 : index
        %get3A_463 = tpu.vector_load %arg12[%get3A_461, %get3A_462] {strides = array<i32>} : memref<128x128xf32, #tpu.memory_space<vmem>>, vector<1x16xf32>,
        %get3A_464 = vector.shape_cast %get3A_463 : vector<1x16xf32> to vector<16xf32>
        %mul3A_465 = vector.broadcast %squeeze3A : f32 to vector<16xf32>
        %mul3A_466 = arith.mulf %get3A_464, %mul3A_465 : vector<16xf32>
        %swap3A_467 = arith.index_cast %add3A_417 : i32 to index
        %swap3A_468 = arith.constant 64 : index
        %swap3A_469 = tpu.vector_load %arg12[%swap3A_467, %swap3A_468] {strides = array<i32>} : memref<128x128xf32, #tpu.memory_space<vmem>>, vector<1x16xf32>,
        %swap3A_470 = vector.shape_cast %swap3A_469 : vector<1x16xf32> to vector<16xf32>
        %swap3A_471 = vector.shape_cast %mul3A_466 : vector<16xf32> to vector<1x16xf32>
        tpu.vector_store %arg12[%swap3A_467, %swap3A_468], %swap3A_471 {strides = array<i32>} : memref<128x128xf32, #tpu.memory_space<vmem>>, vector<1x16xf32>,
        %get3A_472 = arith.index_cast %add3A_417 : i32 to index
        %get3A_473 = arith.constant 80 : index
        %get3A_474 = tpu.vector_load %arg12[%get3A_472, %get3A_473] {strides = array<i32>} : memref<128x128xf32, #tpu.memory_space<vmem>>, vector<1x16xf32>,
        %get3A_475 = vector.shape_cast %get3A_474 : vector<1x16xf32> to vector<16xf32>
        %mul3A_476 = vector.broadcast %squeeze3A : f32 to vector<16xf32>
        %mul3A_477 = arith.mulf %get3A_475, %mul3A_476 : vector<16xf32>
        %swap3A_478 = arith.index_cast %add3A_417 : i32 to index
        %swap3A_479 = arith.constant 80 : index
        %swap3A_480 = tpu.vector_load %arg12[%swap3A_478, %swap3A_479] {strides = array<i32>} : memref<128x128xf32, #tpu.memory_space<vmem>>, vector<1x16xf32>,
        %swap3A_481 = vector.shape_cast %swap3A_480 : vector<1x16xf32> to vector<16xf32>
        %swap3A_482 = vector.shape_cast %mul3A_477 : vector<16xf32> to vector<1x16xf32>
        tpu.vector_store %arg12[%swap3A_478, %swap3A_479], %swap3A_482 {strides = array<i32>} : memref<128x128xf32, #tpu.memory_space<vmem>>, vector<1x16xf32>,
        %get3A_483 = arith.index_cast %add3A_417 : i32 to index
        %get3A_484 = arith.constant 96 : index
        %get3A_485 = tpu.vector_load %arg12[%get3A_483, %get3A_484] {strides = array<i32>} : memref<128x128xf32, #tpu.memory_space<vmem>>, vector<1x16xf32>,
        %get3A_486 = vector.shape_cast %get3A_485 : vector<1x16xf32> to vector<16xf32>
        %mul3A_487 = vector.broadcast %squeeze3A : f32 to vector<16xf32>
        %mul3A_488 = arith.mulf %get3A_486, %mul3A_487 : vector<16xf32>
        %swap3A_489 = arith.index_cast %add3A_417 : i32 to index
        %swap3A_490 = arith.constant 96 : index
        %swap3A_491 = tpu.vector_load %arg12[%swap3A_489, %swap3A_490] {strides = array<i32>} : memref<128x128xf32, #tpu.memory_space<vmem>>, vector<1x16xf32>,
        %swap3A_492 = vector.shape_cast %swap3A_491 : vector<1x16xf32> to vector<16xf32>
        %swap3A_493 = vector.shape_cast %mul3A_488 : vector<16xf32> to vector<1x16xf32>
        tpu.vector_store %arg12[%swap3A_489, %swap3A_490], %swap3A_493 {strides = array<i32>} : memref<128x128xf32, #tpu.memory_space<vmem>>, vector<1x16xf32>,
        %get3A_494 = arith.index_cast %add3A_417 : i32 to index
        %get3A_495 = arith.constant 112 : index
        %get3A_496 = tpu.vector_load %arg12[%get3A_494, %get3A_495] {strides = array<i32>} : memref<128x128xf32, #tpu.memory_space<vmem>>, vector<1x16xf32>,
        %get3A_497 = vector.shape_cast %get3A_496 : vector<1x16xf32> to vector<16xf32>
        %mul3A_498 = vector.broadcast %squeeze3A : f32 to vector<16xf32>
        %mul3A_499 = arith.mulf %get3A_497, %mul3A_498 : vector<16xf32>
        %swap3A_500 = arith.index_cast %add3A_417 : i32 to index
        %swap3A_501 = arith.constant 112 : index
        %swap3A_502 = tpu.vector_load %arg12[%swap3A_500, %swap3A_501] {strides = array<i32>} : memref<128x128xf32, #tpu.memory_space<vmem>>, vector<1x16xf32>,
        %swap3A_503 = vector.shape_cast %swap3A_502 : vector<1x16xf32> to vector<16xf32>
        %swap3A_504 = vector.shape_cast %mul3A_499 : vector<16xf32> to vector<1x16xf32>
        tpu.vector_store %arg12[%swap3A_500, %swap3A_501], %swap3A_504 {strides = array<i32>} : memref<128x128xf32, #tpu.memory_space<vmem>>, vector<1x16xf32>,
        %mul3A_505 = arith.constant 16 : i32
        %mul3A_506 = arith.muli %scan3A_406, %mul3A_505 : i32
        %add3A_507 = arith.constant 1 : i32
        %add3A_508 = arith.addi %mul3A_506, %add3A_507 : i32
        %slice3A_509 = vector.extract_strided_slice %get3A_413 {offsets = [1], sizes = [1], strides = [1]} : vector<16xf32> to vector<1xf32>
        %squeeze3A_510 = vector.extract %slice3A_509[0] : f32 from vector<1xf32>
        %get3A_511 = arith.index_cast %add3A_508 : i32 to index
        %get3A_512 = arith.constant 0 : index
        %get3A_513 = tpu.vector_load %arg12[%get3A_511, %get3A_512] {strides = array<i32>} : memref<128x128xf32, #tpu.memory_space<vmem>>, vector<1x16xf32>,
        %get3A_514 = vector.shape_cast %get3A_513 : vector<1x16xf32> to vector<16xf32>
        %mul3A_515 = vector.broadcast %squeeze3A_510 : f32 to vector<16xf32>
        %mul3A_516 = arith.mulf %get3A_514, %mul3A_515 : vector<16xf32>
        %swap3A_517 = arith.index_cast %add3A_508 : i32 to index
        %swap3A_518 = arith.constant 0 : index
        %swap3A_519 = tpu.vector_load %arg12[%swap3A_517, %swap3A_518] {strides = array<i32>} : memref<128x128xf32, #tpu.memory_space<vmem>>, vector<1x16xf32>,
        %swap3A_520 = vector.shape_cast %swap3A_519 : vector<1x16xf32> to vector<16xf32>
        %swap3A_521 = vector.shape_cast %mul3A_516 : vector<16xf32> to vector<1x16xf32>
        tpu.vector_store %arg12[%swap3A_517, %swap3A_518], %swap3A_521 {strides = array<i32>} : memref<128x128xf32, #tpu.memory_space<vmem>>, vector<1x16xf32>,
        %get3A_522 = arith.index_cast %add3A_508 : i32 to index
        %get3A_523 = arith.constant 16 : index
        %get3A_524 = tpu.vector_load %arg12[%get3A_522, %get3A_523] {strides = array<i32>} : memref<128x128xf32, #tpu.memory_space<vmem>>, vector<1x16xf32>,
        %get3A_525 = vector.shape_cast %get3A_524 : vector<1x16xf32> to vector<16xf32>
        %mul3A_526 = vector.broadcast %squeeze3A_510 : f32 to vector<16xf32>
        %mul3A_527 = arith.mulf %get3A_525, %mul3A_526 : vector<16xf32>
        %swap3A_528 = arith.index_cast %add3A_508 : i32 to index
        %swap3A_529 = arith.constant 16 : index
        %swap3A_530 = tpu.vector_load %arg12[%swap3A_528, %swap3A_529] {strides = array<i32>} : memref<128x128xf32, #tpu.memory_space<vmem>>, vector<1x16xf32>,
        %swap3A_531 = vector.shape_cast %swap3A_530 : vector<1x16xf32> to vector<16xf32>
        %swap3A_532 = vector.shape_cast %mul3A_527 : vector<16xf32> to vector<1x16xf32>
        tpu.vector_store %arg12[%swap3A_528, %swap3A_529], %swap3A_532 {strides = array<i32>} : memref<128x128xf32, #tpu.memory_space<vmem>>, vector<1x16xf32>,
        %get3A_533 = arith.index_cast %add3A_508 : i32 to index
        %get3A_534 = arith.constant 32 : index
        %get3A_535 = tpu.vector_load %arg12[%get3A_533, %get3A_534] {strides = array<i32>} : memref<128x128xf32, #tpu.memory_space<vmem>>, vector<1x16xf32>,
        %get3A_536 = vector.shape_cast %get3A_535 : vector<1x16xf32> to vector<16xf32>
        %mul3A_537 = vector.broadcast %squeeze3A_510 : f32 to vector<16xf32>
        %mul3A_538 = arith.mulf %get3A_536, %mul3A_537 : vector<16xf32>
        %swap3A_539 = arith.index_cast %add3A_508 : i32 to index
        %swap3A_540 = arith.constant 32 : index
        %swap3A_541 = tpu.vector_load %arg12[%swap3A_539, %swap3A_540] {strides = array<i32>} : memref<128x128xf32, #tpu.memory_space<vmem>>, vector<1x16xf32>,
        %swap3A_542 = vector.shape_cast %swap3A_541 : vector<1x16xf32> to vector<16xf32>
        %swap3A_543 = vector.shape_cast %mul3A_538 : vector<16xf32> to vector<1x16xf32>
        tpu.vector_store %arg12[%swap3A_539, %swap3A_540], %swap3A_543 {strides = array<i32>} : memref<128x128xf32, #tpu.memory_space<vmem>>, vector<1x16xf32>,
        %get3A_544 = arith.index_cast %add3A_508 : i32 to index
        %get3A_545 = arith.constant 48 : index
        %get3A_546 = tpu.vector_load %arg12[%get3A_544, %get3A_545] {strides = array<i32>} : memref<128x128xf32, #tpu.memory_space<vmem>>, vector<1x16xf32>,
        %get3A_547 = vector.shape_cast %get3A_546 : vector<1x16xf32> to vector<16xf32>
        %mul3A_548 = vector.broadcast %squeeze3A_510 : f32 to vector<16xf32>
        %mul3A_549 = arith.mulf %get3A_547, %mul3A_548 : vector<16xf32>
        %swap3A_550 = arith.index_cast %add3A_508 : i32 to index
        %swap3A_551 = arith.constant 48 : index
        %swap3A_552 = tpu.vector_load %arg12[%swap3A_550, %swap3A_551] {strides = array<i32>} : memref<128x128xf32, #tpu.memory_space<vmem>>, vector<1x16xf32>,
        %swap3A_553 = vector.shape_cast %swap3A_552 : vector<1x16xf32> to vector<16xf32>
        %swap3A_554 = vector.shape_cast %mul3A_549 : vector<16xf32> to vector<1x16xf32>
        tpu.vector_store %arg12[%swap3A_550, %swap3A_551], %swap3A_554 {strides = array<i32>} : memref<128x128xf32, #tpu.memory_space<vmem>>, vector<1x16xf32>,
        %get3A_555 = arith.index_cast %add3A_508 : i32 to index
        %get3A_556 = arith.constant 64 : index
        %get3A_557 = tpu.vector_load %arg12[%get3A_555, %get3A_556] {strides = array<i32>} : memref<128x128xf32, #tpu.memory_space<vmem>>, vector<1x16xf32>,
        %get3A_558 = vector.shape_cast %get3A_557 : vector<1x16xf32> to vector<16xf32>
        %mul3A_559 = vector.broadcast %squeeze3A_510 : f32 to vector<16xf32>
        %mul3A_560 = arith.mulf %get3A_558, %mul3A_559 : vector<16xf32>
        %swap3A_561 = arith.index_cast %add3A_508 : i32 to index
        %swap3A_562 = arith.constant 64 : index
        %swap3A_563 = tpu.vector_load %arg12[%swap3A_561, %swap3A_562] {strides = array<i32>} : memref<128x128xf32, #tpu.memory_space<vmem>>, vector<1x16xf32>,
        %swap3A_564 = vector.shape_cast %swap3A_563 : vector<1x16xf32> to vector<16xf32>
        %swap3A_565 = vector.shape_cast %mul3A_560 : vector<16xf32> to vector<1x16xf32>
        tpu.vector_store %arg12[%swap3A_561, %swap3A_562], %swap3A_565 {strides = array<i32>} : memref<128x128xf32, #tpu.memory_space<vmem>>, vector<1x16xf32>,
        %get3A_566 = arith.index_cast %add3A_508 : i32 to index
        %get3A_567 = arith.constant 80 : index
        %get3A_568 = tpu.vector_load %arg12[%get3A_566, %get3A_567] {strides = array<i32>} : memref<128x128xf32, #tpu.memory_space<vmem>>, vector<1x16xf32>,
        %get3A_569 = vector.shape_cast %get3A_568 : vector<1x16xf32> to vector<16xf32>
        %mul3A_570 = vector.broadcast %squeeze3A_510 : f32 to vector<16xf32>
        %mul3A_571 = arith.mulf %get3A_569, %mul3A_570 : vector<16xf32>
        %swap3A_572 = arith.index_cast %add3A_508 : i32 to index
        %swap3A_573 = arith.constant 80 : index
        %swap3A_574 = tpu.vector_load %arg12[%swap3A_572, %swap3A_573] {strides = array<i32>} : memref<128x128xf32, #tpu.memory_space<vmem>>, vector<1x16xf32>,
        %swap3A_575 = vector.shape_cast %swap3A_574 : vector<1x16xf32> to vector<16xf32>
        %swap3A_576 = vector.shape_cast %mul3A_571 : vector<16xf32> to vector<1x16xf32>
        tpu.vector_store %arg12[%swap3A_572, %swap3A_573], %swap3A_576 {strides = array<i32>} : memref<128x128xf32, #tpu.memory_space<vmem>>, vector<1x16xf32>,
        %get3A_577 = arith.index_cast %add3A_508 : i32 to index
        %get3A_578 = arith.constant 96 : index
        %get3A_579 = tpu.vector_load %arg12[%get3A_577, %get3A_578] {strides = array<i32>} : memref<128x128xf32, #tpu.memory_space<vmem>>, vector<1x16xf32>,
        %get3A_580 = vector.shape_cast %get3A_579 : vector<1x16xf32> to vector<16xf32>
        %mul3A_581 = vector.broadcast %squeeze3A_510 : f32 to vector<16xf32>
        %mul3A_582 = arith.mulf %get3A_580, %mul3A_581 : vector<16xf32>
        %swap3A_583 = arith.index_cast %add3A_508 : i32 to index
        %swap3A_584 = arith.constant 96 : index
        %swap3A_585 = tpu.vector_load %arg12[%swap3A_583, %swap3A_584] {strides = array<i32>} : memref<128x128xf32, #tpu.memory_space<vmem>>, vector<1x16xf32>,
        %swap3A_586 = vector.shape_cast %swap3A_585 : vector<1x16xf32> to vector<16xf32>
        %swap3A_587 = vector.shape_cast %mul3A_582 : vector<16xf32> to vector<1x16xf32>
        tpu.vector_store %arg12[%swap3A_583, %swap3A_584], %swap3A_587 {strides = array<i32>} : memref<128x128xf32, #tpu.memory_space<vmem>>, vector<1x16xf32>,
        %get3A_588 = arith.index_cast %add3A_508 : i32 to index
        %get3A_589 = arith.constant 112 : index
        %get3A_590 = tpu.vector_load %arg12[%get3A_588, %get3A_589] {strides = array<i32>} : memref<128x128xf32, #tpu.memory_space<vmem>>, vector<1x16xf32>,
        %get3A_591 = vector.shape_cast %get3A_590 : vector<1x16xf32> to vector<16xf32>
        %mul3A_592 = vector.broadcast %squeeze3A_510 : f32 to vector<16xf32>
        %mul3A_593 = arith.mulf %get3A_591, %mul3A_592 : vector<16xf32>
        %swap3A_594 = arith.index_cast %add3A_508 : i32 to index
        %swap3A_595 = arith.constant 112 : index
        %swap3A_596 = tpu.vector_load %arg12[%swap3A_594, %swap3A_595] {strides = array<i32>} : memref<128x128xf32, #tpu.memory_space<vmem>>, vector<1x16xf32>,
        %swap3A_597 = vector.shape_cast %swap3A_596 : vector<1x16xf32> to vector<16xf32>
        %swap3A_598 = vector.shape_cast %mul3A_593 : vector<16xf32> to vector<1x16xf32>
        tpu.vector_store %arg12[%swap3A_594, %swap3A_595], %swap3A_598 {strides = array<i32>} : memref<128x128xf32, #tpu.memory_space<vmem>>, vector<1x16xf32>,
        %mul3A_599 = arith.constant 16 : i32
        %mul3A_600 = arith.muli %scan3A_406, %mul3A_599 : i32
        %add3A_601 = arith.constant 2 : i32
        %add3A_602 = arith.addi %mul3A_600, %add3A_601 : i32
        %slice3A_603 = vector.extract_strided_slice %get3A_413 {offsets = [2], sizes = [1], strides = [1]} : vector<16xf32> to vector<1xf32>
        %squeeze3A_604 = vector.extract %slice3A_603[0] : f32 from vector<1xf32>
        %get3A_605 = arith.index_cast %add3A_602 : i32 to index
        %get3A_606 = arith.constant 0 : index
        %get3A_607 = tpu.vector_load %arg12[%get3A_605, %get3A_606] {strides = array<i32>} : memref<128x128xf32, #tpu.memory_space<vmem>>, vector<1x16xf32>,
        %get3A_608 = vector.shape_cast %get3A_607 : vector<1x16xf32> to vector<16xf32>
        %mul3A_609 = vector.broadcast %squeeze3A_604 : f32 to vector<16xf32>
        %mul3A_610 = arith.mulf %get3A_608, %mul3A_609 : vector<16xf32>
        %swap3A_611 = arith.index_cast %add3A_602 : i32 to index
        %swap3A_612 = arith.constant 0 : index
        %swap3A_613 = tpu.vector_load %arg12[%swap3A_611, %swap3A_612] {strides = array<i32>} : memref<128x128xf32, #tpu.memory_space<vmem>>, vector<1x16xf32>,
        %swap3A_614 = vector.shape_cast %swap3A_613 : vector<1x16xf32> to vector<16xf32>
        %swap3A_615 = vector.shape_cast %mul3A_610 : vector<16xf32> to vector<1x16xf32>
        tpu.vector_store %arg12[%swap3A_611, %swap3A_612], %swap3A_615 {strides = array<i32>} : memref<128x128xf32, #tpu.memory_space<vmem>>, vector<1x16xf32>,
        %get3A_616 = arith.index_cast %add3A_602 : i32 to index
        %get3A_617 = arith.constant 16 : index
        %get3A_618 = tpu.vector_load %arg12[%get3A_616, %get3A_617] {strides = array<i32>} : memref<128x128xf32, #tpu.memory_space<vmem>>, vector<1x16xf32>,
        %get3A_619 = vector.shape_cast %get3A_618 : vector<1x16xf32> to vector<16xf32>
        %mul3A_620 = vector.broadcast %squeeze3A_604 : f32 to vector<16xf32>
        %mul3A_621 = arith.mulf %get3A_619, %mul3A_620 : vector<16xf32>
        %swap3A_622 = arith.index_cast %add3A_602 : i32 to index
        %swap3A_623 = arith.constant 16 : index
        %swap3A_624 = tpu.vector_load %arg12[%swap3A_622, %swap3A_623] {strides = array<i32>} : memref<128x128xf32, #tpu.memory_space<vmem>>, vector<1x16xf32>,
        %swap3A_625 = vector.shape_cast %swap3A_624 : vector<1x16xf32> to vector<16xf32>
        %swap3A_626 = vector.shape_cast %mul3A_621 : vector<16xf32> to vector<1x16xf32>
        tpu.vector_store %arg12[%swap3A_622, %swap3A_623], %swap3A_626 {strides = array<i32>} : memref<128x128xf32, #tpu.memory_space<vmem>>, vector<1x16xf32>,
        %get3A_627 = arith.index_cast %add3A_602 : i32 to index
        %get3A_628 = arith.constant 32 : index
        %get3A_629 = tpu.vector_load %arg12[%get3A_627, %get3A_628] {strides = array<i32>} : memref<128x128xf32, #tpu.memory_space<vmem>>, vector<1x16xf32>,
        %get3A_630 = vector.shape_cast %get3A_629 : vector<1x16xf32> to vector<16xf32>
        %mul3A_631 = vector.broadcast %squeeze3A_604 : f32 to vector<16xf32>
        %mul3A_632 = arith.mulf %get3A_630, %mul3A_631 : vector<16xf32>
        %swap3A_633 = arith.index_cast %add3A_602 : i32 to index
        %swap3A_634 = arith.constant 32 : index
        %swap3A_635 = tpu.vector_load %arg12[%swap3A_633, %swap3A_634] {strides = array<i32>} : memref<128x128xf32, #tpu.memory_space<vmem>>, vector<1x16xf32>,
        %swap3A_636 = vector.shape_cast %swap3A_635 : vector<1x16xf32> to vector<16xf32>
        %swap3A_637 = vector.shape_cast %mul3A_632 : vector<16xf32> to vector<1x16xf32>
        tpu.vector_store %arg12[%swap3A_633, %swap3A_634], %swap3A_637 {strides = array<i32>} : memref<128x128xf32, #tpu.memory_space<vmem>>, vector<1x16xf32>,
        %get3A_638 = arith.index_cast %add3A_602 : i32 to index
        %get3A_639 = arith.constant 48 : index
        %get3A_640 = tpu.vector_load %arg12[%get3A_638, %get3A_639] {strides = array<i32>} : memref<128x128xf32, #tpu.memory_space<vmem>>, vector<1x16xf32>,
        %get3A_641 = vector.shape_cast %get3A_640 : vector<1x16xf32> to vector<16xf32>
        %mul3A_642 = vector.broadcast %squeeze3A_604 : f32 to vector<16xf32>
        %mul3A_643 = arith.mulf %get3A_641, %mul3A_642 : vector<16xf32>
        %swap3A_644 = arith.index_cast %add3A_602 : i32 to index
        %swap3A_645 = arith.constant 48 : index
        %swap3A_646 = tpu.vector_load %arg12[%swap3A_644, %swap3A_645] {strides = array<i32>} : memref<128x128xf32, #tpu.memory_space<vmem>>, vector<1x16xf32>,
        %swap3A_647 = vector.shape_cast %swap3A_646 : vector<1x16xf32> to vector<16xf32>
        %swap3A_648 = vector.shape_cast %mul3A_643 : vector<16xf32> to vector<1x16xf32>
        tpu.vector_store %arg12[%swap3A_644, %swap3A_645], %swap3A_648 {strides = array<i32>} : memref<128x128xf32, #tpu.memory_space<vmem>>, vector<1x16xf32>,
        %get3A_649 = arith.index_cast %add3A_602 : i32 to index
        %get3A_650 = arith.constant 64 : index
        %get3A_651 = tpu.vector_load %arg12[%get3A_649, %get3A_650] {strides = array<i32>} : memref<128x128xf32, #tpu.memory_space<vmem>>, vector<1x16xf32>,
        %get3A_652 = vector.shape_cast %get3A_651 : vector<1x16xf32> to vector<16xf32>
        %mul3A_653 = vector.broadcast %squeeze3A_604 : f32 to vector<16xf32>
        %mul3A_654 = arith.mulf %get3A_652, %mul3A_653 : vector<16xf32>
        %swap3A_655 = arith.index_cast %add3A_602 : i32 to index
        %swap3A_656 = arith.constant 64 : index
        %swap3A_657 = tpu.vector_load %arg12[%swap3A_655, %swap3A_656] {strides = array<i32>} : memref<128x128xf32, #tpu.memory_space<vmem>>, vector<1x16xf32>,
        %swap3A_658 = vector.shape_cast %swap3A_657 : vector<1x16xf32> to vector<16xf32>
        %swap3A_659 = vector.shape_cast %mul3A_654 : vector<16xf32> to vector<1x16xf32>
        tpu.vector_store %arg12[%swap3A_655, %swap3A_656], %swap3A_659 {strides = array<i32>} : memref<128x128xf32, #tpu.memory_space<vmem>>, vector<1x16xf32>,
        %get3A_660 = arith.index_cast %add3A_602 : i32 to index
        %get3A_661 = arith.constant 80 : index
        %get3A_662 = tpu.vector_load %arg12[%get3A_660, %get3A_661] {strides = array<i32>} : memref<128x128xf32, #tpu.memory_space<vmem>>, vector<1x16xf32>,
        %get3A_663 = vector.shape_cast %get3A_662 : vector<1x16xf32> to vector<16xf32>
        %mul3A_664 = vector.broadcast %squeeze3A_604 : f32 to vector<16xf32>
        %mul3A_665 = arith.mulf %get3A_663, %mul3A_664 : vector<16xf32>
        %swap3A_666 = arith.index_cast %add3A_602 : i32 to index
        %swap3A_667 = arith.constant 80 : index
        %swap3A_668 = tpu.vector_load %arg12[%swap3A_666, %swap3A_667] {strides = array<i32>} : memref<128x128xf32, #tpu.memory_space<vmem>>, vector<1x16xf32>,
        %swap3A_669 = vector.shape_cast %swap3A_668 : vector<1x16xf32> to vector<16xf32>
        %swap3A_670 = vector.shape_cast %mul3A_665 : vector<16xf32> to vector<1x16xf32>
        tpu.vector_store %arg12[%swap3A_666, %swap3A_667], %swap3A_670 {strides = array<i32>} : memref<128x128xf32, #tpu.memory_space<vmem>>, vector<1x16xf32>,
        %get3A_671 = arith.index_cast %add3A_602 : i32 to index
        %get3A_672 = arith.constant 96 : index
        %get3A_673 = tpu.vector_load %arg12[%get3A_671, %get3A_672] {strides = array<i32>} : memref<128x128xf32, #tpu.memory_space<vmem>>, vector<1x16xf32>,
        %get3A_674 = vector.shape_cast %get3A_673 : vector<1x16xf32> to vector<16xf32>
        %mul3A_675 = vector.broadcast %squeeze3A_604 : f32 to vector<16xf32>
        %mul3A_676 = arith.mulf %get3A_674, %mul3A_675 : vector<16xf32>
        %swap3A_677 = arith.index_cast %add3A_602 : i32 to index
        %swap3A_678 = arith.constant 96 : index
        %swap3A_679 = tpu.vector_load %arg12[%swap3A_677, %swap3A_678] {strides = array<i32>} : memref<128x128xf32, #tpu.memory_space<vmem>>, vector<1x16xf32>,
        %swap3A_680 = vector.shape_cast %swap3A_679 : vector<1x16xf32> to vector<16xf32>
        %swap3A_681 = vector.shape_cast %mul3A_676 : vector<16xf32> to vector<1x16xf32>
        tpu.vector_store %arg12[%swap3A_677, %swap3A_678], %swap3A_681 {strides = array<i32>} : memref<128x128xf32, #tpu.memory_space<vmem>>, vector<1x16xf32>,
        %get3A_682 = arith.index_cast %add3A_602 : i32 to index
        %get3A_683 = arith.constant 112 : index
        %get3A_684 = tpu.vector_load %arg12[%get3A_682, %get3A_683] {strides = array<i32>} : memref<128x128xf32, #tpu.memory_space<vmem>>, vector<1x16xf32>,
        %get3A_685 = vector.shape_cast %get3A_684 : vector<1x16xf32> to vector<16xf32>
        %mul3A_686 = vector.broadcast %squeeze3A_604 : f32 to vector<16xf32>
        %mul3A_687 = arith.mulf %get3A_685, %mul3A_686 : vector<16xf32>
        %swap3A_688 = arith.index_cast %add3A_602 : i32 to index
        %swap3A_689 = arith.constant 112 : index
        %swap3A_690 = tpu.vector_load %arg12[%swap3A_688, %swap3A_689] {strides = array<i32>} : memref<128x128xf32, #tpu.memory_space<vmem>>, vector<1x16xf32>,
        %swap3A_691 = vector.shape_cast %swap3A_690 : vector<1x16xf32> to vector<16xf32>
        %swap3A_692 = vector.shape_cast %mul3A_687 : vector<16xf32> to vector<1x16xf32>
        tpu.vector_store %arg12[%swap3A_688, %swap3A_689], %swap3A_692 {strides = array<i32>} : memref<128x128xf32, #tpu.memory_space<vmem>>, vector<1x16xf32>,
        %mul3A_693 = arith.constant 16 : i32
        %mul3A_694 = arith.muli %scan3A_406, %mul3A_693 : i32
        %add3A_695 = arith.constant 3 : i32
        %add3A_696 = arith.addi %mul3A_694, %add3A_695 : i32
        %slice3A_697 = vector.extract_strided_slice %get3A_413 {offsets = [3], sizes = [1], strides = [1]} : vector<16xf32> to vector<1xf32>
        %squeeze3A_698 = vector.extract %slice3A_697[0] : f32 from vector<1xf32>
        %get3A_699 = arith.index_cast %add3A_696 : i32 to index
        %get3A_700 = arith.constant 0 : index
        %get3A_701 = tpu.vector_load %arg12[%get3A_699, %get3A_700] {strides = array<i32>} : memref<128x128xf32, #tpu.memory_space<vmem>>, vector<1x16xf32>,
        %get3A_702 = vector.shape_cast %get3A_701 : vector<1x16xf32> to vector<16xf32>
        %mul3A_703 = vector.broadcast %squeeze3A_698 : f32 to vector<16xf32>
        %mul3A_704 = arith.mulf %get3A_702, %mul3A_703 : vector<16xf32>
        %swap3A_705 = arith.index_cast %add3A_696 : i32 to index
        %swap3A_706 = arith.constant 0 : index
        %swap3A_707 = tpu.vector_load %arg12[%swap3A_705, %swap3A_706] {strides = array<i32>} : memref<128x128xf32, #tpu.memory_space<vmem>>, vector<1x16xf32>,
        %swap3A_708 = vector.shape_cast %swap3A_707 : vector<1x16xf32> to vector<16xf32>
        %swap3A_709 = vector.shape_cast %mul3A_704 : vector<16xf32> to vector<1x16xf32>
        tpu.vector_store %arg12[%swap3A_705, %swap3A_706], %swap3A_709 {strides = array<i32>} : memref<128x128xf32, #tpu.memory_space<vmem>>, vector<1x16xf32>,
        %get3A_710 = arith.index_cast %add3A_696 : i32 to index
        %get3A_711 = arith.constant 16 : index
        %get3A_712 = tpu.vector_load %arg12[%get3A_710, %get3A_711] {strides = array<i32>} : memref<128x128xf32, #tpu.memory_space<vmem>>, vector<1x16xf32>,
        %get3A_713 = vector.shape_cast %get3A_712 : vector<1x16xf32> to vector<16xf32>
        %mul3A_714 = vector.broadcast %squeeze3A_698 : f32 to vector<16xf32>
        %mul3A_715 = arith.mulf %get3A_713, %mul3A_714 : vector<16xf32>
        %swap3A_716 = arith.index_cast %add3A_696 : i32 to index
        %swap3A_717 = arith.constant 16 : index
        %swap3A_718 = tpu.vector_load %arg12[%swap3A_716, %swap3A_717] {strides = array<i32>} : memref<128x128xf32, #tpu.memory_space<vmem>>, vector<1x16xf32>,
        %swap3A_719 = vector.shape_cast %swap3A_718 : vector<1x16xf32> to vector<16xf32>
        %swap3A_720 = vector.shape_cast %mul3A_715 : vector<16xf32> to vector<1x16xf32>
        tpu.vector_store %arg12[%swap3A_716, %swap3A_717], %swap3A_720 {strides = array<i32>} : memref<128x128xf32, #tpu.memory_space<vmem>>, vector<1x16xf32>,
        %get3A_721 = arith.index_cast %add3A_696 : i32 to index
        %get3A_722 = arith.constant 32 : index
        %get3A_723 = tpu.vector_load %arg12[%get3A_721, %get3A_722] {strides = array<i32>} : memref<128x128xf32, #tpu.memory_space<vmem>>, vector<1x16xf32>,
        %get3A_724 = vector.shape_cast %get3A_723 : vector<1x16xf32> to vector<16xf32>
        %mul3A_725 = vector.broadcast %squeeze3A_698 : f32 to vector<16xf32>
        %mul3A_726 = arith.mulf %get3A_724, %mul3A_725 : vector<16xf32>
        %swap3A_727 = arith.index_cast %add3A_696 : i32 to index
        %swap3A_728 = arith.constant 32 : index
        %swap3A_729 = tpu.vector_load %arg12[%swap3A_727, %swap3A_728] {strides = array<i32>} : memref<128x128xf32, #tpu.memory_space<vmem>>, vector<1x16xf32>,
        %swap3A_730 = vector.shape_cast %swap3A_729 : vector<1x16xf32> to vector<16xf32>
        %swap3A_731 = vector.shape_cast %mul3A_726 : vector<16xf32> to vector<1x16xf32>
        tpu.vector_store %arg12[%swap3A_727, %swap3A_728], %swap3A_731 {strides = array<i32>} : memref<128x128xf32, #tpu.memory_space<vmem>>, vector<1x16xf32>,
        %get3A_732 = arith.index_cast %add3A_696 : i32 to index
        %get3A_733 = arith.constant 48 : index
        %get3A_734 = tpu.vector_load %arg12[%get3A_732, %get3A_733] {strides = array<i32>} : memref<128x128xf32, #tpu.memory_space<vmem>>, vector<1x16xf32>,
        %get3A_735 = vector.shape_cast %get3A_734 : vector<1x16xf32> to vector<16xf32>
        %mul3A_736 = vector.broadcast %squeeze3A_698 : f32 to vector<16xf32>
        %mul3A_737 = arith.mulf %get3A_735, %mul3A_736 : vector<16xf32>
        %swap3A_738 = arith.index_cast %add3A_696 : i32 to index
        %swap3A_739 = arith.constant 48 : index
        %swap3A_740 = tpu.vector_load %arg12[%swap3A_738, %swap3A_739] {strides = array<i32>} : memref<128x128xf32, #tpu.memory_space<vmem>>, vector<1x16xf32>,
        %swap3A_741 = vector.shape_cast %swap3A_740 : vector<1x16xf32> to vector<16xf32>
        %swap3A_742 = vector.shape_cast %mul3A_737 : vector<16xf32> to vector<1x16xf32>
        tpu.vector_store %arg12[%swap3A_738, %swap3A_739], %swap3A_742 {strides = array<i32>} : memref<128x128xf32, #tpu.memory_space<vmem>>, vector<1x16xf32>,
        %get3A_743 = arith.index_cast %add3A_696 : i32 to index
        %get3A_744 = arith.constant 64 : index
        %get3A_745 = tpu.vector_load %arg12[%get3A_743, %get3A_744] {strides = array<i32>} : memref<128x128xf32, #tpu.memory_space<vmem>>, vector<1x16xf32>,
        %get3A_746 = vector.shape_cast %get3A_745 : vector<1x16xf32> to vector<16xf32>
        %mul3A_747 = vector.broadcast %squeeze3A_698 : f32 to vector<16xf32>
        %mul3A_748 = arith.mulf %get3A_746, %mul3A_747 : vector<16xf32>
        %swap3A_749 = arith.index_cast %add3A_696 : i32 to index
        %swap3A_750 = arith.constant 64 : index
        %swap3A_751 = tpu.vector_load %arg12[%swap3A_749, %swap3A_750] {strides = array<i32>} : memref<128x128xf32, #tpu.memory_space<vmem>>, vector<1x16xf32>,
        %swap3A_752 = vector.shape_cast %swap3A_751 : vector<1x16xf32> to vector<16xf32>
        %swap3A_753 = vector.shape_cast %mul3A_748 : vector<16xf32> to vector<1x16xf32>
        tpu.vector_store %arg12[%swap3A_749, %swap3A_750], %swap3A_753 {strides = array<i32>} : memref<128x128xf32, #tpu.memory_space<vmem>>, vector<1x16xf32>,
        %get3A_754 = arith.index_cast %add3A_696 : i32 to index
        %get3A_755 = arith.constant 80 : index
        %get3A_756 = tpu.vector_load %arg12[%get3A_754, %get3A_755] {strides = array<i32>} : memref<128x128xf32, #tpu.memory_space<vmem>>, vector<1x16xf32>,
        %get3A_757 = vector.shape_cast %get3A_756 : vector<1x16xf32> to vector<16xf32>
        %mul3A_758 = vector.broadcast %squeeze3A_698 : f32 to vector<16xf32>
        %mul3A_759 = arith.mulf %get3A_757, %mul3A_758 : vector<16xf32>
        %swap3A_760 = arith.index_cast %add3A_696 : i32 to index
        %swap3A_761 = arith.constant 80 : index
        %swap3A_762 = tpu.vector_load %arg12[%swap3A_760, %swap3A_761] {strides = array<i32>} : memref<128x128xf32, #tpu.memory_space<vmem>>, vector<1x16xf32>,
        %swap3A_763 = vector.shape_cast %swap3A_762 : vector<1x16xf32> to vector<16xf32>
        %swap3A_764 = vector.shape_cast %mul3A_759 : vector<16xf32> to vector<1x16xf32>
        tpu.vector_store %arg12[%swap3A_760, %swap3A_761], %swap3A_764 {strides = array<i32>} : memref<128x128xf32, #tpu.memory_space<vmem>>, vector<1x16xf32>,
        %get3A_765 = arith.index_cast %add3A_696 : i32 to index
        %get3A_766 = arith.constant 96 : index
        %get3A_767 = tpu.vector_load %arg12[%get3A_765, %get3A_766] {strides = array<i32>} : memref<128x128xf32, #tpu.memory_space<vmem>>, vector<1x16xf32>,
        %get3A_768 = vector.shape_cast %get3A_767 : vector<1x16xf32> to vector<16xf32>
        %mul3A_769 = vector.broadcast %squeeze3A_698 : f32 to vector<16xf32>
        %mul3A_770 = arith.mulf %get3A_768, %mul3A_769 : vector<16xf32>
        %swap3A_771 = arith.index_cast %add3A_696 : i32 to index
        %swap3A_772 = arith.constant 96 : index
        %swap3A_773 = tpu.vector_load %arg12[%swap3A_771, %swap3A_772] {strides = array<i32>} : memref<128x128xf32, #tpu.memory_space<vmem>>, vector<1x16xf32>,
        %swap3A_774 = vector.shape_cast %swap3A_773 : vector<1x16xf32> to vector<16xf32>
        %swap3A_775 = vector.shape_cast %mul3A_770 : vector<16xf32> to vector<1x16xf32>
        tpu.vector_store %arg12[%swap3A_771, %swap3A_772], %swap3A_775 {strides = array<i32>} : memref<128x128xf32, #tpu.memory_space<vmem>>, vector<1x16xf32>,
        %get3A_776 = arith.index_cast %add3A_696 : i32 to index
        %get3A_777 = arith.constant 112 : index
        %get3A_778 = tpu.vector_load %arg12[%get3A_776, %get3A_777] {strides = array<i32>} : memref<128x128xf32, #tpu.memory_space<vmem>>, vector<1x16xf32>,
        %get3A_779 = vector.shape_cast %get3A_778 : vector<1x16xf32> to vector<16xf32>
        %mul3A_780 = vector.broadcast %squeeze3A_698 : f32 to vector<16xf32>
        %mul3A_781 = arith.mulf %get3A_779, %mul3A_780 : vector<16xf32>
        %swap3A_782 = arith.index_cast %add3A_696 : i32 to index
        %swap3A_783 = arith.constant 112 : index
        %swap3A_784 = tpu.vector_load %arg12[%swap3A_782, %swap3A_783] {strides = array<i32>} : memref<128x128xf32, #tpu.memory_space<vmem>>, vector<1x16xf32>,
        %swap3A_785 = vector.shape_cast %swap3A_784 : vector<1x16xf32> to vector<16xf32>
        %swap3A_786 = vector.shape_cast %mul3A_781 : vector<16xf32> to vector<1x16xf32>
        tpu.vector_store %arg12[%swap3A_782, %swap3A_783], %swap3A_786 {strides = array<i32>} : memref<128x128xf32, #tpu.memory_space<vmem>>, vector<1x16xf32>,
        %mul3A_787 = arith.constant 16 : i32
        %mul3A_788 = arith.muli %scan3A_406, %mul3A_787 : i32
        %add3A_789 = arith.constant 4 : i32
        %add3A_790 = arith.addi %mul3A_788, %add3A_789 : i32
        %slice3A_791 = vector.extract_strided_slice %get3A_413 {offsets = [4], sizes = [1], strides = [1]} : vector<16xf32> to vector<1xf32>
        %squeeze3A_792 = vector.extract %slice3A_791[0] : f32 from vector<1xf32>
        %get3A_793 = arith.index_cast %add3A_790 : i32 to index
        %get3A_794 = arith.constant 0 : index
        %get3A_795 = tpu.vector_load %arg12[%get3A_793, %get3A_794] {strides = array<i32>} : memref<128x128xf32, #tpu.memory_space<vmem>>, vector<1x16xf32>,
        %get3A_796 = vector.shape_cast %get3A_795 : vector<1x16xf32> to vector<16xf32>
        %mul3A_797 = vector.broadcast %squeeze3A_792 : f32 to vector<16xf32>
        %mul3A_798 = arith.mulf %get3A_796, %mul3A_797 : vector<16xf32>
        %swap3A_799 = arith.index_cast %add3A_790 : i32 to index
        %swap3A_800 = arith.constant 0 : index
        %swap3A_801 = tpu.vector_load %arg12[%swap3A_799, %swap3A_800] {strides = array<i32>} : memref<128x128xf32, #tpu.memory_space<vmem>>, vector<1x16xf32>,
        %swap3A_802 = vector.shape_cast %swap3A_801 : vector<1x16xf32> to vector<16xf32>
        %swap3A_803 = vector.shape_cast %mul3A_798 : vector<16xf32> to vector<1x16xf32>
        tpu.vector_store %arg12[%swap3A_799, %swap3A_800], %swap3A_803 {strides = array<i32>} : memref<128x128xf32, #tpu.memory_space<vmem>>, vector<1x16xf32>,
        %get3A_804 = arith.index_cast %add3A_790 : i32 to index
        %get3A_805 = arith.constant 16 : index
        %get3A_806 = tpu.vector_load %arg12[%get3A_804, %get3A_805] {strides = array<i32>} : memref<128x128xf32, #tpu.memory_space<vmem>>, vector<1x16xf32>,
        %get3A_807 = vector.shape_cast %get3A_806 : vector<1x16xf32> to vector<16xf32>
        %mul3A_808 = vector.broadcast %squeeze3A_792 : f32 to vector<16xf32>
        %mul3A_809 = arith.mulf %get3A_807, %mul3A_808 : vector<16xf32>
        %swap3A_810 = arith.index_cast %add3A_790 : i32 to index
        %swap3A_811 = arith.constant 16 : index
        %swap3A_812 = tpu.vector_load %arg12[%swap3A_810, %swap3A_811] {strides = array<i32>} : memref<128x128xf32, #tpu.memory_space<vmem>>, vector<1x16xf32>,
        %swap3A_813 = vector.shape_cast %swap3A_812 : vector<1x16xf32> to vector<16xf32>
        %swap3A_814 = vector.shape_cast %mul3A_809 : vector<16xf32> to vector<1x16xf32>
        tpu.vector_store %arg12[%swap3A_810, %swap3A_811], %swap3A_814 {strides = array<i32>} : memref<128x128xf32, #tpu.memory_space<vmem>>, vector<1x16xf32>,
        %get3A_815 = arith.index_cast %add3A_790 : i32 to index
        %get3A_816 = arith.constant 32 : index
        %get3A_817 = tpu.vector_load %arg12[%get3A_815, %get3A_816] {strides = array<i32>} : memref<128x128xf32, #tpu.memory_space<vmem>>, vector<1x16xf32>,
        %get3A_818 = vector.shape_cast %get3A_817 : vector<1x16xf32> to vector<16xf32>
        %mul3A_819 = vector.broadcast %squeeze3A_792 : f32 to vector<16xf32>
        %mul3A_820 = arith.mulf %get3A_818, %mul3A_819 : vector<16xf32>
        %swap3A_821 = arith.index_cast %add3A_790 : i32 to index
        %swap3A_822 = arith.constant 32 : index
        %swap3A_823 = tpu.vector_load %arg12[%swap3A_821, %swap3A_822] {strides = array<i32>} : memref<128x128xf32, #tpu.memory_space<vmem>>, vector<1x16xf32>,
        %swap3A_824 = vector.shape_cast %swap3A_823 : vector<1x16xf32> to vector<16xf32>
        %swap3A_825 = vector.shape_cast %mul3A_820 : vector<16xf32> to vector<1x16xf32>
        tpu.vector_store %arg12[%swap3A_821, %swap3A_822], %swap3A_825 {strides = array<i32>} : memref<128x128xf32, #tpu.memory_space<vmem>>, vector<1x16xf32>,
        %get3A_826 = arith.index_cast %add3A_790 : i32 to index
        %get3A_827 = arith.constant 48 : index
        %get3A_828 = tpu.vector_load %arg12[%get3A_826, %get3A_827] {strides = array<i32>} : memref<128x128xf32, #tpu.memory_space<vmem>>, vector<1x16xf32>,
        %get3A_829 = vector.shape_cast %get3A_828 : vector<1x16xf32> to vector<16xf32>
        %mul3A_830 = vector.broadcast %squeeze3A_792 : f32 to vector<16xf32>
        %mul3A_831 = arith.mulf %get3A_829, %mul3A_830 : vector<16xf32>
        %swap3A_832 = arith.index_cast %add3A_790 : i32 to index
        %swap3A_833 = arith.constant 48 : index
        %swap3A_834 = tpu.vector_load %arg12[%swap3A_832, %swap3A_833] {strides = array<i32>} : memref<128x128xf32, #tpu.memory_space<vmem>>, vector<1x16xf32>,
        %swap3A_835 = vector.shape_cast %swap3A_834 : vector<1x16xf32> to vector<16xf32>
        %swap3A_836 = vector.shape_cast %mul3A_831 : vector<16xf32> to vector<1x16xf32>
        tpu.vector_store %arg12[%swap3A_832, %swap3A_833], %swap3A_836 {strides = array<i32>} : memref<128x128xf32, #tpu.memory_space<vmem>>, vector<1x16xf32>,
        %get3A_837 = arith.index_cast %add3A_790 : i32 to index
        %get3A_838 = arith.constant 64 : index
        %get3A_839 = tpu.vector_load %arg12[%get3A_837, %get3A_838] {strides = array<i32>} : memref<128x128xf32, #tpu.memory_space<vmem>>, vector<1x16xf32>,
        %get3A_840 = vector.shape_cast %get3A_839 : vector<1x16xf32> to vector<16xf32>
        %mul3A_841 = vector.broadcast %squeeze3A_792 : f32 to vector<16xf32>
        %mul3A_842 = arith.mulf %get3A_840, %mul3A_841 : vector<16xf32>
        %swap3A_843 = arith.index_cast %add3A_790 : i32 to index
        %swap3A_844 = arith.constant 64 : index
        %swap3A_845 = tpu.vector_load %arg12[%swap3A_843, %swap3A_844] {strides = array<i32>} : memref<128x128xf32, #tpu.memory_space<vmem>>, vector<1x16xf32>,
        %swap3A_846 = vector.shape_cast %swap3A_845 : vector<1x16xf32> to vector<16xf32>
        %swap3A_847 = vector.shape_cast %mul3A_842 : vector<16xf32> to vector<1x16xf32>
        tpu.vector_store %arg12[%swap3A_843, %swap3A_844], %swap3A_847 {strides = array<i32>} : memref<128x128xf32, #tpu.memory_space<vmem>>, vector<1x16xf32>,
        %get3A_848 = arith.index_cast %add3A_790 : i32 to index
        %get3A_849 = arith.constant 80 : index
        %get3A_850 = tpu.vector_load %arg12[%get3A_848, %get3A_849] {strides = array<i32>} : memref<128x128xf32, #tpu.memory_space<vmem>>, vector<1x16xf32>,
        %get3A_851 = vector.shape_cast %get3A_850 : vector<1x16xf32> to vector<16xf32>
        %mul3A_852 = vector.broadcast %squeeze3A_792 : f32 to vector<16xf32>
        %mul3A_853 = arith.mulf %get3A_851, %mul3A_852 : vector<16xf32>
        %swap3A_854 = arith.index_cast %add3A_790 : i32 to index
        %swap3A_855 = arith.constant 80 : index
        %swap3A_856 = tpu.vector_load %arg12[%swap3A_854, %swap3A_855] {strides = array<i32>} : memref<128x128xf32, #tpu.memory_space<vmem>>, vector<1x16xf32>,
        %swap3A_857 = vector.shape_cast %swap3A_856 : vector<1x16xf32> to vector<16xf32>
        %swap3A_858 = vector.shape_cast %mul3A_853 : vector<16xf32> to vector<1x16xf32>
        tpu.vector_store %arg12[%swap3A_854, %swap3A_855], %swap3A_858 {strides = array<i32>} : memref<128x128xf32, #tpu.memory_space<vmem>>, vector<1x16xf32>,
        %get3A_859 = arith.index_cast %add3A_790 : i32 to index
        %get3A_860 = arith.constant 96 : index
        %get3A_861 = tpu.vector_load %arg12[%get3A_859, %get3A_860] {strides = array<i32>} : memref<128x128xf32, #tpu.memory_space<vmem>>, vector<1x16xf32>,
        %get3A_862 = vector.shape_cast %get3A_861 : vector<1x16xf32> to vector<16xf32>
        %mul3A_863 = vector.broadcast %squeeze3A_792 : f32 to vector<16xf32>
        %mul3A_864 = arith.mulf %get3A_862, %mul3A_863 : vector<16xf32>
        %swap3A_865 = arith.index_cast %add3A_790 : i32 to index
        %swap3A_866 = arith.constant 96 : index
        %swap3A_867 = tpu.vector_load %arg12[%swap3A_865, %swap3A_866] {strides = array<i32>} : memref<128x128xf32, #tpu.memory_space<vmem>>, vector<1x16xf32>,
        %swap3A_868 = vector.shape_cast %swap3A_867 : vector<1x16xf32> to vector<16xf32>
        %swap3A_869 = vector.shape_cast %mul3A_864 : vector<16xf32> to vector<1x16xf32>
        tpu.vector_store %arg12[%swap3A_865, %swap3A_866], %swap3A_869 {strides = array<i32>} : memref<128x128xf32, #tpu.memory_space<vmem>>, vector<1x16xf32>,
        %get3A_870 = arith.index_cast %add3A_790 : i32 to index
        %get3A_871 = arith.constant 112 : index
        %get3A_872 = tpu.vector_load %arg12[%get3A_870, %get3A_871] {strides = array<i32>} : memref<128x128xf32, #tpu.memory_space<vmem>>, vector<1x16xf32>,
        %get3A_873 = vector.shape_cast %get3A_872 : vector<1x16xf32> to vector<16xf32>
        %mul3A_874 = vector.broadcast %squeeze3A_792 : f32 to vector<16xf32>
        %mul3A_875 = arith.mulf %get3A_873, %mul3A_874 : vector<16xf32>
        %swap3A_876 = arith.index_cast %add3A_790 : i32 to index
        %swap3A_877 = arith.constant 112 : index
        %swap3A_878 = tpu.vector_load %arg12[%swap3A_876, %swap3A_877] {strides = array<i32>} : memref<128x128xf32, #tpu.memory_space<vmem>>, vector<1x16xf32>,
        %swap3A_879 = vector.shape_cast %swap3A_878 : vector<1x16xf32> to vector<16xf32>
        %swap3A_880 = vector.shape_cast %mul3A_875 : vector<16xf32> to vector<1x16xf32>
        tpu.vector_store %arg12[%swap3A_876, %swap3A_877], %swap3A_880 {strides = array<i32>} : memref<128x128xf32, #tpu.memory_space<vmem>>, vector<1x16xf32>,
        %mul3A_881 = arith.constant 16 : i32
        %mul3A_882 = arith.muli %scan3A_406, %mul3A_881 : i32
        %add3A_883 = arith.constant 5 : i32
        %add3A_884 = arith.addi %mul3A_882, %add3A_883 : i32
        %slice3A_885 = vector.extract_strided_slice %get3A_413 {offsets = [5], sizes = [1], strides = [1]} : vector<16xf32> to vector<1xf32>
        %squeeze3A_886 = vector.extract %slice3A_885[0] : f32 from vector<1xf32>
        %get3A_887 = arith.index_cast %add3A_884 : i32 to index
        %get3A_888 = arith.constant 0 : index
        %get3A_889 = tpu.vector_load %arg12[%get3A_887, %get3A_888] {strides = array<i32>} : memref<128x128xf32, #tpu.memory_space<vmem>>, vector<1x16xf32>,
        %get3A_890 = vector.shape_cast %get3A_889 : vector<1x16xf32> to vector<16xf32>
        %mul3A_891 = vector.broadcast %squeeze3A_886 : f32 to vector<16xf32>
        %mul3A_892 = arith.mulf %get3A_890, %mul3A_891 : vector<16xf32>
        %swap3A_893 = arith.index_cast %add3A_884 : i32 to index
        %swap3A_894 = arith.constant 0 : index
        %swap3A_895 = tpu.vector_load %arg12[%swap3A_893, %swap3A_894] {strides = array<i32>} : memref<128x128xf32, #tpu.memory_space<vmem>>, vector<1x16xf32>,
        %swap3A_896 = vector.shape_cast %swap3A_895 : vector<1x16xf32> to vector<16xf32>
        %swap3A_897 = vector.shape_cast %mul3A_892 : vector<16xf32> to vector<1x16xf32>
        tpu.vector_store %arg12[%swap3A_893, %swap3A_894], %swap3A_897 {strides = array<i32>} : memref<128x128xf32, #tpu.memory_space<vmem>>, vector<1x16xf32>,
        %get3A_898 = arith.index_cast %add3A_884 : i32 to index
        %get3A_899 = arith.constant 16 : index
        %get3A_900 = tpu.vector_load %arg12[%get3A_898, %get3A_899] {strides = array<i32>} : memref<128x128xf32, #tpu.memory_space<vmem>>, vector<1x16xf32>,
        %get3A_901 = vector.shape_cast %get3A_900 : vector<1x16xf32> to vector<16xf32>
        %mul3A_902 = vector.broadcast %squeeze3A_886 : f32 to vector<16xf32>
        %mul3A_903 = arith.mulf %get3A_901, %mul3A_902 : vector<16xf32>
        %swap3A_904 = arith.index_cast %add3A_884 : i32 to index
        %swap3A_905 = arith.constant 16 : index
        %swap3A_906 = tpu.vector_load %arg12[%swap3A_904, %swap3A_905] {strides = array<i32>} : memref<128x128xf32, #tpu.memory_space<vmem>>, vector<1x16xf32>,
        %swap3A_907 = vector.shape_cast %swap3A_906 : vector<1x16xf32> to vector<16xf32>
        %swap3A_908 = vector.shape_cast %mul3A_903 : vector<16xf32> to vector<1x16xf32>
        tpu.vector_store %arg12[%swap3A_904, %swap3A_905], %swap3A_908 {strides = array<i32>} : memref<128x128xf32, #tpu.memory_space<vmem>>, vector<1x16xf32>,
        %get3A_909 = arith.index_cast %add3A_884 : i32 to index
        %get3A_910 = arith.constant 32 : index
        %get3A_911 = tpu.vector_load %arg12[%get3A_909, %get3A_910] {strides = array<i32>} : memref<128x128xf32, #tpu.memory_space<vmem>>, vector<1x16xf32>,
        %get3A_912 = vector.shape_cast %get3A_911 : vector<1x16xf32> to vector<16xf32>
        %mul3A_913 = vector.broadcast %squeeze3A_886 : f32 to vector<16xf32>
        %mul3A_914 = arith.mulf %get3A_912, %mul3A_913 : vector<16xf32>
        %swap3A_915 = arith.index_cast %add3A_884 : i32 to index
        %swap3A_916 = arith.constant 32 : index
        %swap3A_917 = tpu.vector_load %arg12[%swap3A_915, %swap3A_916] {strides = array<i32>} : memref<128x128xf32, #tpu.memory_space<vmem>>, vector<1x16xf32>,
        %swap3A_918 = vector.shape_cast %swap3A_917 : vector<1x16xf32> to vector<16xf32>
        %swap3A_919 = vector.shape_cast %mul3A_914 : vector<16xf32> to vector<1x16xf32>
        tpu.vector_store %arg12[%swap3A_915, %swap3A_916], %swap3A_919 {strides = array<i32>} : memref<128x128xf32, #tpu.memory_space<vmem>>, vector<1x16xf32>,
        %get3A_920 = arith.index_cast %add3A_884 : i32 to index
        %get3A_921 = arith.constant 48 : index
        %get3A_922 = tpu.vector_load %arg12[%get3A_920, %get3A_921] {strides = array<i32>} : memref<128x128xf32, #tpu.memory_space<vmem>>, vector<1x16xf32>,
        %get3A_923 = vector.shape_cast %get3A_922 : vector<1x16xf32> to vector<16xf32>
        %mul3A_924 = vector.broadcast %squeeze3A_886 : f32 to vector<16xf32>
        %mul3A_925 = arith.mulf %get3A_923, %mul3A_924 : vector<16xf32>
        %swap3A_926 = arith.index_cast %add3A_884 : i32 to index
        %swap3A_927 = arith.constant 48 : index
        %swap3A_928 = tpu.vector_load %arg12[%swap3A_926, %swap3A_927] {strides = array<i32>} : memref<128x128xf32, #tpu.memory_space<vmem>>, vector<1x16xf32>,
        %swap3A_929 = vector.shape_cast %swap3A_928 : vector<1x16xf32> to vector<16xf32>
        %swap3A_930 = vector.shape_cast %mul3A_925 : vector<16xf32> to vector<1x16xf32>
        tpu.vector_store %arg12[%swap3A_926, %swap3A_927], %swap3A_930 {strides = array<i32>} : memref<128x128xf32, #tpu.memory_space<vmem>>, vector<1x16xf32>,
        %get3A_931 = arith.index_cast %add3A_884 : i32 to index
        %get3A_932 = arith.constant 64 : index
        %get3A_933 = tpu.vector_load %arg12[%get3A_931, %get3A_932] {strides = array<i32>} : memref<128x128xf32, #tpu.memory_space<vmem>>, vector<1x16xf32>,
        %get3A_934 = vector.shape_cast %get3A_933 : vector<1x16xf32> to vector<16xf32>
        %mul3A_935 = vector.broadcast %squeeze3A_886 : f32 to vector<16xf32>
        %mul3A_936 = arith.mulf %get3A_934, %mul3A_935 : vector<16xf32>
        %swap3A_937 = arith.index_cast %add3A_884 : i32 to index
        %swap3A_938 = arith.constant 64 : index
        %swap3A_939 = tpu.vector_load %arg12[%swap3A_937, %swap3A_938] {strides = array<i32>} : memref<128x128xf32, #tpu.memory_space<vmem>>, vector<1x16xf32>,
        %swap3A_940 = vector.shape_cast %swap3A_939 : vector<1x16xf32> to vector<16xf32>
        %swap3A_941 = vector.shape_cast %mul3A_936 : vector<16xf32> to vector<1x16xf32>
        tpu.vector_store %arg12[%swap3A_937, %swap3A_938], %swap3A_941 {strides = array<i32>} : memref<128x128xf32, #tpu.memory_space<vmem>>, vector<1x16xf32>,
        %get3A_942 = arith.index_cast %add3A_884 : i32 to index
        %get3A_943 = arith.constant 80 : index
        %get3A_944 = tpu.vector_load %arg12[%get3A_942, %get3A_943] {strides = array<i32>} : memref<128x128xf32, #tpu.memory_space<vmem>>, vector<1x16xf32>,
        %get3A_945 = vector.shape_cast %get3A_944 : vector<1x16xf32> to vector<16xf32>
        %mul3A_946 = vector.broadcast %squeeze3A_886 : f32 to vector<16xf32>
        %mul3A_947 = arith.mulf %get3A_945, %mul3A_946 : vector<16xf32>
        %swap3A_948 = arith.index_cast %add3A_884 : i32 to index
        %swap3A_949 = arith.constant 80 : index
        %swap3A_950 = tpu.vector_load %arg12[%swap3A_948, %swap3A_949] {strides = array<i32>} : memref<128x128xf32, #tpu.memory_space<vmem>>, vector<1x16xf32>,
        %swap3A_951 = vector.shape_cast %swap3A_950 : vector<1x16xf32> to vector<16xf32>
        %swap3A_952 = vector.shape_cast %mul3A_947 : vector<16xf32> to vector<1x16xf32>
        tpu.vector_store %arg12[%swap3A_948, %swap3A_949], %swap3A_952 {strides = array<i32>} : memref<128x128xf32, #tpu.memory_space<vmem>>, vector<1x16xf32>,
        %get3A_953 = arith.index_cast %add3A_884 : i32 to index
        %get3A_954 = arith.constant 96 : index
        %get3A_955 = tpu.vector_load %arg12[%get3A_953, %get3A_954] {strides = array<i32>} : memref<128x128xf32, #tpu.memory_space<vmem>>, vector<1x16xf32>,
        %get3A_956 = vector.shape_cast %get3A_955 : vector<1x16xf32> to vector<16xf32>
        %mul3A_957 = vector.broadcast %squeeze3A_886 : f32 to vector<16xf32>
        %mul3A_958 = arith.mulf %get3A_956, %mul3A_957 : vector<16xf32>
        %swap3A_959 = arith.index_cast %add3A_884 : i32 to index
        %swap3A_960 = arith.constant 96 : index
        %swap3A_961 = tpu.vector_load %arg12[%swap3A_959, %swap3A_960] {strides = array<i32>} : memref<128x128xf32, #tpu.memory_space<vmem>>, vector<1x16xf32>,
        %swap3A_962 = vector.shape_cast %swap3A_961 : vector<1x16xf32> to vector<16xf32>
        %swap3A_963 = vector.shape_cast %mul3A_958 : vector<16xf32> to vector<1x16xf32>
        tpu.vector_store %arg12[%swap3A_959, %swap3A_960], %swap3A_963 {strides = array<i32>} : memref<128x128xf32, #tpu.memory_space<vmem>>, vector<1x16xf32>,
        %get3A_964 = arith.index_cast %add3A_884 : i32 to index
        %get3A_965 = arith.constant 112 : index
        %get3A_966 = tpu.vector_load %arg12[%get3A_964, %get3A_965] {strides = array<i32>} : memref<128x128xf32, #tpu.memory_space<vmem>>, vector<1x16xf32>,
        %get3A_967 = vector.shape_cast %get3A_966 : vector<1x16xf32> to vector<16xf32>
        %mul3A_968 = vector.broadcast %squeeze3A_886 : f32 to vector<16xf32>
        %mul3A_969 = arith.mulf %get3A_967, %mul3A_968 : vector<16xf32>
        %swap3A_970 = arith.index_cast %add3A_884 : i32 to index
        %swap3A_971 = arith.constant 112 : index
        %swap3A_972 = tpu.vector_load %arg12[%swap3A_970, %swap3A_971] {strides = array<i32>} : memref<128x128xf32, #tpu.memory_space<vmem>>, vector<1x16xf32>,
        %swap3A_973 = vector.shape_cast %swap3A_972 : vector<1x16xf32> to vector<16xf32>
        %swap3A_974 = vector.shape_cast %mul3A_969 : vector<16xf32> to vector<1x16xf32>
        tpu.vector_store %arg12[%swap3A_970, %swap3A_971], %swap3A_974 {strides = array<i32>} : memref<128x128xf32, #tpu.memory_space<vmem>>, vector<1x16xf32>,
        %mul3A_975 = arith.constant 16 : i32
        %mul3A_976 = arith.muli %scan3A_406, %mul3A_975 : i32
        %add3A_977 = arith.constant 6 : i32
        %add3A_978 = arith.addi %mul3A_976, %add3A_977 : i32
        %slice3A_979 = vector.extract_strided_slice %get3A_413 {offsets = [6], sizes = [1], strides = [1]} : vector<16xf32> to vector<1xf32>
        %squeeze3A_980 = vector.extract %slice3A_979[0] : f32 from vector<1xf32>
        %get3A_981 = arith.index_cast %add3A_978 : i32 to index
        %get3A_982 = arith.constant 0 : index
        %get3A_983 = tpu.vector_load %arg12[%get3A_981, %get3A_982] {strides = array<i32>} : memref<128x128xf32, #tpu.memory_space<vmem>>, vector<1x16xf32>,
        %get3A_984 = vector.shape_cast %get3A_983 : vector<1x16xf32> to vector<16xf32>
        %mul3A_985 = vector.broadcast %squeeze3A_980 : f32 to vector<16xf32>
        %mul3A_986 = arith.mulf %get3A_984, %mul3A_985 : vector<16xf32>
        %swap3A_987 = arith.index_cast %add3A_978 : i32 to index
        %swap3A_988 = arith.constant 0 : index
        %swap3A_989 = tpu.vector_load %arg12[%swap3A_987, %swap3A_988] {strides = array<i32>} : memref<128x128xf32, #tpu.memory_space<vmem>>, vector<1x16xf32>,
        %swap3A_990 = vector.shape_cast %swap3A_989 : vector<1x16xf32> to vector<16xf32>
        %swap3A_991 = vector.shape_cast %mul3A_986 : vector<16xf32> to vector<1x16xf32>
        tpu.vector_store %arg12[%swap3A_987, %swap3A_988], %swap3A_991 {strides = array<i32>} : memref<128x128xf32, #tpu.memory_space<vmem>>, vector<1x16xf32>,
        %get3A_992 = arith.index_cast %add3A_978 : i32 to index
        %get3A_993 = arith.constant 16 : index
        %get3A_994 = tpu.vector_load %arg12[%get3A_992, %get3A_993] {strides = array<i32>} : memref<128x128xf32, #tpu.memory_space<vmem>>, vector<1x16xf32>,
        %get3A_995 = vector.shape_cast %get3A_994 : vector<1x16xf32> to vector<16xf32>
        %mul3A_996 = vector.broadcast %squeeze3A_980 : f32 to vector<16xf32>
        %mul3A_997 = arith.mulf %get3A_995, %mul3A_996 : vector<16xf32>
        %swap3A_998 = arith.index_cast %add3A_978 : i32 to index
        %swap3A_999 = arith.constant 16 : index
        %swap3A_1000 = tpu.vector_load %arg12[%swap3A_998, %swap3A_999] {strides = array<i32>} : memref<128x128xf32, #tpu.memory_space<vmem>>, vector<1x16xf32>,
        %swap3A_1001 = vector.shape_cast %swap3A_1000 : vector<1x16xf32> to vector<16xf32>
        %swap3A_1002 = vector.shape_cast %mul3A_997 : vector<16xf32> to vector<1x16xf32>
        tpu.vector_store %arg12[%swap3A_998, %swap3A_999], %swap3A_1002 {strides = array<i32>} : memref<128x128xf32, #tpu.memory_space<vmem>>, vector<1x16xf32>,
        %get3A_1003 = arith.index_cast %add3A_978 : i32 to index
        %get3A_1004 = arith.constant 32 : index
        %get3A_1005 = tpu.vector_load %arg12[%get3A_1003, %get3A_1004] {strides = array<i32>} : memref<128x128xf32, #tpu.memory_space<vmem>>, vector<1x16xf32>,
        %get3A_1006 = vector.shape_cast %get3A_1005 : vector<1x16xf32> to vector<16xf32>
        %mul3A_1007 = vector.broadcast %squeeze3A_980 : f32 to vector<16xf32>
        %mul3A_1008 = arith.mulf %get3A_1006, %mul3A_1007 : vector<16xf32>
        %swap3A_1009 = arith.index_cast %add3A_978 : i32 to index
        %swap3A_1010 = arith.constant 32 : index
        %swap3A_1011 = tpu.vector_load %arg12[%swap3A_1009, %swap3A_1010] {strides = array<i32>} : memref<128x128xf32, #tpu.memory_space<vmem>>, vector<1x16xf32>,
        %swap3A_1012 = vector.shape_cast %swap3A_1011 : vector<1x16xf32> to vector<16xf32>
        %swap3A_1013 = vector.shape_cast %mul3A_1008 : vector<16xf32> to vector<1x16xf32>
        tpu.vector_store %arg12[%swap3A_1009, %swap3A_1010], %swap3A_1013 {strides = array<i32>} : memref<128x128xf32, #tpu.memory_space<vmem>>, vector<1x16xf32>,
        %get3A_1014 = arith.index_cast %add3A_978 : i32 to index
        %get3A_1015 = arith.constant 48 : index
        %get3A_1016 = tpu.vector_load %arg12[%get3A_1014, %get3A_1015] {strides = array<i32>} : memref<128x128xf32, #tpu.memory_space<vmem>>, vector<1x16xf32>,
        %get3A_1017 = vector.shape_cast %get3A_1016 : vector<1x16xf32> to vector<16xf32>
        %mul3A_1018 = vector.broadcast %squeeze3A_980 : f32 to vector<16xf32>
        %mul3A_1019 = arith.mulf %get3A_1017, %mul3A_1018 : vector<16xf32>
        %swap3A_1020 = arith.index_cast %add3A_978 : i32 to index
        %swap3A_1021 = arith.constant 48 : index
        %swap3A_1022 = tpu.vector_load %arg12[%swap3A_1020, %swap3A_1021] {strides = array<i32>} : memref<128x128xf32, #tpu.memory_space<vmem>>, vector<1x16xf32>,
        %swap3A_1023 = vector.shape_cast %swap3A_1022 : vector<1x16xf32> to vector<16xf32>
        %swap3A_1024 = vector.shape_cast %mul3A_1019 : vector<16xf32> to vector<1x16xf32>
        tpu.vector_store %arg12[%swap3A_1020, %swap3A_1021], %swap3A_1024 {strides = array<i32>} : memref<128x128xf32, #tpu.memory_space<vmem>>, vector<1x16xf32>,
        %get3A_1025 = arith.index_cast %add3A_978 : i32 to index
        %get3A_1026 = arith.constant 64 : index
        %get3A_1027 = tpu.vector_load %arg12[%get3A_1025, %get3A_1026] {strides = array<i32>} : memref<128x128xf32, #tpu.memory_space<vmem>>, vector<1x16xf32>,
        %get3A_1028 = vector.shape_cast %get3A_1027 : vector<1x16xf32> to vector<16xf32>
        %mul3A_1029 = vector.broadcast %squeeze3A_980 : f32 to vector<16xf32>
        %mul3A_1030 = arith.mulf %get3A_1028, %mul3A_1029 : vector<16xf32>
        %swap3A_1031 = arith.index_cast %add3A_978 : i32 to index
        %swap3A_1032 = arith.constant 64 : index
        %swap3A_1033 = tpu.vector_load %arg12[%swap3A_1031, %swap3A_1032] {strides = array<i32>} : memref<128x128xf32, #tpu.memory_space<vmem>>, vector<1x16xf32>,
        %swap3A_1034 = vector.shape_cast %swap3A_1033 : vector<1x16xf32> to vector<16xf32>
        %swap3A_1035 = vector.shape_cast %mul3A_1030 : vector<16xf32> to vector<1x16xf32>
        tpu.vector_store %arg12[%swap3A_1031, %swap3A_1032], %swap3A_1035 {strides = array<i32>} : memref<128x128xf32, #tpu.memory_space<vmem>>, vector<1x16xf32>,
        %get3A_1036 = arith.index_cast %add3A_978 : i32 to index
        %get3A_1037 = arith.constant 80 : index
        %get3A_1038 = tpu.vector_load %arg12[%get3A_1036, %get3A_1037] {strides = array<i32>} : memref<128x128xf32, #tpu.memory_space<vmem>>, vector<1x16xf32>,
        %get3A_1039 = vector.shape_cast %get3A_1038 : vector<1x16xf32> to vector<16xf32>
        %mul3A_1040 = vector.broadcast %squeeze3A_980 : f32 to vector<16xf32>
        %mul3A_1041 = arith.mulf %get3A_1039, %mul3A_1040 : vector<16xf32>
        %swap3A_1042 = arith.index_cast %add3A_978 : i32 to index
        %swap3A_1043 = arith.constant 80 : index
        %swap3A_1044 = tpu.vector_load %arg12[%swap3A_1042, %swap3A_1043] {strides = array<i32>} : memref<128x128xf32, #tpu.memory_space<vmem>>, vector<1x16xf32>,
        %swap3A_1045 = vector.shape_cast %swap3A_1044 : vector<1x16xf32> to vector<16xf32>
        %swap3A_1046 = vector.shape_cast %mul3A_1041 : vector<16xf32> to vector<1x16xf32>
        tpu.vector_store %arg12[%swap3A_1042, %swap3A_1043], %swap3A_1046 {strides = array<i32>} : memref<128x128xf32, #tpu.memory_space<vmem>>, vector<1x16xf32>,
        %get3A_1047 = arith.index_cast %add3A_978 : i32 to index
        %get3A_1048 = arith.constant 96 : index
        %get3A_1049 = tpu.vector_load %arg12[%get3A_1047, %get3A_1048] {strides = array<i32>} : memref<128x128xf32, #tpu.memory_space<vmem>>, vector<1x16xf32>,
        %get3A_1050 = vector.shape_cast %get3A_1049 : vector<1x16xf32> to vector<16xf32>
        %mul3A_1051 = vector.broadcast %squeeze3A_980 : f32 to vector<16xf32>
        %mul3A_1052 = arith.mulf %get3A_1050, %mul3A_1051 : vector<16xf32>
        %swap3A_1053 = arith.index_cast %add3A_978 : i32 to index
        %swap3A_1054 = arith.constant 96 : index
        %swap3A_1055 = tpu.vector_load %arg12[%swap3A_1053, %swap3A_1054] {strides = array<i32>} : memref<128x128xf32, #tpu.memory_space<vmem>>, vector<1x16xf32>,
        %swap3A_1056 = vector.shape_cast %swap3A_1055 : vector<1x16xf32> to vector<16xf32>
        %swap3A_1057 = vector.shape_cast %mul3A_1052 : vector<16xf32> to vector<1x16xf32>
        tpu.vector_store %arg12[%swap3A_1053, %swap3A_1054], %swap3A_1057 {strides = array<i32>} : memref<128x128xf32, #tpu.memory_space<vmem>>, vector<1x16xf32>,
        %get3A_1058 = arith.index_cast %add3A_978 : i32 to index
        %get3A_1059 = arith.constant 112 : index
        %get3A_1060 = tpu.vector_load %arg12[%get3A_1058, %get3A_1059] {strides = array<i32>} : memref<128x128xf32, #tpu.memory_space<vmem>>, vector<1x16xf32>,
        %get3A_1061 = vector.shape_cast %get3A_1060 : vector<1x16xf32> to vector<16xf32>
        %mul3A_1062 = vector.broadcast %squeeze3A_980 : f32 to vector<16xf32>
        %mul3A_1063 = arith.mulf %get3A_1061, %mul3A_1062 : vector<16xf32>
        %swap3A_1064 = arith.index_cast %add3A_978 : i32 to index
        %swap3A_1065 = arith.constant 112 : index
        %swap3A_1066 = tpu.vector_load %arg12[%swap3A_1064, %swap3A_1065] {strides = array<i32>} : memref<128x128xf32, #tpu.memory_space<vmem>>, vector<1x16xf32>,
        %swap3A_1067 = vector.shape_cast %swap3A_1066 : vector<1x16xf32> to vector<16xf32>
        %swap3A_1068 = vector.shape_cast %mul3A_1063 : vector<16xf32> to vector<1x16xf32>
        tpu.vector_store %arg12[%swap3A_1064, %swap3A_1065], %swap3A_1068 {strides = array<i32>} : memref<128x128xf32, #tpu.memory_space<vmem>>, vector<1x16xf32>,
        %mul3A_1069 = arith.constant 16 : i32
        %mul3A_1070 = arith.muli %scan3A_406, %mul3A_1069 : i32
        %add3A_1071 = arith.constant 7 : i32
        %add3A_1072 = arith.addi %mul3A_1070, %add3A_1071 : i32
        %slice3A_1073 = vector.extract_strided_slice %get3A_413 {offsets = [7], sizes = [1], strides = [1]} : vector<16xf32> to vector<1xf32>
        %squeeze3A_1074 = vector.extract %slice3A_1073[0] : f32 from vector<1xf32>
        %get3A_1075 = arith.index_cast %add3A_1072 : i32 to index
        %get3A_1076 = arith.constant 0 : index
        %get3A_1077 = tpu.vector_load %arg12[%get3A_1075, %get3A_1076] {strides = array<i32>} : memref<128x128xf32, #tpu.memory_space<vmem>>, vector<1x16xf32>,
        %get3A_1078 = vector.shape_cast %get3A_1077 : vector<1x16xf32> to vector<16xf32>
        %mul3A_1079 = vector.broadcast %squeeze3A_1074 : f32 to vector<16xf32>
        %mul3A_1080 = arith.mulf %get3A_1078, %mul3A_1079 : vector<16xf32>
        %swap3A_1081 = arith.index_cast %add3A_1072 : i32 to index
        %swap3A_1082 = arith.constant 0 : index
        %swap3A_1083 = tpu.vector_load %arg12[%swap3A_1081, %swap3A_1082] {strides = array<i32>} : memref<128x128xf32, #tpu.memory_space<vmem>>, vector<1x16xf32>,
        %swap3A_1084 = vector.shape_cast %swap3A_1083 : vector<1x16xf32> to vector<16xf32>
        %swap3A_1085 = vector.shape_cast %mul3A_1080 : vector<16xf32> to vector<1x16xf32>
        tpu.vector_store %arg12[%swap3A_1081, %swap3A_1082], %swap3A_1085 {strides = array<i32>} : memref<128x128xf32, #tpu.memory_space<vmem>>, vector<1x16xf32>,
        %get3A_1086 = arith.index_cast %add3A_1072 : i32 to index
        %get3A_1087 = arith.constant 16 : index
        %get3A_1088 = tpu.vector_load %arg12[%get3A_1086, %get3A_1087] {strides = array<i32>} : memref<128x128xf32, #tpu.memory_space<vmem>>, vector<1x16xf32>,
        %get3A_1089 = vector.shape_cast %get3A_1088 : vector<1x16xf32> to vector<16xf32>
        %mul3A_1090 = vector.broadcast %squeeze3A_1074 : f32 to vector<16xf32>
        %mul3A_1091 = arith.mulf %get3A_1089, %mul3A_1090 : vector<16xf32>
        %swap3A_1092 = arith.index_cast %add3A_1072 : i32 to index
        %swap3A_1093 = arith.constant 16 : index
        %swap3A_1094 = tpu.vector_load %arg12[%swap3A_1092, %swap3A_1093] {strides = array<i32>} : memref<128x128xf32, #tpu.memory_space<vmem>>, vector<1x16xf32>,
        %swap3A_1095 = vector.shape_cast %swap3A_1094 : vector<1x16xf32> to vector<16xf32>
        %swap3A_1096 = vector.shape_cast %mul3A_1091 : vector<16xf32> to vector<1x16xf32>
        tpu.vector_store %arg12[%swap3A_1092, %swap3A_1093], %swap3A_1096 {strides = array<i32>} : memref<128x128xf32, #tpu.memory_space<vmem>>, vector<1x16xf32>,
        %get3A_1097 = arith.index_cast %add3A_1072 : i32 to index
        %get3A_1098 = arith.constant 32 : index
        %get3A_1099 = tpu.vector_load %arg12[%get3A_1097, %get3A_1098] {strides = array<i32>} : memref<128x128xf32, #tpu.memory_space<vmem>>, vector<1x16xf32>,
        %get3A_1100 = vector.shape_cast %get3A_1099 : vector<1x16xf32> to vector<16xf32>
        %mul3A_1101 = vector.broadcast %squeeze3A_1074 : f32 to vector<16xf32>
        %mul3A_1102 = arith.mulf %get3A_1100, %mul3A_1101 : vector<16xf32>
        %swap3A_1103 = arith.index_cast %add3A_1072 : i32 to index
        %swap3A_1104 = arith.constant 32 : index
        %swap3A_1105 = tpu.vector_load %arg12[%swap3A_1103, %swap3A_1104] {strides = array<i32>} : memref<128x128xf32, #tpu.memory_space<vmem>>, vector<1x16xf32>,
        %swap3A_1106 = vector.shape_cast %swap3A_1105 : vector<1x16xf32> to vector<16xf32>
        %swap3A_1107 = vector.shape_cast %mul3A_1102 : vector<16xf32> to vector<1x16xf32>
        tpu.vector_store %arg12[%swap3A_1103, %swap3A_1104], %swap3A_1107 {strides = array<i32>} : memref<128x128xf32, #tpu.memory_space<vmem>>, vector<1x16xf32>,
        %get3A_1108 = arith.index_cast %add3A_1072 : i32 to index
        %get3A_1109 = arith.constant 48 : index
        %get3A_1110 = tpu.vector_load %arg12[%get3A_1108, %get3A_1109] {strides = array<i32>} : memref<128x128xf32, #tpu.memory_space<vmem>>, vector<1x16xf32>,
        %get3A_1111 = vector.shape_cast %get3A_1110 : vector<1x16xf32> to vector<16xf32>
        %mul3A_1112 = vector.broadcast %squeeze3A_1074 : f32 to vector<16xf32>
        %mul3A_1113 = arith.mulf %get3A_1111, %mul3A_1112 : vector<16xf32>
        %swap3A_1114 = arith.index_cast %add3A_1072 : i32 to index
        %swap3A_1115 = arith.constant 48 : index
        %swap3A_1116 = tpu.vector_load %arg12[%swap3A_1114, %swap3A_1115] {strides = array<i32>} : memref<128x128xf32, #tpu.memory_space<vmem>>, vector<1x16xf32>,
        %swap3A_1117 = vector.shape_cast %swap3A_1116 : vector<1x16xf32> to vector<16xf32>
        %swap3A_1118 = vector.shape_cast %mul3A_1113 : vector<16xf32> to vector<1x16xf32>
        tpu.vector_store %arg12[%swap3A_1114, %swap3A_1115], %swap3A_1118 {strides = array<i32>} : memref<128x128xf32, #tpu.memory_space<vmem>>, vector<1x16xf32>,
        %get3A_1119 = arith.index_cast %add3A_1072 : i32 to index
        %get3A_1120 = arith.constant 64 : index
        %get3A_1121 = tpu.vector_load %arg12[%get3A_1119, %get3A_1120] {strides = array<i32>} : memref<128x128xf32, #tpu.memory_space<vmem>>, vector<1x16xf32>,
        %get3A_1122 = vector.shape_cast %get3A_1121 : vector<1x16xf32> to vector<16xf32>
        %mul3A_1123 = vector.broadcast %squeeze3A_1074 : f32 to vector<16xf32>
        %mul3A_1124 = arith.mulf %get3A_1122, %mul3A_1123 : vector<16xf32>
        %swap3A_1125 = arith.index_cast %add3A_1072 : i32 to index
        %swap3A_1126 = arith.constant 64 : index
        %swap3A_1127 = tpu.vector_load %arg12[%swap3A_1125, %swap3A_1126] {strides = array<i32>} : memref<128x128xf32, #tpu.memory_space<vmem>>, vector<1x16xf32>,
        %swap3A_1128 = vector.shape_cast %swap3A_1127 : vector<1x16xf32> to vector<16xf32>
        %swap3A_1129 = vector.shape_cast %mul3A_1124 : vector<16xf32> to vector<1x16xf32>
        tpu.vector_store %arg12[%swap3A_1125, %swap3A_1126], %swap3A_1129 {strides = array<i32>} : memref<128x128xf32, #tpu.memory_space<vmem>>, vector<1x16xf32>,
        %get3A_1130 = arith.index_cast %add3A_1072 : i32 to index
        %get3A_1131 = arith.constant 80 : index
        %get3A_1132 = tpu.vector_load %arg12[%get3A_1130, %get3A_1131] {strides = array<i32>} : memref<128x128xf32, #tpu.memory_space<vmem>>, vector<1x16xf32>,
        %get3A_1133 = vector.shape_cast %get3A_1132 : vector<1x16xf32> to vector<16xf32>
        %mul3A_1134 = vector.broadcast %squeeze3A_1074 : f32 to vector<16xf32>
        %mul3A_1135 = arith.mulf %get3A_1133, %mul3A_1134 : vector<16xf32>
        %swap3A_1136 = arith.index_cast %add3A_1072 : i32 to index
        %swap3A_1137 = arith.constant 80 : index
        %swap3A_1138 = tpu.vector_load %arg12[%swap3A_1136, %swap3A_1137] {strides = array<i32>} : memref<128x128xf32, #tpu.memory_space<vmem>>, vector<1x16xf32>,
        %swap3A_1139 = vector.shape_cast %swap3A_1138 : vector<1x16xf32> to vector<16xf32>
        %swap3A_1140 = vector.shape_cast %mul3A_1135 : vector<16xf32> to vector<1x16xf32>
        tpu.vector_store %arg12[%swap3A_1136, %swap3A_1137], %swap3A_1140 {strides = array<i32>} : memref<128x128xf32, #tpu.memory_space<vmem>>, vector<1x16xf32>,
        %get3A_1141 = arith.index_cast %add3A_1072 : i32 to index
        %get3A_1142 = arith.constant 96 : index
        %get3A_1143 = tpu.vector_load %arg12[%get3A_1141, %get3A_1142] {strides = array<i32>} : memref<128x128xf32, #tpu.memory_space<vmem>>, vector<1x16xf32>,
        %get3A_1144 = vector.shape_cast %get3A_1143 : vector<1x16xf32> to vector<16xf32>
        %mul3A_1145 = vector.broadcast %squeeze3A_1074 : f32 to vector<16xf32>
        %mul3A_1146 = arith.mulf %get3A_1144, %mul3A_1145 : vector<16xf32>
        %swap3A_1147 = arith.index_cast %add3A_1072 : i32 to index
        %swap3A_1148 = arith.constant 96 : index
        %swap3A_1149 = tpu.vector_load %arg12[%swap3A_1147, %swap3A_1148] {strides = array<i32>} : memref<128x128xf32, #tpu.memory_space<vmem>>, vector<1x16xf32>,
        %swap3A_1150 = vector.shape_cast %swap3A_1149 : vector<1x16xf32> to vector<16xf32>
        %swap3A_1151 = vector.shape_cast %mul3A_1146 : vector<16xf32> to vector<1x16xf32>
        tpu.vector_store %arg12[%swap3A_1147, %swap3A_1148], %swap3A_1151 {strides = array<i32>} : memref<128x128xf32, #tpu.memory_space<vmem>>, vector<1x16xf32>,
        %get3A_1152 = arith.index_cast %add3A_1072 : i32 to index
        %get3A_1153 = arith.constant 112 : index
        %get3A_1154 = tpu.vector_load %arg12[%get3A_1152, %get3A_1153] {strides = array<i32>} : memref<128x128xf32, #tpu.memory_space<vmem>>, vector<1x16xf32>,
        %get3A_1155 = vector.shape_cast %get3A_1154 : vector<1x16xf32> to vector<16xf32>
        %mul3A_1156 = vector.broadcast %squeeze3A_1074 : f32 to vector<16xf32>
        %mul3A_1157 = arith.mulf %get3A_1155, %mul3A_1156 : vector<16xf32>
        %swap3A_1158 = arith.index_cast %add3A_1072 : i32 to index
        %swap3A_1159 = arith.constant 112 : index
        %swap3A_1160 = tpu.vector_load %arg12[%swap3A_1158, %swap3A_1159] {strides = array<i32>} : memref<128x128xf32, #tpu.memory_space<vmem>>, vector<1x16xf32>,
        %swap3A_1161 = vector.shape_cast %swap3A_1160 : vector<1x16xf32> to vector<16xf32>
        %swap3A_1162 = vector.shape_cast %mul3A_1157 : vector<16xf32> to vector<1x16xf32>
        tpu.vector_store %arg12[%swap3A_1158, %swap3A_1159], %swap3A_1162 {strides = array<i32>} : memref<128x128xf32, #tpu.memory_space<vmem>>, vector<1x16xf32>,
        %mul3A_1163 = arith.constant 16 : i32
        %mul3A_1164 = arith.muli %scan3A_406, %mul3A_1163 : i32
        %add3A_1165 = arith.constant 8 : i32
        %add3A_1166 = arith.addi %mul3A_1164, %add3A_1165 : i32
        %slice3A_1167 = vector.extract_strided_slice %get3A_413 {offsets = [8], sizes = [1], strides = [1]} : vector<16xf32> to vector<1xf32>
        %squeeze3A_1168 = vector.extract %slice3A_1167[0] : f32 from vector<1xf32>
        %get3A_1169 = arith.index_cast %add3A_1166 : i32 to index
        %get3A_1170 = arith.constant 0 : index
        %get3A_1171 = tpu.vector_load %arg12[%get3A_1169, %get3A_1170] {strides = array<i32>} : memref<128x128xf32, #tpu.memory_space<vmem>>, vector<1x16xf32>,
        %get3A_1172 = vector.shape_cast %get3A_1171 : vector<1x16xf32> to vector<16xf32>
        %mul3A_1173 = vector.broadcast %squeeze3A_1168 : f32 to vector<16xf32>
        %mul3A_1174 = arith.mulf %get3A_1172, %mul3A_1173 : vector<16xf32>
        %swap3A_1175 = arith.index_cast %add3A_1166 : i32 to index
        %swap3A_1176 = arith.constant 0 : index
        %swap3A_1177 = tpu.vector_load %arg12[%swap3A_1175, %swap3A_1176] {strides = array<i32>} : memref<128x128xf32, #tpu.memory_space<vmem>>, vector<1x16xf32>,
        %swap3A_1178 = vector.shape_cast %swap3A_1177 : vector<1x16xf32> to vector<16xf32>
        %swap3A_1179 = vector.shape_cast %mul3A_1174 : vector<16xf32> to vector<1x16xf32>
        tpu.vector_store %arg12[%swap3A_1175, %swap3A_1176], %swap3A_1179 {strides = array<i32>} : memref<128x128xf32, #tpu.memory_space<vmem>>, vector<1x16xf32>,
        %get3A_1180 = arith.index_cast %add3A_1166 : i32 to index
        %get3A_1181 = arith.constant 16 : index
        %get3A_1182 = tpu.vector_load %arg12[%get3A_1180, %get3A_1181] {strides = array<i32>} : memref<128x128xf32, #tpu.memory_space<vmem>>, vector<1x16xf32>,
        %get3A_1183 = vector.shape_cast %get3A_1182 : vector<1x16xf32> to vector<16xf32>
        %mul3A_1184 = vector.broadcast %squeeze3A_1168 : f32 to vector<16xf32>
        %mul3A_1185 = arith.mulf %get3A_1183, %mul3A_1184 : vector<16xf32>
        %swap3A_1186 = arith.index_cast %add3A_1166 : i32 to index
        %swap3A_1187 = arith.constant 16 : index
        %swap3A_1188 = tpu.vector_load %arg12[%swap3A_1186, %swap3A_1187] {strides = array<i32>} : memref<128x128xf32, #tpu.memory_space<vmem>>, vector<1x16xf32>,
        %swap3A_1189 = vector.shape_cast %swap3A_1188 : vector<1x16xf32> to vector<16xf32>
        %swap3A_1190 = vector.shape_cast %mul3A_1185 : vector<16xf32> to vector<1x16xf32>
        tpu.vector_store %arg12[%swap3A_1186, %swap3A_1187], %swap3A_1190 {strides = array<i32>} : memref<128x128xf32, #tpu.memory_space<vmem>>, vector<1x16xf32>,
        %get3A_1191 = arith.index_cast %add3A_1166 : i32 to index
        %get3A_1192 = arith.constant 32 : index
        %get3A_1193 = tpu.vector_load %arg12[%get3A_1191, %get3A_1192] {strides = array<i32>} : memref<128x128xf32, #tpu.memory_space<vmem>>, vector<1x16xf32>,
        %get3A_1194 = vector.shape_cast %get3A_1193 : vector<1x16xf32> to vector<16xf32>
        %mul3A_1195 = vector.broadcast %squeeze3A_1168 : f32 to vector<16xf32>
        %mul3A_1196 = arith.mulf %get3A_1194, %mul3A_1195 : vector<16xf32>
        %swap3A_1197 = arith.index_cast %add3A_1166 : i32 to index
        %swap3A_1198 = arith.constant 32 : index
        %swap3A_1199 = tpu.vector_load %arg12[%swap3A_1197, %swap3A_1198] {strides = array<i32>} : memref<128x128xf32, #tpu.memory_space<vmem>>, vector<1x16xf32>,
        %swap3A_1200 = vector.shape_cast %swap3A_1199 : vector<1x16xf32> to vector<16xf32>
        %swap3A_1201 = vector.shape_cast %mul3A_1196 : vector<16xf32> to vector<1x16xf32>
        tpu.vector_store %arg12[%swap3A_1197, %swap3A_1198], %swap3A_1201 {strides = array<i32>} : memref<128x128xf32, #tpu.memory_space<vmem>>, vector<1x16xf32>,
        %get3A_1202 = arith.index_cast %add3A_1166 : i32 to index
        %get3A_1203 = arith.constant 48 : index
        %get3A_1204 = tpu.vector_load %arg12[%get3A_1202, %get3A_1203] {strides = array<i32>} : memref<128x128xf32, #tpu.memory_space<vmem>>, vector<1x16xf32>,
        %get3A_1205 = vector.shape_cast %get3A_1204 : vector<1x16xf32> to vector<16xf32>
        %mul3A_1206 = vector.broadcast %squeeze3A_1168 : f32 to vector<16xf32>
        %mul3A_1207 = arith.mulf %get3A_1205, %mul3A_1206 : vector<16xf32>
        %swap3A_1208 = arith.index_cast %add3A_1166 : i32 to index
        %swap3A_1209 = arith.constant 48 : index
        %swap3A_1210 = tpu.vector_load %arg12[%swap3A_1208, %swap3A_1209] {strides = array<i32>} : memref<128x128xf32, #tpu.memory_space<vmem>>, vector<1x16xf32>,
        %swap3A_1211 = vector.shape_cast %swap3A_1210 : vector<1x16xf32> to vector<16xf32>
        %swap3A_1212 = vector.shape_cast %mul3A_1207 : vector<16xf32> to vector<1x16xf32>
        tpu.vector_store %arg12[%swap3A_1208, %swap3A_1209], %swap3A_1212 {strides = array<i32>} : memref<128x128xf32, #tpu.memory_space<vmem>>, vector<1x16xf32>,
        %get3A_1213 = arith.index_cast %add3A_1166 : i32 to index
        %get3A_1214 = arith.constant 64 : index
        %get3A_1215 = tpu.vector_load %arg12[%get3A_1213, %get3A_1214] {strides = array<i32>} : memref<128x128xf32, #tpu.memory_space<vmem>>, vector<1x16xf32>,
        %get3A_1216 = vector.shape_cast %get3A_1215 : vector<1x16xf32> to vector<16xf32>
        %mul3A_1217 = vector.broadcast %squeeze3A_1168 : f32 to vector<16xf32>
        %mul3A_1218 = arith.mulf %get3A_1216, %mul3A_1217 : vector<16xf32>
        %swap3A_1219 = arith.index_cast %add3A_1166 : i32 to index
        %swap3A_1220 = arith.constant 64 : index
        %swap3A_1221 = tpu.vector_load %arg12[%swap3A_1219, %swap3A_1220] {strides = array<i32>} : memref<128x128xf32, #tpu.memory_space<vmem>>, vector<1x16xf32>,
        %swap3A_1222 = vector.shape_cast %swap3A_1221 : vector<1x16xf32> to vector<16xf32>
        %swap3A_1223 = vector.shape_cast %mul3A_1218 : vector<16xf32> to vector<1x16xf32>
        tpu.vector_store %arg12[%swap3A_1219, %swap3A_1220], %swap3A_1223 {strides = array<i32>} : memref<128x128xf32, #tpu.memory_space<vmem>>, vector<1x16xf32>,
        %get3A_1224 = arith.index_cast %add3A_1166 : i32 to index
        %get3A_1225 = arith.constant 80 : index
        %get3A_1226 = tpu.vector_load %arg12[%get3A_1224, %get3A_1225] {strides = array<i32>} : memref<128x128xf32, #tpu.memory_space<vmem>>, vector<1x16xf32>,
        %get3A_1227 = vector.shape_cast %get3A_1226 : vector<1x16xf32> to vector<16xf32>
        %mul3A_1228 = vector.broadcast %squeeze3A_1168 : f32 to vector<16xf32>
        %mul3A_1229 = arith.mulf %get3A_1227, %mul3A_1228 : vector<16xf32>
        %swap3A_1230 = arith.index_cast %add3A_1166 : i32 to index
        %swap3A_1231 = arith.constant 80 : index
        %swap3A_1232 = tpu.vector_load %arg12[%swap3A_1230, %swap3A_1231] {strides = array<i32>} : memref<128x128xf32, #tpu.memory_space<vmem>>, vector<1x16xf32>,
        %swap3A_1233 = vector.shape_cast %swap3A_1232 : vector<1x16xf32> to vector<16xf32>
        %swap3A_1234 = vector.shape_cast %mul3A_1229 : vector<16xf32> to vector<1x16xf32>
        tpu.vector_store %arg12[%swap3A_1230, %swap3A_1231], %swap3A_1234 {strides = array<i32>} : memref<128x128xf32, #tpu.memory_space<vmem>>, vector<1x16xf32>,
        %get3A_1235 = arith.index_cast %add3A_1166 : i32 to index
        %get3A_1236 = arith.constant 96 : index
        %get3A_1237 = tpu.vector_load %arg12[%get3A_1235, %get3A_1236] {strides = array<i32>} : memref<128x128xf32, #tpu.memory_space<vmem>>, vector<1x16xf32>,
        %get3A_1238 = vector.shape_cast %get3A_1237 : vector<1x16xf32> to vector<16xf32>
        %mul3A_1239 = vector.broadcast %squeeze3A_1168 : f32 to vector<16xf32>
        %mul3A_1240 = arith.mulf %get3A_1238, %mul3A_1239 : vector<16xf32>
        %swap3A_1241 = arith.index_cast %add3A_1166 : i32 to index
        %swap3A_1242 = arith.constant 96 : index
        %swap3A_1243 = tpu.vector_load %arg12[%swap3A_1241, %swap3A_1242] {strides = array<i32>} : memref<128x128xf32, #tpu.memory_space<vmem>>, vector<1x16xf32>,
        %swap3A_1244 = vector.shape_cast %swap3A_1243 : vector<1x16xf32> to vector<16xf32>
        %swap3A_1245 = vector.shape_cast %mul3A_1240 : vector<16xf32> to vector<1x16xf32>
        tpu.vector_store %arg12[%swap3A_1241, %swap3A_1242], %swap3A_1245 {strides = array<i32>} : memref<128x128xf32, #tpu.memory_space<vmem>>, vector<1x16xf32>,
        %get3A_1246 = arith.index_cast %add3A_1166 : i32 to index
        %get3A_1247 = arith.constant 112 : index
        %get3A_1248 = tpu.vector_load %arg12[%get3A_1246, %get3A_1247] {strides = array<i32>} : memref<128x128xf32, #tpu.memory_space<vmem>>, vector<1x16xf32>,
        %get3A_1249 = vector.shape_cast %get3A_1248 : vector<1x16xf32> to vector<16xf32>
        %mul3A_1250 = vector.broadcast %squeeze3A_1168 : f32 to vector<16xf32>
        %mul3A_1251 = arith.mulf %get3A_1249, %mul3A_1250 : vector<16xf32>
        %swap3A_1252 = arith.index_cast %add3A_1166 : i32 to index
        %swap3A_1253 = arith.constant 112 : index
        %swap3A_1254 = tpu.vector_load %arg12[%swap3A_1252, %swap3A_1253] {strides = array<i32>} : memref<128x128xf32, #tpu.memory_space<vmem>>, vector<1x16xf32>,
        %swap3A_1255 = vector.shape_cast %swap3A_1254 : vector<1x16xf32> to vector<16xf32>
        %swap3A_1256 = vector.shape_cast %mul3A_1251 : vector<16xf32> to vector<1x16xf32>
        tpu.vector_store %arg12[%swap3A_1252, %swap3A_1253], %swap3A_1256 {strides = array<i32>} : memref<128x128xf32, #tpu.memory_space<vmem>>, vector<1x16xf32>,
        %mul3A_1257 = arith.constant 16 : i32
        %mul3A_1258 = arith.muli %scan3A_406, %mul3A_1257 : i32
        %add3A_1259 = arith.constant 9 : i32
        %add3A_1260 = arith.addi %mul3A_1258, %add3A_1259 : i32
        %slice3A_1261 = vector.extract_strided_slice %get3A_413 {offsets = [9], sizes = [1], strides = [1]} : vector<16xf32> to vector<1xf32>
        %squeeze3A_1262 = vector.extract %slice3A_1261[0] : f32 from vector<1xf32>
        %get3A_1263 = arith.index_cast %add3A_1260 : i32 to index
        %get3A_1264 = arith.constant 0 : index
        %get3A_1265 = tpu.vector_load %arg12[%get3A_1263, %get3A_1264] {strides = array<i32>} : memref<128x128xf32, #tpu.memory_space<vmem>>, vector<1x16xf32>,
        %get3A_1266 = vector.shape_cast %get3A_1265 : vector<1x16xf32> to vector<16xf32>
        %mul3A_1267 = vector.broadcast %squeeze3A_1262 : f32 to vector<16xf32>
        %mul3A_1268 = arith.mulf %get3A_1266, %mul3A_1267 : vector<16xf32>
        %swap3A_1269 = arith.index_cast %add3A_1260 : i32 to index
        %swap3A_1270 = arith.constant 0 : index
        %swap3A_1271 = tpu.vector_load %arg12[%swap3A_1269, %swap3A_1270] {strides = array<i32>} : memref<128x128xf32, #tpu.memory_space<vmem>>, vector<1x16xf32>,
        %swap3A_1272 = vector.shape_cast %swap3A_1271 : vector<1x16xf32> to vector<16xf32>
        %swap3A_1273 = vector.shape_cast %mul3A_1268 : vector<16xf32> to vector<1x16xf32>
        tpu.vector_store %arg12[%swap3A_1269, %swap3A_1270], %swap3A_1273 {strides = array<i32>} : memref<128x128xf32, #tpu.memory_space<vmem>>, vector<1x16xf32>,
        %get3A_1274 = arith.index_cast %add3A_1260 : i32 to index
        %get3A_1275 = arith.constant 16 : index
        %get3A_1276 = tpu.vector_load %arg12[%get3A_1274, %get3A_1275] {strides = array<i32>} : memref<128x128xf32, #tpu.memory_space<vmem>>, vector<1x16xf32>,
        %get3A_1277 = vector.shape_cast %get3A_1276 : vector<1x16xf32> to vector<16xf32>
        %mul3A_1278 = vector.broadcast %squeeze3A_1262 : f32 to vector<16xf32>
        %mul3A_1279 = arith.mulf %get3A_1277, %mul3A_1278 : vector<16xf32>
        %swap3A_1280 = arith.index_cast %add3A_1260 : i32 to index
        %swap3A_1281 = arith.constant 16 : index
        %swap3A_1282 = tpu.vector_load %arg12[%swap3A_1280, %swap3A_1281] {strides = array<i32>} : memref<128x128xf32, #tpu.memory_space<vmem>>, vector<1x16xf32>,
        %swap3A_1283 = vector.shape_cast %swap3A_1282 : vector<1x16xf32> to vector<16xf32>
        %swap3A_1284 = vector.shape_cast %mul3A_1279 : vector<16xf32> to vector<1x16xf32>
        tpu.vector_store %arg12[%swap3A_1280, %swap3A_1281], %swap3A_1284 {strides = array<i32>} : memref<128x128xf32, #tpu.memory_space<vmem>>, vector<1x16xf32>,
        %get3A_1285 = arith.index_cast %add3A_1260 : i32 to index
        %get3A_1286 = arith.constant 32 : index
        %get3A_1287 = tpu.vector_load %arg12[%get3A_1285, %get3A_1286] {strides = array<i32>} : memref<128x128xf32, #tpu.memory_space<vmem>>, vector<1x16xf32>,
        %get3A_1288 = vector.shape_cast %get3A_1287 : vector<1x16xf32> to vector<16xf32>
        %mul3A_1289 = vector.broadcast %squeeze3A_1262 : f32 to vector<16xf32>
        %mul3A_1290 = arith.mulf %get3A_1288, %mul3A_1289 : vector<16xf32>
        %swap3A_1291 = arith.index_cast %add3A_1260 : i32 to index
        %swap3A_1292 = arith.constant 32 : index
        %swap3A_1293 = tpu.vector_load %arg12[%swap3A_1291, %swap3A_1292] {strides = array<i32>} : memref<128x128xf32, #tpu.memory_space<vmem>>, vector<1x16xf32>,
        %swap3A_1294 = vector.shape_cast %swap3A_1293 : vector<1x16xf32> to vector<16xf32>
        %swap3A_1295 = vector.shape_cast %mul3A_1290 : vector<16xf32> to vector<1x16xf32>
        tpu.vector_store %arg12[%swap3A_1291, %swap3A_1292], %swap3A_1295 {strides = array<i32>} : memref<128x128xf32, #tpu.memory_space<vmem>>, vector<1x16xf32>,
        %get3A_1296 = arith.index_cast %add3A_1260 : i32 to index
        %get3A_1297 = arith.constant 48 : index
        %get3A_1298 = tpu.vector_load %arg12[%get3A_1296, %get3A_1297] {strides = array<i32>} : memref<128x128xf32, #tpu.memory_space<vmem>>, vector<1x16xf32>,
        %get3A_1299 = vector.shape_cast %get3A_1298 : vector<1x16xf32> to vector<16xf32>
        %mul3A_1300 = vector.broadcast %squeeze3A_1262 : f32 to vector<16xf32>
        %mul3A_1301 = arith.mulf %get3A_1299, %mul3A_1300 : vector<16xf32>
        %swap3A_1302 = arith.index_cast %add3A_1260 : i32 to index
        %swap3A_1303 = arith.constant 48 : index
        %swap3A_1304 = tpu.vector_load %arg12[%swap3A_1302, %swap3A_1303] {strides = array<i32>} : memref<128x128xf32, #tpu.memory_space<vmem>>, vector<1x16xf32>,
        %swap3A_1305 = vector.shape_cast %swap3A_1304 : vector<1x16xf32> to vector<16xf32>
        %swap3A_1306 = vector.shape_cast %mul3A_1301 : vector<16xf32> to vector<1x16xf32>
        tpu.vector_store %arg12[%swap3A_1302, %swap3A_1303], %swap3A_1306 {strides = array<i32>} : memref<128x128xf32, #tpu.memory_space<vmem>>, vector<1x16xf32>,
        %get3A_1307 = arith.index_cast %add3A_1260 : i32 to index
        %get3A_1308 = arith.constant 64 : index
        %get3A_1309 = tpu.vector_load %arg12[%get3A_1307, %get3A_1308] {strides = array<i32>} : memref<128x128xf32, #tpu.memory_space<vmem>>, vector<1x16xf32>,
        %get3A_1310 = vector.shape_cast %get3A_1309 : vector<1x16xf32> to vector<16xf32>
        %mul3A_1311 = vector.broadcast %squeeze3A_1262 : f32 to vector<16xf32>
        %mul3A_1312 = arith.mulf %get3A_1310, %mul3A_1311 : vector<16xf32>
        %swap3A_1313 = arith.index_cast %add3A_1260 : i32 to index
        %swap3A_1314 = arith.constant 64 : index
        %swap3A_1315 = tpu.vector_load %arg12[%swap3A_1313, %swap3A_1314] {strides = array<i32>} : memref<128x128xf32, #tpu.memory_space<vmem>>, vector<1x16xf32>,
        %swap3A_1316 = vector.shape_cast %swap3A_1315 : vector<1x16xf32> to vector<16xf32>
        %swap3A_1317 = vector.shape_cast %mul3A_1312 : vector<16xf32> to vector<1x16xf32>
        tpu.vector_store %arg12[%swap3A_1313, %swap3A_1314], %swap3A_1317 {strides = array<i32>} : memref<128x128xf32, #tpu.memory_space<vmem>>, vector<1x16xf32>,
        %get3A_1318 = arith.index_cast %add3A_1260 : i32 to index
        %get3A_1319 = arith.constant 80 : index
        %get3A_1320 = tpu.vector_load %arg12[%get3A_1318, %get3A_1319] {strides = array<i32>} : memref<128x128xf32, #tpu.memory_space<vmem>>, vector<1x16xf32>,
        %get3A_1321 = vector.shape_cast %get3A_1320 : vector<1x16xf32> to vector<16xf32>
        %mul3A_1322 = vector.broadcast %squeeze3A_1262 : f32 to vector<16xf32>
        %mul3A_1323 = arith.mulf %get3A_1321, %mul3A_1322 : vector<16xf32>
        %swap3A_1324 = arith.index_cast %add3A_1260 : i32 to index
        %swap3A_1325 = arith.constant 80 : index
        %swap3A_1326 = tpu.vector_load %arg12[%swap3A_1324, %swap3A_1325] {strides = array<i32>} : memref<128x128xf32, #tpu.memory_space<vmem>>, vector<1x16xf32>,
        %swap3A_1327 = vector.shape_cast %swap3A_1326 : vector<1x16xf32> to vector<16xf32>
        %swap3A_1328 = vector.shape_cast %mul3A_1323 : vector<16xf32> to vector<1x16xf32>
        tpu.vector_store %arg12[%swap3A_1324, %swap3A_1325], %swap3A_1328 {strides = array<i32>} : memref<128x128xf32, #tpu.memory_space<vmem>>, vector<1x16xf32>,
        %get3A_1329 = arith.index_cast %add3A_1260 : i32 to index
        %get3A_1330 = arith.constant 96 : index
        %get3A_1331 = tpu.vector_load %arg12[%get3A_1329, %get3A_1330] {strides = array<i32>} : memref<128x128xf32, #tpu.memory_space<vmem>>, vector<1x16xf32>,
        %get3A_1332 = vector.shape_cast %get3A_1331 : vector<1x16xf32> to vector<16xf32>
        %mul3A_1333 = vector.broadcast %squeeze3A_1262 : f32 to vector<16xf32>
        %mul3A_1334 = arith.mulf %get3A_1332, %mul3A_1333 : vector<16xf32>
        %swap3A_1335 = arith.index_cast %add3A_1260 : i32 to index
        %swap3A_1336 = arith.constant 96 : index
        %swap3A_1337 = tpu.vector_load %arg12[%swap3A_1335, %swap3A_1336] {strides = array<i32>} : memref<128x128xf32, #tpu.memory_space<vmem>>, vector<1x16xf32>,
        %swap3A_1338 = vector.shape_cast %swap3A_1337 : vector<1x16xf32> to vector<16xf32>
        %swap3A_1339 = vector.shape_cast %mul3A_1334 : vector<16xf32> to vector<1x16xf32>
        tpu.vector_store %arg12[%swap3A_1335, %swap3A_1336], %swap3A_1339 {strides = array<i32>} : memref<128x128xf32, #tpu.memory_space<vmem>>, vector<1x16xf32>,
        %get3A_1340 = arith.index_cast %add3A_1260 : i32 to index
        %get3A_1341 = arith.constant 112 : index
        %get3A_1342 = tpu.vector_load %arg12[%get3A_1340, %get3A_1341] {strides = array<i32>} : memref<128x128xf32, #tpu.memory_space<vmem>>, vector<1x16xf32>,
        %get3A_1343 = vector.shape_cast %get3A_1342 : vector<1x16xf32> to vector<16xf32>
        %mul3A_1344 = vector.broadcast %squeeze3A_1262 : f32 to vector<16xf32>
        %mul3A_1345 = arith.mulf %get3A_1343, %mul3A_1344 : vector<16xf32>
        %swap3A_1346 = arith.index_cast %add3A_1260 : i32 to index
        %swap3A_1347 = arith.constant 112 : index
        %swap3A_1348 = tpu.vector_load %arg12[%swap3A_1346, %swap3A_1347] {strides = array<i32>} : memref<128x128xf32, #tpu.memory_space<vmem>>, vector<1x16xf32>,
        %swap3A_1349 = vector.shape_cast %swap3A_1348 : vector<1x16xf32> to vector<16xf32>
        %swap3A_1350 = vector.shape_cast %mul3A_1345 : vector<16xf32> to vector<1x16xf32>
        tpu.vector_store %arg12[%swap3A_1346, %swap3A_1347], %swap3A_1350 {strides = array<i32>} : memref<128x128xf32, #tpu.memory_space<vmem>>, vector<1x16xf32>,
        %mul3A_1351 = arith.constant 16 : i32
        %mul3A_1352 = arith.muli %scan3A_406, %mul3A_1351 : i32
        %add3A_1353 = arith.constant 10 : i32
        %add3A_1354 = arith.addi %mul3A_1352, %add3A_1353 : i32
        %slice3A_1355 = vector.extract_strided_slice %get3A_413 {offsets = [10], sizes = [1], strides = [1]} : vector<16xf32> to vector<1xf32>
        %squeeze3A_1356 = vector.extract %slice3A_1355[0] : f32 from vector<1xf32>
        %get3A_1357 = arith.index_cast %add3A_1354 : i32 to index
        %get3A_1358 = arith.constant 0 : index
        %get3A_1359 = tpu.vector_load %arg12[%get3A_1357, %get3A_1358] {strides = array<i32>} : memref<128x128xf32, #tpu.memory_space<vmem>>, vector<1x16xf32>,
        %get3A_1360 = vector.shape_cast %get3A_1359 : vector<1x16xf32> to vector<16xf32>
        %mul3A_1361 = vector.broadcast %squeeze3A_1356 : f32 to vector<16xf32>
        %mul3A_1362 = arith.mulf %get3A_1360, %mul3A_1361 : vector<16xf32>
        %swap3A_1363 = arith.index_cast %add3A_1354 : i32 to index
        %swap3A_1364 = arith.constant 0 : index
        %swap3A_1365 = tpu.vector_load %arg12[%swap3A_1363, %swap3A_1364] {strides = array<i32>} : memref<128x128xf32, #tpu.memory_space<vmem>>, vector<1x16xf32>,
        %swap3A_1366 = vector.shape_cast %swap3A_1365 : vector<1x16xf32> to vector<16xf32>
        %swap3A_1367 = vector.shape_cast %mul3A_1362 : vector<16xf32> to vector<1x16xf32>
        tpu.vector_store %arg12[%swap3A_1363, %swap3A_1364], %swap3A_1367 {strides = array<i32>} : memref<128x128xf32, #tpu.memory_space<vmem>>, vector<1x16xf32>,
        %get3A_1368 = arith.index_cast %add3A_1354 : i32 to index
        %get3A_1369 = arith.constant 16 : index
        %get3A_1370 = tpu.vector_load %arg12[%get3A_1368, %get3A_1369] {strides = array<i32>} : memref<128x128xf32, #tpu.memory_space<vmem>>, vector<1x16xf32>,
        %get3A_1371 = vector.shape_cast %get3A_1370 : vector<1x16xf32> to vector<16xf32>
        %mul3A_1372 = vector.broadcast %squeeze3A_1356 : f32 to vector<16xf32>
        %mul3A_1373 = arith.mulf %get3A_1371, %mul3A_1372 : vector<16xf32>
        %swap3A_1374 = arith.index_cast %add3A_1354 : i32 to index
        %swap3A_1375 = arith.constant 16 : index
        %swap3A_1376 = tpu.vector_load %arg12[%swap3A_1374, %swap3A_1375] {strides = array<i32>} : memref<128x128xf32, #tpu.memory_space<vmem>>, vector<1x16xf32>,
        %swap3A_1377 = vector.shape_cast %swap3A_1376 : vector<1x16xf32> to vector<16xf32>
        %swap3A_1378 = vector.shape_cast %mul3A_1373 : vector<16xf32> to vector<1x16xf32>
        tpu.vector_store %arg12[%swap3A_1374, %swap3A_1375], %swap3A_1378 {strides = array<i32>} : memref<128x128xf32, #tpu.memory_space<vmem>>, vector<1x16xf32>,
        %get3A_1379 = arith.index_cast %add3A_1354 : i32 to index
        %get3A_1380 = arith.constant 32 : index
        %get3A_1381 = tpu.vector_load %arg12[%get3A_1379, %get3A_1380] {strides = array<i32>} : memref<128x128xf32, #tpu.memory_space<vmem>>, vector<1x16xf32>,
        %get3A_1382 = vector.shape_cast %get3A_1381 : vector<1x16xf32> to vector<16xf32>
        %mul3A_1383 = vector.broadcast %squeeze3A_1356 : f32 to vector<16xf32>
        %mul3A_1384 = arith.mulf %get3A_1382, %mul3A_1383 : vector<16xf32>
        %swap3A_1385 = arith.index_cast %add3A_1354 : i32 to index
        %swap3A_1386 = arith.constant 32 : index
        %swap3A_1387 = tpu.vector_load %arg12[%swap3A_1385, %swap3A_1386] {strides = array<i32>} : memref<128x128xf32, #tpu.memory_space<vmem>>, vector<1x16xf32>,
        %swap3A_1388 = vector.shape_cast %swap3A_1387 : vector<1x16xf32> to vector<16xf32>
        %swap3A_1389 = vector.shape_cast %mul3A_1384 : vector<16xf32> to vector<1x16xf32>
        tpu.vector_store %arg12[%swap3A_1385, %swap3A_1386], %swap3A_1389 {strides = array<i32>} : memref<128x128xf32, #tpu.memory_space<vmem>>, vector<1x16xf32>,
        %get3A_1390 = arith.index_cast %add3A_1354 : i32 to index
        %get3A_1391 = arith.constant 48 : index
        %get3A_1392 = tpu.vector_load %arg12[%get3A_1390, %get3A_1391] {strides = array<i32>} : memref<128x128xf32, #tpu.memory_space<vmem>>, vector<1x16xf32>,
        %get3A_1393 = vector.shape_cast %get3A_1392 : vector<1x16xf32> to vector<16xf32>
        %mul3A_1394 = vector.broadcast %squeeze3A_1356 : f32 to vector<16xf32>
        %mul3A_1395 = arith.mulf %get3A_1393, %mul3A_1394 : vector<16xf32>
        %swap3A_1396 = arith.index_cast %add3A_1354 : i32 to index
        %swap3A_1397 = arith.constant 48 : index
        %swap3A_1398 = tpu.vector_load %arg12[%swap3A_1396, %swap3A_1397] {strides = array<i32>} : memref<128x128xf32, #tpu.memory_space<vmem>>, vector<1x16xf32>,
        %swap3A_1399 = vector.shape_cast %swap3A_1398 : vector<1x16xf32> to vector<16xf32>
        %swap3A_1400 = vector.shape_cast %mul3A_1395 : vector<16xf32> to vector<1x16xf32>
        tpu.vector_store %arg12[%swap3A_1396, %swap3A_1397], %swap3A_1400 {strides = array<i32>} : memref<128x128xf32, #tpu.memory_space<vmem>>, vector<1x16xf32>,
        %get3A_1401 = arith.index_cast %add3A_1354 : i32 to index
        %get3A_1402 = arith.constant 64 : index
        %get3A_1403 = tpu.vector_load %arg12[%get3A_1401, %get3A_1402] {strides = array<i32>} : memref<128x128xf32, #tpu.memory_space<vmem>>, vector<1x16xf32>,
        %get3A_1404 = vector.shape_cast %get3A_1403 : vector<1x16xf32> to vector<16xf32>
        %mul3A_1405 = vector.broadcast %squeeze3A_1356 : f32 to vector<16xf32>
        %mul3A_1406 = arith.mulf %get3A_1404, %mul3A_1405 : vector<16xf32>
        %swap3A_1407 = arith.index_cast %add3A_1354 : i32 to index
        %swap3A_1408 = arith.constant 64 : index
        %swap3A_1409 = tpu.vector_load %arg12[%swap3A_1407, %swap3A_1408] {strides = array<i32>} : memref<128x128xf32, #tpu.memory_space<vmem>>, vector<1x16xf32>,
        %swap3A_1410 = vector.shape_cast %swap3A_1409 : vector<1x16xf32> to vector<16xf32>
        %swap3A_1411 = vector.shape_cast %mul3A_1406 : vector<16xf32> to vector<1x16xf32>
        tpu.vector_store %arg12[%swap3A_1407, %swap3A_1408], %swap3A_1411 {strides = array<i32>} : memref<128x128xf32, #tpu.memory_space<vmem>>, vector<1x16xf32>,
        %get3A_1412 = arith.index_cast %add3A_1354 : i32 to index
        %get3A_1413 = arith.constant 80 : index
        %get3A_1414 = tpu.vector_load %arg12[%get3A_1412, %get3A_1413] {strides = array<i32>} : memref<128x128xf32, #tpu.memory_space<vmem>>, vector<1x16xf32>,
        %get3A_1415 = vector.shape_cast %get3A_1414 : vector<1x16xf32> to vector<16xf32>
        %mul3A_1416 = vector.broadcast %squeeze3A_1356 : f32 to vector<16xf32>
        %mul3A_1417 = arith.mulf %get3A_1415, %mul3A_1416 : vector<16xf32>
        %swap3A_1418 = arith.index_cast %add3A_1354 : i32 to index
        %swap3A_1419 = arith.constant 80 : index
        %swap3A_1420 = tpu.vector_load %arg12[%swap3A_1418, %swap3A_1419] {strides = array<i32>} : memref<128x128xf32, #tpu.memory_space<vmem>>, vector<1x16xf32>,
        %swap3A_1421 = vector.shape_cast %swap3A_1420 : vector<1x16xf32> to vector<16xf32>
        %swap3A_1422 = vector.shape_cast %mul3A_1417 : vector<16xf32> to vector<1x16xf32>
        tpu.vector_store %arg12[%swap3A_1418, %swap3A_1419], %swap3A_1422 {strides = array<i32>} : memref<128x128xf32, #tpu.memory_space<vmem>>, vector<1x16xf32>,
        %get3A_1423 = arith.index_cast %add3A_1354 : i32 to index
        %get3A_1424 = arith.constant 96 : index
        %get3A_1425 = tpu.vector_load %arg12[%get3A_1423, %get3A_1424] {strides = array<i32>} : memref<128x128xf32, #tpu.memory_space<vmem>>, vector<1x16xf32>,
        %get3A_1426 = vector.shape_cast %get3A_1425 : vector<1x16xf32> to vector<16xf32>
        %mul3A_1427 = vector.broadcast %squeeze3A_1356 : f32 to vector<16xf32>
        %mul3A_1428 = arith.mulf %get3A_1426, %mul3A_1427 : vector<16xf32>
        %swap3A_1429 = arith.index_cast %add3A_1354 : i32 to index
        %swap3A_1430 = arith.constant 96 : index
        %swap3A_1431 = tpu.vector_load %arg12[%swap3A_1429, %swap3A_1430] {strides = array<i32>} : memref<128x128xf32, #tpu.memory_space<vmem>>, vector<1x16xf32>,
        %swap3A_1432 = vector.shape_cast %swap3A_1431 : vector<1x16xf32> to vector<16xf32>
        %swap3A_1433 = vector.shape_cast %mul3A_1428 : vector<16xf32> to vector<1x16xf32>
        tpu.vector_store %arg12[%swap3A_1429, %swap3A_1430], %swap3A_1433 {strides = array<i32>} : memref<128x128xf32, #tpu.memory_space<vmem>>, vector<1x16xf32>,
        %get3A_1434 = arith.index_cast %add3A_1354 : i32 to index
        %get3A_1435 = arith.constant 112 : index
        %get3A_1436 = tpu.vector_load %arg12[%get3A_1434, %get3A_1435] {strides = array<i32>} : memref<128x128xf32, #tpu.memory_space<vmem>>, vector<1x16xf32>,
        %get3A_1437 = vector.shape_cast %get3A_1436 : vector<1x16xf32> to vector<16xf32>
        %mul3A_1438 = vector.broadcast %squeeze3A_1356 : f32 to vector<16xf32>
        %mul3A_1439 = arith.mulf %get3A_1437, %mul3A_1438 : vector<16xf32>
        %swap3A_1440 = arith.index_cast %add3A_1354 : i32 to index
        %swap3A_1441 = arith.constant 112 : index
        %swap3A_1442 = tpu.vector_load %arg12[%swap3A_1440, %swap3A_1441] {strides = array<i32>} : memref<128x128xf32, #tpu.memory_space<vmem>>, vector<1x16xf32>,
        %swap3A_1443 = vector.shape_cast %swap3A_1442 : vector<1x16xf32> to vector<16xf32>
        %swap3A_1444 = vector.shape_cast %mul3A_1439 : vector<16xf32> to vector<1x16xf32>
        tpu.vector_store %arg12[%swap3A_1440, %swap3A_1441], %swap3A_1444 {strides = array<i32>} : memref<128x128xf32, #tpu.memory_space<vmem>>, vector<1x16xf32>,
        %mul3A_1445 = arith.constant 16 : i32
        %mul3A_1446 = arith.muli %scan3A_406, %mul3A_1445 : i32
        %add3A_1447 = arith.constant 11 : i32
        %add3A_1448 = arith.addi %mul3A_1446, %add3A_1447 : i32
        %slice3A_1449 = vector.extract_strided_slice %get3A_413 {offsets = [11], sizes = [1], strides = [1]} : vector<16xf32> to vector<1xf32>
        %squeeze3A_1450 = vector.extract %slice3A_1449[0] : f32 from vector<1xf32>
        %get3A_1451 = arith.index_cast %add3A_1448 : i32 to index
        %get3A_1452 = arith.constant 0 : index
        %get3A_1453 = tpu.vector_load %arg12[%get3A_1451, %get3A_1452] {strides = array<i32>} : memref<128x128xf32, #tpu.memory_space<vmem>>, vector<1x16xf32>,
        %get3A_1454 = vector.shape_cast %get3A_1453 : vector<1x16xf32> to vector<16xf32>
        %mul3A_1455 = vector.broadcast %squeeze3A_1450 : f32 to vector<16xf32>
        %mul3A_1456 = arith.mulf %get3A_1454, %mul3A_1455 : vector<16xf32>
        %swap3A_1457 = arith.index_cast %add3A_1448 : i32 to index
        %swap3A_1458 = arith.constant 0 : index
        %swap3A_1459 = tpu.vector_load %arg12[%swap3A_1457, %swap3A_1458] {strides = array<i32>} : memref<128x128xf32, #tpu.memory_space<vmem>>, vector<1x16xf32>,
        %swap3A_1460 = vector.shape_cast %swap3A_1459 : vector<1x16xf32> to vector<16xf32>
        %swap3A_1461 = vector.shape_cast %mul3A_1456 : vector<16xf32> to vector<1x16xf32>
        tpu.vector_store %arg12[%swap3A_1457, %swap3A_1458], %swap3A_1461 {strides = array<i32>} : memref<128x128xf32, #tpu.memory_space<vmem>>, vector<1x16xf32>,
        %get3A_1462 = arith.index_cast %add3A_1448 : i32 to index
        %get3A_1463 = arith.constant 16 : index
        %get3A_1464 = tpu.vector_load %arg12[%get3A_1462, %get3A_1463] {strides = array<i32>} : memref<128x128xf32, #tpu.memory_space<vmem>>, vector<1x16xf32>,
        %get3A_1465 = vector.shape_cast %get3A_1464 : vector<1x16xf32> to vector<16xf32>
        %mul3A_1466 = vector.broadcast %squeeze3A_1450 : f32 to vector<16xf32>
        %mul3A_1467 = arith.mulf %get3A_1465, %mul3A_1466 : vector<16xf32>
        %swap3A_1468 = arith.index_cast %add3A_1448 : i32 to index
        %swap3A_1469 = arith.constant 16 : index
        %swap3A_1470 = tpu.vector_load %arg12[%swap3A_1468, %swap3A_1469] {strides = array<i32>} : memref<128x128xf32, #tpu.memory_space<vmem>>, vector<1x16xf32>,
        %swap3A_1471 = vector.shape_cast %swap3A_1470 : vector<1x16xf32> to vector<16xf32>
        %swap3A_1472 = vector.shape_cast %mul3A_1467 : vector<16xf32> to vector<1x16xf32>
        tpu.vector_store %arg12[%swap3A_1468, %swap3A_1469], %swap3A_1472 {strides = array<i32>} : memref<128x128xf32, #tpu.memory_space<vmem>>, vector<1x16xf32>,
        %get3A_1473 = arith.index_cast %add3A_1448 : i32 to index
        %get3A_1474 = arith.constant 32 : index
        %get3A_1475 = tpu.vector_load %arg12[%get3A_1473, %get3A_1474] {strides = array<i32>} : memref<128x128xf32, #tpu.memory_space<vmem>>, vector<1x16xf32>,
        %get3A_1476 = vector.shape_cast %get3A_1475 : vector<1x16xf32> to vector<16xf32>
        %mul3A_1477 = vector.broadcast %squeeze3A_1450 : f32 to vector<16xf32>
        %mul3A_1478 = arith.mulf %get3A_1476, %mul3A_1477 : vector<16xf32>
        %swap3A_1479 = arith.index_cast %add3A_1448 : i32 to index
        %swap3A_1480 = arith.constant 32 : index
        %swap3A_1481 = tpu.vector_load %arg12[%swap3A_1479, %swap3A_1480] {strides = array<i32>} : memref<128x128xf32, #tpu.memory_space<vmem>>, vector<1x16xf32>,
        %swap3A_1482 = vector.shape_cast %swap3A_1481 : vector<1x16xf32> to vector<16xf32>
        %swap3A_1483 = vector.shape_cast %mul3A_1478 : vector<16xf32> to vector<1x16xf32>
        tpu.vector_store %arg12[%swap3A_1479, %swap3A_1480], %swap3A_1483 {strides = array<i32>} : memref<128x128xf32, #tpu.memory_space<vmem>>, vector<1x16xf32>,
        %get3A_1484 = arith.index_cast %add3A_1448 : i32 to index
        %get3A_1485 = arith.constant 48 : index
        %get3A_1486 = tpu.vector_load %arg12[%get3A_1484, %get3A_1485] {strides = array<i32>} : memref<128x128xf32, #tpu.memory_space<vmem>>, vector<1x16xf32>,
        %get3A_1487 = vector.shape_cast %get3A_1486 : vector<1x16xf32> to vector<16xf32>
        %mul3A_1488 = vector.broadcast %squeeze3A_1450 : f32 to vector<16xf32>
        %mul3A_1489 = arith.mulf %get3A_1487, %mul3A_1488 : vector<16xf32>
        %swap3A_1490 = arith.index_cast %add3A_1448 : i32 to index
        %swap3A_1491 = arith.constant 48 : index
        %swap3A_1492 = tpu.vector_load %arg12[%swap3A_1490, %swap3A_1491] {strides = array<i32>} : memref<128x128xf32, #tpu.memory_space<vmem>>, vector<1x16xf32>,
        %swap3A_1493 = vector.shape_cast %swap3A_1492 : vector<1x16xf32> to vector<16xf32>
        %swap3A_1494 = vector.shape_cast %mul3A_1489 : vector<16xf32> to vector<1x16xf32>
        tpu.vector_store %arg12[%swap3A_1490, %swap3A_1491], %swap3A_1494 {strides = array<i32>} : memref<128x128xf32, #tpu.memory_space<vmem>>, vector<1x16xf32>,
        %get3A_1495 = arith.index_cast %add3A_1448 : i32 to index
        %get3A_1496 = arith.constant 64 : index
        %get3A_1497 = tpu.vector_load %arg12[%get3A_1495, %get3A_1496] {strides = array<i32>} : memref<128x128xf32, #tpu.memory_space<vmem>>, vector<1x16xf32>,
        %get3A_1498 = vector.shape_cast %get3A_1497 : vector<1x16xf32> to vector<16xf32>
        %mul3A_1499 = vector.broadcast %squeeze3A_1450 : f32 to vector<16xf32>
        %mul3A_1500 = arith.mulf %get3A_1498, %mul3A_1499 : vector<16xf32>
        %swap3A_1501 = arith.index_cast %add3A_1448 : i32 to index
        %swap3A_1502 = arith.constant 64 : index
        %swap3A_1503 = tpu.vector_load %arg12[%swap3A_1501, %swap3A_1502] {strides = array<i32>} : memref<128x128xf32, #tpu.memory_space<vmem>>, vector<1x16xf32>,
        %swap3A_1504 = vector.shape_cast %swap3A_1503 : vector<1x16xf32> to vector<16xf32>
        %swap3A_1505 = vector.shape_cast %mul3A_1500 : vector<16xf32> to vector<1x16xf32>
        tpu.vector_store %arg12[%swap3A_1501, %swap3A_1502], %swap3A_1505 {strides = array<i32>} : memref<128x128xf32, #tpu.memory_space<vmem>>, vector<1x16xf32>,
        %get3A_1506 = arith.index_cast %add3A_1448 : i32 to index
        %get3A_1507 = arith.constant 80 : index
        %get3A_1508 = tpu.vector_load %arg12[%get3A_1506, %get3A_1507] {strides = array<i32>} : memref<128x128xf32, #tpu.memory_space<vmem>>, vector<1x16xf32>,
        %get3A_1509 = vector.shape_cast %get3A_1508 : vector<1x16xf32> to vector<16xf32>
        %mul3A_1510 = vector.broadcast %squeeze3A_1450 : f32 to vector<16xf32>
        %mul3A_1511 = arith.mulf %get3A_1509, %mul3A_1510 : vector<16xf32>
        %swap3A_1512 = arith.index_cast %add3A_1448 : i32 to index
        %swap3A_1513 = arith.constant 80 : index
        %swap3A_1514 = tpu.vector_load %arg12[%swap3A_1512, %swap3A_1513] {strides = array<i32>} : memref<128x128xf32, #tpu.memory_space<vmem>>, vector<1x16xf32>,
        %swap3A_1515 = vector.shape_cast %swap3A_1514 : vector<1x16xf32> to vector<16xf32>
        %swap3A_1516 = vector.shape_cast %mul3A_1511 : vector<16xf32> to vector<1x16xf32>
        tpu.vector_store %arg12[%swap3A_1512, %swap3A_1513], %swap3A_1516 {strides = array<i32>} : memref<128x128xf32, #tpu.memory_space<vmem>>, vector<1x16xf32>,
        %get3A_1517 = arith.index_cast %add3A_1448 : i32 to index
        %get3A_1518 = arith.constant 96 : index
        %get3A_1519 = tpu.vector_load %arg12[%get3A_1517, %get3A_1518] {strides = array<i32>} : memref<128x128xf32, #tpu.memory_space<vmem>>, vector<1x16xf32>,
        %get3A_1520 = vector.shape_cast %get3A_1519 : vector<1x16xf32> to vector<16xf32>
        %mul3A_1521 = vector.broadcast %squeeze3A_1450 : f32 to vector<16xf32>
        %mul3A_1522 = arith.mulf %get3A_1520, %mul3A_1521 : vector<16xf32>
        %swap3A_1523 = arith.index_cast %add3A_1448 : i32 to index
        %swap3A_1524 = arith.constant 96 : index
        %swap3A_1525 = tpu.vector_load %arg12[%swap3A_1523, %swap3A_1524] {strides = array<i32>} : memref<128x128xf32, #tpu.memory_space<vmem>>, vector<1x16xf32>,
        %swap3A_1526 = vector.shape_cast %swap3A_1525 : vector<1x16xf32> to vector<16xf32>
        %swap3A_1527 = vector.shape_cast %mul3A_1522 : vector<16xf32> to vector<1x16xf32>
        tpu.vector_store %arg12[%swap3A_1523, %swap3A_1524], %swap3A_1527 {strides = array<i32>} : memref<128x128xf32, #tpu.memory_space<vmem>>, vector<1x16xf32>,
        %get3A_1528 = arith.index_cast %add3A_1448 : i32 to index
        %get3A_1529 = arith.constant 112 : index
        %get3A_1530 = tpu.vector_load %arg12[%get3A_1528, %get3A_1529] {strides = array<i32>} : memref<128x128xf32, #tpu.memory_space<vmem>>, vector<1x16xf32>,
        %get3A_1531 = vector.shape_cast %get3A_1530 : vector<1x16xf32> to vector<16xf32>
        %mul3A_1532 = vector.broadcast %squeeze3A_1450 : f32 to vector<16xf32>
        %mul3A_1533 = arith.mulf %get3A_1531, %mul3A_1532 : vector<16xf32>
        %swap3A_1534 = arith.index_cast %add3A_1448 : i32 to index
        %swap3A_1535 = arith.constant 112 : index
        %swap3A_1536 = tpu.vector_load %arg12[%swap3A_1534, %swap3A_1535] {strides = array<i32>} : memref<128x128xf32, #tpu.memory_space<vmem>>, vector<1x16xf32>,
        %swap3A_1537 = vector.shape_cast %swap3A_1536 : vector<1x16xf32> to vector<16xf32>
        %swap3A_1538 = vector.shape_cast %mul3A_1533 : vector<16xf32> to vector<1x16xf32>
        tpu.vector_store %arg12[%swap3A_1534, %swap3A_1535], %swap3A_1538 {strides = array<i32>} : memref<128x128xf32, #tpu.memory_space<vmem>>, vector<1x16xf32>,
        %mul3A_1539 = arith.constant 16 : i32
        %mul3A_1540 = arith.muli %scan3A_406, %mul3A_1539 : i32
        %add3A_1541 = arith.constant 12 : i32
        %add3A_1542 = arith.addi %mul3A_1540, %add3A_1541 : i32
        %slice3A_1543 = vector.extract_strided_slice %get3A_413 {offsets = [12], sizes = [1], strides = [1]} : vector<16xf32> to vector<1xf32>
        %squeeze3A_1544 = vector.extract %slice3A_1543[0] : f32 from vector<1xf32>
        %get3A_1545 = arith.index_cast %add3A_1542 : i32 to index
        %get3A_1546 = arith.constant 0 : index
        %get3A_1547 = tpu.vector_load %arg12[%get3A_1545, %get3A_1546] {strides = array<i32>} : memref<128x128xf32, #tpu.memory_space<vmem>>, vector<1x16xf32>,
        %get3A_1548 = vector.shape_cast %get3A_1547 : vector<1x16xf32> to vector<16xf32>
        %mul3A_1549 = vector.broadcast %squeeze3A_1544 : f32 to vector<16xf32>
        %mul3A_1550 = arith.mulf %get3A_1548, %mul3A_1549 : vector<16xf32>
        %swap3A_1551 = arith.index_cast %add3A_1542 : i32 to index
        %swap3A_1552 = arith.constant 0 : index
        %swap3A_1553 = tpu.vector_load %arg12[%swap3A_1551, %swap3A_1552] {strides = array<i32>} : memref<128x128xf32, #tpu.memory_space<vmem>>, vector<1x16xf32>,
        %swap3A_1554 = vector.shape_cast %swap3A_1553 : vector<1x16xf32> to vector<16xf32>
        %swap3A_1555 = vector.shape_cast %mul3A_1550 : vector<16xf32> to vector<1x16xf32>
        tpu.vector_store %arg12[%swap3A_1551, %swap3A_1552], %swap3A_1555 {strides = array<i32>} : memref<128x128xf32, #tpu.memory_space<vmem>>, vector<1x16xf32>,
        %get3A_1556 = arith.index_cast %add3A_1542 : i32 to index
        %get3A_1557 = arith.constant 16 : index
        %get3A_1558 = tpu.vector_load %arg12[%get3A_1556, %get3A_1557] {strides = array<i32>} : memref<128x128xf32, #tpu.memory_space<vmem>>, vector<1x16xf32>,
        %get3A_1559 = vector.shape_cast %get3A_1558 : vector<1x16xf32> to vector<16xf32>
        %mul3A_1560 = vector.broadcast %squeeze3A_1544 : f32 to vector<16xf32>
        %mul3A_1561 = arith.mulf %get3A_1559, %mul3A_1560 : vector<16xf32>
        %swap3A_1562 = arith.index_cast %add3A_1542 : i32 to index
        %swap3A_1563 = arith.constant 16 : index
        %swap3A_1564 = tpu.vector_load %arg12[%swap3A_1562, %swap3A_1563] {strides = array<i32>} : memref<128x128xf32, #tpu.memory_space<vmem>>, vector<1x16xf32>,
        %swap3A_1565 = vector.shape_cast %swap3A_1564 : vector<1x16xf32> to vector<16xf32>
        %swap3A_1566 = vector.shape_cast %mul3A_1561 : vector<16xf32> to vector<1x16xf32>
        tpu.vector_store %arg12[%swap3A_1562, %swap3A_1563], %swap3A_1566 {strides = array<i32>} : memref<128x128xf32, #tpu.memory_space<vmem>>, vector<1x16xf32>,
        %get3A_1567 = arith.index_cast %add3A_1542 : i32 to index
        %get3A_1568 = arith.constant 32 : index
        %get3A_1569 = tpu.vector_load %arg12[%get3A_1567, %get3A_1568] {strides = array<i32>} : memref<128x128xf32, #tpu.memory_space<vmem>>, vector<1x16xf32>,
        %get3A_1570 = vector.shape_cast %get3A_1569 : vector<1x16xf32> to vector<16xf32>
        %mul3A_1571 = vector.broadcast %squeeze3A_1544 : f32 to vector<16xf32>
        %mul3A_1572 = arith.mulf %get3A_1570, %mul3A_1571 : vector<16xf32>
        %swap3A_1573 = arith.index_cast %add3A_1542 : i32 to index
        %swap3A_1574 = arith.constant 32 : index
        %swap3A_1575 = tpu.vector_load %arg12[%swap3A_1573, %swap3A_1574] {strides = array<i32>} : memref<128x128xf32, #tpu.memory_space<vmem>>, vector<1x16xf32>,
        %swap3A_1576 = vector.shape_cast %swap3A_1575 : vector<1x16xf32> to vector<16xf32>
        %swap3A_1577 = vector.shape_cast %mul3A_1572 : vector<16xf32> to vector<1x16xf32>
        tpu.vector_store %arg12[%swap3A_1573, %swap3A_1574], %swap3A_1577 {strides = array<i32>} : memref<128x128xf32, #tpu.memory_space<vmem>>, vector<1x16xf32>,
        %get3A_1578 = arith.index_cast %add3A_1542 : i32 to index
        %get3A_1579 = arith.constant 48 : index
        %get3A_1580 = tpu.vector_load %arg12[%get3A_1578, %get3A_1579] {strides = array<i32>} : memref<128x128xf32, #tpu.memory_space<vmem>>, vector<1x16xf32>,
        %get3A_1581 = vector.shape_cast %get3A_1580 : vector<1x16xf32> to vector<16xf32>
        %mul3A_1582 = vector.broadcast %squeeze3A_1544 : f32 to vector<16xf32>
        %mul3A_1583 = arith.mulf %get3A_1581, %mul3A_1582 : vector<16xf32>
        %swap3A_1584 = arith.index_cast %add3A_1542 : i32 to index
        %swap3A_1585 = arith.constant 48 : index
        %swap3A_1586 = tpu.vector_load %arg12[%swap3A_1584, %swap3A_1585] {strides = array<i32>} : memref<128x128xf32, #tpu.memory_space<vmem>>, vector<1x16xf32>,
        %swap3A_1587 = vector.shape_cast %swap3A_1586 : vector<1x16xf32> to vector<16xf32>
        %swap3A_1588 = vector.shape_cast %mul3A_1583 : vector<16xf32> to vector<1x16xf32>
        tpu.vector_store %arg12[%swap3A_1584, %swap3A_1585], %swap3A_1588 {strides = array<i32>} : memref<128x128xf32, #tpu.memory_space<vmem>>, vector<1x16xf32>,
        %get3A_1589 = arith.index_cast %add3A_1542 : i32 to index
        %get3A_1590 = arith.constant 64 : index
        %get3A_1591 = tpu.vector_load %arg12[%get3A_1589, %get3A_1590] {strides = array<i32>} : memref<128x128xf32, #tpu.memory_space<vmem>>, vector<1x16xf32>,
        %get3A_1592 = vector.shape_cast %get3A_1591 : vector<1x16xf32> to vector<16xf32>
        %mul3A_1593 = vector.broadcast %squeeze3A_1544 : f32 to vector<16xf32>
        %mul3A_1594 = arith.mulf %get3A_1592, %mul3A_1593 : vector<16xf32>
        %swap3A_1595 = arith.index_cast %add3A_1542 : i32 to index
        %swap3A_1596 = arith.constant 64 : index
        %swap3A_1597 = tpu.vector_load %arg12[%swap3A_1595, %swap3A_1596] {strides = array<i32>} : memref<128x128xf32, #tpu.memory_space<vmem>>, vector<1x16xf32>,
        %swap3A_1598 = vector.shape_cast %swap3A_1597 : vector<1x16xf32> to vector<16xf32>
        %swap3A_1599 = vector.shape_cast %mul3A_1594 : vector<16xf32> to vector<1x16xf32>
        tpu.vector_store %arg12[%swap3A_1595, %swap3A_1596], %swap3A_1599 {strides = array<i32>} : memref<128x128xf32, #tpu.memory_space<vmem>>, vector<1x16xf32>,
        %get3A_1600 = arith.index_cast %add3A_1542 : i32 to index
        %get3A_1601 = arith.constant 80 : index
        %get3A_1602 = tpu.vector_load %arg12[%get3A_1600, %get3A_1601] {strides = array<i32>} : memref<128x128xf32, #tpu.memory_space<vmem>>, vector<1x16xf32>,
        %get3A_1603 = vector.shape_cast %get3A_1602 : vector<1x16xf32> to vector<16xf32>
        %mul3A_1604 = vector.broadcast %squeeze3A_1544 : f32 to vector<16xf32>
        %mul3A_1605 = arith.mulf %get3A_1603, %mul3A_1604 : vector<16xf32>
        %swap3A_1606 = arith.index_cast %add3A_1542 : i32 to index
        %swap3A_1607 = arith.constant 80 : index
        %swap3A_1608 = tpu.vector_load %arg12[%swap3A_1606, %swap3A_1607] {strides = array<i32>} : memref<128x128xf32, #tpu.memory_space<vmem>>, vector<1x16xf32>,
        %swap3A_1609 = vector.shape_cast %swap3A_1608 : vector<1x16xf32> to vector<16xf32>
        %swap3A_1610 = vector.shape_cast %mul3A_1605 : vector<16xf32> to vector<1x16xf32>
        tpu.vector_store %arg12[%swap3A_1606, %swap3A_1607], %swap3A_1610 {strides = array<i32>} : memref<128x128xf32, #tpu.memory_space<vmem>>, vector<1x16xf32>,
        %get3A_1611 = arith.index_cast %add3A_1542 : i32 to index
        %get3A_1612 = arith.constant 96 : index
        %get3A_1613 = tpu.vector_load %arg12[%get3A_1611, %get3A_1612] {strides = array<i32>} : memref<128x128xf32, #tpu.memory_space<vmem>>, vector<1x16xf32>,
        %get3A_1614 = vector.shape_cast %get3A_1613 : vector<1x16xf32> to vector<16xf32>
        %mul3A_1615 = vector.broadcast %squeeze3A_1544 : f32 to vector<16xf32>
        %mul3A_1616 = arith.mulf %get3A_1614, %mul3A_1615 : vector<16xf32>
        %swap3A_1617 = arith.index_cast %add3A_1542 : i32 to index
        %swap3A_1618 = arith.constant 96 : index
        %swap3A_1619 = tpu.vector_load %arg12[%swap3A_1617, %swap3A_1618] {strides = array<i32>} : memref<128x128xf32, #tpu.memory_space<vmem>>, vector<1x16xf32>,
        %swap3A_1620 = vector.shape_cast %swap3A_1619 : vector<1x16xf32> to vector<16xf32>
        %swap3A_1621 = vector.shape_cast %mul3A_1616 : vector<16xf32> to vector<1x16xf32>
        tpu.vector_store %arg12[%swap3A_1617, %swap3A_1618], %swap3A_1621 {strides = array<i32>} : memref<128x128xf32, #tpu.memory_space<vmem>>, vector<1x16xf32>,
        %get3A_1622 = arith.index_cast %add3A_1542 : i32 to index
        %get3A_1623 = arith.constant 112 : index
        %get3A_1624 = tpu.vector_load %arg12[%get3A_1622, %get3A_1623] {strides = array<i32>} : memref<128x128xf32, #tpu.memory_space<vmem>>, vector<1x16xf32>,
        %get3A_1625 = vector.shape_cast %get3A_1624 : vector<1x16xf32> to vector<16xf32>
        %mul3A_1626 = vector.broadcast %squeeze3A_1544 : f32 to vector<16xf32>
        %mul3A_1627 = arith.mulf %get3A_1625, %mul3A_1626 : vector<16xf32>
        %swap3A_1628 = arith.index_cast %add3A_1542 : i32 to index
        %swap3A_1629 = arith.constant 112 : index
        %swap3A_1630 = tpu.vector_load %arg12[%swap3A_1628, %swap3A_1629] {strides = array<i32>} : memref<128x128xf32, #tpu.memory_space<vmem>>, vector<1x16xf32>,
        %swap3A_1631 = vector.shape_cast %swap3A_1630 : vector<1x16xf32> to vector<16xf32>
        %swap3A_1632 = vector.shape_cast %mul3A_1627 : vector<16xf32> to vector<1x16xf32>
        tpu.vector_store %arg12[%swap3A_1628, %swap3A_1629], %swap3A_1632 {strides = array<i32>} : memref<128x128xf32, #tpu.memory_space<vmem>>, vector<1x16xf32>,
        %mul3A_1633 = arith.constant 16 : i32
        %mul3A_1634 = arith.muli %scan3A_406, %mul3A_1633 : i32
        %add3A_1635 = arith.constant 13 : i32
        %add3A_1636 = arith.addi %mul3A_1634, %add3A_1635 : i32
        %slice3A_1637 = vector.extract_strided_slice %get3A_413 {offsets = [13], sizes = [1], strides = [1]} : vector<16xf32> to vector<1xf32>
        %squeeze3A_1638 = vector.extract %slice3A_1637[0] : f32 from vector<1xf32>
        %get3A_1639 = arith.index_cast %add3A_1636 : i32 to index
        %get3A_1640 = arith.constant 0 : index
        %get3A_1641 = tpu.vector_load %arg12[%get3A_1639, %get3A_1640] {strides = array<i32>} : memref<128x128xf32, #tpu.memory_space<vmem>>, vector<1x16xf32>,
        %get3A_1642 = vector.shape_cast %get3A_1641 : vector<1x16xf32> to vector<16xf32>
        %mul3A_1643 = vector.broadcast %squeeze3A_1638 : f32 to vector<16xf32>
        %mul3A_1644 = arith.mulf %get3A_1642, %mul3A_1643 : vector<16xf32>
        %swap3A_1645 = arith.index_cast %add3A_1636 : i32 to index
        %swap3A_1646 = arith.constant 0 : index
        %swap3A_1647 = tpu.vector_load %arg12[%swap3A_1645, %swap3A_1646] {strides = array<i32>} : memref<128x128xf32, #tpu.memory_space<vmem>>, vector<1x16xf32>,
        %swap3A_1648 = vector.shape_cast %swap3A_1647 : vector<1x16xf32> to vector<16xf32>
        %swap3A_1649 = vector.shape_cast %mul3A_1644 : vector<16xf32> to vector<1x16xf32>
        tpu.vector_store %arg12[%swap3A_1645, %swap3A_1646], %swap3A_1649 {strides = array<i32>} : memref<128x128xf32, #tpu.memory_space<vmem>>, vector<1x16xf32>,
        %get3A_1650 = arith.index_cast %add3A_1636 : i32 to index
        %get3A_1651 = arith.constant 16 : index
        %get3A_1652 = tpu.vector_load %arg12[%get3A_1650, %get3A_1651] {strides = array<i32>} : memref<128x128xf32, #tpu.memory_space<vmem>>, vector<1x16xf32>,
        %get3A_1653 = vector.shape_cast %get3A_1652 : vector<1x16xf32> to vector<16xf32>
        %mul3A_1654 = vector.broadcast %squeeze3A_1638 : f32 to vector<16xf32>
        %mul3A_1655 = arith.mulf %get3A_1653, %mul3A_1654 : vector<16xf32>
        %swap3A_1656 = arith.index_cast %add3A_1636 : i32 to index
        %swap3A_1657 = arith.constant 16 : index
        %swap3A_1658 = tpu.vector_load %arg12[%swap3A_1656, %swap3A_1657] {strides = array<i32>} : memref<128x128xf32, #tpu.memory_space<vmem>>, vector<1x16xf32>,
        %swap3A_1659 = vector.shape_cast %swap3A_1658 : vector<1x16xf32> to vector<16xf32>
        %swap3A_1660 = vector.shape_cast %mul3A_1655 : vector<16xf32> to vector<1x16xf32>
        tpu.vector_store %arg12[%swap3A_1656, %swap3A_1657], %swap3A_1660 {strides = array<i32>} : memref<128x128xf32, #tpu.memory_space<vmem>>, vector<1x16xf32>,
        %get3A_1661 = arith.index_cast %add3A_1636 : i32 to index
        %get3A_1662 = arith.constant 32 : index
        %get3A_1663 = tpu.vector_load %arg12[%get3A_1661, %get3A_1662] {strides = array<i32>} : memref<128x128xf32, #tpu.memory_space<vmem>>, vector<1x16xf32>,
        %get3A_1664 = vector.shape_cast %get3A_1663 : vector<1x16xf32> to vector<16xf32>
        %mul3A_1665 = vector.broadcast %squeeze3A_1638 : f32 to vector<16xf32>
        %mul3A_1666 = arith.mulf %get3A_1664, %mul3A_1665 : vector<16xf32>
        %swap3A_1667 = arith.index_cast %add3A_1636 : i32 to index
        %swap3A_1668 = arith.constant 32 : index
        %swap3A_1669 = tpu.vector_load %arg12[%swap3A_1667, %swap3A_1668] {strides = array<i32>} : memref<128x128xf32, #tpu.memory_space<vmem>>, vector<1x16xf32>,
        %swap3A_1670 = vector.shape_cast %swap3A_1669 : vector<1x16xf32> to vector<16xf32>
        %swap3A_1671 = vector.shape_cast %mul3A_1666 : vector<16xf32> to vector<1x16xf32>
        tpu.vector_store %arg12[%swap3A_1667, %swap3A_1668], %swap3A_1671 {strides = array<i32>} : memref<128x128xf32, #tpu.memory_space<vmem>>, vector<1x16xf32>,
        %get3A_1672 = arith.index_cast %add3A_1636 : i32 to index
        %get3A_1673 = arith.constant 48 : index
        %get3A_1674 = tpu.vector_load %arg12[%get3A_1672, %get3A_1673] {strides = array<i32>} : memref<128x128xf32, #tpu.memory_space<vmem>>, vector<1x16xf32>,
        %get3A_1675 = vector.shape_cast %get3A_1674 : vector<1x16xf32> to vector<16xf32>
        %mul3A_1676 = vector.broadcast %squeeze3A_1638 : f32 to vector<16xf32>
        %mul3A_1677 = arith.mulf %get3A_1675, %mul3A_1676 : vector<16xf32>
        %swap3A_1678 = arith.index_cast %add3A_1636 : i32 to index
        %swap3A_1679 = arith.constant 48 : index
        %swap3A_1680 = tpu.vector_load %arg12[%swap3A_1678, %swap3A_1679] {strides = array<i32>} : memref<128x128xf32, #tpu.memory_space<vmem>>, vector<1x16xf32>,
        %swap3A_1681 = vector.shape_cast %swap3A_1680 : vector<1x16xf32> to vector<16xf32>
        %swap3A_1682 = vector.shape_cast %mul3A_1677 : vector<16xf32> to vector<1x16xf32>
        tpu.vector_store %arg12[%swap3A_1678, %swap3A_1679], %swap3A_1682 {strides = array<i32>} : memref<128x128xf32, #tpu.memory_space<vmem>>, vector<1x16xf32>,
        %get3A_1683 = arith.index_cast %add3A_1636 : i32 to index
        %get3A_1684 = arith.constant 64 : index
        %get3A_1685 = tpu.vector_load %arg12[%get3A_1683, %get3A_1684] {strides = array<i32>} : memref<128x128xf32, #tpu.memory_space<vmem>>, vector<1x16xf32>,
        %get3A_1686 = vector.shape_cast %get3A_1685 : vector<1x16xf32> to vector<16xf32>
        %mul3A_1687 = vector.broadcast %squeeze3A_1638 : f32 to vector<16xf32>
        %mul3A_1688 = arith.mulf %get3A_1686, %mul3A_1687 : vector<16xf32>
        %swap3A_1689 = arith.index_cast %add3A_1636 : i32 to index
        %swap3A_1690 = arith.constant 64 : index
        %swap3A_1691 = tpu.vector_load %arg12[%swap3A_1689, %swap3A_1690] {strides = array<i32>} : memref<128x128xf32, #tpu.memory_space<vmem>>, vector<1x16xf32>,
        %swap3A_1692 = vector.shape_cast %swap3A_1691 : vector<1x16xf32> to vector<16xf32>
        %swap3A_1693 = vector.shape_cast %mul3A_1688 : vector<16xf32> to vector<1x16xf32>
        tpu.vector_store %arg12[%swap3A_1689, %swap3A_1690], %swap3A_1693 {strides = array<i32>} : memref<128x128xf32, #tpu.memory_space<vmem>>, vector<1x16xf32>,
        %get3A_1694 = arith.index_cast %add3A_1636 : i32 to index
        %get3A_1695 = arith.constant 80 : index
        %get3A_1696 = tpu.vector_load %arg12[%get3A_1694, %get3A_1695] {strides = array<i32>} : memref<128x128xf32, #tpu.memory_space<vmem>>, vector<1x16xf32>,
        %get3A_1697 = vector.shape_cast %get3A_1696 : vector<1x16xf32> to vector<16xf32>
        %mul3A_1698 = vector.broadcast %squeeze3A_1638 : f32 to vector<16xf32>
        %mul3A_1699 = arith.mulf %get3A_1697, %mul3A_1698 : vector<16xf32>
        %swap3A_1700 = arith.index_cast %add3A_1636 : i32 to index
        %swap3A_1701 = arith.constant 80 : index
        %swap3A_1702 = tpu.vector_load %arg12[%swap3A_1700, %swap3A_1701] {strides = array<i32>} : memref<128x128xf32, #tpu.memory_space<vmem>>, vector<1x16xf32>,
        %swap3A_1703 = vector.shape_cast %swap3A_1702 : vector<1x16xf32> to vector<16xf32>
        %swap3A_1704 = vector.shape_cast %mul3A_1699 : vector<16xf32> to vector<1x16xf32>
        tpu.vector_store %arg12[%swap3A_1700, %swap3A_1701], %swap3A_1704 {strides = array<i32>} : memref<128x128xf32, #tpu.memory_space<vmem>>, vector<1x16xf32>,
        %get3A_1705 = arith.index_cast %add3A_1636 : i32 to index
        %get3A_1706 = arith.constant 96 : index
        %get3A_1707 = tpu.vector_load %arg12[%get3A_1705, %get3A_1706] {strides = array<i32>} : memref<128x128xf32, #tpu.memory_space<vmem>>, vector<1x16xf32>,
        %get3A_1708 = vector.shape_cast %get3A_1707 : vector<1x16xf32> to vector<16xf32>
        %mul3A_1709 = vector.broadcast %squeeze3A_1638 : f32 to vector<16xf32>
        %mul3A_1710 = arith.mulf %get3A_1708, %mul3A_1709 : vector<16xf32>
        %swap3A_1711 = arith.index_cast %add3A_1636 : i32 to index
        %swap3A_1712 = arith.constant 96 : index
        %swap3A_1713 = tpu.vector_load %arg12[%swap3A_1711, %swap3A_1712] {strides = array<i32>} : memref<128x128xf32, #tpu.memory_space<vmem>>, vector<1x16xf32>,
        %swap3A_1714 = vector.shape_cast %swap3A_1713 : vector<1x16xf32> to vector<16xf32>
        %swap3A_1715 = vector.shape_cast %mul3A_1710 : vector<16xf32> to vector<1x16xf32>
        tpu.vector_store %arg12[%swap3A_1711, %swap3A_1712], %swap3A_1715 {strides = array<i32>} : memref<128x128xf32, #tpu.memory_space<vmem>>, vector<1x16xf32>,
        %get3A_1716 = arith.index_cast %add3A_1636 : i32 to index
        %get3A_1717 = arith.constant 112 : index
        %get3A_1718 = tpu.vector_load %arg12[%get3A_1716, %get3A_1717] {strides = array<i32>} : memref<128x128xf32, #tpu.memory_space<vmem>>, vector<1x16xf32>,
        %get3A_1719 = vector.shape_cast %get3A_1718 : vector<1x16xf32> to vector<16xf32>
        %mul3A_1720 = vector.broadcast %squeeze3A_1638 : f32 to vector<16xf32>
        %mul3A_1721 = arith.mulf %get3A_1719, %mul3A_1720 : vector<16xf32>
        %swap3A_1722 = arith.index_cast %add3A_1636 : i32 to index
        %swap3A_1723 = arith.constant 112 : index
        %swap3A_1724 = tpu.vector_load %arg12[%swap3A_1722, %swap3A_1723] {strides = array<i32>} : memref<128x128xf32, #tpu.memory_space<vmem>>, vector<1x16xf32>,
        %swap3A_1725 = vector.shape_cast %swap3A_1724 : vector<1x16xf32> to vector<16xf32>
        %swap3A_1726 = vector.shape_cast %mul3A_1721 : vector<16xf32> to vector<1x16xf32>
        tpu.vector_store %arg12[%swap3A_1722, %swap3A_1723], %swap3A_1726 {strides = array<i32>} : memref<128x128xf32, #tpu.memory_space<vmem>>, vector<1x16xf32>,
        %mul3A_1727 = arith.constant 16 : i32
        %mul3A_1728 = arith.muli %scan3A_406, %mul3A_1727 : i32
        %add3A_1729 = arith.constant 14 : i32
        %add3A_1730 = arith.addi %mul3A_1728, %add3A_1729 : i32
        %slice3A_1731 = vector.extract_strided_slice %get3A_413 {offsets = [14], sizes = [1], strides = [1]} : vector<16xf32> to vector<1xf32>
        %squeeze3A_1732 = vector.extract %slice3A_1731[0] : f32 from vector<1xf32>
        %get3A_1733 = arith.index_cast %add3A_1730 : i32 to index
        %get3A_1734 = arith.constant 0 : index
        %get3A_1735 = tpu.vector_load %arg12[%get3A_1733, %get3A_1734] {strides = array<i32>} : memref<128x128xf32, #tpu.memory_space<vmem>>, vector<1x16xf32>,
        %get3A_1736 = vector.shape_cast %get3A_1735 : vector<1x16xf32> to vector<16xf32>
        %mul3A_1737 = vector.broadcast %squeeze3A_1732 : f32 to vector<16xf32>
        %mul3A_1738 = arith.mulf %get3A_1736, %mul3A_1737 : vector<16xf32>
        %swap3A_1739 = arith.index_cast %add3A_1730 : i32 to index
        %swap3A_1740 = arith.constant 0 : index
        %swap3A_1741 = tpu.vector_load %arg12[%swap3A_1739, %swap3A_1740] {strides = array<i32>} : memref<128x128xf32, #tpu.memory_space<vmem>>, vector<1x16xf32>,
        %swap3A_1742 = vector.shape_cast %swap3A_1741 : vector<1x16xf32> to vector<16xf32>
        %swap3A_1743 = vector.shape_cast %mul3A_1738 : vector<16xf32> to vector<1x16xf32>
        tpu.vector_store %arg12[%swap3A_1739, %swap3A_1740], %swap3A_1743 {strides = array<i32>} : memref<128x128xf32, #tpu.memory_space<vmem>>, vector<1x16xf32>,
        %get3A_1744 = arith.index_cast %add3A_1730 : i32 to index
        %get3A_1745 = arith.constant 16 : index
        %get3A_1746 = tpu.vector_load %arg12[%get3A_1744, %get3A_1745] {strides = array<i32>} : memref<128x128xf32, #tpu.memory_space<vmem>>, vector<1x16xf32>,
        %get3A_1747 = vector.shape_cast %get3A_1746 : vector<1x16xf32> to vector<16xf32>
        %mul3A_1748 = vector.broadcast %squeeze3A_1732 : f32 to vector<16xf32>
        %mul3A_1749 = arith.mulf %get3A_1747, %mul3A_1748 : vector<16xf32>
        %swap3A_1750 = arith.index_cast %add3A_1730 : i32 to index
        %swap3A_1751 = arith.constant 16 : index
        %swap3A_1752 = tpu.vector_load %arg12[%swap3A_1750, %swap3A_1751] {strides = array<i32>} : memref<128x128xf32, #tpu.memory_space<vmem>>, vector<1x16xf32>,
        %swap3A_1753 = vector.shape_cast %swap3A_1752 : vector<1x16xf32> to vector<16xf32>
        %swap3A_1754 = vector.shape_cast %mul3A_1749 : vector<16xf32> to vector<1x16xf32>
        tpu.vector_store %arg12[%swap3A_1750, %swap3A_1751], %swap3A_1754 {strides = array<i32>} : memref<128x128xf32, #tpu.memory_space<vmem>>, vector<1x16xf32>,
        %get3A_1755 = arith.index_cast %add3A_1730 : i32 to index
        %get3A_1756 = arith.constant 32 : index
        %get3A_1757 = tpu.vector_load %arg12[%get3A_1755, %get3A_1756] {strides = array<i32>} : memref<128x128xf32, #tpu.memory_space<vmem>>, vector<1x16xf32>,
        %get3A_1758 = vector.shape_cast %get3A_1757 : vector<1x16xf32> to vector<16xf32>
        %mul3A_1759 = vector.broadcast %squeeze3A_1732 : f32 to vector<16xf32>
        %mul3A_1760 = arith.mulf %get3A_1758, %mul3A_1759 : vector<16xf32>
        %swap3A_1761 = arith.index_cast %add3A_1730 : i32 to index
        %swap3A_1762 = arith.constant 32 : index
        %swap3A_1763 = tpu.vector_load %arg12[%swap3A_1761, %swap3A_1762] {strides = array<i32>} : memref<128x128xf32, #tpu.memory_space<vmem>>, vector<1x16xf32>,
        %swap3A_1764 = vector.shape_cast %swap3A_1763 : vector<1x16xf32> to vector<16xf32>
        %swap3A_1765 = vector.shape_cast %mul3A_1760 : vector<16xf32> to vector<1x16xf32>
        tpu.vector_store %arg12[%swap3A_1761, %swap3A_1762], %swap3A_1765 {strides = array<i32>} : memref<128x128xf32, #tpu.memory_space<vmem>>, vector<1x16xf32>,
        %get3A_1766 = arith.index_cast %add3A_1730 : i32 to index
        %get3A_1767 = arith.constant 48 : index
        %get3A_1768 = tpu.vector_load %arg12[%get3A_1766, %get3A_1767] {strides = array<i32>} : memref<128x128xf32, #tpu.memory_space<vmem>>, vector<1x16xf32>,
        %get3A_1769 = vector.shape_cast %get3A_1768 : vector<1x16xf32> to vector<16xf32>
        %mul3A_1770 = vector.broadcast %squeeze3A_1732 : f32 to vector<16xf32>
        %mul3A_1771 = arith.mulf %get3A_1769, %mul3A_1770 : vector<16xf32>
        %swap3A_1772 = arith.index_cast %add3A_1730 : i32 to index
        %swap3A_1773 = arith.constant 48 : index
        %swap3A_1774 = tpu.vector_load %arg12[%swap3A_1772, %swap3A_1773] {strides = array<i32>} : memref<128x128xf32, #tpu.memory_space<vmem>>, vector<1x16xf32>,
        %swap3A_1775 = vector.shape_cast %swap3A_1774 : vector<1x16xf32> to vector<16xf32>
        %swap3A_1776 = vector.shape_cast %mul3A_1771 : vector<16xf32> to vector<1x16xf32>
        tpu.vector_store %arg12[%swap3A_1772, %swap3A_1773], %swap3A_1776 {strides = array<i32>} : memref<128x128xf32, #tpu.memory_space<vmem>>, vector<1x16xf32>,
        %get3A_1777 = arith.index_cast %add3A_1730 : i32 to index
        %get3A_1778 = arith.constant 64 : index
        %get3A_1779 = tpu.vector_load %arg12[%get3A_1777, %get3A_1778] {strides = array<i32>} : memref<128x128xf32, #tpu.memory_space<vmem>>, vector<1x16xf32>,
        %get3A_1780 = vector.shape_cast %get3A_1779 : vector<1x16xf32> to vector<16xf32>
        %mul3A_1781 = vector.broadcast %squeeze3A_1732 : f32 to vector<16xf32>
        %mul3A_1782 = arith.mulf %get3A_1780, %mul3A_1781 : vector<16xf32>
        %swap3A_1783 = arith.index_cast %add3A_1730 : i32 to index
        %swap3A_1784 = arith.constant 64 : index
        %swap3A_1785 = tpu.vector_load %arg12[%swap3A_1783, %swap3A_1784] {strides = array<i32>} : memref<128x128xf32, #tpu.memory_space<vmem>>, vector<1x16xf32>,
        %swap3A_1786 = vector.shape_cast %swap3A_1785 : vector<1x16xf32> to vector<16xf32>
        %swap3A_1787 = vector.shape_cast %mul3A_1782 : vector<16xf32> to vector<1x16xf32>
        tpu.vector_store %arg12[%swap3A_1783, %swap3A_1784], %swap3A_1787 {strides = array<i32>} : memref<128x128xf32, #tpu.memory_space<vmem>>, vector<1x16xf32>,
        %get3A_1788 = arith.index_cast %add3A_1730 : i32 to index
        %get3A_1789 = arith.constant 80 : index
        %get3A_1790 = tpu.vector_load %arg12[%get3A_1788, %get3A_1789] {strides = array<i32>} : memref<128x128xf32, #tpu.memory_space<vmem>>, vector<1x16xf32>,
        %get3A_1791 = vector.shape_cast %get3A_1790 : vector<1x16xf32> to vector<16xf32>
        %mul3A_1792 = vector.broadcast %squeeze3A_1732 : f32 to vector<16xf32>
        %mul3A_1793 = arith.mulf %get3A_1791, %mul3A_1792 : vector<16xf32>
        %swap3A_1794 = arith.index_cast %add3A_1730 : i32 to index
        %swap3A_1795 = arith.constant 80 : index
        %swap3A_1796 = tpu.vector_load %arg12[%swap3A_1794, %swap3A_1795] {strides = array<i32>} : memref<128x128xf32, #tpu.memory_space<vmem>>, vector<1x16xf32>,
        %swap3A_1797 = vector.shape_cast %swap3A_1796 : vector<1x16xf32> to vector<16xf32>
        %swap3A_1798 = vector.shape_cast %mul3A_1793 : vector<16xf32> to vector<1x16xf32>
        tpu.vector_store %arg12[%swap3A_1794, %swap3A_1795], %swap3A_1798 {strides = array<i32>} : memref<128x128xf32, #tpu.memory_space<vmem>>, vector<1x16xf32>,
        %get3A_1799 = arith.index_cast %add3A_1730 : i32 to index
        %get3A_1800 = arith.constant 96 : index
        %get3A_1801 = tpu.vector_load %arg12[%get3A_1799, %get3A_1800] {strides = array<i32>} : memref<128x128xf32, #tpu.memory_space<vmem>>, vector<1x16xf32>,
        %get3A_1802 = vector.shape_cast %get3A_1801 : vector<1x16xf32> to vector<16xf32>
        %mul3A_1803 = vector.broadcast %squeeze3A_1732 : f32 to vector<16xf32>
        %mul3A_1804 = arith.mulf %get3A_1802, %mul3A_1803 : vector<16xf32>
        %swap3A_1805 = arith.index_cast %add3A_1730 : i32 to index
        %swap3A_1806 = arith.constant 96 : index
        %swap3A_1807 = tpu.vector_load %arg12[%swap3A_1805, %swap3A_1806] {strides = array<i32>} : memref<128x128xf32, #tpu.memory_space<vmem>>, vector<1x16xf32>,
        %swap3A_1808 = vector.shape_cast %swap3A_1807 : vector<1x16xf32> to vector<16xf32>
        %swap3A_1809 = vector.shape_cast %mul3A_1804 : vector<16xf32> to vector<1x16xf32>
        tpu.vector_store %arg12[%swap3A_1805, %swap3A_1806], %swap3A_1809 {strides = array<i32>} : memref<128x128xf32, #tpu.memory_space<vmem>>, vector<1x16xf32>,
        %get3A_1810 = arith.index_cast %add3A_1730 : i32 to index
        %get3A_1811 = arith.constant 112 : index
        %get3A_1812 = tpu.vector_load %arg12[%get3A_1810, %get3A_1811] {strides = array<i32>} : memref<128x128xf32, #tpu.memory_space<vmem>>, vector<1x16xf32>,
        %get3A_1813 = vector.shape_cast %get3A_1812 : vector<1x16xf32> to vector<16xf32>
        %mul3A_1814 = vector.broadcast %squeeze3A_1732 : f32 to vector<16xf32>
        %mul3A_1815 = arith.mulf %get3A_1813, %mul3A_1814 : vector<16xf32>
        %swap3A_1816 = arith.index_cast %add3A_1730 : i32 to index
        %swap3A_1817 = arith.constant 112 : index
        %swap3A_1818 = tpu.vector_load %arg12[%swap3A_1816, %swap3A_1817] {strides = array<i32>} : memref<128x128xf32, #tpu.memory_space<vmem>>, vector<1x16xf32>,
        %swap3A_1819 = vector.shape_cast %swap3A_1818 : vector<1x16xf32> to vector<16xf32>
        %swap3A_1820 = vector.shape_cast %mul3A_1815 : vector<16xf32> to vector<1x16xf32>
        tpu.vector_store %arg12[%swap3A_1816, %swap3A_1817], %swap3A_1820 {strides = array<i32>} : memref<128x128xf32, #tpu.memory_space<vmem>>, vector<1x16xf32>,
        %mul3A_1821 = arith.constant 16 : i32
        %mul3A_1822 = arith.muli %scan3A_406, %mul3A_1821 : i32
        %add3A_1823 = arith.constant 15 : i32
        %add3A_1824 = arith.addi %mul3A_1822, %add3A_1823 : i32
        %slice3A_1825 = vector.extract_strided_slice %get3A_413 {offsets = [15], sizes = [1], strides = [1]} : vector<16xf32> to vector<1xf32>
        %squeeze3A_1826 = vector.extract %slice3A_1825[0] : f32 from vector<1xf32>
        %get3A_1827 = arith.index_cast %add3A_1824 : i32 to index
        %get3A_1828 = arith.constant 0 : index
        %get3A_1829 = tpu.vector_load %arg12[%get3A_1827, %get3A_1828] {strides = array<i32>} : memref<128x128xf32, #tpu.memory_space<vmem>>, vector<1x16xf32>,
        %get3A_1830 = vector.shape_cast %get3A_1829 : vector<1x16xf32> to vector<16xf32>
        %mul3A_1831 = vector.broadcast %squeeze3A_1826 : f32 to vector<16xf32>
        %mul3A_1832 = arith.mulf %get3A_1830, %mul3A_1831 : vector<16xf32>
        %swap3A_1833 = arith.index_cast %add3A_1824 : i32 to index
        %swap3A_1834 = arith.constant 0 : index
        %swap3A_1835 = tpu.vector_load %arg12[%swap3A_1833, %swap3A_1834] {strides = array<i32>} : memref<128x128xf32, #tpu.memory_space<vmem>>, vector<1x16xf32>,
        %swap3A_1836 = vector.shape_cast %swap3A_1835 : vector<1x16xf32> to vector<16xf32>
        %swap3A_1837 = vector.shape_cast %mul3A_1832 : vector<16xf32> to vector<1x16xf32>
        tpu.vector_store %arg12[%swap3A_1833, %swap3A_1834], %swap3A_1837 {strides = array<i32>} : memref<128x128xf32, #tpu.memory_space<vmem>>, vector<1x16xf32>,
        %get3A_1838 = arith.index_cast %add3A_1824 : i32 to index
        %get3A_1839 = arith.constant 16 : index
        %get3A_1840 = tpu.vector_load %arg12[%get3A_1838, %get3A_1839] {strides = array<i32>} : memref<128x128xf32, #tpu.memory_space<vmem>>, vector<1x16xf32>,
        %get3A_1841 = vector.shape_cast %get3A_1840 : vector<1x16xf32> to vector<16xf32>
        %mul3A_1842 = vector.broadcast %squeeze3A_1826 : f32 to vector<16xf32>
        %mul3A_1843 = arith.mulf %get3A_1841, %mul3A_1842 : vector<16xf32>
        %swap3A_1844 = arith.index_cast %add3A_1824 : i32 to index
        %swap3A_1845 = arith.constant 16 : index
        %swap3A_1846 = tpu.vector_load %arg12[%swap3A_1844, %swap3A_1845] {strides = array<i32>} : memref<128x128xf32, #tpu.memory_space<vmem>>, vector<1x16xf32>,
        %swap3A_1847 = vector.shape_cast %swap3A_1846 : vector<1x16xf32> to vector<16xf32>
        %swap3A_1848 = vector.shape_cast %mul3A_1843 : vector<16xf32> to vector<1x16xf32>
        tpu.vector_store %arg12[%swap3A_1844, %swap3A_1845], %swap3A_1848 {strides = array<i32>} : memref<128x128xf32, #tpu.memory_space<vmem>>, vector<1x16xf32>,
        %get3A_1849 = arith.index_cast %add3A_1824 : i32 to index
        %get3A_1850 = arith.constant 32 : index
        %get3A_1851 = tpu.vector_load %arg12[%get3A_1849, %get3A_1850] {strides = array<i32>} : memref<128x128xf32, #tpu.memory_space<vmem>>, vector<1x16xf32>,
        %get3A_1852 = vector.shape_cast %get3A_1851 : vector<1x16xf32> to vector<16xf32>
        %mul3A_1853 = vector.broadcast %squeeze3A_1826 : f32 to vector<16xf32>
        %mul3A_1854 = arith.mulf %get3A_1852, %mul3A_1853 : vector<16xf32>
        %swap3A_1855 = arith.index_cast %add3A_1824 : i32 to index
        %swap3A_1856 = arith.constant 32 : index
        %swap3A_1857 = tpu.vector_load %arg12[%swap3A_1855, %swap3A_1856] {strides = array<i32>} : memref<128x128xf32, #tpu.memory_space<vmem>>, vector<1x16xf32>,
        %swap3A_1858 = vector.shape_cast %swap3A_1857 : vector<1x16xf32> to vector<16xf32>
        %swap3A_1859 = vector.shape_cast %mul3A_1854 : vector<16xf32> to vector<1x16xf32>
        tpu.vector_store %arg12[%swap3A_1855, %swap3A_1856], %swap3A_1859 {strides = array<i32>} : memref<128x128xf32, #tpu.memory_space<vmem>>, vector<1x16xf32>,
        %get3A_1860 = arith.index_cast %add3A_1824 : i32 to index
        %get3A_1861 = arith.constant 48 : index
        %get3A_1862 = tpu.vector_load %arg12[%get3A_1860, %get3A_1861] {strides = array<i32>} : memref<128x128xf32, #tpu.memory_space<vmem>>, vector<1x16xf32>,
        %get3A_1863 = vector.shape_cast %get3A_1862 : vector<1x16xf32> to vector<16xf32>
        %mul3A_1864 = vector.broadcast %squeeze3A_1826 : f32 to vector<16xf32>
        %mul3A_1865 = arith.mulf %get3A_1863, %mul3A_1864 : vector<16xf32>
        %swap3A_1866 = arith.index_cast %add3A_1824 : i32 to index
        %swap3A_1867 = arith.constant 48 : index
        %swap3A_1868 = tpu.vector_load %arg12[%swap3A_1866, %swap3A_1867] {strides = array<i32>} : memref<128x128xf32, #tpu.memory_space<vmem>>, vector<1x16xf32>,
        %swap3A_1869 = vector.shape_cast %swap3A_1868 : vector<1x16xf32> to vector<16xf32>
        %swap3A_1870 = vector.shape_cast %mul3A_1865 : vector<16xf32> to vector<1x16xf32>
        tpu.vector_store %arg12[%swap3A_1866, %swap3A_1867], %swap3A_1870 {strides = array<i32>} : memref<128x128xf32, #tpu.memory_space<vmem>>, vector<1x16xf32>,
        %get3A_1871 = arith.index_cast %add3A_1824 : i32 to index
        %get3A_1872 = arith.constant 64 : index
        %get3A_1873 = tpu.vector_load %arg12[%get3A_1871, %get3A_1872] {strides = array<i32>} : memref<128x128xf32, #tpu.memory_space<vmem>>, vector<1x16xf32>,
        %get3A_1874 = vector.shape_cast %get3A_1873 : vector<1x16xf32> to vector<16xf32>
        %mul3A_1875 = vector.broadcast %squeeze3A_1826 : f32 to vector<16xf32>
        %mul3A_1876 = arith.mulf %get3A_1874, %mul3A_1875 : vector<16xf32>
        %swap3A_1877 = arith.index_cast %add3A_1824 : i32 to index
        %swap3A_1878 = arith.constant 64 : index
        %swap3A_1879 = tpu.vector_load %arg12[%swap3A_1877, %swap3A_1878] {strides = array<i32>} : memref<128x128xf32, #tpu.memory_space<vmem>>, vector<1x16xf32>,
        %swap3A_1880 = vector.shape_cast %swap3A_1879 : vector<1x16xf32> to vector<16xf32>
        %swap3A_1881 = vector.shape_cast %mul3A_1876 : vector<16xf32> to vector<1x16xf32>
        tpu.vector_store %arg12[%swap3A_1877, %swap3A_1878], %swap3A_1881 {strides = array<i32>} : memref<128x128xf32, #tpu.memory_space<vmem>>, vector<1x16xf32>,
        %get3A_1882 = arith.index_cast %add3A_1824 : i32 to index
        %get3A_1883 = arith.constant 80 : index
        %get3A_1884 = tpu.vector_load %arg12[%get3A_1882, %get3A_1883] {strides = array<i32>} : memref<128x128xf32, #tpu.memory_space<vmem>>, vector<1x16xf32>,
        %get3A_1885 = vector.shape_cast %get3A_1884 : vector<1x16xf32> to vector<16xf32>
        %mul3A_1886 = vector.broadcast %squeeze3A_1826 : f32 to vector<16xf32>
        %mul3A_1887 = arith.mulf %get3A_1885, %mul3A_1886 : vector<16xf32>
        %swap3A_1888 = arith.index_cast %add3A_1824 : i32 to index
        %swap3A_1889 = arith.constant 80 : index
        %swap3A_1890 = tpu.vector_load %arg12[%swap3A_1888, %swap3A_1889] {strides = array<i32>} : memref<128x128xf32, #tpu.memory_space<vmem>>, vector<1x16xf32>,
        %swap3A_1891 = vector.shape_cast %swap3A_1890 : vector<1x16xf32> to vector<16xf32>
        %swap3A_1892 = vector.shape_cast %mul3A_1887 : vector<16xf32> to vector<1x16xf32>
        tpu.vector_store %arg12[%swap3A_1888, %swap3A_1889], %swap3A_1892 {strides = array<i32>} : memref<128x128xf32, #tpu.memory_space<vmem>>, vector<1x16xf32>,
        %get3A_1893 = arith.index_cast %add3A_1824 : i32 to index
        %get3A_1894 = arith.constant 96 : index
        %get3A_1895 = tpu.vector_load %arg12[%get3A_1893, %get3A_1894] {strides = array<i32>} : memref<128x128xf32, #tpu.memory_space<vmem>>, vector<1x16xf32>,
        %get3A_1896 = vector.shape_cast %get3A_1895 : vector<1x16xf32> to vector<16xf32>
        %mul3A_1897 = vector.broadcast %squeeze3A_1826 : f32 to vector<16xf32>
        %mul3A_1898 = arith.mulf %get3A_1896, %mul3A_1897 : vector<16xf32>
        %swap3A_1899 = arith.index_cast %add3A_1824 : i32 to index
        %swap3A_1900 = arith.constant 96 : index
        %swap3A_1901 = tpu.vector_load %arg12[%swap3A_1899, %swap3A_1900] {strides = array<i32>} : memref<128x128xf32, #tpu.memory_space<vmem>>, vector<1x16xf32>,
        %swap3A_1902 = vector.shape_cast %swap3A_1901 : vector<1x16xf32> to vector<16xf32>
        %swap3A_1903 = vector.shape_cast %mul3A_1898 : vector<16xf32> to vector<1x16xf32>
        tpu.vector_store %arg12[%swap3A_1899, %swap3A_1900], %swap3A_1903 {strides = array<i32>} : memref<128x128xf32, #tpu.memory_space<vmem>>, vector<1x16xf32>,
        %get3A_1904 = arith.index_cast %add3A_1824 : i32 to index
        %get3A_1905 = arith.constant 112 : index
        %get3A_1906 = tpu.vector_load %arg12[%get3A_1904, %get3A_1905] {strides = array<i32>} : memref<128x128xf32, #tpu.memory_space<vmem>>, vector<1x16xf32>,
        %get3A_1907 = vector.shape_cast %get3A_1906 : vector<1x16xf32> to vector<16xf32>
        %mul3A_1908 = vector.broadcast %squeeze3A_1826 : f32 to vector<16xf32>
        %mul3A_1909 = arith.mulf %get3A_1907, %mul3A_1908 : vector<16xf32>
        %swap3A_1910 = arith.index_cast %add3A_1824 : i32 to index
        %swap3A_1911 = arith.constant 112 : index
        %swap3A_1912 = tpu.vector_load %arg12[%swap3A_1910, %swap3A_1911] {strides = array<i32>} : memref<128x128xf32, #tpu.memory_space<vmem>>, vector<1x16xf32>,
        %swap3A_1913 = vector.shape_cast %swap3A_1912 : vector<1x16xf32> to vector<16xf32>
        %swap3A_1914 = vector.shape_cast %mul3A_1909 : vector<16xf32> to vector<1x16xf32>
        tpu.vector_store %arg12[%swap3A_1910, %swap3A_1911], %swap3A_1914 {strides = array<i32>} : memref<128x128xf32, #tpu.memory_space<vmem>>, vector<1x16xf32>,
        %scan3A_1915 = arith.constant 0 : i32
        scf.yield %scan3A_1915 : i32
      }
      %scan3A_368 = arith.constant 8 : i32
      %dma_start3A_369 = arith.constant 0 : i32
      %dma_start3A_370 = tpu.memref_slice %arg9[%rem3A_327, %rem3A_329, %dma_start3A_369] : memref<2x8x128xi32, #tpu.memory_space<vmem>> -> memref<1x1x128xi32, #tpu.memory_space<vmem>>
      %dma_start3A_371 = tpu.memref_squeeze %dma_start3A_370 : memref<1x1x128xi32, #tpu.memory_space<vmem>> -> memref<128xi32, #tpu.memory_space<vmem>>
      %dma_start3A_372 = arith.constant 0 : i32
      %dma_start3A_373 = arith.constant 0 : i32
      %dma_start3A_374 = tpu.memref_slice %arg8[%dma_start3A_372, %dma_start3A_373] : memref<10240x128xf32, #tpu.memory_space<vmem_shared>> -> memref<10240x128xf32, #tpu.memory_space<vmem_shared>>
      tpu.enqueue_indirect_dma source(%arg12 : memref<128x128xf32, #tpu.memory_space<vmem>>) target(%dma_start3A_374 : memref<10240x128xf32, #tpu.memory_space<vmem_shared>>) offsets(%dma_start3A_371 : memref<128xi32, #tpu.memory_space<vmem>>) semaphore(%arg16 : memref<!tpu.dma_semaphore, #tpu.memory_space<semaphore_mem>>) {add = true}
      %dma_wait3A_375 = arith.constant 0 : i32
      %dma_wait3A_376 = tpu.memref_slice %arg10[%rem3A_327, %rem3A_335, %dma_wait3A_375] : memref<2x8x128xi32, #tpu.memory_space<vmem>> -> memref<1x1x128xi32, #tpu.memory_space<vmem>>
      %dma_wait3A_377 = tpu.memref_squeeze %dma_wait3A_376 : memref<1x1x128xi32, #tpu.memory_space<vmem>> -> memref<128xi32, #tpu.memory_space<vmem>>
      %dma_wait3A_378 = arith.constant 0 : i32
      %dma_wait3A_379 = arith.constant 0 : i32
      %dma_wait3A_380 = tpu.memref_slice %arg2[%dma_wait3A_378, %dma_wait3A_379] : memref<10240x128xf32, #tpu.memory_space<hbm>> -> memref<10240x128xf32, #tpu.memory_space<hbm>>
      tpu.wait_indirect_dma semaphore(%arg15 : memref<!tpu.dma_semaphore, #tpu.memory_space<semaphore_mem>>) src(%dma_wait3A_380 : memref<10240x128xf32, #tpu.memory_space<hbm>>) dst(%arg13 : memref<128x128xf32, #tpu.memory_space<vmem>>)
      %scan3A_381 = arith.constant 0 : i32
      %scan3A_382 = arith.constant 0 : i32
      %scan3A_383 = arith.constant 8 : i32
      %scan3A_384 = arith.addi %scan3A_382, %scan3A_383 : i32
      %scan3A_385 = arith.constant 1 : i32
      %scan3A_386 = scf.for %scan3A_406 = %scan3A_382 to %scan3A_384 step %scan3A_385 iter_args(%scan3A_407 = %scan3A_381) -> (i32)  : i32 {
        %mul3A_408 = arith.constant 16 : i32
        %mul3A_409 = arith.muli %scan3A_406, %mul3A_408 : i32
        %get3A = arith.index_cast %rem3A_327 : i32 to index
        %get3A_410 = arith.index_cast %rem3A_335 : i32 to index
        %get3A_411 = arith.index_cast %mul3A_409 : i32 to index
        %get3A_412 = tpu.vector_load %arg11[%get3A, %get3A_410, %get3A_411] {strides = array<i32>} : memref<2x8x128xf32, #tpu.memory_space<vmem>>, vector<1x1x16xf32>,
        %get3A_413 = vector.shape_cast %get3A_412 : vector<1x1x16xf32> to vector<16xf32>
        %mul3A_414 = arith.constant 16 : i32
        %mul3A_415 = arith.muli %scan3A_406, %mul3A_414 : i32
        %add3A_416 = arith.constant 0 : i32
        %add3A_417 = arith.addi %mul3A_415, %add3A_416 : i32
        %slice3A = vector.extract_strided_slice %get3A_413 {offsets = [0], sizes = [1], strides = [1]} : vector<16xf32> to vector<1xf32>
        %squeeze3A = vector.extract %slice3A[0] : f32 from vector<1xf32>
        %get3A_418 = arith.index_cast %add3A_417 : i32 to index
        %get3A_419 = arith.constant 0 : index
        %get3A_420 = tpu.vector_load %arg13[%get3A_418, %get3A_419] {strides = array<i32>} : memref<128x128xf32, #tpu.memory_space<vmem>>, vector<1x16xf32>,
        %get3A_421 = vector.shape_cast %get3A_420 : vector<1x16xf32> to vector<16xf32>
        %mul3A_422 = vector.broadcast %squeeze3A : f32 to vector<16xf32>
        %mul3A_423 = arith.mulf %get3A_421, %mul3A_422 : vector<16xf32>
        %swap3A = arith.index_cast %add3A_417 : i32 to index
        %swap3A_424 = arith.constant 0 : index
        %swap3A_425 = tpu.vector_load %arg13[%swap3A, %swap3A_424] {strides = array<i32>} : memref<128x128xf32, #tpu.memory_space<vmem>>, vector<1x16xf32>,
        %swap3A_426 = vector.shape_cast %swap3A_425 : vector<1x16xf32> to vector<16xf32>
        %swap3A_427 = vector.shape_cast %mul3A_423 : vector<16xf32> to vector<1x16xf32>
        tpu.vector_store %arg13[%swap3A, %swap3A_424], %swap3A_427 {strides = array<i32>} : memref<128x128xf32, #tpu.memory_space<vmem>>, vector<1x16xf32>,
        %get3A_428 = arith.index_cast %add3A_417 : i32 to index
        %get3A_429 = arith.constant 16 : index
        %get3A_430 = tpu.vector_load %arg13[%get3A_428, %get3A_429] {strides = array<i32>} : memref<128x128xf32, #tpu.memory_space<vmem>>, vector<1x16xf32>,
        %get3A_431 = vector.shape_cast %get3A_430 : vector<1x16xf32> to vector<16xf32>
        %mul3A_432 = vector.broadcast %squeeze3A : f32 to vector<16xf32>
        %mul3A_433 = arith.mulf %get3A_431, %mul3A_432 : vector<16xf32>
        %swap3A_434 = arith.index_cast %add3A_417 : i32 to index
        %swap3A_435 = arith.constant 16 : index
        %swap3A_436 = tpu.vector_load %arg13[%swap3A_434, %swap3A_435] {strides = array<i32>} : memref<128x128xf32, #tpu.memory_space<vmem>>, vector<1x16xf32>,
        %swap3A_437 = vector.shape_cast %swap3A_436 : vector<1x16xf32> to vector<16xf32>
        %swap3A_438 = vector.shape_cast %mul3A_433 : vector<16xf32> to vector<1x16xf32>
        tpu.vector_store %arg13[%swap3A_434, %swap3A_435], %swap3A_438 {strides = array<i32>} : memref<128x128xf32, #tpu.memory_space<vmem>>, vector<1x16xf32>,
        %get3A_439 = arith.index_cast %add3A_417 : i32 to index
        %get3A_440 = arith.constant 32 : index
        %get3A_441 = tpu.vector_load %arg13[%get3A_439, %get3A_440] {strides = array<i32>} : memref<128x128xf32, #tpu.memory_space<vmem>>, vector<1x16xf32>,
        %get3A_442 = vector.shape_cast %get3A_441 : vector<1x16xf32> to vector<16xf32>
        %mul3A_443 = vector.broadcast %squeeze3A : f32 to vector<16xf32>
        %mul3A_444 = arith.mulf %get3A_442, %mul3A_443 : vector<16xf32>
        %swap3A_445 = arith.index_cast %add3A_417 : i32 to index
        %swap3A_446 = arith.constant 32 : index
        %swap3A_447 = tpu.vector_load %arg13[%swap3A_445, %swap3A_446] {strides = array<i32>} : memref<128x128xf32, #tpu.memory_space<vmem>>, vector<1x16xf32>,
        %swap3A_448 = vector.shape_cast %swap3A_447 : vector<1x16xf32> to vector<16xf32>
        %swap3A_449 = vector.shape_cast %mul3A_444 : vector<16xf32> to vector<1x16xf32>
        tpu.vector_store %arg13[%swap3A_445, %swap3A_446], %swap3A_449 {strides = array<i32>} : memref<128x128xf32, #tpu.memory_space<vmem>>, vector<1x16xf32>,
        %get3A_450 = arith.index_cast %add3A_417 : i32 to index
        %get3A_451 = arith.constant 48 : index
        %get3A_452 = tpu.vector_load %arg13[%get3A_450, %get3A_451] {strides = array<i32>} : memref<128x128xf32, #tpu.memory_space<vmem>>, vector<1x16xf32>,
        %get3A_453 = vector.shape_cast %get3A_452 : vector<1x16xf32> to vector<16xf32>
        %mul3A_454 = vector.broadcast %squeeze3A : f32 to vector<16xf32>
        %mul3A_455 = arith.mulf %get3A_453, %mul3A_454 : vector<16xf32>
        %swap3A_456 = arith.index_cast %add3A_417 : i32 to index
        %swap3A_457 = arith.constant 48 : index
        %swap3A_458 = tpu.vector_load %arg13[%swap3A_456, %swap3A_457] {strides = array<i32>} : memref<128x128xf32, #tpu.memory_space<vmem>>, vector<1x16xf32>,
        %swap3A_459 = vector.shape_cast %swap3A_458 : vector<1x16xf32> to vector<16xf32>
        %swap3A_460 = vector.shape_cast %mul3A_455 : vector<16xf32> to vector<1x16xf32>
        tpu.vector_store %arg13[%swap3A_456, %swap3A_457], %swap3A_460 {strides = array<i32>} : memref<128x128xf32, #tpu.memory_space<vmem>>, vector<1x16xf32>,
        %get3A_461 = arith.index_cast %add3A_417 : i32 to index
        %get3A_462 = arith.constant 64 : index
        %get3A_463 = tpu.vector_load %arg13[%get3A_461, %get3A_462] {strides = array<i32>} : memref<128x128xf32, #tpu.memory_space<vmem>>, vector<1x16xf32>,
        %get3A_464 = vector.shape_cast %get3A_463 : vector<1x16xf32> to vector<16xf32>
        %mul3A_465 = vector.broadcast %squeeze3A : f32 to vector<16xf32>
        %mul3A_466 = arith.mulf %get3A_464, %mul3A_465 : vector<16xf32>
        %swap3A_467 = arith.index_cast %add3A_417 : i32 to index
        %swap3A_468 = arith.constant 64 : index
        %swap3A_469 = tpu.vector_load %arg13[%swap3A_467, %swap3A_468] {strides = array<i32>} : memref<128x128xf32, #tpu.memory_space<vmem>>, vector<1x16xf32>,
        %swap3A_470 = vector.shape_cast %swap3A_469 : vector<1x16xf32> to vector<16xf32>
        %swap3A_471 = vector.shape_cast %mul3A_466 : vector<16xf32> to vector<1x16xf32>
        tpu.vector_store %arg13[%swap3A_467, %swap3A_468], %swap3A_471 {strides = array<i32>} : memref<128x128xf32, #tpu.memory_space<vmem>>, vector<1x16xf32>,
        %get3A_472 = arith.index_cast %add3A_417 : i32 to index
        %get3A_473 = arith.constant 80 : index
        %get3A_474 = tpu.vector_load %arg13[%get3A_472, %get3A_473] {strides = array<i32>} : memref<128x128xf32, #tpu.memory_space<vmem>>, vector<1x16xf32>,
        %get3A_475 = vector.shape_cast %get3A_474 : vector<1x16xf32> to vector<16xf32>
        %mul3A_476 = vector.broadcast %squeeze3A : f32 to vector<16xf32>
        %mul3A_477 = arith.mulf %get3A_475, %mul3A_476 : vector<16xf32>
        %swap3A_478 = arith.index_cast %add3A_417 : i32 to index
        %swap3A_479 = arith.constant 80 : index
        %swap3A_480 = tpu.vector_load %arg13[%swap3A_478, %swap3A_479] {strides = array<i32>} : memref<128x128xf32, #tpu.memory_space<vmem>>, vector<1x16xf32>,
        %swap3A_481 = vector.shape_cast %swap3A_480 : vector<1x16xf32> to vector<16xf32>
        %swap3A_482 = vector.shape_cast %mul3A_477 : vector<16xf32> to vector<1x16xf32>
        tpu.vector_store %arg13[%swap3A_478, %swap3A_479], %swap3A_482 {strides = array<i32>} : memref<128x128xf32, #tpu.memory_space<vmem>>, vector<1x16xf32>,
        %get3A_483 = arith.index_cast %add3A_417 : i32 to index
        %get3A_484 = arith.constant 96 : index
        %get3A_485 = tpu.vector_load %arg13[%get3A_483, %get3A_484] {strides = array<i32>} : memref<128x128xf32, #tpu.memory_space<vmem>>, vector<1x16xf32>,
        %get3A_486 = vector.shape_cast %get3A_485 : vector<1x16xf32> to vector<16xf32>
        %mul3A_487 = vector.broadcast %squeeze3A : f32 to vector<16xf32>
        %mul3A_488 = arith.mulf %get3A_486, %mul3A_487 : vector<16xf32>
        %swap3A_489 = arith.index_cast %add3A_417 : i32 to index
        %swap3A_490 = arith.constant 96 : index
        %swap3A_491 = tpu.vector_load %arg13[%swap3A_489, %swap3A_490] {strides = array<i32>} : memref<128x128xf32, #tpu.memory_space<vmem>>, vector<1x16xf32>,
        %swap3A_492 = vector.shape_cast %swap3A_491 : vector<1x16xf32> to vector<16xf32>
        %swap3A_493 = vector.shape_cast %mul3A_488 : vector<16xf32> to vector<1x16xf32>
        tpu.vector_store %arg13[%swap3A_489, %swap3A_490], %swap3A_493 {strides = array<i32>} : memref<128x128xf32, #tpu.memory_space<vmem>>, vector<1x16xf32>,
        %get3A_494 = arith.index_cast %add3A_417 : i32 to index
        %get3A_495 = arith.constant 112 : index
        %get3A_496 = tpu.vector_load %arg13[%get3A_494, %get3A_495] {strides = array<i32>} : memref<128x128xf32, #tpu.memory_space<vmem>>, vector<1x16xf32>,
        %get3A_497 = vector.shape_cast %get3A_496 : vector<1x16xf32> to vector<16xf32>
        %mul3A_498 = vector.broadcast %squeeze3A : f32 to vector<16xf32>
        %mul3A_499 = arith.mulf %get3A_497, %mul3A_498 : vector<16xf32>
        %swap3A_500 = arith.index_cast %add3A_417 : i32 to index
        %swap3A_501 = arith.constant 112 : index
        %swap3A_502 = tpu.vector_load %arg13[%swap3A_500, %swap3A_501] {strides = array<i32>} : memref<128x128xf32, #tpu.memory_space<vmem>>, vector<1x16xf32>,
        %swap3A_503 = vector.shape_cast %swap3A_502 : vector<1x16xf32> to vector<16xf32>
        %swap3A_504 = vector.shape_cast %mul3A_499 : vector<16xf32> to vector<1x16xf32>
        tpu.vector_store %arg13[%swap3A_500, %swap3A_501], %swap3A_504 {strides = array<i32>} : memref<128x128xf32, #tpu.memory_space<vmem>>, vector<1x16xf32>,
        %mul3A_505 = arith.constant 16 : i32
        %mul3A_506 = arith.muli %scan3A_406, %mul3A_505 : i32
        %add3A_507 = arith.constant 1 : i32
        %add3A_508 = arith.addi %mul3A_506, %add3A_507 : i32
        %slice3A_509 = vector.extract_strided_slice %get3A_413 {offsets = [1], sizes = [1], strides = [1]} : vector<16xf32> to vector<1xf32>
        %squeeze3A_510 = vector.extract %slice3A_509[0] : f32 from vector<1xf32>
        %get3A_511 = arith.index_cast %add3A_508 : i32 to index
        %get3A_512 = arith.constant 0 : index
        %get3A_513 = tpu.vector_load %arg13[%get3A_511, %get3A_512] {strides = array<i32>} : memref<128x128xf32, #tpu.memory_space<vmem>>, vector<1x16xf32>,
        %get3A_514 = vector.shape_cast %get3A_513 : vector<1x16xf32> to vector<16xf32>
        %mul3A_515 = vector.broadcast %squeeze3A_510 : f32 to vector<16xf32>
        %mul3A_516 = arith.mulf %get3A_514, %mul3A_515 : vector<16xf32>
        %swap3A_517 = arith.index_cast %add3A_508 : i32 to index
        %swap3A_518 = arith.constant 0 : index
        %swap3A_519 = tpu.vector_load %arg13[%swap3A_517, %swap3A_518] {strides = array<i32>} : memref<128x128xf32, #tpu.memory_space<vmem>>, vector<1x16xf32>,
        %swap3A_520 = vector.shape_cast %swap3A_519 : vector<1x16xf32> to vector<16xf32>
        %swap3A_521 = vector.shape_cast %mul3A_516 : vector<16xf32> to vector<1x16xf32>
        tpu.vector_store %arg13[%swap3A_517, %swap3A_518], %swap3A_521 {strides = array<i32>} : memref<128x128xf32, #tpu.memory_space<vmem>>, vector<1x16xf32>,
        %get3A_522 = arith.index_cast %add3A_508 : i32 to index
        %get3A_523 = arith.constant 16 : index
        %get3A_524 = tpu.vector_load %arg13[%get3A_522, %get3A_523] {strides = array<i32>} : memref<128x128xf32, #tpu.memory_space<vmem>>, vector<1x16xf32>,
        %get3A_525 = vector.shape_cast %get3A_524 : vector<1x16xf32> to vector<16xf32>
        %mul3A_526 = vector.broadcast %squeeze3A_510 : f32 to vector<16xf32>
        %mul3A_527 = arith.mulf %get3A_525, %mul3A_526 : vector<16xf32>
        %swap3A_528 = arith.index_cast %add3A_508 : i32 to index
        %swap3A_529 = arith.constant 16 : index
        %swap3A_530 = tpu.vector_load %arg13[%swap3A_528, %swap3A_529] {strides = array<i32>} : memref<128x128xf32, #tpu.memory_space<vmem>>, vector<1x16xf32>,
        %swap3A_531 = vector.shape_cast %swap3A_530 : vector<1x16xf32> to vector<16xf32>
        %swap3A_532 = vector.shape_cast %mul3A_527 : vector<16xf32> to vector<1x16xf32>
        tpu.vector_store %arg13[%swap3A_528, %swap3A_529], %swap3A_532 {strides = array<i32>} : memref<128x128xf32, #tpu.memory_space<vmem>>, vector<1x16xf32>,
        %get3A_533 = arith.index_cast %add3A_508 : i32 to index
        %get3A_534 = arith.constant 32 : index
        %get3A_535 = tpu.vector_load %arg13[%get3A_533, %get3A_534] {strides = array<i32>} : memref<128x128xf32, #tpu.memory_space<vmem>>, vector<1x16xf32>,
        %get3A_536 = vector.shape_cast %get3A_535 : vector<1x16xf32> to vector<16xf32>
        %mul3A_537 = vector.broadcast %squeeze3A_510 : f32 to vector<16xf32>
        %mul3A_538 = arith.mulf %get3A_536, %mul3A_537 : vector<16xf32>
        %swap3A_539 = arith.index_cast %add3A_508 : i32 to index
        %swap3A_540 = arith.constant 32 : index
        %swap3A_541 = tpu.vector_load %arg13[%swap3A_539, %swap3A_540] {strides = array<i32>} : memref<128x128xf32, #tpu.memory_space<vmem>>, vector<1x16xf32>,
        %swap3A_542 = vector.shape_cast %swap3A_541 : vector<1x16xf32> to vector<16xf32>
        %swap3A_543 = vector.shape_cast %mul3A_538 : vector<16xf32> to vector<1x16xf32>
        tpu.vector_store %arg13[%swap3A_539, %swap3A_540], %swap3A_543 {strides = array<i32>} : memref<128x128xf32, #tpu.memory_space<vmem>>, vector<1x16xf32>,
        %get3A_544 = arith.index_cast %add3A_508 : i32 to index
        %get3A_545 = arith.constant 48 : index
        %get3A_546 = tpu.vector_load %arg13[%get3A_544, %get3A_545] {strides = array<i32>} : memref<128x128xf32, #tpu.memory_space<vmem>>, vector<1x16xf32>,
        %get3A_547 = vector.shape_cast %get3A_546 : vector<1x16xf32> to vector<16xf32>
        %mul3A_548 = vector.broadcast %squeeze3A_510 : f32 to vector<16xf32>
        %mul3A_549 = arith.mulf %get3A_547, %mul3A_548 : vector<16xf32>
        %swap3A_550 = arith.index_cast %add3A_508 : i32 to index
        %swap3A_551 = arith.constant 48 : index
        %swap3A_552 = tpu.vector_load %arg13[%swap3A_550, %swap3A_551] {strides = array<i32>} : memref<128x128xf32, #tpu.memory_space<vmem>>, vector<1x16xf32>,
        %swap3A_553 = vector.shape_cast %swap3A_552 : vector<1x16xf32> to vector<16xf32>
        %swap3A_554 = vector.shape_cast %mul3A_549 : vector<16xf32> to vector<1x16xf32>
        tpu.vector_store %arg13[%swap3A_550, %swap3A_551], %swap3A_554 {strides = array<i32>} : memref<128x128xf32, #tpu.memory_space<vmem>>, vector<1x16xf32>,
        %get3A_555 = arith.index_cast %add3A_508 : i32 to index
        %get3A_556 = arith.constant 64 : index
        %get3A_557 = tpu.vector_load %arg13[%get3A_555, %get3A_556] {strides = array<i32>} : memref<128x128xf32, #tpu.memory_space<vmem>>, vector<1x16xf32>,
        %get3A_558 = vector.shape_cast %get3A_557 : vector<1x16xf32> to vector<16xf32>
        %mul3A_559 = vector.broadcast %squeeze3A_510 : f32 to vector<16xf32>
        %mul3A_560 = arith.mulf %get3A_558, %mul3A_559 : vector<16xf32>
        %swap3A_561 = arith.index_cast %add3A_508 : i32 to index
        %swap3A_562 = arith.constant 64 : index
        %swap3A_563 = tpu.vector_load %arg13[%swap3A_561, %swap3A_562] {strides = array<i32>} : memref<128x128xf32, #tpu.memory_space<vmem>>, vector<1x16xf32>,
        %swap3A_564 = vector.shape_cast %swap3A_563 : vector<1x16xf32> to vector<16xf32>
        %swap3A_565 = vector.shape_cast %mul3A_560 : vector<16xf32> to vector<1x16xf32>
        tpu.vector_store %arg13[%swap3A_561, %swap3A_562], %swap3A_565 {strides = array<i32>} : memref<128x128xf32, #tpu.memory_space<vmem>>, vector<1x16xf32>,
        %get3A_566 = arith.index_cast %add3A_508 : i32 to index
        %get3A_567 = arith.constant 80 : index
        %get3A_568 = tpu.vector_load %arg13[%get3A_566, %get3A_567] {strides = array<i32>} : memref<128x128xf32, #tpu.memory_space<vmem>>, vector<1x16xf32>,
        %get3A_569 = vector.shape_cast %get3A_568 : vector<1x16xf32> to vector<16xf32>
        %mul3A_570 = vector.broadcast %squeeze3A_510 : f32 to vector<16xf32>
        %mul3A_571 = arith.mulf %get3A_569, %mul3A_570 : vector<16xf32>
        %swap3A_572 = arith.index_cast %add3A_508 : i32 to index
        %swap3A_573 = arith.constant 80 : index
        %swap3A_574 = tpu.vector_load %arg13[%swap3A_572, %swap3A_573] {strides = array<i32>} : memref<128x128xf32, #tpu.memory_space<vmem>>, vector<1x16xf32>,
        %swap3A_575 = vector.shape_cast %swap3A_574 : vector<1x16xf32> to vector<16xf32>
        %swap3A_576 = vector.shape_cast %mul3A_571 : vector<16xf32> to vector<1x16xf32>
        tpu.vector_store %arg13[%swap3A_572, %swap3A_573], %swap3A_576 {strides = array<i32>} : memref<128x128xf32, #tpu.memory_space<vmem>>, vector<1x16xf32>,
        %get3A_577 = arith.index_cast %add3A_508 : i32 to index
        %get3A_578 = arith.constant 96 : index
        %get3A_579 = tpu.vector_load %arg13[%get3A_577, %get3A_578] {strides = array<i32>} : memref<128x128xf32, #tpu.memory_space<vmem>>, vector<1x16xf32>,
        %get3A_580 = vector.shape_cast %get3A_579 : vector<1x16xf32> to vector<16xf32>
        %mul3A_581 = vector.broadcast %squeeze3A_510 : f32 to vector<16xf32>
        %mul3A_582 = arith.mulf %get3A_580, %mul3A_581 : vector<16xf32>
        %swap3A_583 = arith.index_cast %add3A_508 : i32 to index
        %swap3A_584 = arith.constant 96 : index
        %swap3A_585 = tpu.vector_load %arg13[%swap3A_583, %swap3A_584] {strides = array<i32>} : memref<128x128xf32, #tpu.memory_space<vmem>>, vector<1x16xf32>,
        %swap3A_586 = vector.shape_cast %swap3A_585 : vector<1x16xf32> to vector<16xf32>
        %swap3A_587 = vector.shape_cast %mul3A_582 : vector<16xf32> to vector<1x16xf32>
        tpu.vector_store %arg13[%swap3A_583, %swap3A_584], %swap3A_587 {strides = array<i32>} : memref<128x128xf32, #tpu.memory_space<vmem>>, vector<1x16xf32>,
        %get3A_588 = arith.index_cast %add3A_508 : i32 to index
        %get3A_589 = arith.constant 112 : index
        %get3A_590 = tpu.vector_load %arg13[%get3A_588, %get3A_589] {strides = array<i32>} : memref<128x128xf32, #tpu.memory_space<vmem>>, vector<1x16xf32>,
        %get3A_591 = vector.shape_cast %get3A_590 : vector<1x16xf32> to vector<16xf32>
        %mul3A_592 = vector.broadcast %squeeze3A_510 : f32 to vector<16xf32>
        %mul3A_593 = arith.mulf %get3A_591, %mul3A_592 : vector<16xf32>
        %swap3A_594 = arith.index_cast %add3A_508 : i32 to index
        %swap3A_595 = arith.constant 112 : index
        %swap3A_596 = tpu.vector_load %arg13[%swap3A_594, %swap3A_595] {strides = array<i32>} : memref<128x128xf32, #tpu.memory_space<vmem>>, vector<1x16xf32>,
        %swap3A_597 = vector.shape_cast %swap3A_596 : vector<1x16xf32> to vector<16xf32>
        %swap3A_598 = vector.shape_cast %mul3A_593 : vector<16xf32> to vector<1x16xf32>
        tpu.vector_store %arg13[%swap3A_594, %swap3A_595], %swap3A_598 {strides = array<i32>} : memref<128x128xf32, #tpu.memory_space<vmem>>, vector<1x16xf32>,
        %mul3A_599 = arith.constant 16 : i32
        %mul3A_600 = arith.muli %scan3A_406, %mul3A_599 : i32
        %add3A_601 = arith.constant 2 : i32
        %add3A_602 = arith.addi %mul3A_600, %add3A_601 : i32
        %slice3A_603 = vector.extract_strided_slice %get3A_413 {offsets = [2], sizes = [1], strides = [1]} : vector<16xf32> to vector<1xf32>
        %squeeze3A_604 = vector.extract %slice3A_603[0] : f32 from vector<1xf32>
        %get3A_605 = arith.index_cast %add3A_602 : i32 to index
        %get3A_606 = arith.constant 0 : index
        %get3A_607 = tpu.vector_load %arg13[%get3A_605, %get3A_606] {strides = array<i32>} : memref<128x128xf32, #tpu.memory_space<vmem>>, vector<1x16xf32>,
        %get3A_608 = vector.shape_cast %get3A_607 : vector<1x16xf32> to vector<16xf32>
        %mul3A_609 = vector.broadcast %squeeze3A_604 : f32 to vector<16xf32>
        %mul3A_610 = arith.mulf %get3A_608, %mul3A_609 : vector<16xf32>
        %swap3A_611 = arith.index_cast %add3A_602 : i32 to index
        %swap3A_612 = arith.constant 0 : index
        %swap3A_613 = tpu.vector_load %arg13[%swap3A_611, %swap3A_612] {strides = array<i32>} : memref<128x128xf32, #tpu.memory_space<vmem>>, vector<1x16xf32>,
        %swap3A_614 = vector.shape_cast %swap3A_613 : vector<1x16xf32> to vector<16xf32>
        %swap3A_615 = vector.shape_cast %mul3A_610 : vector<16xf32> to vector<1x16xf32>
        tpu.vector_store %arg13[%swap3A_611, %swap3A_612], %swap3A_615 {strides = array<i32>} : memref<128x128xf32, #tpu.memory_space<vmem>>, vector<1x16xf32>,
        %get3A_616 = arith.index_cast %add3A_602 : i32 to index
        %get3A_617 = arith.constant 16 : index
        %get3A_618 = tpu.vector_load %arg13[%get3A_616, %get3A_617] {strides = array<i32>} : memref<128x128xf32, #tpu.memory_space<vmem>>, vector<1x16xf32>,
        %get3A_619 = vector.shape_cast %get3A_618 : vector<1x16xf32> to vector<16xf32>
        %mul3A_620 = vector.broadcast %squeeze3A_604 : f32 to vector<16xf32>
        %mul3A_621 = arith.mulf %get3A_619, %mul3A_620 : vector<16xf32>
        %swap3A_622 = arith.index_cast %add3A_602 : i32 to index
        %swap3A_623 = arith.constant 16 : index
        %swap3A_624 = tpu.vector_load %arg13[%swap3A_622, %swap3A_623] {strides = array<i32>} : memref<128x128xf32, #tpu.memory_space<vmem>>, vector<1x16xf32>,
        %swap3A_625 = vector.shape_cast %swap3A_624 : vector<1x16xf32> to vector<16xf32>
        %swap3A_626 = vector.shape_cast %mul3A_621 : vector<16xf32> to vector<1x16xf32>
        tpu.vector_store %arg13[%swap3A_622, %swap3A_623], %swap3A_626 {strides = array<i32>} : memref<128x128xf32, #tpu.memory_space<vmem>>, vector<1x16xf32>,
        %get3A_627 = arith.index_cast %add3A_602 : i32 to index
        %get3A_628 = arith.constant 32 : index
        %get3A_629 = tpu.vector_load %arg13[%get3A_627, %get3A_628] {strides = array<i32>} : memref<128x128xf32, #tpu.memory_space<vmem>>, vector<1x16xf32>,
        %get3A_630 = vector.shape_cast %get3A_629 : vector<1x16xf32> to vector<16xf32>
        %mul3A_631 = vector.broadcast %squeeze3A_604 : f32 to vector<16xf32>
        %mul3A_632 = arith.mulf %get3A_630, %mul3A_631 : vector<16xf32>
        %swap3A_633 = arith.index_cast %add3A_602 : i32 to index
        %swap3A_634 = arith.constant 32 : index
        %swap3A_635 = tpu.vector_load %arg13[%swap3A_633, %swap3A_634] {strides = array<i32>} : memref<128x128xf32, #tpu.memory_space<vmem>>, vector<1x16xf32>,
        %swap3A_636 = vector.shape_cast %swap3A_635 : vector<1x16xf32> to vector<16xf32>
        %swap3A_637 = vector.shape_cast %mul3A_632 : vector<16xf32> to vector<1x16xf32>
        tpu.vector_store %arg13[%swap3A_633, %swap3A_634], %swap3A_637 {strides = array<i32>} : memref<128x128xf32, #tpu.memory_space<vmem>>, vector<1x16xf32>,
        %get3A_638 = arith.index_cast %add3A_602 : i32 to index
        %get3A_639 = arith.constant 48 : index
        %get3A_640 = tpu.vector_load %arg13[%get3A_638, %get3A_639] {strides = array<i32>} : memref<128x128xf32, #tpu.memory_space<vmem>>, vector<1x16xf32>,
        %get3A_641 = vector.shape_cast %get3A_640 : vector<1x16xf32> to vector<16xf32>
        %mul3A_642 = vector.broadcast %squeeze3A_604 : f32 to vector<16xf32>
        %mul3A_643 = arith.mulf %get3A_641, %mul3A_642 : vector<16xf32>
        %swap3A_644 = arith.index_cast %add3A_602 : i32 to index
        %swap3A_645 = arith.constant 48 : index
        %swap3A_646 = tpu.vector_load %arg13[%swap3A_644, %swap3A_645] {strides = array<i32>} : memref<128x128xf32, #tpu.memory_space<vmem>>, vector<1x16xf32>,
        %swap3A_647 = vector.shape_cast %swap3A_646 : vector<1x16xf32> to vector<16xf32>
        %swap3A_648 = vector.shape_cast %mul3A_643 : vector<16xf32> to vector<1x16xf32>
        tpu.vector_store %arg13[%swap3A_644, %swap3A_645], %swap3A_648 {strides = array<i32>} : memref<128x128xf32, #tpu.memory_space<vmem>>, vector<1x16xf32>,
        %get3A_649 = arith.index_cast %add3A_602 : i32 to index
        %get3A_650 = arith.constant 64 : index
        %get3A_651 = tpu.vector_load %arg13[%get3A_649, %get3A_650] {strides = array<i32>} : memref<128x128xf32, #tpu.memory_space<vmem>>, vector<1x16xf32>,
        %get3A_652 = vector.shape_cast %get3A_651 : vector<1x16xf32> to vector<16xf32>
        %mul3A_653 = vector.broadcast %squeeze3A_604 : f32 to vector<16xf32>
        %mul3A_654 = arith.mulf %get3A_652, %mul3A_653 : vector<16xf32>
        %swap3A_655 = arith.index_cast %add3A_602 : i32 to index
        %swap3A_656 = arith.constant 64 : index
        %swap3A_657 = tpu.vector_load %arg13[%swap3A_655, %swap3A_656] {strides = array<i32>} : memref<128x128xf32, #tpu.memory_space<vmem>>, vector<1x16xf32>,
        %swap3A_658 = vector.shape_cast %swap3A_657 : vector<1x16xf32> to vector<16xf32>
        %swap3A_659 = vector.shape_cast %mul3A_654 : vector<16xf32> to vector<1x16xf32>
        tpu.vector_store %arg13[%swap3A_655, %swap3A_656], %swap3A_659 {strides = array<i32>} : memref<128x128xf32, #tpu.memory_space<vmem>>, vector<1x16xf32>,
        %get3A_660 = arith.index_cast %add3A_602 : i32 to index
        %get3A_661 = arith.constant 80 : index
        %get3A_662 = tpu.vector_load %arg13[%get3A_660, %get3A_661] {strides = array<i32>} : memref<128x128xf32, #tpu.memory_space<vmem>>, vector<1x16xf32>,
        %get3A_663 = vector.shape_cast %get3A_662 : vector<1x16xf32> to vector<16xf32>
        %mul3A_664 = vector.broadcast %squeeze3A_604 : f32 to vector<16xf32>
        %mul3A_665 = arith.mulf %get3A_663, %mul3A_664 : vector<16xf32>
        %swap3A_666 = arith.index_cast %add3A_602 : i32 to index
        %swap3A_667 = arith.constant 80 : index
        %swap3A_668 = tpu.vector_load %arg13[%swap3A_666, %swap3A_667] {strides = array<i32>} : memref<128x128xf32, #tpu.memory_space<vmem>>, vector<1x16xf32>,
        %swap3A_669 = vector.shape_cast %swap3A_668 : vector<1x16xf32> to vector<16xf32>
        %swap3A_670 = vector.shape_cast %mul3A_665 : vector<16xf32> to vector<1x16xf32>
        tpu.vector_store %arg13[%swap3A_666, %swap3A_667], %swap3A_670 {strides = array<i32>} : memref<128x128xf32, #tpu.memory_space<vmem>>, vector<1x16xf32>,
        %get3A_671 = arith.index_cast %add3A_602 : i32 to index
        %get3A_672 = arith.constant 96 : index
        %get3A_673 = tpu.vector_load %arg13[%get3A_671, %get3A_672] {strides = array<i32>} : memref<128x128xf32, #tpu.memory_space<vmem>>, vector<1x16xf32>,
        %get3A_674 = vector.shape_cast %get3A_673 : vector<1x16xf32> to vector<16xf32>
        %mul3A_675 = vector.broadcast %squeeze3A_604 : f32 to vector<16xf32>
        %mul3A_676 = arith.mulf %get3A_674, %mul3A_675 : vector<16xf32>
        %swap3A_677 = arith.index_cast %add3A_602 : i32 to index
        %swap3A_678 = arith.constant 96 : index
        %swap3A_679 = tpu.vector_load %arg13[%swap3A_677, %swap3A_678] {strides = array<i32>} : memref<128x128xf32, #tpu.memory_space<vmem>>, vector<1x16xf32>,
        %swap3A_680 = vector.shape_cast %swap3A_679 : vector<1x16xf32> to vector<16xf32>
        %swap3A_681 = vector.shape_cast %mul3A_676 : vector<16xf32> to vector<1x16xf32>
        tpu.vector_store %arg13[%swap3A_677, %swap3A_678], %swap3A_681 {strides = array<i32>} : memref<128x128xf32, #tpu.memory_space<vmem>>, vector<1x16xf32>,
        %get3A_682 = arith.index_cast %add3A_602 : i32 to index
        %get3A_683 = arith.constant 112 : index
        %get3A_684 = tpu.vector_load %arg13[%get3A_682, %get3A_683] {strides = array<i32>} : memref<128x128xf32, #tpu.memory_space<vmem>>, vector<1x16xf32>,
        %get3A_685 = vector.shape_cast %get3A_684 : vector<1x16xf32> to vector<16xf32>
        %mul3A_686 = vector.broadcast %squeeze3A_604 : f32 to vector<16xf32>
        %mul3A_687 = arith.mulf %get3A_685, %mul3A_686 : vector<16xf32>
        %swap3A_688 = arith.index_cast %add3A_602 : i32 to index
        %swap3A_689 = arith.constant 112 : index
        %swap3A_690 = tpu.vector_load %arg13[%swap3A_688, %swap3A_689] {strides = array<i32>} : memref<128x128xf32, #tpu.memory_space<vmem>>, vector<1x16xf32>,
        %swap3A_691 = vector.shape_cast %swap3A_690 : vector<1x16xf32> to vector<16xf32>
        %swap3A_692 = vector.shape_cast %mul3A_687 : vector<16xf32> to vector<1x16xf32>
        tpu.vector_store %arg13[%swap3A_688, %swap3A_689], %swap3A_692 {strides = array<i32>} : memref<128x128xf32, #tpu.memory_space<vmem>>, vector<1x16xf32>,
        %mul3A_693 = arith.constant 16 : i32
        %mul3A_694 = arith.muli %scan3A_406, %mul3A_693 : i32
        %add3A_695 = arith.constant 3 : i32
        %add3A_696 = arith.addi %mul3A_694, %add3A_695 : i32
        %slice3A_697 = vector.extract_strided_slice %get3A_413 {offsets = [3], sizes = [1], strides = [1]} : vector<16xf32> to vector<1xf32>
        %squeeze3A_698 = vector.extract %slice3A_697[0] : f32 from vector<1xf32>
        %get3A_699 = arith.index_cast %add3A_696 : i32 to index
        %get3A_700 = arith.constant 0 : index
        %get3A_701 = tpu.vector_load %arg13[%get3A_699, %get3A_700] {strides = array<i32>} : memref<128x128xf32, #tpu.memory_space<vmem>>, vector<1x16xf32>,
        %get3A_702 = vector.shape_cast %get3A_701 : vector<1x16xf32> to vector<16xf32>
        %mul3A_703 = vector.broadcast %squeeze3A_698 : f32 to vector<16xf32>
        %mul3A_704 = arith.mulf %get3A_702, %mul3A_703 : vector<16xf32>
        %swap3A_705 = arith.index_cast %add3A_696 : i32 to index
        %swap3A_706 = arith.constant 0 : index
        %swap3A_707 = tpu.vector_load %arg13[%swap3A_705, %swap3A_706] {strides = array<i32>} : memref<128x128xf32, #tpu.memory_space<vmem>>, vector<1x16xf32>,
        %swap3A_708 = vector.shape_cast %swap3A_707 : vector<1x16xf32> to vector<16xf32>
        %swap3A_709 = vector.shape_cast %mul3A_704 : vector<16xf32> to vector<1x16xf32>
        tpu.vector_store %arg13[%swap3A_705, %swap3A_706], %swap3A_709 {strides = array<i32>} : memref<128x128xf32, #tpu.memory_space<vmem>>, vector<1x16xf32>,
        %get3A_710 = arith.index_cast %add3A_696 : i32 to index
        %get3A_711 = arith.constant 16 : index
        %get3A_712 = tpu.vector_load %arg13[%get3A_710, %get3A_711] {strides = array<i32>} : memref<128x128xf32, #tpu.memory_space<vmem>>, vector<1x16xf32>,
        %get3A_713 = vector.shape_cast %get3A_712 : vector<1x16xf32> to vector<16xf32>
        %mul3A_714 = vector.broadcast %squeeze3A_698 : f32 to vector<16xf32>
        %mul3A_715 = arith.mulf %get3A_713, %mul3A_714 : vector<16xf32>
        %swap3A_716 = arith.index_cast %add3A_696 : i32 to index
        %swap3A_717 = arith.constant 16 : index
        %swap3A_718 = tpu.vector_load %arg13[%swap3A_716, %swap3A_717] {strides = array<i32>} : memref<128x128xf32, #tpu.memory_space<vmem>>, vector<1x16xf32>,
        %swap3A_719 = vector.shape_cast %swap3A_718 : vector<1x16xf32> to vector<16xf32>
        %swap3A_720 = vector.shape_cast %mul3A_715 : vector<16xf32> to vector<1x16xf32>
        tpu.vector_store %arg13[%swap3A_716, %swap3A_717], %swap3A_720 {strides = array<i32>} : memref<128x128xf32, #tpu.memory_space<vmem>>, vector<1x16xf32>,
        %get3A_721 = arith.index_cast %add3A_696 : i32 to index
        %get3A_722 = arith.constant 32 : index
        %get3A_723 = tpu.vector_load %arg13[%get3A_721, %get3A_722] {strides = array<i32>} : memref<128x128xf32, #tpu.memory_space<vmem>>, vector<1x16xf32>,
        %get3A_724 = vector.shape_cast %get3A_723 : vector<1x16xf32> to vector<16xf32>
        %mul3A_725 = vector.broadcast %squeeze3A_698 : f32 to vector<16xf32>
        %mul3A_726 = arith.mulf %get3A_724, %mul3A_725 : vector<16xf32>
        %swap3A_727 = arith.index_cast %add3A_696 : i32 to index
        %swap3A_728 = arith.constant 32 : index
        %swap3A_729 = tpu.vector_load %arg13[%swap3A_727, %swap3A_728] {strides = array<i32>} : memref<128x128xf32, #tpu.memory_space<vmem>>, vector<1x16xf32>,
        %swap3A_730 = vector.shape_cast %swap3A_729 : vector<1x16xf32> to vector<16xf32>
        %swap3A_731 = vector.shape_cast %mul3A_726 : vector<16xf32> to vector<1x16xf32>
        tpu.vector_store %arg13[%swap3A_727, %swap3A_728], %swap3A_731 {strides = array<i32>} : memref<128x128xf32, #tpu.memory_space<vmem>>, vector<1x16xf32>,
        %get3A_732 = arith.index_cast %add3A_696 : i32 to index
        %get3A_733 = arith.constant 48 : index
        %get3A_734 = tpu.vector_load %arg13[%get3A_732, %get3A_733] {strides = array<i32>} : memref<128x128xf32, #tpu.memory_space<vmem>>, vector<1x16xf32>,
        %get3A_735 = vector.shape_cast %get3A_734 : vector<1x16xf32> to vector<16xf32>
        %mul3A_736 = vector.broadcast %squeeze3A_698 : f32 to vector<16xf32>
        %mul3A_737 = arith.mulf %get3A_735, %mul3A_736 : vector<16xf32>
        %swap3A_738 = arith.index_cast %add3A_696 : i32 to index
        %swap3A_739 = arith.constant 48 : index
        %swap3A_740 = tpu.vector_load %arg13[%swap3A_738, %swap3A_739] {strides = array<i32>} : memref<128x128xf32, #tpu.memory_space<vmem>>, vector<1x16xf32>,
        %swap3A_741 = vector.shape_cast %swap3A_740 : vector<1x16xf32> to vector<16xf32>
        %swap3A_742 = vector.shape_cast %mul3A_737 : vector<16xf32> to vector<1x16xf32>
        tpu.vector_store %arg13[%swap3A_738, %swap3A_739], %swap3A_742 {strides = array<i32>} : memref<128x128xf32, #tpu.memory_space<vmem>>, vector<1x16xf32>,
        %get3A_743 = arith.index_cast %add3A_696 : i32 to index
        %get3A_744 = arith.constant 64 : index
        %get3A_745 = tpu.vector_load %arg13[%get3A_743, %get3A_744] {strides = array<i32>} : memref<128x128xf32, #tpu.memory_space<vmem>>, vector<1x16xf32>,
        %get3A_746 = vector.shape_cast %get3A_745 : vector<1x16xf32> to vector<16xf32>
        %mul3A_747 = vector.broadcast %squeeze3A_698 : f32 to vector<16xf32>
        %mul3A_748 = arith.mulf %get3A_746, %mul3A_747 : vector<16xf32>
        %swap3A_749 = arith.index_cast %add3A_696 : i32 to index
        %swap3A_750 = arith.constant 64 : index
        %swap3A_751 = tpu.vector_load %arg13[%swap3A_749, %swap3A_750] {strides = array<i32>} : memref<128x128xf32, #tpu.memory_space<vmem>>, vector<1x16xf32>,
        %swap3A_752 = vector.shape_cast %swap3A_751 : vector<1x16xf32> to vector<16xf32>
        %swap3A_753 = vector.shape_cast %mul3A_748 : vector<16xf32> to vector<1x16xf32>
        tpu.vector_store %arg13[%swap3A_749, %swap3A_750], %swap3A_753 {strides = array<i32>} : memref<128x128xf32, #tpu.memory_space<vmem>>, vector<1x16xf32>,
        %get3A_754 = arith.index_cast %add3A_696 : i32 to index
        %get3A_755 = arith.constant 80 : index
        %get3A_756 = tpu.vector_load %arg13[%get3A_754, %get3A_755] {strides = array<i32>} : memref<128x128xf32, #tpu.memory_space<vmem>>, vector<1x16xf32>,
        %get3A_757 = vector.shape_cast %get3A_756 : vector<1x16xf32> to vector<16xf32>
        %mul3A_758 = vector.broadcast %squeeze3A_698 : f32 to vector<16xf32>
        %mul3A_759 = arith.mulf %get3A_757, %mul3A_758 : vector<16xf32>
        %swap3A_760 = arith.index_cast %add3A_696 : i32 to index
        %swap3A_761 = arith.constant 80 : index
        %swap3A_762 = tpu.vector_load %arg13[%swap3A_760, %swap3A_761] {strides = array<i32>} : memref<128x128xf32, #tpu.memory_space<vmem>>, vector<1x16xf32>,
        %swap3A_763 = vector.shape_cast %swap3A_762 : vector<1x16xf32> to vector<16xf32>
        %swap3A_764 = vector.shape_cast %mul3A_759 : vector<16xf32> to vector<1x16xf32>
        tpu.vector_store %arg13[%swap3A_760, %swap3A_761], %swap3A_764 {strides = array<i32>} : memref<128x128xf32, #tpu.memory_space<vmem>>, vector<1x16xf32>,
        %get3A_765 = arith.index_cast %add3A_696 : i32 to index
        %get3A_766 = arith.constant 96 : index
        %get3A_767 = tpu.vector_load %arg13[%get3A_765, %get3A_766] {strides = array<i32>} : memref<128x128xf32, #tpu.memory_space<vmem>>, vector<1x16xf32>,
        %get3A_768 = vector.shape_cast %get3A_767 : vector<1x16xf32> to vector<16xf32>
        %mul3A_769 = vector.broadcast %squeeze3A_698 : f32 to vector<16xf32>
        %mul3A_770 = arith.mulf %get3A_768, %mul3A_769 : vector<16xf32>
        %swap3A_771 = arith.index_cast %add3A_696 : i32 to index
        %swap3A_772 = arith.constant 96 : index
        %swap3A_773 = tpu.vector_load %arg13[%swap3A_771, %swap3A_772] {strides = array<i32>} : memref<128x128xf32, #tpu.memory_space<vmem>>, vector<1x16xf32>,
        %swap3A_774 = vector.shape_cast %swap3A_773 : vector<1x16xf32> to vector<16xf32>
        %swap3A_775 = vector.shape_cast %mul3A_770 : vector<16xf32> to vector<1x16xf32>
        tpu.vector_store %arg13[%swap3A_771, %swap3A_772], %swap3A_775 {strides = array<i32>} : memref<128x128xf32, #tpu.memory_space<vmem>>, vector<1x16xf32>,
        %get3A_776 = arith.index_cast %add3A_696 : i32 to index
        %get3A_777 = arith.constant 112 : index
        %get3A_778 = tpu.vector_load %arg13[%get3A_776, %get3A_777] {strides = array<i32>} : memref<128x128xf32, #tpu.memory_space<vmem>>, vector<1x16xf32>,
        %get3A_779 = vector.shape_cast %get3A_778 : vector<1x16xf32> to vector<16xf32>
        %mul3A_780 = vector.broadcast %squeeze3A_698 : f32 to vector<16xf32>
        %mul3A_781 = arith.mulf %get3A_779, %mul3A_780 : vector<16xf32>
        %swap3A_782 = arith.index_cast %add3A_696 : i32 to index
        %swap3A_783 = arith.constant 112 : index
        %swap3A_784 = tpu.vector_load %arg13[%swap3A_782, %swap3A_783] {strides = array<i32>} : memref<128x128xf32, #tpu.memory_space<vmem>>, vector<1x16xf32>,
        %swap3A_785 = vector.shape_cast %swap3A_784 : vector<1x16xf32> to vector<16xf32>
        %swap3A_786 = vector.shape_cast %mul3A_781 : vector<16xf32> to vector<1x16xf32>
        tpu.vector_store %arg13[%swap3A_782, %swap3A_783], %swap3A_786 {strides = array<i32>} : memref<128x128xf32, #tpu.memory_space<vmem>>, vector<1x16xf32>,
        %mul3A_787 = arith.constant 16 : i32
        %mul3A_788 = arith.muli %scan3A_406, %mul3A_787 : i32
        %add3A_789 = arith.constant 4 : i32
        %add3A_790 = arith.addi %mul3A_788, %add3A_789 : i32
        %slice3A_791 = vector.extract_strided_slice %get3A_413 {offsets = [4], sizes = [1], strides = [1]} : vector<16xf32> to vector<1xf32>
        %squeeze3A_792 = vector.extract %slice3A_791[0] : f32 from vector<1xf32>
        %get3A_793 = arith.index_cast %add3A_790 : i32 to index
        %get3A_794 = arith.constant 0 : index
        %get3A_795 = tpu.vector_load %arg13[%get3A_793, %get3A_794] {strides = array<i32>} : memref<128x128xf32, #tpu.memory_space<vmem>>, vector<1x16xf32>,
        %get3A_796 = vector.shape_cast %get3A_795 : vector<1x16xf32> to vector<16xf32>
        %mul3A_797 = vector.broadcast %squeeze3A_792 : f32 to vector<16xf32>
        %mul3A_798 = arith.mulf %get3A_796, %mul3A_797 : vector<16xf32>
        %swap3A_799 = arith.index_cast %add3A_790 : i32 to index
        %swap3A_800 = arith.constant 0 : index
        %swap3A_801 = tpu.vector_load %arg13[%swap3A_799, %swap3A_800] {strides = array<i32>} : memref<128x128xf32, #tpu.memory_space<vmem>>, vector<1x16xf32>,
        %swap3A_802 = vector.shape_cast %swap3A_801 : vector<1x16xf32> to vector<16xf32>
        %swap3A_803 = vector.shape_cast %mul3A_798 : vector<16xf32> to vector<1x16xf32>
        tpu.vector_store %arg13[%swap3A_799, %swap3A_800], %swap3A_803 {strides = array<i32>} : memref<128x128xf32, #tpu.memory_space<vmem>>, vector<1x16xf32>,
        %get3A_804 = arith.index_cast %add3A_790 : i32 to index
        %get3A_805 = arith.constant 16 : index
        %get3A_806 = tpu.vector_load %arg13[%get3A_804, %get3A_805] {strides = array<i32>} : memref<128x128xf32, #tpu.memory_space<vmem>>, vector<1x16xf32>,
        %get3A_807 = vector.shape_cast %get3A_806 : vector<1x16xf32> to vector<16xf32>
        %mul3A_808 = vector.broadcast %squeeze3A_792 : f32 to vector<16xf32>
        %mul3A_809 = arith.mulf %get3A_807, %mul3A_808 : vector<16xf32>
        %swap3A_810 = arith.index_cast %add3A_790 : i32 to index
        %swap3A_811 = arith.constant 16 : index
        %swap3A_812 = tpu.vector_load %arg13[%swap3A_810, %swap3A_811] {strides = array<i32>} : memref<128x128xf32, #tpu.memory_space<vmem>>, vector<1x16xf32>,
        %swap3A_813 = vector.shape_cast %swap3A_812 : vector<1x16xf32> to vector<16xf32>
        %swap3A_814 = vector.shape_cast %mul3A_809 : vector<16xf32> to vector<1x16xf32>
        tpu.vector_store %arg13[%swap3A_810, %swap3A_811], %swap3A_814 {strides = array<i32>} : memref<128x128xf32, #tpu.memory_space<vmem>>, vector<1x16xf32>,
        %get3A_815 = arith.index_cast %add3A_790 : i32 to index
        %get3A_816 = arith.constant 32 : index
        %get3A_817 = tpu.vector_load %arg13[%get3A_815, %get3A_816] {strides = array<i32>} : memref<128x128xf32, #tpu.memory_space<vmem>>, vector<1x16xf32>,
        %get3A_818 = vector.shape_cast %get3A_817 : vector<1x16xf32> to vector<16xf32>
        %mul3A_819 = vector.broadcast %squeeze3A_792 : f32 to vector<16xf32>
        %mul3A_820 = arith.mulf %get3A_818, %mul3A_819 : vector<16xf32>
        %swap3A_821 = arith.index_cast %add3A_790 : i32 to index
        %swap3A_822 = arith.constant 32 : index
        %swap3A_823 = tpu.vector_load %arg13[%swap3A_821, %swap3A_822] {strides = array<i32>} : memref<128x128xf32, #tpu.memory_space<vmem>>, vector<1x16xf32>,
        %swap3A_824 = vector.shape_cast %swap3A_823 : vector<1x16xf32> to vector<16xf32>
        %swap3A_825 = vector.shape_cast %mul3A_820 : vector<16xf32> to vector<1x16xf32>
        tpu.vector_store %arg13[%swap3A_821, %swap3A_822], %swap3A_825 {strides = array<i32>} : memref<128x128xf32, #tpu.memory_space<vmem>>, vector<1x16xf32>,
        %get3A_826 = arith.index_cast %add3A_790 : i32 to index
        %get3A_827 = arith.constant 48 : index
        %get3A_828 = tpu.vector_load %arg13[%get3A_826, %get3A_827] {strides = array<i32>} : memref<128x128xf32, #tpu.memory_space<vmem>>, vector<1x16xf32>,
        %get3A_829 = vector.shape_cast %get3A_828 : vector<1x16xf32> to vector<16xf32>
        %mul3A_830 = vector.broadcast %squeeze3A_792 : f32 to vector<16xf32>
        %mul3A_831 = arith.mulf %get3A_829, %mul3A_830 : vector<16xf32>
        %swap3A_832 = arith.index_cast %add3A_790 : i32 to index
        %swap3A_833 = arith.constant 48 : index
        %swap3A_834 = tpu.vector_load %arg13[%swap3A_832, %swap3A_833] {strides = array<i32>} : memref<128x128xf32, #tpu.memory_space<vmem>>, vector<1x16xf32>,
        %swap3A_835 = vector.shape_cast %swap3A_834 : vector<1x16xf32> to vector<16xf32>
        %swap3A_836 = vector.shape_cast %mul3A_831 : vector<16xf32> to vector<1x16xf32>
        tpu.vector_store %arg13[%swap3A_832, %swap3A_833], %swap3A_836 {strides = array<i32>} : memref<128x128xf32, #tpu.memory_space<vmem>>, vector<1x16xf32>,
        %get3A_837 = arith.index_cast %add3A_790 : i32 to index
        %get3A_838 = arith.constant 64 : index
        %get3A_839 = tpu.vector_load %arg13[%get3A_837, %get3A_838] {strides = array<i32>} : memref<128x128xf32, #tpu.memory_space<vmem>>, vector<1x16xf32>,
        %get3A_840 = vector.shape_cast %get3A_839 : vector<1x16xf32> to vector<16xf32>
        %mul3A_841 = vector.broadcast %squeeze3A_792 : f32 to vector<16xf32>
        %mul3A_842 = arith.mulf %get3A_840, %mul3A_841 : vector<16xf32>
        %swap3A_843 = arith.index_cast %add3A_790 : i32 to index
        %swap3A_844 = arith.constant 64 : index
        %swap3A_845 = tpu.vector_load %arg13[%swap3A_843, %swap3A_844] {strides = array<i32>} : memref<128x128xf32, #tpu.memory_space<vmem>>, vector<1x16xf32>,
        %swap3A_846 = vector.shape_cast %swap3A_845 : vector<1x16xf32> to vector<16xf32>
        %swap3A_847 = vector.shape_cast %mul3A_842 : vector<16xf32> to vector<1x16xf32>
        tpu.vector_store %arg13[%swap3A_843, %swap3A_844], %swap3A_847 {strides = array<i32>} : memref<128x128xf32, #tpu.memory_space<vmem>>, vector<1x16xf32>,
        %get3A_848 = arith.index_cast %add3A_790 : i32 to index
        %get3A_849 = arith.constant 80 : index
        %get3A_850 = tpu.vector_load %arg13[%get3A_848, %get3A_849] {strides = array<i32>} : memref<128x128xf32, #tpu.memory_space<vmem>>, vector<1x16xf32>,
        %get3A_851 = vector.shape_cast %get3A_850 : vector<1x16xf32> to vector<16xf32>
        %mul3A_852 = vector.broadcast %squeeze3A_792 : f32 to vector<16xf32>
        %mul3A_853 = arith.mulf %get3A_851, %mul3A_852 : vector<16xf32>
        %swap3A_854 = arith.index_cast %add3A_790 : i32 to index
        %swap3A_855 = arith.constant 80 : index
        %swap3A_856 = tpu.vector_load %arg13[%swap3A_854, %swap3A_855] {strides = array<i32>} : memref<128x128xf32, #tpu.memory_space<vmem>>, vector<1x16xf32>,
        %swap3A_857 = vector.shape_cast %swap3A_856 : vector<1x16xf32> to vector<16xf32>
        %swap3A_858 = vector.shape_cast %mul3A_853 : vector<16xf32> to vector<1x16xf32>
        tpu.vector_store %arg13[%swap3A_854, %swap3A_855], %swap3A_858 {strides = array<i32>} : memref<128x128xf32, #tpu.memory_space<vmem>>, vector<1x16xf32>,
        %get3A_859 = arith.index_cast %add3A_790 : i32 to index
        %get3A_860 = arith.constant 96 : index
        %get3A_861 = tpu.vector_load %arg13[%get3A_859, %get3A_860] {strides = array<i32>} : memref<128x128xf32, #tpu.memory_space<vmem>>, vector<1x16xf32>,
        %get3A_862 = vector.shape_cast %get3A_861 : vector<1x16xf32> to vector<16xf32>
        %mul3A_863 = vector.broadcast %squeeze3A_792 : f32 to vector<16xf32>
        %mul3A_864 = arith.mulf %get3A_862, %mul3A_863 : vector<16xf32>
        %swap3A_865 = arith.index_cast %add3A_790 : i32 to index
        %swap3A_866 = arith.constant 96 : index
        %swap3A_867 = tpu.vector_load %arg13[%swap3A_865, %swap3A_866] {strides = array<i32>} : memref<128x128xf32, #tpu.memory_space<vmem>>, vector<1x16xf32>,
        %swap3A_868 = vector.shape_cast %swap3A_867 : vector<1x16xf32> to vector<16xf32>
        %swap3A_869 = vector.shape_cast %mul3A_864 : vector<16xf32> to vector<1x16xf32>
        tpu.vector_store %arg13[%swap3A_865, %swap3A_866], %swap3A_869 {strides = array<i32>} : memref<128x128xf32, #tpu.memory_space<vmem>>, vector<1x16xf32>,
        %get3A_870 = arith.index_cast %add3A_790 : i32 to index
        %get3A_871 = arith.constant 112 : index
        %get3A_872 = tpu.vector_load %arg13[%get3A_870, %get3A_871] {strides = array<i32>} : memref<128x128xf32, #tpu.memory_space<vmem>>, vector<1x16xf32>,
        %get3A_873 = vector.shape_cast %get3A_872 : vector<1x16xf32> to vector<16xf32>
        %mul3A_874 = vector.broadcast %squeeze3A_792 : f32 to vector<16xf32>
        %mul3A_875 = arith.mulf %get3A_873, %mul3A_874 : vector<16xf32>
        %swap3A_876 = arith.index_cast %add3A_790 : i32 to index
        %swap3A_877 = arith.constant 112 : index
        %swap3A_878 = tpu.vector_load %arg13[%swap3A_876, %swap3A_877] {strides = array<i32>} : memref<128x128xf32, #tpu.memory_space<vmem>>, vector<1x16xf32>,
        %swap3A_879 = vector.shape_cast %swap3A_878 : vector<1x16xf32> to vector<16xf32>
        %swap3A_880 = vector.shape_cast %mul3A_875 : vector<16xf32> to vector<1x16xf32>
        tpu.vector_store %arg13[%swap3A_876, %swap3A_877], %swap3A_880 {strides = array<i32>} : memref<128x128xf32, #tpu.memory_space<vmem>>, vector<1x16xf32>,
        %mul3A_881 = arith.constant 16 : i32
        %mul3A_882 = arith.muli %scan3A_406, %mul3A_881 : i32
        %add3A_883 = arith.constant 5 : i32
        %add3A_884 = arith.addi %mul3A_882, %add3A_883 : i32
        %slice3A_885 = vector.extract_strided_slice %get3A_413 {offsets = [5], sizes = [1], strides = [1]} : vector<16xf32> to vector<1xf32>
        %squeeze3A_886 = vector.extract %slice3A_885[0] : f32 from vector<1xf32>
        %get3A_887 = arith.index_cast %add3A_884 : i32 to index
        %get3A_888 = arith.constant 0 : index
        %get3A_889 = tpu.vector_load %arg13[%get3A_887, %get3A_888] {strides = array<i32>} : memref<128x128xf32, #tpu.memory_space<vmem>>, vector<1x16xf32>,
        %get3A_890 = vector.shape_cast %get3A_889 : vector<1x16xf32> to vector<16xf32>
        %mul3A_891 = vector.broadcast %squeeze3A_886 : f32 to vector<16xf32>
        %mul3A_892 = arith.mulf %get3A_890, %mul3A_891 : vector<16xf32>
        %swap3A_893 = arith.index_cast %add3A_884 : i32 to index
        %swap3A_894 = arith.constant 0 : index
        %swap3A_895 = tpu.vector_load %arg13[%swap3A_893, %swap3A_894] {strides = array<i32>} : memref<128x128xf32, #tpu.memory_space<vmem>>, vector<1x16xf32>,
        %swap3A_896 = vector.shape_cast %swap3A_895 : vector<1x16xf32> to vector<16xf32>
        %swap3A_897 = vector.shape_cast %mul3A_892 : vector<16xf32> to vector<1x16xf32>
        tpu.vector_store %arg13[%swap3A_893, %swap3A_894], %swap3A_897 {strides = array<i32>} : memref<128x128xf32, #tpu.memory_space<vmem>>, vector<1x16xf32>,
        %get3A_898 = arith.index_cast %add3A_884 : i32 to index
        %get3A_899 = arith.constant 16 : index
        %get3A_900 = tpu.vector_load %arg13[%get3A_898, %get3A_899] {strides = array<i32>} : memref<128x128xf32, #tpu.memory_space<vmem>>, vector<1x16xf32>,
        %get3A_901 = vector.shape_cast %get3A_900 : vector<1x16xf32> to vector<16xf32>
        %mul3A_902 = vector.broadcast %squeeze3A_886 : f32 to vector<16xf32>
        %mul3A_903 = arith.mulf %get3A_901, %mul3A_902 : vector<16xf32>
        %swap3A_904 = arith.index_cast %add3A_884 : i32 to index
        %swap3A_905 = arith.constant 16 : index
        %swap3A_906 = tpu.vector_load %arg13[%swap3A_904, %swap3A_905] {strides = array<i32>} : memref<128x128xf32, #tpu.memory_space<vmem>>, vector<1x16xf32>,
        %swap3A_907 = vector.shape_cast %swap3A_906 : vector<1x16xf32> to vector<16xf32>
        %swap3A_908 = vector.shape_cast %mul3A_903 : vector<16xf32> to vector<1x16xf32>
        tpu.vector_store %arg13[%swap3A_904, %swap3A_905], %swap3A_908 {strides = array<i32>} : memref<128x128xf32, #tpu.memory_space<vmem>>, vector<1x16xf32>,
        %get3A_909 = arith.index_cast %add3A_884 : i32 to index
        %get3A_910 = arith.constant 32 : index
        %get3A_911 = tpu.vector_load %arg13[%get3A_909, %get3A_910] {strides = array<i32>} : memref<128x128xf32, #tpu.memory_space<vmem>>, vector<1x16xf32>,
        %get3A_912 = vector.shape_cast %get3A_911 : vector<1x16xf32> to vector<16xf32>
        %mul3A_913 = vector.broadcast %squeeze3A_886 : f32 to vector<16xf32>
        %mul3A_914 = arith.mulf %get3A_912, %mul3A_913 : vector<16xf32>
        %swap3A_915 = arith.index_cast %add3A_884 : i32 to index
        %swap3A_916 = arith.constant 32 : index
        %swap3A_917 = tpu.vector_load %arg13[%swap3A_915, %swap3A_916] {strides = array<i32>} : memref<128x128xf32, #tpu.memory_space<vmem>>, vector<1x16xf32>,
        %swap3A_918 = vector.shape_cast %swap3A_917 : vector<1x16xf32> to vector<16xf32>
        %swap3A_919 = vector.shape_cast %mul3A_914 : vector<16xf32> to vector<1x16xf32>
        tpu.vector_store %arg13[%swap3A_915, %swap3A_916], %swap3A_919 {strides = array<i32>} : memref<128x128xf32, #tpu.memory_space<vmem>>, vector<1x16xf32>,
        %get3A_920 = arith.index_cast %add3A_884 : i32 to index
        %get3A_921 = arith.constant 48 : index
        %get3A_922 = tpu.vector_load %arg13[%get3A_920, %get3A_921] {strides = array<i32>} : memref<128x128xf32, #tpu.memory_space<vmem>>, vector<1x16xf32>,
        %get3A_923 = vector.shape_cast %get3A_922 : vector<1x16xf32> to vector<16xf32>
        %mul3A_924 = vector.broadcast %squeeze3A_886 : f32 to vector<16xf32>
        %mul3A_925 = arith.mulf %get3A_923, %mul3A_924 : vector<16xf32>
        %swap3A_926 = arith.index_cast %add3A_884 : i32 to index
        %swap3A_927 = arith.constant 48 : index
        %swap3A_928 = tpu.vector_load %arg13[%swap3A_926, %swap3A_927] {strides = array<i32>} : memref<128x128xf32, #tpu.memory_space<vmem>>, vector<1x16xf32>,
        %swap3A_929 = vector.shape_cast %swap3A_928 : vector<1x16xf32> to vector<16xf32>
        %swap3A_930 = vector.shape_cast %mul3A_925 : vector<16xf32> to vector<1x16xf32>
        tpu.vector_store %arg13[%swap3A_926, %swap3A_927], %swap3A_930 {strides = array<i32>} : memref<128x128xf32, #tpu.memory_space<vmem>>, vector<1x16xf32>,
        %get3A_931 = arith.index_cast %add3A_884 : i32 to index
        %get3A_932 = arith.constant 64 : index
        %get3A_933 = tpu.vector_load %arg13[%get3A_931, %get3A_932] {strides = array<i32>} : memref<128x128xf32, #tpu.memory_space<vmem>>, vector<1x16xf32>,
        %get3A_934 = vector.shape_cast %get3A_933 : vector<1x16xf32> to vector<16xf32>
        %mul3A_935 = vector.broadcast %squeeze3A_886 : f32 to vector<16xf32>
        %mul3A_936 = arith.mulf %get3A_934, %mul3A_935 : vector<16xf32>
        %swap3A_937 = arith.index_cast %add3A_884 : i32 to index
        %swap3A_938 = arith.constant 64 : index
        %swap3A_939 = tpu.vector_load %arg13[%swap3A_937, %swap3A_938] {strides = array<i32>} : memref<128x128xf32, #tpu.memory_space<vmem>>, vector<1x16xf32>,
        %swap3A_940 = vector.shape_cast %swap3A_939 : vector<1x16xf32> to vector<16xf32>
        %swap3A_941 = vector.shape_cast %mul3A_936 : vector<16xf32> to vector<1x16xf32>
        tpu.vector_store %arg13[%swap3A_937, %swap3A_938], %swap3A_941 {strides = array<i32>} : memref<128x128xf32, #tpu.memory_space<vmem>>, vector<1x16xf32>,
        %get3A_942 = arith.index_cast %add3A_884 : i32 to index
        %get3A_943 = arith.constant 80 : index
        %get3A_944 = tpu.vector_load %arg13[%get3A_942, %get3A_943] {strides = array<i32>} : memref<128x128xf32, #tpu.memory_space<vmem>>, vector<1x16xf32>,
        %get3A_945 = vector.shape_cast %get3A_944 : vector<1x16xf32> to vector<16xf32>
        %mul3A_946 = vector.broadcast %squeeze3A_886 : f32 to vector<16xf32>
        %mul3A_947 = arith.mulf %get3A_945, %mul3A_946 : vector<16xf32>
        %swap3A_948 = arith.index_cast %add3A_884 : i32 to index
        %swap3A_949 = arith.constant 80 : index
        %swap3A_950 = tpu.vector_load %arg13[%swap3A_948, %swap3A_949] {strides = array<i32>} : memref<128x128xf32, #tpu.memory_space<vmem>>, vector<1x16xf32>,
        %swap3A_951 = vector.shape_cast %swap3A_950 : vector<1x16xf32> to vector<16xf32>
        %swap3A_952 = vector.shape_cast %mul3A_947 : vector<16xf32> to vector<1x16xf32>
        tpu.vector_store %arg13[%swap3A_948, %swap3A_949], %swap3A_952 {strides = array<i32>} : memref<128x128xf32, #tpu.memory_space<vmem>>, vector<1x16xf32>,
        %get3A_953 = arith.index_cast %add3A_884 : i32 to index
        %get3A_954 = arith.constant 96 : index
        %get3A_955 = tpu.vector_load %arg13[%get3A_953, %get3A_954] {strides = array<i32>} : memref<128x128xf32, #tpu.memory_space<vmem>>, vector<1x16xf32>,
        %get3A_956 = vector.shape_cast %get3A_955 : vector<1x16xf32> to vector<16xf32>
        %mul3A_957 = vector.broadcast %squeeze3A_886 : f32 to vector<16xf32>
        %mul3A_958 = arith.mulf %get3A_956, %mul3A_957 : vector<16xf32>
        %swap3A_959 = arith.index_cast %add3A_884 : i32 to index
        %swap3A_960 = arith.constant 96 : index
        %swap3A_961 = tpu.vector_load %arg13[%swap3A_959, %swap3A_960] {strides = array<i32>} : memref<128x128xf32, #tpu.memory_space<vmem>>, vector<1x16xf32>,
        %swap3A_962 = vector.shape_cast %swap3A_961 : vector<1x16xf32> to vector<16xf32>
        %swap3A_963 = vector.shape_cast %mul3A_958 : vector<16xf32> to vector<1x16xf32>
        tpu.vector_store %arg13[%swap3A_959, %swap3A_960], %swap3A_963 {strides = array<i32>} : memref<128x128xf32, #tpu.memory_space<vmem>>, vector<1x16xf32>,
        %get3A_964 = arith.index_cast %add3A_884 : i32 to index
        %get3A_965 = arith.constant 112 : index
        %get3A_966 = tpu.vector_load %arg13[%get3A_964, %get3A_965] {strides = array<i32>} : memref<128x128xf32, #tpu.memory_space<vmem>>, vector<1x16xf32>,
        %get3A_967 = vector.shape_cast %get3A_966 : vector<1x16xf32> to vector<16xf32>
        %mul3A_968 = vector.broadcast %squeeze3A_886 : f32 to vector<16xf32>
        %mul3A_969 = arith.mulf %get3A_967, %mul3A_968 : vector<16xf32>
        %swap3A_970 = arith.index_cast %add3A_884 : i32 to index
        %swap3A_971 = arith.constant 112 : index
        %swap3A_972 = tpu.vector_load %arg13[%swap3A_970, %swap3A_971] {strides = array<i32>} : memref<128x128xf32, #tpu.memory_space<vmem>>, vector<1x16xf32>,
        %swap3A_973 = vector.shape_cast %swap3A_972 : vector<1x16xf32> to vector<16xf32>
        %swap3A_974 = vector.shape_cast %mul3A_969 : vector<16xf32> to vector<1x16xf32>
        tpu.vector_store %arg13[%swap3A_970, %swap3A_971], %swap3A_974 {strides = array<i32>} : memref<128x128xf32, #tpu.memory_space<vmem>>, vector<1x16xf32>,
        %mul3A_975 = arith.constant 16 : i32
        %mul3A_976 = arith.muli %scan3A_406, %mul3A_975 : i32
        %add3A_977 = arith.constant 6 : i32
        %add3A_978 = arith.addi %mul3A_976, %add3A_977 : i32
        %slice3A_979 = vector.extract_strided_slice %get3A_413 {offsets = [6], sizes = [1], strides = [1]} : vector<16xf32> to vector<1xf32>
        %squeeze3A_980 = vector.extract %slice3A_979[0] : f32 from vector<1xf32>
        %get3A_981 = arith.index_cast %add3A_978 : i32 to index
        %get3A_982 = arith.constant 0 : index
        %get3A_983 = tpu.vector_load %arg13[%get3A_981, %get3A_982] {strides = array<i32>} : memref<128x128xf32, #tpu.memory_space<vmem>>, vector<1x16xf32>,
        %get3A_984 = vector.shape_cast %get3A_983 : vector<1x16xf32> to vector<16xf32>
        %mul3A_985 = vector.broadcast %squeeze3A_980 : f32 to vector<16xf32>
        %mul3A_986 = arith.mulf %get3A_984, %mul3A_985 : vector<16xf32>
        %swap3A_987 = arith.index_cast %add3A_978 : i32 to index
        %swap3A_988 = arith.constant 0 : index
        %swap3A_989 = tpu.vector_load %arg13[%swap3A_987, %swap3A_988] {strides = array<i32>} : memref<128x128xf32, #tpu.memory_space<vmem>>, vector<1x16xf32>,
        %swap3A_990 = vector.shape_cast %swap3A_989 : vector<1x16xf32> to vector<16xf32>
        %swap3A_991 = vector.shape_cast %mul3A_986 : vector<16xf32> to vector<1x16xf32>
        tpu.vector_store %arg13[%swap3A_987, %swap3A_988], %swap3A_991 {strides = array<i32>} : memref<128x128xf32, #tpu.memory_space<vmem>>, vector<1x16xf32>,
        %get3A_992 = arith.index_cast %add3A_978 : i32 to index
        %get3A_993 = arith.constant 16 : index
        %get3A_994 = tpu.vector_load %arg13[%get3A_992, %get3A_993] {strides = array<i32>} : memref<128x128xf32, #tpu.memory_space<vmem>>, vector<1x16xf32>,
        %get3A_995 = vector.shape_cast %get3A_994 : vector<1x16xf32> to vector<16xf32>
        %mul3A_996 = vector.broadcast %squeeze3A_980 : f32 to vector<16xf32>
        %mul3A_997 = arith.mulf %get3A_995, %mul3A_996 : vector<16xf32>
        %swap3A_998 = arith.index_cast %add3A_978 : i32 to index
        %swap3A_999 = arith.constant 16 : index
        %swap3A_1000 = tpu.vector_load %arg13[%swap3A_998, %swap3A_999] {strides = array<i32>} : memref<128x128xf32, #tpu.memory_space<vmem>>, vector<1x16xf32>,
        %swap3A_1001 = vector.shape_cast %swap3A_1000 : vector<1x16xf32> to vector<16xf32>
        %swap3A_1002 = vector.shape_cast %mul3A_997 : vector<16xf32> to vector<1x16xf32>
        tpu.vector_store %arg13[%swap3A_998, %swap3A_999], %swap3A_1002 {strides = array<i32>} : memref<128x128xf32, #tpu.memory_space<vmem>>, vector<1x16xf32>,
        %get3A_1003 = arith.index_cast %add3A_978 : i32 to index
        %get3A_1004 = arith.constant 32 : index
        %get3A_1005 = tpu.vector_load %arg13[%get3A_1003, %get3A_1004] {strides = array<i32>} : memref<128x128xf32, #tpu.memory_space<vmem>>, vector<1x16xf32>,
        %get3A_1006 = vector.shape_cast %get3A_1005 : vector<1x16xf32> to vector<16xf32>
        %mul3A_1007 = vector.broadcast %squeeze3A_980 : f32 to vector<16xf32>
        %mul3A_1008 = arith.mulf %get3A_1006, %mul3A_1007 : vector<16xf32>
        %swap3A_1009 = arith.index_cast %add3A_978 : i32 to index
        %swap3A_1010 = arith.constant 32 : index
        %swap3A_1011 = tpu.vector_load %arg13[%swap3A_1009, %swap3A_1010] {strides = array<i32>} : memref<128x128xf32, #tpu.memory_space<vmem>>, vector<1x16xf32>,
        %swap3A_1012 = vector.shape_cast %swap3A_1011 : vector<1x16xf32> to vector<16xf32>
        %swap3A_1013 = vector.shape_cast %mul3A_1008 : vector<16xf32> to vector<1x16xf32>
        tpu.vector_store %arg13[%swap3A_1009, %swap3A_1010], %swap3A_1013 {strides = array<i32>} : memref<128x128xf32, #tpu.memory_space<vmem>>, vector<1x16xf32>,
        %get3A_1014 = arith.index_cast %add3A_978 : i32 to index
        %get3A_1015 = arith.constant 48 : index
        %get3A_1016 = tpu.vector_load %arg13[%get3A_1014, %get3A_1015] {strides = array<i32>} : memref<128x128xf32, #tpu.memory_space<vmem>>, vector<1x16xf32>,
        %get3A_1017 = vector.shape_cast %get3A_1016 : vector<1x16xf32> to vector<16xf32>
        %mul3A_1018 = vector.broadcast %squeeze3A_980 : f32 to vector<16xf32>
        %mul3A_1019 = arith.mulf %get3A_1017, %mul3A_1018 : vector<16xf32>
        %swap3A_1020 = arith.index_cast %add3A_978 : i32 to index
        %swap3A_1021 = arith.constant 48 : index
        %swap3A_1022 = tpu.vector_load %arg13[%swap3A_1020, %swap3A_1021] {strides = array<i32>} : memref<128x128xf32, #tpu.memory_space<vmem>>, vector<1x16xf32>,
        %swap3A_1023 = vector.shape_cast %swap3A_1022 : vector<1x16xf32> to vector<16xf32>
        %swap3A_1024 = vector.shape_cast %mul3A_1019 : vector<16xf32> to vector<1x16xf32>
        tpu.vector_store %arg13[%swap3A_1020, %swap3A_1021], %swap3A_1024 {strides = array<i32>} : memref<128x128xf32, #tpu.memory_space<vmem>>, vector<1x16xf32>,
        %get3A_1025 = arith.index_cast %add3A_978 : i32 to index
        %get3A_1026 = arith.constant 64 : index
        %get3A_1027 = tpu.vector_load %arg13[%get3A_1025, %get3A_1026] {strides = array<i32>} : memref<128x128xf32, #tpu.memory_space<vmem>>, vector<1x16xf32>,
        %get3A_1028 = vector.shape_cast %get3A_1027 : vector<1x16xf32> to vector<16xf32>
        %mul3A_1029 = vector.broadcast %squeeze3A_980 : f32 to vector<16xf32>
        %mul3A_1030 = arith.mulf %get3A_1028, %mul3A_1029 : vector<16xf32>
        %swap3A_1031 = arith.index_cast %add3A_978 : i32 to index
        %swap3A_1032 = arith.constant 64 : index
        %swap3A_1033 = tpu.vector_load %arg13[%swap3A_1031, %swap3A_1032] {strides = array<i32>} : memref<128x128xf32, #tpu.memory_space<vmem>>, vector<1x16xf32>,
        %swap3A_1034 = vector.shape_cast %swap3A_1033 : vector<1x16xf32> to vector<16xf32>
        %swap3A_1035 = vector.shape_cast %mul3A_1030 : vector<16xf32> to vector<1x16xf32>
        tpu.vector_store %arg13[%swap3A_1031, %swap3A_1032], %swap3A_1035 {strides = array<i32>} : memref<128x128xf32, #tpu.memory_space<vmem>>, vector<1x16xf32>,
        %get3A_1036 = arith.index_cast %add3A_978 : i32 to index
        %get3A_1037 = arith.constant 80 : index
        %get3A_1038 = tpu.vector_load %arg13[%get3A_1036, %get3A_1037] {strides = array<i32>} : memref<128x128xf32, #tpu.memory_space<vmem>>, vector<1x16xf32>,
        %get3A_1039 = vector.shape_cast %get3A_1038 : vector<1x16xf32> to vector<16xf32>
        %mul3A_1040 = vector.broadcast %squeeze3A_980 : f32 to vector<16xf32>
        %mul3A_1041 = arith.mulf %get3A_1039, %mul3A_1040 : vector<16xf32>
        %swap3A_1042 = arith.index_cast %add3A_978 : i32 to index
        %swap3A_1043 = arith.constant 80 : index
        %swap3A_1044 = tpu.vector_load %arg13[%swap3A_1042, %swap3A_1043] {strides = array<i32>} : memref<128x128xf32, #tpu.memory_space<vmem>>, vector<1x16xf32>,
        %swap3A_1045 = vector.shape_cast %swap3A_1044 : vector<1x16xf32> to vector<16xf32>
        %swap3A_1046 = vector.shape_cast %mul3A_1041 : vector<16xf32> to vector<1x16xf32>
        tpu.vector_store %arg13[%swap3A_1042, %swap3A_1043], %swap3A_1046 {strides = array<i32>} : memref<128x128xf32, #tpu.memory_space<vmem>>, vector<1x16xf32>,
        %get3A_1047 = arith.index_cast %add3A_978 : i32 to index
        %get3A_1048 = arith.constant 96 : index
        %get3A_1049 = tpu.vector_load %arg13[%get3A_1047, %get3A_1048] {strides = array<i32>} : memref<128x128xf32, #tpu.memory_space<vmem>>, vector<1x16xf32>,
        %get3A_1050 = vector.shape_cast %get3A_1049 : vector<1x16xf32> to vector<16xf32>
        %mul3A_1051 = vector.broadcast %squeeze3A_980 : f32 to vector<16xf32>
        %mul3A_1052 = arith.mulf %get3A_1050, %mul3A_1051 : vector<16xf32>
        %swap3A_1053 = arith.index_cast %add3A_978 : i32 to index
        %swap3A_1054 = arith.constant 96 : index
        %swap3A_1055 = tpu.vector_load %arg13[%swap3A_1053, %swap3A_1054] {strides = array<i32>} : memref<128x128xf32, #tpu.memory_space<vmem>>, vector<1x16xf32>,
        %swap3A_1056 = vector.shape_cast %swap3A_1055 : vector<1x16xf32> to vector<16xf32>
        %swap3A_1057 = vector.shape_cast %mul3A_1052 : vector<16xf32> to vector<1x16xf32>
        tpu.vector_store %arg13[%swap3A_1053, %swap3A_1054], %swap3A_1057 {strides = array<i32>} : memref<128x128xf32, #tpu.memory_space<vmem>>, vector<1x16xf32>,
        %get3A_1058 = arith.index_cast %add3A_978 : i32 to index
        %get3A_1059 = arith.constant 112 : index
        %get3A_1060 = tpu.vector_load %arg13[%get3A_1058, %get3A_1059] {strides = array<i32>} : memref<128x128xf32, #tpu.memory_space<vmem>>, vector<1x16xf32>,
        %get3A_1061 = vector.shape_cast %get3A_1060 : vector<1x16xf32> to vector<16xf32>
        %mul3A_1062 = vector.broadcast %squeeze3A_980 : f32 to vector<16xf32>
        %mul3A_1063 = arith.mulf %get3A_1061, %mul3A_1062 : vector<16xf32>
        %swap3A_1064 = arith.index_cast %add3A_978 : i32 to index
        %swap3A_1065 = arith.constant 112 : index
        %swap3A_1066 = tpu.vector_load %arg13[%swap3A_1064, %swap3A_1065] {strides = array<i32>} : memref<128x128xf32, #tpu.memory_space<vmem>>, vector<1x16xf32>,
        %swap3A_1067 = vector.shape_cast %swap3A_1066 : vector<1x16xf32> to vector<16xf32>
        %swap3A_1068 = vector.shape_cast %mul3A_1063 : vector<16xf32> to vector<1x16xf32>
        tpu.vector_store %arg13[%swap3A_1064, %swap3A_1065], %swap3A_1068 {strides = array<i32>} : memref<128x128xf32, #tpu.memory_space<vmem>>, vector<1x16xf32>,
        %mul3A_1069 = arith.constant 16 : i32
        %mul3A_1070 = arith.muli %scan3A_406, %mul3A_1069 : i32
        %add3A_1071 = arith.constant 7 : i32
        %add3A_1072 = arith.addi %mul3A_1070, %add3A_1071 : i32
        %slice3A_1073 = vector.extract_strided_slice %get3A_413 {offsets = [7], sizes = [1], strides = [1]} : vector<16xf32> to vector<1xf32>
        %squeeze3A_1074 = vector.extract %slice3A_1073[0] : f32 from vector<1xf32>
        %get3A_1075 = arith.index_cast %add3A_1072 : i32 to index
        %get3A_1076 = arith.constant 0 : index
        %get3A_1077 = tpu.vector_load %arg13[%get3A_1075, %get3A_1076] {strides = array<i32>} : memref<128x128xf32, #tpu.memory_space<vmem>>, vector<1x16xf32>,
        %get3A_1078 = vector.shape_cast %get3A_1077 : vector<1x16xf32> to vector<16xf32>
        %mul3A_1079 = vector.broadcast %squeeze3A_1074 : f32 to vector<16xf32>
        %mul3A_1080 = arith.mulf %get3A_1078, %mul3A_1079 : vector<16xf32>
        %swap3A_1081 = arith.index_cast %add3A_1072 : i32 to index
        %swap3A_1082 = arith.constant 0 : index
        %swap3A_1083 = tpu.vector_load %arg13[%swap3A_1081, %swap3A_1082] {strides = array<i32>} : memref<128x128xf32, #tpu.memory_space<vmem>>, vector<1x16xf32>,
        %swap3A_1084 = vector.shape_cast %swap3A_1083 : vector<1x16xf32> to vector<16xf32>
        %swap3A_1085 = vector.shape_cast %mul3A_1080 : vector<16xf32> to vector<1x16xf32>
        tpu.vector_store %arg13[%swap3A_1081, %swap3A_1082], %swap3A_1085 {strides = array<i32>} : memref<128x128xf32, #tpu.memory_space<vmem>>, vector<1x16xf32>,
        %get3A_1086 = arith.index_cast %add3A_1072 : i32 to index
        %get3A_1087 = arith.constant 16 : index
        %get3A_1088 = tpu.vector_load %arg13[%get3A_1086, %get3A_1087] {strides = array<i32>} : memref<128x128xf32, #tpu.memory_space<vmem>>, vector<1x16xf32>,
        %get3A_1089 = vector.shape_cast %get3A_1088 : vector<1x16xf32> to vector<16xf32>
        %mul3A_1090 = vector.broadcast %squeeze3A_1074 : f32 to vector<16xf32>
        %mul3A_1091 = arith.mulf %get3A_1089, %mul3A_1090 : vector<16xf32>
        %swap3A_1092 = arith.index_cast %add3A_1072 : i32 to index
        %swap3A_1093 = arith.constant 16 : index
        %swap3A_1094 = tpu.vector_load %arg13[%swap3A_1092, %swap3A_1093] {strides = array<i32>} : memref<128x128xf32, #tpu.memory_space<vmem>>, vector<1x16xf32>,
        %swap3A_1095 = vector.shape_cast %swap3A_1094 : vector<1x16xf32> to vector<16xf32>
        %swap3A_1096 = vector.shape_cast %mul3A_1091 : vector<16xf32> to vector<1x16xf32>
        tpu.vector_store %arg13[%swap3A_1092, %swap3A_1093], %swap3A_1096 {strides = array<i32>} : memref<128x128xf32, #tpu.memory_space<vmem>>, vector<1x16xf32>,
        %get3A_1097 = arith.index_cast %add3A_1072 : i32 to index
        %get3A_1098 = arith.constant 32 : index
        %get3A_1099 = tpu.vector_load %arg13[%get3A_1097, %get3A_1098] {strides = array<i32>} : memref<128x128xf32, #tpu.memory_space<vmem>>, vector<1x16xf32>,
        %get3A_1100 = vector.shape_cast %get3A_1099 : vector<1x16xf32> to vector<16xf32>
        %mul3A_1101 = vector.broadcast %squeeze3A_1074 : f32 to vector<16xf32>
        %mul3A_1102 = arith.mulf %get3A_1100, %mul3A_1101 : vector<16xf32>
        %swap3A_1103 = arith.index_cast %add3A_1072 : i32 to index
        %swap3A_1104 = arith.constant 32 : index
        %swap3A_1105 = tpu.vector_load %arg13[%swap3A_1103, %swap3A_1104] {strides = array<i32>} : memref<128x128xf32, #tpu.memory_space<vmem>>, vector<1x16xf32>,
        %swap3A_1106 = vector.shape_cast %swap3A_1105 : vector<1x16xf32> to vector<16xf32>
        %swap3A_1107 = vector.shape_cast %mul3A_1102 : vector<16xf32> to vector<1x16xf32>
        tpu.vector_store %arg13[%swap3A_1103, %swap3A_1104], %swap3A_1107 {strides = array<i32>} : memref<128x128xf32, #tpu.memory_space<vmem>>, vector<1x16xf32>,
        %get3A_1108 = arith.index_cast %add3A_1072 : i32 to index
        %get3A_1109 = arith.constant 48 : index
        %get3A_1110 = tpu.vector_load %arg13[%get3A_1108, %get3A_1109] {strides = array<i32>} : memref<128x128xf32, #tpu.memory_space<vmem>>, vector<1x16xf32>,
        %get3A_1111 = vector.shape_cast %get3A_1110 : vector<1x16xf32> to vector<16xf32>
        %mul3A_1112 = vector.broadcast %squeeze3A_1074 : f32 to vector<16xf32>
        %mul3A_1113 = arith.mulf %get3A_1111, %mul3A_1112 : vector<16xf32>
        %swap3A_1114 = arith.index_cast %add3A_1072 : i32 to index
        %swap3A_1115 = arith.constant 48 : index
        %swap3A_1116 = tpu.vector_load %arg13[%swap3A_1114, %swap3A_1115] {strides = array<i32>} : memref<128x128xf32, #tpu.memory_space<vmem>>, vector<1x16xf32>,
        %swap3A_1117 = vector.shape_cast %swap3A_1116 : vector<1x16xf32> to vector<16xf32>
        %swap3A_1118 = vector.shape_cast %mul3A_1113 : vector<16xf32> to vector<1x16xf32>
        tpu.vector_store %arg13[%swap3A_1114, %swap3A_1115], %swap3A_1118 {strides = array<i32>} : memref<128x128xf32, #tpu.memory_space<vmem>>, vector<1x16xf32>,
        %get3A_1119 = arith.index_cast %add3A_1072 : i32 to index
        %get3A_1120 = arith.constant 64 : index
        %get3A_1121 = tpu.vector_load %arg13[%get3A_1119, %get3A_1120] {strides = array<i32>} : memref<128x128xf32, #tpu.memory_space<vmem>>, vector<1x16xf32>,
        %get3A_1122 = vector.shape_cast %get3A_1121 : vector<1x16xf32> to vector<16xf32>
        %mul3A_1123 = vector.broadcast %squeeze3A_1074 : f32 to vector<16xf32>
        %mul3A_1124 = arith.mulf %get3A_1122, %mul3A_1123 : vector<16xf32>
        %swap3A_1125 = arith.index_cast %add3A_1072 : i32 to index
        %swap3A_1126 = arith.constant 64 : index
        %swap3A_1127 = tpu.vector_load %arg13[%swap3A_1125, %swap3A_1126] {strides = array<i32>} : memref<128x128xf32, #tpu.memory_space<vmem>>, vector<1x16xf32>,
        %swap3A_1128 = vector.shape_cast %swap3A_1127 : vector<1x16xf32> to vector<16xf32>
        %swap3A_1129 = vector.shape_cast %mul3A_1124 : vector<16xf32> to vector<1x16xf32>
        tpu.vector_store %arg13[%swap3A_1125, %swap3A_1126], %swap3A_1129 {strides = array<i32>} : memref<128x128xf32, #tpu.memory_space<vmem>>, vector<1x16xf32>,
        %get3A_1130 = arith.index_cast %add3A_1072 : i32 to index
        %get3A_1131 = arith.constant 80 : index
        %get3A_1132 = tpu.vector_load %arg13[%get3A_1130, %get3A_1131] {strides = array<i32>} : memref<128x128xf32, #tpu.memory_space<vmem>>, vector<1x16xf32>,
        %get3A_1133 = vector.shape_cast %get3A_1132 : vector<1x16xf32> to vector<16xf32>
        %mul3A_1134 = vector.broadcast %squeeze3A_1074 : f32 to vector<16xf32>
        %mul3A_1135 = arith.mulf %get3A_1133, %mul3A_1134 : vector<16xf32>
        %swap3A_1136 = arith.index_cast %add3A_1072 : i32 to index
        %swap3A_1137 = arith.constant 80 : index
        %swap3A_1138 = tpu.vector_load %arg13[%swap3A_1136, %swap3A_1137] {strides = array<i32>} : memref<128x128xf32, #tpu.memory_space<vmem>>, vector<1x16xf32>,
        %swap3A_1139 = vector.shape_cast %swap3A_1138 : vector<1x16xf32> to vector<16xf32>
        %swap3A_1140 = vector.shape_cast %mul3A_1135 : vector<16xf32> to vector<1x16xf32>
        tpu.vector_store %arg13[%swap3A_1136, %swap3A_1137], %swap3A_1140 {strides = array<i32>} : memref<128x128xf32, #tpu.memory_space<vmem>>, vector<1x16xf32>,
        %get3A_1141 = arith.index_cast %add3A_1072 : i32 to index
        %get3A_1142 = arith.constant 96 : index
        %get3A_1143 = tpu.vector_load %arg13[%get3A_1141, %get3A_1142] {strides = array<i32>} : memref<128x128xf32, #tpu.memory_space<vmem>>, vector<1x16xf32>,
        %get3A_1144 = vector.shape_cast %get3A_1143 : vector<1x16xf32> to vector<16xf32>
        %mul3A_1145 = vector.broadcast %squeeze3A_1074 : f32 to vector<16xf32>
        %mul3A_1146 = arith.mulf %get3A_1144, %mul3A_1145 : vector<16xf32>
        %swap3A_1147 = arith.index_cast %add3A_1072 : i32 to index
        %swap3A_1148 = arith.constant 96 : index
        %swap3A_1149 = tpu.vector_load %arg13[%swap3A_1147, %swap3A_1148] {strides = array<i32>} : memref<128x128xf32, #tpu.memory_space<vmem>>, vector<1x16xf32>,
        %swap3A_1150 = vector.shape_cast %swap3A_1149 : vector<1x16xf32> to vector<16xf32>
        %swap3A_1151 = vector.shape_cast %mul3A_1146 : vector<16xf32> to vector<1x16xf32>
        tpu.vector_store %arg13[%swap3A_1147, %swap3A_1148], %swap3A_1151 {strides = array<i32>} : memref<128x128xf32, #tpu.memory_space<vmem>>, vector<1x16xf32>,
        %get3A_1152 = arith.index_cast %add3A_1072 : i32 to index
        %get3A_1153 = arith.constant 112 : index
        %get3A_1154 = tpu.vector_load %arg13[%get3A_1152, %get3A_1153] {strides = array<i32>} : memref<128x128xf32, #tpu.memory_space<vmem>>, vector<1x16xf32>,
        %get3A_1155 = vector.shape_cast %get3A_1154 : vector<1x16xf32> to vector<16xf32>
        %mul3A_1156 = vector.broadcast %squeeze3A_1074 : f32 to vector<16xf32>
        %mul3A_1157 = arith.mulf %get3A_1155, %mul3A_1156 : vector<16xf32>
        %swap3A_1158 = arith.index_cast %add3A_1072 : i32 to index
        %swap3A_1159 = arith.constant 112 : index
        %swap3A_1160 = tpu.vector_load %arg13[%swap3A_1158, %swap3A_1159] {strides = array<i32>} : memref<128x128xf32, #tpu.memory_space<vmem>>, vector<1x16xf32>,
        %swap3A_1161 = vector.shape_cast %swap3A_1160 : vector<1x16xf32> to vector<16xf32>
        %swap3A_1162 = vector.shape_cast %mul3A_1157 : vector<16xf32> to vector<1x16xf32>
        tpu.vector_store %arg13[%swap3A_1158, %swap3A_1159], %swap3A_1162 {strides = array<i32>} : memref<128x128xf32, #tpu.memory_space<vmem>>, vector<1x16xf32>,
        %mul3A_1163 = arith.constant 16 : i32
        %mul3A_1164 = arith.muli %scan3A_406, %mul3A_1163 : i32
        %add3A_1165 = arith.constant 8 : i32
        %add3A_1166 = arith.addi %mul3A_1164, %add3A_1165 : i32
        %slice3A_1167 = vector.extract_strided_slice %get3A_413 {offsets = [8], sizes = [1], strides = [1]} : vector<16xf32> to vector<1xf32>
        %squeeze3A_1168 = vector.extract %slice3A_1167[0] : f32 from vector<1xf32>
        %get3A_1169 = arith.index_cast %add3A_1166 : i32 to index
        %get3A_1170 = arith.constant 0 : index
        %get3A_1171 = tpu.vector_load %arg13[%get3A_1169, %get3A_1170] {strides = array<i32>} : memref<128x128xf32, #tpu.memory_space<vmem>>, vector<1x16xf32>,
        %get3A_1172 = vector.shape_cast %get3A_1171 : vector<1x16xf32> to vector<16xf32>
        %mul3A_1173 = vector.broadcast %squeeze3A_1168 : f32 to vector<16xf32>
        %mul3A_1174 = arith.mulf %get3A_1172, %mul3A_1173 : vector<16xf32>
        %swap3A_1175 = arith.index_cast %add3A_1166 : i32 to index
        %swap3A_1176 = arith.constant 0 : index
        %swap3A_1177 = tpu.vector_load %arg13[%swap3A_1175, %swap3A_1176] {strides = array<i32>} : memref<128x128xf32, #tpu.memory_space<vmem>>, vector<1x16xf32>,
        %swap3A_1178 = vector.shape_cast %swap3A_1177 : vector<1x16xf32> to vector<16xf32>
        %swap3A_1179 = vector.shape_cast %mul3A_1174 : vector<16xf32> to vector<1x16xf32>
        tpu.vector_store %arg13[%swap3A_1175, %swap3A_1176], %swap3A_1179 {strides = array<i32>} : memref<128x128xf32, #tpu.memory_space<vmem>>, vector<1x16xf32>,
        %get3A_1180 = arith.index_cast %add3A_1166 : i32 to index
        %get3A_1181 = arith.constant 16 : index
        %get3A_1182 = tpu.vector_load %arg13[%get3A_1180, %get3A_1181] {strides = array<i32>} : memref<128x128xf32, #tpu.memory_space<vmem>>, vector<1x16xf32>,
        %get3A_1183 = vector.shape_cast %get3A_1182 : vector<1x16xf32> to vector<16xf32>
        %mul3A_1184 = vector.broadcast %squeeze3A_1168 : f32 to vector<16xf32>
        %mul3A_1185 = arith.mulf %get3A_1183, %mul3A_1184 : vector<16xf32>
        %swap3A_1186 = arith.index_cast %add3A_1166 : i32 to index
        %swap3A_1187 = arith.constant 16 : index
        %swap3A_1188 = tpu.vector_load %arg13[%swap3A_1186, %swap3A_1187] {strides = array<i32>} : memref<128x128xf32, #tpu.memory_space<vmem>>, vector<1x16xf32>,
        %swap3A_1189 = vector.shape_cast %swap3A_1188 : vector<1x16xf32> to vector<16xf32>
        %swap3A_1190 = vector.shape_cast %mul3A_1185 : vector<16xf32> to vector<1x16xf32>
        tpu.vector_store %arg13[%swap3A_1186, %swap3A_1187], %swap3A_1190 {strides = array<i32>} : memref<128x128xf32, #tpu.memory_space<vmem>>, vector<1x16xf32>,
        %get3A_1191 = arith.index_cast %add3A_1166 : i32 to index
        %get3A_1192 = arith.constant 32 : index
        %get3A_1193 = tpu.vector_load %arg13[%get3A_1191, %get3A_1192] {strides = array<i32>} : memref<128x128xf32, #tpu.memory_space<vmem>>, vector<1x16xf32>,
        %get3A_1194 = vector.shape_cast %get3A_1193 : vector<1x16xf32> to vector<16xf32>
        %mul3A_1195 = vector.broadcast %squeeze3A_1168 : f32 to vector<16xf32>
        %mul3A_1196 = arith.mulf %get3A_1194, %mul3A_1195 : vector<16xf32>
        %swap3A_1197 = arith.index_cast %add3A_1166 : i32 to index
        %swap3A_1198 = arith.constant 32 : index
        %swap3A_1199 = tpu.vector_load %arg13[%swap3A_1197, %swap3A_1198] {strides = array<i32>} : memref<128x128xf32, #tpu.memory_space<vmem>>, vector<1x16xf32>,
        %swap3A_1200 = vector.shape_cast %swap3A_1199 : vector<1x16xf32> to vector<16xf32>
        %swap3A_1201 = vector.shape_cast %mul3A_1196 : vector<16xf32> to vector<1x16xf32>
        tpu.vector_store %arg13[%swap3A_1197, %swap3A_1198], %swap3A_1201 {strides = array<i32>} : memref<128x128xf32, #tpu.memory_space<vmem>>, vector<1x16xf32>,
        %get3A_1202 = arith.index_cast %add3A_1166 : i32 to index
        %get3A_1203 = arith.constant 48 : index
        %get3A_1204 = tpu.vector_load %arg13[%get3A_1202, %get3A_1203] {strides = array<i32>} : memref<128x128xf32, #tpu.memory_space<vmem>>, vector<1x16xf32>,
        %get3A_1205 = vector.shape_cast %get3A_1204 : vector<1x16xf32> to vector<16xf32>
        %mul3A_1206 = vector.broadcast %squeeze3A_1168 : f32 to vector<16xf32>
        %mul3A_1207 = arith.mulf %get3A_1205, %mul3A_1206 : vector<16xf32>
        %swap3A_1208 = arith.index_cast %add3A_1166 : i32 to index
        %swap3A_1209 = arith.constant 48 : index
        %swap3A_1210 = tpu.vector_load %arg13[%swap3A_1208, %swap3A_1209] {strides = array<i32>} : memref<128x128xf32, #tpu.memory_space<vmem>>, vector<1x16xf32>,
        %swap3A_1211 = vector.shape_cast %swap3A_1210 : vector<1x16xf32> to vector<16xf32>
        %swap3A_1212 = vector.shape_cast %mul3A_1207 : vector<16xf32> to vector<1x16xf32>
        tpu.vector_store %arg13[%swap3A_1208, %swap3A_1209], %swap3A_1212 {strides = array<i32>} : memref<128x128xf32, #tpu.memory_space<vmem>>, vector<1x16xf32>,
        %get3A_1213 = arith.index_cast %add3A_1166 : i32 to index
        %get3A_1214 = arith.constant 64 : index
        %get3A_1215 = tpu.vector_load %arg13[%get3A_1213, %get3A_1214] {strides = array<i32>} : memref<128x128xf32, #tpu.memory_space<vmem>>, vector<1x16xf32>,
        %get3A_1216 = vector.shape_cast %get3A_1215 : vector<1x16xf32> to vector<16xf32>
        %mul3A_1217 = vector.broadcast %squeeze3A_1168 : f32 to vector<16xf32>
        %mul3A_1218 = arith.mulf %get3A_1216, %mul3A_1217 : vector<16xf32>
        %swap3A_1219 = arith.index_cast %add3A_1166 : i32 to index
        %swap3A_1220 = arith.constant 64 : index
        %swap3A_1221 = tpu.vector_load %arg13[%swap3A_1219, %swap3A_1220] {strides = array<i32>} : memref<128x128xf32, #tpu.memory_space<vmem>>, vector<1x16xf32>,
        %swap3A_1222 = vector.shape_cast %swap3A_1221 : vector<1x16xf32> to vector<16xf32>
        %swap3A_1223 = vector.shape_cast %mul3A_1218 : vector<16xf32> to vector<1x16xf32>
        tpu.vector_store %arg13[%swap3A_1219, %swap3A_1220], %swap3A_1223 {strides = array<i32>} : memref<128x128xf32, #tpu.memory_space<vmem>>, vector<1x16xf32>,
        %get3A_1224 = arith.index_cast %add3A_1166 : i32 to index
        %get3A_1225 = arith.constant 80 : index
        %get3A_1226 = tpu.vector_load %arg13[%get3A_1224, %get3A_1225] {strides = array<i32>} : memref<128x128xf32, #tpu.memory_space<vmem>>, vector<1x16xf32>,
        %get3A_1227 = vector.shape_cast %get3A_1226 : vector<1x16xf32> to vector<16xf32>
        %mul3A_1228 = vector.broadcast %squeeze3A_1168 : f32 to vector<16xf32>
        %mul3A_1229 = arith.mulf %get3A_1227, %mul3A_1228 : vector<16xf32>
        %swap3A_1230 = arith.index_cast %add3A_1166 : i32 to index
        %swap3A_1231 = arith.constant 80 : index
        %swap3A_1232 = tpu.vector_load %arg13[%swap3A_1230, %swap3A_1231] {strides = array<i32>} : memref<128x128xf32, #tpu.memory_space<vmem>>, vector<1x16xf32>,
        %swap3A_1233 = vector.shape_cast %swap3A_1232 : vector<1x16xf32> to vector<16xf32>
        %swap3A_1234 = vector.shape_cast %mul3A_1229 : vector<16xf32> to vector<1x16xf32>
        tpu.vector_store %arg13[%swap3A_1230, %swap3A_1231], %swap3A_1234 {strides = array<i32>} : memref<128x128xf32, #tpu.memory_space<vmem>>, vector<1x16xf32>,
        %get3A_1235 = arith.index_cast %add3A_1166 : i32 to index
        %get3A_1236 = arith.constant 96 : index
        %get3A_1237 = tpu.vector_load %arg13[%get3A_1235, %get3A_1236] {strides = array<i32>} : memref<128x128xf32, #tpu.memory_space<vmem>>, vector<1x16xf32>,
        %get3A_1238 = vector.shape_cast %get3A_1237 : vector<1x16xf32> to vector<16xf32>
        %mul3A_1239 = vector.broadcast %squeeze3A_1168 : f32 to vector<16xf32>
        %mul3A_1240 = arith.mulf %get3A_1238, %mul3A_1239 : vector<16xf32>
        %swap3A_1241 = arith.index_cast %add3A_1166 : i32 to index
        %swap3A_1242 = arith.constant 96 : index
        %swap3A_1243 = tpu.vector_load %arg13[%swap3A_1241, %swap3A_1242] {strides = array<i32>} : memref<128x128xf32, #tpu.memory_space<vmem>>, vector<1x16xf32>,
        %swap3A_1244 = vector.shape_cast %swap3A_1243 : vector<1x16xf32> to vector<16xf32>
        %swap3A_1245 = vector.shape_cast %mul3A_1240 : vector<16xf32> to vector<1x16xf32>
        tpu.vector_store %arg13[%swap3A_1241, %swap3A_1242], %swap3A_1245 {strides = array<i32>} : memref<128x128xf32, #tpu.memory_space<vmem>>, vector<1x16xf32>,
        %get3A_1246 = arith.index_cast %add3A_1166 : i32 to index
        %get3A_1247 = arith.constant 112 : index
        %get3A_1248 = tpu.vector_load %arg13[%get3A_1246, %get3A_1247] {strides = array<i32>} : memref<128x128xf32, #tpu.memory_space<vmem>>, vector<1x16xf32>,
        %get3A_1249 = vector.shape_cast %get3A_1248 : vector<1x16xf32> to vector<16xf32>
        %mul3A_1250 = vector.broadcast %squeeze3A_1168 : f32 to vector<16xf32>
        %mul3A_1251 = arith.mulf %get3A_1249, %mul3A_1250 : vector<16xf32>
        %swap3A_1252 = arith.index_cast %add3A_1166 : i32 to index
        %swap3A_1253 = arith.constant 112 : index
        %swap3A_1254 = tpu.vector_load %arg13[%swap3A_1252, %swap3A_1253] {strides = array<i32>} : memref<128x128xf32, #tpu.memory_space<vmem>>, vector<1x16xf32>,
        %swap3A_1255 = vector.shape_cast %swap3A_1254 : vector<1x16xf32> to vector<16xf32>
        %swap3A_1256 = vector.shape_cast %mul3A_1251 : vector<16xf32> to vector<1x16xf32>
        tpu.vector_store %arg13[%swap3A_1252, %swap3A_1253], %swap3A_1256 {strides = array<i32>} : memref<128x128xf32, #tpu.memory_space<vmem>>, vector<1x16xf32>,
        %mul3A_1257 = arith.constant 16 : i32
        %mul3A_1258 = arith.muli %scan3A_406, %mul3A_1257 : i32
        %add3A_1259 = arith.constant 9 : i32
        %add3A_1260 = arith.addi %mul3A_1258, %add3A_1259 : i32
        %slice3A_1261 = vector.extract_strided_slice %get3A_413 {offsets = [9], sizes = [1], strides = [1]} : vector<16xf32> to vector<1xf32>
        %squeeze3A_1262 = vector.extract %slice3A_1261[0] : f32 from vector<1xf32>
        %get3A_1263 = arith.index_cast %add3A_1260 : i32 to index
        %get3A_1264 = arith.constant 0 : index
        %get3A_1265 = tpu.vector_load %arg13[%get3A_1263, %get3A_1264] {strides = array<i32>} : memref<128x128xf32, #tpu.memory_space<vmem>>, vector<1x16xf32>,
        %get3A_1266 = vector.shape_cast %get3A_1265 : vector<1x16xf32> to vector<16xf32>
        %mul3A_1267 = vector.broadcast %squeeze3A_1262 : f32 to vector<16xf32>
        %mul3A_1268 = arith.mulf %get3A_1266, %mul3A_1267 : vector<16xf32>
        %swap3A_1269 = arith.index_cast %add3A_1260 : i32 to index
        %swap3A_1270 = arith.constant 0 : index
        %swap3A_1271 = tpu.vector_load %arg13[%swap3A_1269, %swap3A_1270] {strides = array<i32>} : memref<128x128xf32, #tpu.memory_space<vmem>>, vector<1x16xf32>,
        %swap3A_1272 = vector.shape_cast %swap3A_1271 : vector<1x16xf32> to vector<16xf32>
        %swap3A_1273 = vector.shape_cast %mul3A_1268 : vector<16xf32> to vector<1x16xf32>
        tpu.vector_store %arg13[%swap3A_1269, %swap3A_1270], %swap3A_1273 {strides = array<i32>} : memref<128x128xf32, #tpu.memory_space<vmem>>, vector<1x16xf32>,
        %get3A_1274 = arith.index_cast %add3A_1260 : i32 to index
        %get3A_1275 = arith.constant 16 : index
        %get3A_1276 = tpu.vector_load %arg13[%get3A_1274, %get3A_1275] {strides = array<i32>} : memref<128x128xf32, #tpu.memory_space<vmem>>, vector<1x16xf32>,
        %get3A_1277 = vector.shape_cast %get3A_1276 : vector<1x16xf32> to vector<16xf32>
        %mul3A_1278 = vector.broadcast %squeeze3A_1262 : f32 to vector<16xf32>
        %mul3A_1279 = arith.mulf %get3A_1277, %mul3A_1278 : vector<16xf32>
        %swap3A_1280 = arith.index_cast %add3A_1260 : i32 to index
        %swap3A_1281 = arith.constant 16 : index
        %swap3A_1282 = tpu.vector_load %arg13[%swap3A_1280, %swap3A_1281] {strides = array<i32>} : memref<128x128xf32, #tpu.memory_space<vmem>>, vector<1x16xf32>,
        %swap3A_1283 = vector.shape_cast %swap3A_1282 : vector<1x16xf32> to vector<16xf32>
        %swap3A_1284 = vector.shape_cast %mul3A_1279 : vector<16xf32> to vector<1x16xf32>
        tpu.vector_store %arg13[%swap3A_1280, %swap3A_1281], %swap3A_1284 {strides = array<i32>} : memref<128x128xf32, #tpu.memory_space<vmem>>, vector<1x16xf32>,
        %get3A_1285 = arith.index_cast %add3A_1260 : i32 to index
        %get3A_1286 = arith.constant 32 : index
        %get3A_1287 = tpu.vector_load %arg13[%get3A_1285, %get3A_1286] {strides = array<i32>} : memref<128x128xf32, #tpu.memory_space<vmem>>, vector<1x16xf32>,
        %get3A_1288 = vector.shape_cast %get3A_1287 : vector<1x16xf32> to vector<16xf32>
        %mul3A_1289 = vector.broadcast %squeeze3A_1262 : f32 to vector<16xf32>
        %mul3A_1290 = arith.mulf %get3A_1288, %mul3A_1289 : vector<16xf32>
        %swap3A_1291 = arith.index_cast %add3A_1260 : i32 to index
        %swap3A_1292 = arith.constant 32 : index
        %swap3A_1293 = tpu.vector_load %arg13[%swap3A_1291, %swap3A_1292] {strides = array<i32>} : memref<128x128xf32, #tpu.memory_space<vmem>>, vector<1x16xf32>,
        %swap3A_1294 = vector.shape_cast %swap3A_1293 : vector<1x16xf32> to vector<16xf32>
        %swap3A_1295 = vector.shape_cast %mul3A_1290 : vector<16xf32> to vector<1x16xf32>
        tpu.vector_store %arg13[%swap3A_1291, %swap3A_1292], %swap3A_1295 {strides = array<i32>} : memref<128x128xf32, #tpu.memory_space<vmem>>, vector<1x16xf32>,
        %get3A_1296 = arith.index_cast %add3A_1260 : i32 to index
        %get3A_1297 = arith.constant 48 : index
        %get3A_1298 = tpu.vector_load %arg13[%get3A_1296, %get3A_1297] {strides = array<i32>} : memref<128x128xf32, #tpu.memory_space<vmem>>, vector<1x16xf32>,
        %get3A_1299 = vector.shape_cast %get3A_1298 : vector<1x16xf32> to vector<16xf32>
        %mul3A_1300 = vector.broadcast %squeeze3A_1262 : f32 to vector<16xf32>
        %mul3A_1301 = arith.mulf %get3A_1299, %mul3A_1300 : vector<16xf32>
        %swap3A_1302 = arith.index_cast %add3A_1260 : i32 to index
        %swap3A_1303 = arith.constant 48 : index
        %swap3A_1304 = tpu.vector_load %arg13[%swap3A_1302, %swap3A_1303] {strides = array<i32>} : memref<128x128xf32, #tpu.memory_space<vmem>>, vector<1x16xf32>,
        %swap3A_1305 = vector.shape_cast %swap3A_1304 : vector<1x16xf32> to vector<16xf32>
        %swap3A_1306 = vector.shape_cast %mul3A_1301 : vector<16xf32> to vector<1x16xf32>
        tpu.vector_store %arg13[%swap3A_1302, %swap3A_1303], %swap3A_1306 {strides = array<i32>} : memref<128x128xf32, #tpu.memory_space<vmem>>, vector<1x16xf32>,
        %get3A_1307 = arith.index_cast %add3A_1260 : i32 to index
        %get3A_1308 = arith.constant 64 : index
        %get3A_1309 = tpu.vector_load %arg13[%get3A_1307, %get3A_1308] {strides = array<i32>} : memref<128x128xf32, #tpu.memory_space<vmem>>, vector<1x16xf32>,
        %get3A_1310 = vector.shape_cast %get3A_1309 : vector<1x16xf32> to vector<16xf32>
        %mul3A_1311 = vector.broadcast %squeeze3A_1262 : f32 to vector<16xf32>
        %mul3A_1312 = arith.mulf %get3A_1310, %mul3A_1311 : vector<16xf32>
        %swap3A_1313 = arith.index_cast %add3A_1260 : i32 to index
        %swap3A_1314 = arith.constant 64 : index
        %swap3A_1315 = tpu.vector_load %arg13[%swap3A_1313, %swap3A_1314] {strides = array<i32>} : memref<128x128xf32, #tpu.memory_space<vmem>>, vector<1x16xf32>,
        %swap3A_1316 = vector.shape_cast %swap3A_1315 : vector<1x16xf32> to vector<16xf32>
        %swap3A_1317 = vector.shape_cast %mul3A_1312 : vector<16xf32> to vector<1x16xf32>
        tpu.vector_store %arg13[%swap3A_1313, %swap3A_1314], %swap3A_1317 {strides = array<i32>} : memref<128x128xf32, #tpu.memory_space<vmem>>, vector<1x16xf32>,
        %get3A_1318 = arith.index_cast %add3A_1260 : i32 to index
        %get3A_1319 = arith.constant 80 : index
        %get3A_1320 = tpu.vector_load %arg13[%get3A_1318, %get3A_1319] {strides = array<i32>} : memref<128x128xf32, #tpu.memory_space<vmem>>, vector<1x16xf32>,
        %get3A_1321 = vector.shape_cast %get3A_1320 : vector<1x16xf32> to vector<16xf32>
        %mul3A_1322 = vector.broadcast %squeeze3A_1262 : f32 to vector<16xf32>
        %mul3A_1323 = arith.mulf %get3A_1321, %mul3A_1322 : vector<16xf32>
        %swap3A_1324 = arith.index_cast %add3A_1260 : i32 to index
        %swap3A_1325 = arith.constant 80 : index
        %swap3A_1326 = tpu.vector_load %arg13[%swap3A_1324, %swap3A_1325] {strides = array<i32>} : memref<128x128xf32, #tpu.memory_space<vmem>>, vector<1x16xf32>,
        %swap3A_1327 = vector.shape_cast %swap3A_1326 : vector<1x16xf32> to vector<16xf32>
        %swap3A_1328 = vector.shape_cast %mul3A_1323 : vector<16xf32> to vector<1x16xf32>
        tpu.vector_store %arg13[%swap3A_1324, %swap3A_1325], %swap3A_1328 {strides = array<i32>} : memref<128x128xf32, #tpu.memory_space<vmem>>, vector<1x16xf32>,
        %get3A_1329 = arith.index_cast %add3A_1260 : i32 to index
        %get3A_1330 = arith.constant 96 : index
        %get3A_1331 = tpu.vector_load %arg13[%get3A_1329, %get3A_1330] {strides = array<i32>} : memref<128x128xf32, #tpu.memory_space<vmem>>, vector<1x16xf32>,
        %get3A_1332 = vector.shape_cast %get3A_1331 : vector<1x16xf32> to vector<16xf32>
        %mul3A_1333 = vector.broadcast %squeeze3A_1262 : f32 to vector<16xf32>
        %mul3A_1334 = arith.mulf %get3A_1332, %mul3A_1333 : vector<16xf32>
        %swap3A_1335 = arith.index_cast %add3A_1260 : i32 to index
        %swap3A_1336 = arith.constant 96 : index
        %swap3A_1337 = tpu.vector_load %arg13[%swap3A_1335, %swap3A_1336] {strides = array<i32>} : memref<128x128xf32, #tpu.memory_space<vmem>>, vector<1x16xf32>,
        %swap3A_1338 = vector.shape_cast %swap3A_1337 : vector<1x16xf32> to vector<16xf32>
        %swap3A_1339 = vector.shape_cast %mul3A_1334 : vector<16xf32> to vector<1x16xf32>
        tpu.vector_store %arg13[%swap3A_1335, %swap3A_1336], %swap3A_1339 {strides = array<i32>} : memref<128x128xf32, #tpu.memory_space<vmem>>, vector<1x16xf32>,
        %get3A_1340 = arith.index_cast %add3A_1260 : i32 to index
        %get3A_1341 = arith.constant 112 : index
        %get3A_1342 = tpu.vector_load %arg13[%get3A_1340, %get3A_1341] {strides = array<i32>} : memref<128x128xf32, #tpu.memory_space<vmem>>, vector<1x16xf32>,
        %get3A_1343 = vector.shape_cast %get3A_1342 : vector<1x16xf32> to vector<16xf32>
        %mul3A_1344 = vector.broadcast %squeeze3A_1262 : f32 to vector<16xf32>
        %mul3A_1345 = arith.mulf %get3A_1343, %mul3A_1344 : vector<16xf32>
        %swap3A_1346 = arith.index_cast %add3A_1260 : i32 to index
        %swap3A_1347 = arith.constant 112 : index
        %swap3A_1348 = tpu.vector_load %arg13[%swap3A_1346, %swap3A_1347] {strides = array<i32>} : memref<128x128xf32, #tpu.memory_space<vmem>>, vector<1x16xf32>,
        %swap3A_1349 = vector.shape_cast %swap3A_1348 : vector<1x16xf32> to vector<16xf32>
        %swap3A_1350 = vector.shape_cast %mul3A_1345 : vector<16xf32> to vector<1x16xf32>
        tpu.vector_store %arg13[%swap3A_1346, %swap3A_1347], %swap3A_1350 {strides = array<i32>} : memref<128x128xf32, #tpu.memory_space<vmem>>, vector<1x16xf32>,
        %mul3A_1351 = arith.constant 16 : i32
        %mul3A_1352 = arith.muli %scan3A_406, %mul3A_1351 : i32
        %add3A_1353 = arith.constant 10 : i32
        %add3A_1354 = arith.addi %mul3A_1352, %add3A_1353 : i32
        %slice3A_1355 = vector.extract_strided_slice %get3A_413 {offsets = [10], sizes = [1], strides = [1]} : vector<16xf32> to vector<1xf32>
        %squeeze3A_1356 = vector.extract %slice3A_1355[0] : f32 from vector<1xf32>
        %get3A_1357 = arith.index_cast %add3A_1354 : i32 to index
        %get3A_1358 = arith.constant 0 : index
        %get3A_1359 = tpu.vector_load %arg13[%get3A_1357, %get3A_1358] {strides = array<i32>} : memref<128x128xf32, #tpu.memory_space<vmem>>, vector<1x16xf32>,
        %get3A_1360 = vector.shape_cast %get3A_1359 : vector<1x16xf32> to vector<16xf32>
        %mul3A_1361 = vector.broadcast %squeeze3A_1356 : f32 to vector<16xf32>
        %mul3A_1362 = arith.mulf %get3A_1360, %mul3A_1361 : vector<16xf32>
        %swap3A_1363 = arith.index_cast %add3A_1354 : i32 to index
        %swap3A_1364 = arith.constant 0 : index
        %swap3A_1365 = tpu.vector_load %arg13[%swap3A_1363, %swap3A_1364] {strides = array<i32>} : memref<128x128xf32, #tpu.memory_space<vmem>>, vector<1x16xf32>,
        %swap3A_1366 = vector.shape_cast %swap3A_1365 : vector<1x16xf32> to vector<16xf32>
        %swap3A_1367 = vector.shape_cast %mul3A_1362 : vector<16xf32> to vector<1x16xf32>
        tpu.vector_store %arg13[%swap3A_1363, %swap3A_1364], %swap3A_1367 {strides = array<i32>} : memref<128x128xf32, #tpu.memory_space<vmem>>, vector<1x16xf32>,
        %get3A_1368 = arith.index_cast %add3A_1354 : i32 to index
        %get3A_1369 = arith.constant 16 : index
        %get3A_1370 = tpu.vector_load %arg13[%get3A_1368, %get3A_1369] {strides = array<i32>} : memref<128x128xf32, #tpu.memory_space<vmem>>, vector<1x16xf32>,
        %get3A_1371 = vector.shape_cast %get3A_1370 : vector<1x16xf32> to vector<16xf32>
        %mul3A_1372 = vector.broadcast %squeeze3A_1356 : f32 to vector<16xf32>
        %mul3A_1373 = arith.mulf %get3A_1371, %mul3A_1372 : vector<16xf32>
        %swap3A_1374 = arith.index_cast %add3A_1354 : i32 to index
        %swap3A_1375 = arith.constant 16 : index
        %swap3A_1376 = tpu.vector_load %arg13[%swap3A_1374, %swap3A_1375] {strides = array<i32>} : memref<128x128xf32, #tpu.memory_space<vmem>>, vector<1x16xf32>,
        %swap3A_1377 = vector.shape_cast %swap3A_1376 : vector<1x16xf32> to vector<16xf32>
        %swap3A_1378 = vector.shape_cast %mul3A_1373 : vector<16xf32> to vector<1x16xf32>
        tpu.vector_store %arg13[%swap3A_1374, %swap3A_1375], %swap3A_1378 {strides = array<i32>} : memref<128x128xf32, #tpu.memory_space<vmem>>, vector<1x16xf32>,
        %get3A_1379 = arith.index_cast %add3A_1354 : i32 to index
        %get3A_1380 = arith.constant 32 : index
        %get3A_1381 = tpu.vector_load %arg13[%get3A_1379, %get3A_1380] {strides = array<i32>} : memref<128x128xf32, #tpu.memory_space<vmem>>, vector<1x16xf32>,
        %get3A_1382 = vector.shape_cast %get3A_1381 : vector<1x16xf32> to vector<16xf32>
        %mul3A_1383 = vector.broadcast %squeeze3A_1356 : f32 to vector<16xf32>
        %mul3A_1384 = arith.mulf %get3A_1382, %mul3A_1383 : vector<16xf32>
        %swap3A_1385 = arith.index_cast %add3A_1354 : i32 to index
        %swap3A_1386 = arith.constant 32 : index
        %swap3A_1387 = tpu.vector_load %arg13[%swap3A_1385, %swap3A_1386] {strides = array<i32>} : memref<128x128xf32, #tpu.memory_space<vmem>>, vector<1x16xf32>,
        %swap3A_1388 = vector.shape_cast %swap3A_1387 : vector<1x16xf32> to vector<16xf32>
        %swap3A_1389 = vector.shape_cast %mul3A_1384 : vector<16xf32> to vector<1x16xf32>
        tpu.vector_store %arg13[%swap3A_1385, %swap3A_1386], %swap3A_1389 {strides = array<i32>} : memref<128x128xf32, #tpu.memory_space<vmem>>, vector<1x16xf32>,
        %get3A_1390 = arith.index_cast %add3A_1354 : i32 to index
        %get3A_1391 = arith.constant 48 : index
        %get3A_1392 = tpu.vector_load %arg13[%get3A_1390, %get3A_1391] {strides = array<i32>} : memref<128x128xf32, #tpu.memory_space<vmem>>, vector<1x16xf32>,
        %get3A_1393 = vector.shape_cast %get3A_1392 : vector<1x16xf32> to vector<16xf32>
        %mul3A_1394 = vector.broadcast %squeeze3A_1356 : f32 to vector<16xf32>
        %mul3A_1395 = arith.mulf %get3A_1393, %mul3A_1394 : vector<16xf32>
        %swap3A_1396 = arith.index_cast %add3A_1354 : i32 to index
        %swap3A_1397 = arith.constant 48 : index
        %swap3A_1398 = tpu.vector_load %arg13[%swap3A_1396, %swap3A_1397] {strides = array<i32>} : memref<128x128xf32, #tpu.memory_space<vmem>>, vector<1x16xf32>,
        %swap3A_1399 = vector.shape_cast %swap3A_1398 : vector<1x16xf32> to vector<16xf32>
        %swap3A_1400 = vector.shape_cast %mul3A_1395 : vector<16xf32> to vector<1x16xf32>
        tpu.vector_store %arg13[%swap3A_1396, %swap3A_1397], %swap3A_1400 {strides = array<i32>} : memref<128x128xf32, #tpu.memory_space<vmem>>, vector<1x16xf32>,
        %get3A_1401 = arith.index_cast %add3A_1354 : i32 to index
        %get3A_1402 = arith.constant 64 : index
        %get3A_1403 = tpu.vector_load %arg13[%get3A_1401, %get3A_1402] {strides = array<i32>} : memref<128x128xf32, #tpu.memory_space<vmem>>, vector<1x16xf32>,
        %get3A_1404 = vector.shape_cast %get3A_1403 : vector<1x16xf32> to vector<16xf32>
        %mul3A_1405 = vector.broadcast %squeeze3A_1356 : f32 to vector<16xf32>
        %mul3A_1406 = arith.mulf %get3A_1404, %mul3A_1405 : vector<16xf32>
        %swap3A_1407 = arith.index_cast %add3A_1354 : i32 to index
        %swap3A_1408 = arith.constant 64 : index
        %swap3A_1409 = tpu.vector_load %arg13[%swap3A_1407, %swap3A_1408] {strides = array<i32>} : memref<128x128xf32, #tpu.memory_space<vmem>>, vector<1x16xf32>,
        %swap3A_1410 = vector.shape_cast %swap3A_1409 : vector<1x16xf32> to vector<16xf32>
        %swap3A_1411 = vector.shape_cast %mul3A_1406 : vector<16xf32> to vector<1x16xf32>
        tpu.vector_store %arg13[%swap3A_1407, %swap3A_1408], %swap3A_1411 {strides = array<i32>} : memref<128x128xf32, #tpu.memory_space<vmem>>, vector<1x16xf32>,
        %get3A_1412 = arith.index_cast %add3A_1354 : i32 to index
        %get3A_1413 = arith.constant 80 : index
        %get3A_1414 = tpu.vector_load %arg13[%get3A_1412, %get3A_1413] {strides = array<i32>} : memref<128x128xf32, #tpu.memory_space<vmem>>, vector<1x16xf32>,
        %get3A_1415 = vector.shape_cast %get3A_1414 : vector<1x16xf32> to vector<16xf32>
        %mul3A_1416 = vector.broadcast %squeeze3A_1356 : f32 to vector<16xf32>
        %mul3A_1417 = arith.mulf %get3A_1415, %mul3A_1416 : vector<16xf32>
        %swap3A_1418 = arith.index_cast %add3A_1354 : i32 to index
        %swap3A_1419 = arith.constant 80 : index
        %swap3A_1420 = tpu.vector_load %arg13[%swap3A_1418, %swap3A_1419] {strides = array<i32>} : memref<128x128xf32, #tpu.memory_space<vmem>>, vector<1x16xf32>,
        %swap3A_1421 = vector.shape_cast %swap3A_1420 : vector<1x16xf32> to vector<16xf32>
        %swap3A_1422 = vector.shape_cast %mul3A_1417 : vector<16xf32> to vector<1x16xf32>
        tpu.vector_store %arg13[%swap3A_1418, %swap3A_1419], %swap3A_1422 {strides = array<i32>} : memref<128x128xf32, #tpu.memory_space<vmem>>, vector<1x16xf32>,
        %get3A_1423 = arith.index_cast %add3A_1354 : i32 to index
        %get3A_1424 = arith.constant 96 : index
        %get3A_1425 = tpu.vector_load %arg13[%get3A_1423, %get3A_1424] {strides = array<i32>} : memref<128x128xf32, #tpu.memory_space<vmem>>, vector<1x16xf32>,
        %get3A_1426 = vector.shape_cast %get3A_1425 : vector<1x16xf32> to vector<16xf32>
        %mul3A_1427 = vector.broadcast %squeeze3A_1356 : f32 to vector<16xf32>
        %mul3A_1428 = arith.mulf %get3A_1426, %mul3A_1427 : vector<16xf32>
        %swap3A_1429 = arith.index_cast %add3A_1354 : i32 to index
        %swap3A_1430 = arith.constant 96 : index
        %swap3A_1431 = tpu.vector_load %arg13[%swap3A_1429, %swap3A_1430] {strides = array<i32>} : memref<128x128xf32, #tpu.memory_space<vmem>>, vector<1x16xf32>,
        %swap3A_1432 = vector.shape_cast %swap3A_1431 : vector<1x16xf32> to vector<16xf32>
        %swap3A_1433 = vector.shape_cast %mul3A_1428 : vector<16xf32> to vector<1x16xf32>
        tpu.vector_store %arg13[%swap3A_1429, %swap3A_1430], %swap3A_1433 {strides = array<i32>} : memref<128x128xf32, #tpu.memory_space<vmem>>, vector<1x16xf32>,
        %get3A_1434 = arith.index_cast %add3A_1354 : i32 to index
        %get3A_1435 = arith.constant 112 : index
        %get3A_1436 = tpu.vector_load %arg13[%get3A_1434, %get3A_1435] {strides = array<i32>} : memref<128x128xf32, #tpu.memory_space<vmem>>, vector<1x16xf32>,
        %get3A_1437 = vector.shape_cast %get3A_1436 : vector<1x16xf32> to vector<16xf32>
        %mul3A_1438 = vector.broadcast %squeeze3A_1356 : f32 to vector<16xf32>
        %mul3A_1439 = arith.mulf %get3A_1437, %mul3A_1438 : vector<16xf32>
        %swap3A_1440 = arith.index_cast %add3A_1354 : i32 to index
        %swap3A_1441 = arith.constant 112 : index
        %swap3A_1442 = tpu.vector_load %arg13[%swap3A_1440, %swap3A_1441] {strides = array<i32>} : memref<128x128xf32, #tpu.memory_space<vmem>>, vector<1x16xf32>,
        %swap3A_1443 = vector.shape_cast %swap3A_1442 : vector<1x16xf32> to vector<16xf32>
        %swap3A_1444 = vector.shape_cast %mul3A_1439 : vector<16xf32> to vector<1x16xf32>
        tpu.vector_store %arg13[%swap3A_1440, %swap3A_1441], %swap3A_1444 {strides = array<i32>} : memref<128x128xf32, #tpu.memory_space<vmem>>, vector<1x16xf32>,
        %mul3A_1445 = arith.constant 16 : i32
        %mul3A_1446 = arith.muli %scan3A_406, %mul3A_1445 : i32
        %add3A_1447 = arith.constant 11 : i32
        %add3A_1448 = arith.addi %mul3A_1446, %add3A_1447 : i32
        %slice3A_1449 = vector.extract_strided_slice %get3A_413 {offsets = [11], sizes = [1], strides = [1]} : vector<16xf32> to vector<1xf32>
        %squeeze3A_1450 = vector.extract %slice3A_1449[0] : f32 from vector<1xf32>
        %get3A_1451 = arith.index_cast %add3A_1448 : i32 to index
        %get3A_1452 = arith.constant 0 : index
        %get3A_1453 = tpu.vector_load %arg13[%get3A_1451, %get3A_1452] {strides = array<i32>} : memref<128x128xf32, #tpu.memory_space<vmem>>, vector<1x16xf32>,
        %get3A_1454 = vector.shape_cast %get3A_1453 : vector<1x16xf32> to vector<16xf32>
        %mul3A_1455 = vector.broadcast %squeeze3A_1450 : f32 to vector<16xf32>
        %mul3A_1456 = arith.mulf %get3A_1454, %mul3A_1455 : vector<16xf32>
        %swap3A_1457 = arith.index_cast %add3A_1448 : i32 to index
        %swap3A_1458 = arith.constant 0 : index
        %swap3A_1459 = tpu.vector_load %arg13[%swap3A_1457, %swap3A_1458] {strides = array<i32>} : memref<128x128xf32, #tpu.memory_space<vmem>>, vector<1x16xf32>,
        %swap3A_1460 = vector.shape_cast %swap3A_1459 : vector<1x16xf32> to vector<16xf32>
        %swap3A_1461 = vector.shape_cast %mul3A_1456 : vector<16xf32> to vector<1x16xf32>
        tpu.vector_store %arg13[%swap3A_1457, %swap3A_1458], %swap3A_1461 {strides = array<i32>} : memref<128x128xf32, #tpu.memory_space<vmem>>, vector<1x16xf32>,
        %get3A_1462 = arith.index_cast %add3A_1448 : i32 to index
        %get3A_1463 = arith.constant 16 : index
        %get3A_1464 = tpu.vector_load %arg13[%get3A_1462, %get3A_1463] {strides = array<i32>} : memref<128x128xf32, #tpu.memory_space<vmem>>, vector<1x16xf32>,
        %get3A_1465 = vector.shape_cast %get3A_1464 : vector<1x16xf32> to vector<16xf32>
        %mul3A_1466 = vector.broadcast %squeeze3A_1450 : f32 to vector<16xf32>
        %mul3A_1467 = arith.mulf %get3A_1465, %mul3A_1466 : vector<16xf32>
        %swap3A_1468 = arith.index_cast %add3A_1448 : i32 to index
        %swap3A_1469 = arith.constant 16 : index
        %swap3A_1470 = tpu.vector_load %arg13[%swap3A_1468, %swap3A_1469] {strides = array<i32>} : memref<128x128xf32, #tpu.memory_space<vmem>>, vector<1x16xf32>,
        %swap3A_1471 = vector.shape_cast %swap3A_1470 : vector<1x16xf32> to vector<16xf32>
        %swap3A_1472 = vector.shape_cast %mul3A_1467 : vector<16xf32> to vector<1x16xf32>
        tpu.vector_store %arg13[%swap3A_1468, %swap3A_1469], %swap3A_1472 {strides = array<i32>} : memref<128x128xf32, #tpu.memory_space<vmem>>, vector<1x16xf32>,
        %get3A_1473 = arith.index_cast %add3A_1448 : i32 to index
        %get3A_1474 = arith.constant 32 : index
        %get3A_1475 = tpu.vector_load %arg13[%get3A_1473, %get3A_1474] {strides = array<i32>} : memref<128x128xf32, #tpu.memory_space<vmem>>, vector<1x16xf32>,
        %get3A_1476 = vector.shape_cast %get3A_1475 : vector<1x16xf32> to vector<16xf32>
        %mul3A_1477 = vector.broadcast %squeeze3A_1450 : f32 to vector<16xf32>
        %mul3A_1478 = arith.mulf %get3A_1476, %mul3A_1477 : vector<16xf32>
        %swap3A_1479 = arith.index_cast %add3A_1448 : i32 to index
        %swap3A_1480 = arith.constant 32 : index
        %swap3A_1481 = tpu.vector_load %arg13[%swap3A_1479, %swap3A_1480] {strides = array<i32>} : memref<128x128xf32, #tpu.memory_space<vmem>>, vector<1x16xf32>,
        %swap3A_1482 = vector.shape_cast %swap3A_1481 : vector<1x16xf32> to vector<16xf32>
        %swap3A_1483 = vector.shape_cast %mul3A_1478 : vector<16xf32> to vector<1x16xf32>
        tpu.vector_store %arg13[%swap3A_1479, %swap3A_1480], %swap3A_1483 {strides = array<i32>} : memref<128x128xf32, #tpu.memory_space<vmem>>, vector<1x16xf32>,
        %get3A_1484 = arith.index_cast %add3A_1448 : i32 to index
        %get3A_1485 = arith.constant 48 : index
        %get3A_1486 = tpu.vector_load %arg13[%get3A_1484, %get3A_1485] {strides = array<i32>} : memref<128x128xf32, #tpu.memory_space<vmem>>, vector<1x16xf32>,
        %get3A_1487 = vector.shape_cast %get3A_1486 : vector<1x16xf32> to vector<16xf32>
        %mul3A_1488 = vector.broadcast %squeeze3A_1450 : f32 to vector<16xf32>
        %mul3A_1489 = arith.mulf %get3A_1487, %mul3A_1488 : vector<16xf32>
        %swap3A_1490 = arith.index_cast %add3A_1448 : i32 to index
        %swap3A_1491 = arith.constant 48 : index
        %swap3A_1492 = tpu.vector_load %arg13[%swap3A_1490, %swap3A_1491] {strides = array<i32>} : memref<128x128xf32, #tpu.memory_space<vmem>>, vector<1x16xf32>,
        %swap3A_1493 = vector.shape_cast %swap3A_1492 : vector<1x16xf32> to vector<16xf32>
        %swap3A_1494 = vector.shape_cast %mul3A_1489 : vector<16xf32> to vector<1x16xf32>
        tpu.vector_store %arg13[%swap3A_1490, %swap3A_1491], %swap3A_1494 {strides = array<i32>} : memref<128x128xf32, #tpu.memory_space<vmem>>, vector<1x16xf32>,
        %get3A_1495 = arith.index_cast %add3A_1448 : i32 to index
        %get3A_1496 = arith.constant 64 : index
        %get3A_1497 = tpu.vector_load %arg13[%get3A_1495, %get3A_1496] {strides = array<i32>} : memref<128x128xf32, #tpu.memory_space<vmem>>, vector<1x16xf32>,
        %get3A_1498 = vector.shape_cast %get3A_1497 : vector<1x16xf32> to vector<16xf32>
        %mul3A_1499 = vector.broadcast %squeeze3A_1450 : f32 to vector<16xf32>
        %mul3A_1500 = arith.mulf %get3A_1498, %mul3A_1499 : vector<16xf32>
        %swap3A_1501 = arith.index_cast %add3A_1448 : i32 to index
        %swap3A_1502 = arith.constant 64 : index
        %swap3A_1503 = tpu.vector_load %arg13[%swap3A_1501, %swap3A_1502] {strides = array<i32>} : memref<128x128xf32, #tpu.memory_space<vmem>>, vector<1x16xf32>,
        %swap3A_1504 = vector.shape_cast %swap3A_1503 : vector<1x16xf32> to vector<16xf32>
        %swap3A_1505 = vector.shape_cast %mul3A_1500 : vector<16xf32> to vector<1x16xf32>
        tpu.vector_store %arg13[%swap3A_1501, %swap3A_1502], %swap3A_1505 {strides = array<i32>} : memref<128x128xf32, #tpu.memory_space<vmem>>, vector<1x16xf32>,
        %get3A_1506 = arith.index_cast %add3A_1448 : i32 to index
        %get3A_1507 = arith.constant 80 : index
        %get3A_1508 = tpu.vector_load %arg13[%get3A_1506, %get3A_1507] {strides = array<i32>} : memref<128x128xf32, #tpu.memory_space<vmem>>, vector<1x16xf32>,
        %get3A_1509 = vector.shape_cast %get3A_1508 : vector<1x16xf32> to vector<16xf32>
        %mul3A_1510 = vector.broadcast %squeeze3A_1450 : f32 to vector<16xf32>
        %mul3A_1511 = arith.mulf %get3A_1509, %mul3A_1510 : vector<16xf32>
        %swap3A_1512 = arith.index_cast %add3A_1448 : i32 to index
        %swap3A_1513 = arith.constant 80 : index
        %swap3A_1514 = tpu.vector_load %arg13[%swap3A_1512, %swap3A_1513] {strides = array<i32>} : memref<128x128xf32, #tpu.memory_space<vmem>>, vector<1x16xf32>,
        %swap3A_1515 = vector.shape_cast %swap3A_1514 : vector<1x16xf32> to vector<16xf32>
        %swap3A_1516 = vector.shape_cast %mul3A_1511 : vector<16xf32> to vector<1x16xf32>
        tpu.vector_store %arg13[%swap3A_1512, %swap3A_1513], %swap3A_1516 {strides = array<i32>} : memref<128x128xf32, #tpu.memory_space<vmem>>, vector<1x16xf32>,
        %get3A_1517 = arith.index_cast %add3A_1448 : i32 to index
        %get3A_1518 = arith.constant 96 : index
        %get3A_1519 = tpu.vector_load %arg13[%get3A_1517, %get3A_1518] {strides = array<i32>} : memref<128x128xf32, #tpu.memory_space<vmem>>, vector<1x16xf32>,
        %get3A_1520 = vector.shape_cast %get3A_1519 : vector<1x16xf32> to vector<16xf32>
        %mul3A_1521 = vector.broadcast %squeeze3A_1450 : f32 to vector<16xf32>
        %mul3A_1522 = arith.mulf %get3A_1520, %mul3A_1521 : vector<16xf32>
        %swap3A_1523 = arith.index_cast %add3A_1448 : i32 to index
        %swap3A_1524 = arith.constant 96 : index
        %swap3A_1525 = tpu.vector_load %arg13[%swap3A_1523, %swap3A_1524] {strides = array<i32>} : memref<128x128xf32, #tpu.memory_space<vmem>>, vector<1x16xf32>,
        %swap3A_1526 = vector.shape_cast %swap3A_1525 : vector<1x16xf32> to vector<16xf32>
        %swap3A_1527 = vector.shape_cast %mul3A_1522 : vector<16xf32> to vector<1x16xf32>
        tpu.vector_store %arg13[%swap3A_1523, %swap3A_1524], %swap3A_1527 {strides = array<i32>} : memref<128x128xf32, #tpu.memory_space<vmem>>, vector<1x16xf32>,
        %get3A_1528 = arith.index_cast %add3A_1448 : i32 to index
        %get3A_1529 = arith.constant 112 : index
        %get3A_1530 = tpu.vector_load %arg13[%get3A_1528, %get3A_1529] {strides = array<i32>} : memref<128x128xf32, #tpu.memory_space<vmem>>, vector<1x16xf32>,
        %get3A_1531 = vector.shape_cast %get3A_1530 : vector<1x16xf32> to vector<16xf32>
        %mul3A_1532 = vector.broadcast %squeeze3A_1450 : f32 to vector<16xf32>
        %mul3A_1533 = arith.mulf %get3A_1531, %mul3A_1532 : vector<16xf32>
        %swap3A_1534 = arith.index_cast %add3A_1448 : i32 to index
        %swap3A_1535 = arith.constant 112 : index
        %swap3A_1536 = tpu.vector_load %arg13[%swap3A_1534, %swap3A_1535] {strides = array<i32>} : memref<128x128xf32, #tpu.memory_space<vmem>>, vector<1x16xf32>,
        %swap3A_1537 = vector.shape_cast %swap3A_1536 : vector<1x16xf32> to vector<16xf32>
        %swap3A_1538 = vector.shape_cast %mul3A_1533 : vector<16xf32> to vector<1x16xf32>
        tpu.vector_store %arg13[%swap3A_1534, %swap3A_1535], %swap3A_1538 {strides = array<i32>} : memref<128x128xf32, #tpu.memory_space<vmem>>, vector<1x16xf32>,
        %mul3A_1539 = arith.constant 16 : i32
        %mul3A_1540 = arith.muli %scan3A_406, %mul3A_1539 : i32
        %add3A_1541 = arith.constant 12 : i32
        %add3A_1542 = arith.addi %mul3A_1540, %add3A_1541 : i32
        %slice3A_1543 = vector.extract_strided_slice %get3A_413 {offsets = [12], sizes = [1], strides = [1]} : vector<16xf32> to vector<1xf32>
        %squeeze3A_1544 = vector.extract %slice3A_1543[0] : f32 from vector<1xf32>
        %get3A_1545 = arith.index_cast %add3A_1542 : i32 to index
        %get3A_1546 = arith.constant 0 : index
        %get3A_1547 = tpu.vector_load %arg13[%get3A_1545, %get3A_1546] {strides = array<i32>} : memref<128x128xf32, #tpu.memory_space<vmem>>, vector<1x16xf32>,
        %get3A_1548 = vector.shape_cast %get3A_1547 : vector<1x16xf32> to vector<16xf32>
        %mul3A_1549 = vector.broadcast %squeeze3A_1544 : f32 to vector<16xf32>
        %mul3A_1550 = arith.mulf %get3A_1548, %mul3A_1549 : vector<16xf32>
        %swap3A_1551 = arith.index_cast %add3A_1542 : i32 to index
        %swap3A_1552 = arith.constant 0 : index
        %swap3A_1553 = tpu.vector_load %arg13[%swap3A_1551, %swap3A_1552] {strides = array<i32>} : memref<128x128xf32, #tpu.memory_space<vmem>>, vector<1x16xf32>,
        %swap3A_1554 = vector.shape_cast %swap3A_1553 : vector<1x16xf32> to vector<16xf32>
        %swap3A_1555 = vector.shape_cast %mul3A_1550 : vector<16xf32> to vector<1x16xf32>
        tpu.vector_store %arg13[%swap3A_1551, %swap3A_1552], %swap3A_1555 {strides = array<i32>} : memref<128x128xf32, #tpu.memory_space<vmem>>, vector<1x16xf32>,
        %get3A_1556 = arith.index_cast %add3A_1542 : i32 to index
        %get3A_1557 = arith.constant 16 : index
        %get3A_1558 = tpu.vector_load %arg13[%get3A_1556, %get3A_1557] {strides = array<i32>} : memref<128x128xf32, #tpu.memory_space<vmem>>, vector<1x16xf32>,
        %get3A_1559 = vector.shape_cast %get3A_1558 : vector<1x16xf32> to vector<16xf32>
        %mul3A_1560 = vector.broadcast %squeeze3A_1544 : f32 to vector<16xf32>
        %mul3A_1561 = arith.mulf %get3A_1559, %mul3A_1560 : vector<16xf32>
        %swap3A_1562 = arith.index_cast %add3A_1542 : i32 to index
        %swap3A_1563 = arith.constant 16 : index
        %swap3A_1564 = tpu.vector_load %arg13[%swap3A_1562, %swap3A_1563] {strides = array<i32>} : memref<128x128xf32, #tpu.memory_space<vmem>>, vector<1x16xf32>,
        %swap3A_1565 = vector.shape_cast %swap3A_1564 : vector<1x16xf32> to vector<16xf32>
        %swap3A_1566 = vector.shape_cast %mul3A_1561 : vector<16xf32> to vector<1x16xf32>
        tpu.vector_store %arg13[%swap3A_1562, %swap3A_1563], %swap3A_1566 {strides = array<i32>} : memref<128x128xf32, #tpu.memory_space<vmem>>, vector<1x16xf32>,
        %get3A_1567 = arith.index_cast %add3A_1542 : i32 to index
        %get3A_1568 = arith.constant 32 : index
        %get3A_1569 = tpu.vector_load %arg13[%get3A_1567, %get3A_1568] {strides = array<i32>} : memref<128x128xf32, #tpu.memory_space<vmem>>, vector<1x16xf32>,
        %get3A_1570 = vector.shape_cast %get3A_1569 : vector<1x16xf32> to vector<16xf32>
        %mul3A_1571 = vector.broadcast %squeeze3A_1544 : f32 to vector<16xf32>
        %mul3A_1572 = arith.mulf %get3A_1570, %mul3A_1571 : vector<16xf32>
        %swap3A_1573 = arith.index_cast %add3A_1542 : i32 to index
        %swap3A_1574 = arith.constant 32 : index
        %swap3A_1575 = tpu.vector_load %arg13[%swap3A_1573, %swap3A_1574] {strides = array<i32>} : memref<128x128xf32, #tpu.memory_space<vmem>>, vector<1x16xf32>,
        %swap3A_1576 = vector.shape_cast %swap3A_1575 : vector<1x16xf32> to vector<16xf32>
        %swap3A_1577 = vector.shape_cast %mul3A_1572 : vector<16xf32> to vector<1x16xf32>
        tpu.vector_store %arg13[%swap3A_1573, %swap3A_1574], %swap3A_1577 {strides = array<i32>} : memref<128x128xf32, #tpu.memory_space<vmem>>, vector<1x16xf32>,
        %get3A_1578 = arith.index_cast %add3A_1542 : i32 to index
        %get3A_1579 = arith.constant 48 : index
        %get3A_1580 = tpu.vector_load %arg13[%get3A_1578, %get3A_1579] {strides = array<i32>} : memref<128x128xf32, #tpu.memory_space<vmem>>, vector<1x16xf32>,
        %get3A_1581 = vector.shape_cast %get3A_1580 : vector<1x16xf32> to vector<16xf32>
        %mul3A_1582 = vector.broadcast %squeeze3A_1544 : f32 to vector<16xf32>
        %mul3A_1583 = arith.mulf %get3A_1581, %mul3A_1582 : vector<16xf32>
        %swap3A_1584 = arith.index_cast %add3A_1542 : i32 to index
        %swap3A_1585 = arith.constant 48 : index
        %swap3A_1586 = tpu.vector_load %arg13[%swap3A_1584, %swap3A_1585] {strides = array<i32>} : memref<128x128xf32, #tpu.memory_space<vmem>>, vector<1x16xf32>,
        %swap3A_1587 = vector.shape_cast %swap3A_1586 : vector<1x16xf32> to vector<16xf32>
        %swap3A_1588 = vector.shape_cast %mul3A_1583 : vector<16xf32> to vector<1x16xf32>
        tpu.vector_store %arg13[%swap3A_1584, %swap3A_1585], %swap3A_1588 {strides = array<i32>} : memref<128x128xf32, #tpu.memory_space<vmem>>, vector<1x16xf32>,
        %get3A_1589 = arith.index_cast %add3A_1542 : i32 to index
        %get3A_1590 = arith.constant 64 : index
        %get3A_1591 = tpu.vector_load %arg13[%get3A_1589, %get3A_1590] {strides = array<i32>} : memref<128x128xf32, #tpu.memory_space<vmem>>, vector<1x16xf32>,
        %get3A_1592 = vector.shape_cast %get3A_1591 : vector<1x16xf32> to vector<16xf32>
        %mul3A_1593 = vector.broadcast %squeeze3A_1544 : f32 to vector<16xf32>
        %mul3A_1594 = arith.mulf %get3A_1592, %mul3A_1593 : vector<16xf32>
        %swap3A_1595 = arith.index_cast %add3A_1542 : i32 to index
        %swap3A_1596 = arith.constant 64 : index
        %swap3A_1597 = tpu.vector_load %arg13[%swap3A_1595, %swap3A_1596] {strides = array<i32>} : memref<128x128xf32, #tpu.memory_space<vmem>>, vector<1x16xf32>,
        %swap3A_1598 = vector.shape_cast %swap3A_1597 : vector<1x16xf32> to vector<16xf32>
        %swap3A_1599 = vector.shape_cast %mul3A_1594 : vector<16xf32> to vector<1x16xf32>
        tpu.vector_store %arg13[%swap3A_1595, %swap3A_1596], %swap3A_1599 {strides = array<i32>} : memref<128x128xf32, #tpu.memory_space<vmem>>, vector<1x16xf32>,
        %get3A_1600 = arith.index_cast %add3A_1542 : i32 to index
        %get3A_1601 = arith.constant 80 : index
        %get3A_1602 = tpu.vector_load %arg13[%get3A_1600, %get3A_1601] {strides = array<i32>} : memref<128x128xf32, #tpu.memory_space<vmem>>, vector<1x16xf32>,
        %get3A_1603 = vector.shape_cast %get3A_1602 : vector<1x16xf32> to vector<16xf32>
        %mul3A_1604 = vector.broadcast %squeeze3A_1544 : f32 to vector<16xf32>
        %mul3A_1605 = arith.mulf %get3A_1603, %mul3A_1604 : vector<16xf32>
        %swap3A_1606 = arith.index_cast %add3A_1542 : i32 to index
        %swap3A_1607 = arith.constant 80 : index
        %swap3A_1608 = tpu.vector_load %arg13[%swap3A_1606, %swap3A_1607] {strides = array<i32>} : memref<128x128xf32, #tpu.memory_space<vmem>>, vector<1x16xf32>,
        %swap3A_1609 = vector.shape_cast %swap3A_1608 : vector<1x16xf32> to vector<16xf32>
        %swap3A_1610 = vector.shape_cast %mul3A_1605 : vector<16xf32> to vector<1x16xf32>
        tpu.vector_store %arg13[%swap3A_1606, %swap3A_1607], %swap3A_1610 {strides = array<i32>} : memref<128x128xf32, #tpu.memory_space<vmem>>, vector<1x16xf32>,
        %get3A_1611 = arith.index_cast %add3A_1542 : i32 to index
        %get3A_1612 = arith.constant 96 : index
        %get3A_1613 = tpu.vector_load %arg13[%get3A_1611, %get3A_1612] {strides = array<i32>} : memref<128x128xf32, #tpu.memory_space<vmem>>, vector<1x16xf32>,
        %get3A_1614 = vector.shape_cast %get3A_1613 : vector<1x16xf32> to vector<16xf32>
        %mul3A_1615 = vector.broadcast %squeeze3A_1544 : f32 to vector<16xf32>
        %mul3A_1616 = arith.mulf %get3A_1614, %mul3A_1615 : vector<16xf32>
        %swap3A_1617 = arith.index_cast %add3A_1542 : i32 to index
        %swap3A_1618 = arith.constant 96 : index
        %swap3A_1619 = tpu.vector_load %arg13[%swap3A_1617, %swap3A_1618] {strides = array<i32>} : memref<128x128xf32, #tpu.memory_space<vmem>>, vector<1x16xf32>,
        %swap3A_1620 = vector.shape_cast %swap3A_1619 : vector<1x16xf32> to vector<16xf32>
        %swap3A_1621 = vector.shape_cast %mul3A_1616 : vector<16xf32> to vector<1x16xf32>
        tpu.vector_store %arg13[%swap3A_1617, %swap3A_1618], %swap3A_1621 {strides = array<i32>} : memref<128x128xf32, #tpu.memory_space<vmem>>, vector<1x16xf32>,
        %get3A_1622 = arith.index_cast %add3A_1542 : i32 to index
        %get3A_1623 = arith.constant 112 : index
        %get3A_1624 = tpu.vector_load %arg13[%get3A_1622, %get3A_1623] {strides = array<i32>} : memref<128x128xf32, #tpu.memory_space<vmem>>, vector<1x16xf32>,
        %get3A_1625 = vector.shape_cast %get3A_1624 : vector<1x16xf32> to vector<16xf32>
        %mul3A_1626 = vector.broadcast %squeeze3A_1544 : f32 to vector<16xf32>
        %mul3A_1627 = arith.mulf %get3A_1625, %mul3A_1626 : vector<16xf32>
        %swap3A_1628 = arith.index_cast %add3A_1542 : i32 to index
        %swap3A_1629 = arith.constant 112 : index
        %swap3A_1630 = tpu.vector_load %arg13[%swap3A_1628, %swap3A_1629] {strides = array<i32>} : memref<128x128xf32, #tpu.memory_space<vmem>>, vector<1x16xf32>,
        %swap3A_1631 = vector.shape_cast %swap3A_1630 : vector<1x16xf32> to vector<16xf32>
        %swap3A_1632 = vector.shape_cast %mul3A_1627 : vector<16xf32> to vector<1x16xf32>
        tpu.vector_store %arg13[%swap3A_1628, %swap3A_1629], %swap3A_1632 {strides = array<i32>} : memref<128x128xf32, #tpu.memory_space<vmem>>, vector<1x16xf32>,
        %mul3A_1633 = arith.constant 16 : i32
        %mul3A_1634 = arith.muli %scan3A_406, %mul3A_1633 : i32
        %add3A_1635 = arith.constant 13 : i32
        %add3A_1636 = arith.addi %mul3A_1634, %add3A_1635 : i32
        %slice3A_1637 = vector.extract_strided_slice %get3A_413 {offsets = [13], sizes = [1], strides = [1]} : vector<16xf32> to vector<1xf32>
        %squeeze3A_1638 = vector.extract %slice3A_1637[0] : f32 from vector<1xf32>
        %get3A_1639 = arith.index_cast %add3A_1636 : i32 to index
        %get3A_1640 = arith.constant 0 : index
        %get3A_1641 = tpu.vector_load %arg13[%get3A_1639, %get3A_1640] {strides = array<i32>} : memref<128x128xf32, #tpu.memory_space<vmem>>, vector<1x16xf32>,
        %get3A_1642 = vector.shape_cast %get3A_1641 : vector<1x16xf32> to vector<16xf32>
        %mul3A_1643 = vector.broadcast %squeeze3A_1638 : f32 to vector<16xf32>
        %mul3A_1644 = arith.mulf %get3A_1642, %mul3A_1643 : vector<16xf32>
        %swap3A_1645 = arith.index_cast %add3A_1636 : i32 to index
        %swap3A_1646 = arith.constant 0 : index
        %swap3A_1647 = tpu.vector_load %arg13[%swap3A_1645, %swap3A_1646] {strides = array<i32>} : memref<128x128xf32, #tpu.memory_space<vmem>>, vector<1x16xf32>,
        %swap3A_1648 = vector.shape_cast %swap3A_1647 : vector<1x16xf32> to vector<16xf32>
        %swap3A_1649 = vector.shape_cast %mul3A_1644 : vector<16xf32> to vector<1x16xf32>
        tpu.vector_store %arg13[%swap3A_1645, %swap3A_1646], %swap3A_1649 {strides = array<i32>} : memref<128x128xf32, #tpu.memory_space<vmem>>, vector<1x16xf32>,
        %get3A_1650 = arith.index_cast %add3A_1636 : i32 to index
        %get3A_1651 = arith.constant 16 : index
        %get3A_1652 = tpu.vector_load %arg13[%get3A_1650, %get3A_1651] {strides = array<i32>} : memref<128x128xf32, #tpu.memory_space<vmem>>, vector<1x16xf32>,
        %get3A_1653 = vector.shape_cast %get3A_1652 : vector<1x16xf32> to vector<16xf32>
        %mul3A_1654 = vector.broadcast %squeeze3A_1638 : f32 to vector<16xf32>
        %mul3A_1655 = arith.mulf %get3A_1653, %mul3A_1654 : vector<16xf32>
        %swap3A_1656 = arith.index_cast %add3A_1636 : i32 to index
        %swap3A_1657 = arith.constant 16 : index
        %swap3A_1658 = tpu.vector_load %arg13[%swap3A_1656, %swap3A_1657] {strides = array<i32>} : memref<128x128xf32, #tpu.memory_space<vmem>>, vector<1x16xf32>,
        %swap3A_1659 = vector.shape_cast %swap3A_1658 : vector<1x16xf32> to vector<16xf32>
        %swap3A_1660 = vector.shape_cast %mul3A_1655 : vector<16xf32> to vector<1x16xf32>
        tpu.vector_store %arg13[%swap3A_1656, %swap3A_1657], %swap3A_1660 {strides = array<i32>} : memref<128x128xf32, #tpu.memory_space<vmem>>, vector<1x16xf32>,
        %get3A_1661 = arith.index_cast %add3A_1636 : i32 to index
        %get3A_1662 = arith.constant 32 : index
        %get3A_1663 = tpu.vector_load %arg13[%get3A_1661, %get3A_1662] {strides = array<i32>} : memref<128x128xf32, #tpu.memory_space<vmem>>, vector<1x16xf32>,
        %get3A_1664 = vector.shape_cast %get3A_1663 : vector<1x16xf32> to vector<16xf32>
        %mul3A_1665 = vector.broadcast %squeeze3A_1638 : f32 to vector<16xf32>
        %mul3A_1666 = arith.mulf %get3A_1664, %mul3A_1665 : vector<16xf32>
        %swap3A_1667 = arith.index_cast %add3A_1636 : i32 to index
        %swap3A_1668 = arith.constant 32 : index
        %swap3A_1669 = tpu.vector_load %arg13[%swap3A_1667, %swap3A_1668] {strides = array<i32>} : memref<128x128xf32, #tpu.memory_space<vmem>>, vector<1x16xf32>,
        %swap3A_1670 = vector.shape_cast %swap3A_1669 : vector<1x16xf32> to vector<16xf32>
        %swap3A_1671 = vector.shape_cast %mul3A_1666 : vector<16xf32> to vector<1x16xf32>
        tpu.vector_store %arg13[%swap3A_1667, %swap3A_1668], %swap3A_1671 {strides = array<i32>} : memref<128x128xf32, #tpu.memory_space<vmem>>, vector<1x16xf32>,
        %get3A_1672 = arith.index_cast %add3A_1636 : i32 to index
        %get3A_1673 = arith.constant 48 : index
        %get3A_1674 = tpu.vector_load %arg13[%get3A_1672, %get3A_1673] {strides = array<i32>} : memref<128x128xf32, #tpu.memory_space<vmem>>, vector<1x16xf32>,
        %get3A_1675 = vector.shape_cast %get3A_1674 : vector<1x16xf32> to vector<16xf32>
        %mul3A_1676 = vector.broadcast %squeeze3A_1638 : f32 to vector<16xf32>
        %mul3A_1677 = arith.mulf %get3A_1675, %mul3A_1676 : vector<16xf32>
        %swap3A_1678 = arith.index_cast %add3A_1636 : i32 to index
        %swap3A_1679 = arith.constant 48 : index
        %swap3A_1680 = tpu.vector_load %arg13[%swap3A_1678, %swap3A_1679] {strides = array<i32>} : memref<128x128xf32, #tpu.memory_space<vmem>>, vector<1x16xf32>,
        %swap3A_1681 = vector.shape_cast %swap3A_1680 : vector<1x16xf32> to vector<16xf32>
        %swap3A_1682 = vector.shape_cast %mul3A_1677 : vector<16xf32> to vector<1x16xf32>
        tpu.vector_store %arg13[%swap3A_1678, %swap3A_1679], %swap3A_1682 {strides = array<i32>} : memref<128x128xf32, #tpu.memory_space<vmem>>, vector<1x16xf32>,
        %get3A_1683 = arith.index_cast %add3A_1636 : i32 to index
        %get3A_1684 = arith.constant 64 : index
        %get3A_1685 = tpu.vector_load %arg13[%get3A_1683, %get3A_1684] {strides = array<i32>} : memref<128x128xf32, #tpu.memory_space<vmem>>, vector<1x16xf32>,
        %get3A_1686 = vector.shape_cast %get3A_1685 : vector<1x16xf32> to vector<16xf32>
        %mul3A_1687 = vector.broadcast %squeeze3A_1638 : f32 to vector<16xf32>
        %mul3A_1688 = arith.mulf %get3A_1686, %mul3A_1687 : vector<16xf32>
        %swap3A_1689 = arith.index_cast %add3A_1636 : i32 to index
        %swap3A_1690 = arith.constant 64 : index
        %swap3A_1691 = tpu.vector_load %arg13[%swap3A_1689, %swap3A_1690] {strides = array<i32>} : memref<128x128xf32, #tpu.memory_space<vmem>>, vector<1x16xf32>,
        %swap3A_1692 = vector.shape_cast %swap3A_1691 : vector<1x16xf32> to vector<16xf32>
        %swap3A_1693 = vector.shape_cast %mul3A_1688 : vector<16xf32> to vector<1x16xf32>
        tpu.vector_store %arg13[%swap3A_1689, %swap3A_1690], %swap3A_1693 {strides = array<i32>} : memref<128x128xf32, #tpu.memory_space<vmem>>, vector<1x16xf32>,
        %get3A_1694 = arith.index_cast %add3A_1636 : i32 to index
        %get3A_1695 = arith.constant 80 : index
        %get3A_1696 = tpu.vector_load %arg13[%get3A_1694, %get3A_1695] {strides = array<i32>} : memref<128x128xf32, #tpu.memory_space<vmem>>, vector<1x16xf32>,
        %get3A_1697 = vector.shape_cast %get3A_1696 : vector<1x16xf32> to vector<16xf32>
        %mul3A_1698 = vector.broadcast %squeeze3A_1638 : f32 to vector<16xf32>
        %mul3A_1699 = arith.mulf %get3A_1697, %mul3A_1698 : vector<16xf32>
        %swap3A_1700 = arith.index_cast %add3A_1636 : i32 to index
        %swap3A_1701 = arith.constant 80 : index
        %swap3A_1702 = tpu.vector_load %arg13[%swap3A_1700, %swap3A_1701] {strides = array<i32>} : memref<128x128xf32, #tpu.memory_space<vmem>>, vector<1x16xf32>,
        %swap3A_1703 = vector.shape_cast %swap3A_1702 : vector<1x16xf32> to vector<16xf32>
        %swap3A_1704 = vector.shape_cast %mul3A_1699 : vector<16xf32> to vector<1x16xf32>
        tpu.vector_store %arg13[%swap3A_1700, %swap3A_1701], %swap3A_1704 {strides = array<i32>} : memref<128x128xf32, #tpu.memory_space<vmem>>, vector<1x16xf32>,
        %get3A_1705 = arith.index_cast %add3A_1636 : i32 to index
        %get3A_1706 = arith.constant 96 : index
        %get3A_1707 = tpu.vector_load %arg13[%get3A_1705, %get3A_1706] {strides = array<i32>} : memref<128x128xf32, #tpu.memory_space<vmem>>, vector<1x16xf32>,
        %get3A_1708 = vector.shape_cast %get3A_1707 : vector<1x16xf32> to vector<16xf32>
        %mul3A_1709 = vector.broadcast %squeeze3A_1638 : f32 to vector<16xf32>
        %mul3A_1710 = arith.mulf %get3A_1708, %mul3A_1709 : vector<16xf32>
        %swap3A_1711 = arith.index_cast %add3A_1636 : i32 to index
        %swap3A_1712 = arith.constant 96 : index
        %swap3A_1713 = tpu.vector_load %arg13[%swap3A_1711, %swap3A_1712] {strides = array<i32>} : memref<128x128xf32, #tpu.memory_space<vmem>>, vector<1x16xf32>,
        %swap3A_1714 = vector.shape_cast %swap3A_1713 : vector<1x16xf32> to vector<16xf32>
        %swap3A_1715 = vector.shape_cast %mul3A_1710 : vector<16xf32> to vector<1x16xf32>
        tpu.vector_store %arg13[%swap3A_1711, %swap3A_1712], %swap3A_1715 {strides = array<i32>} : memref<128x128xf32, #tpu.memory_space<vmem>>, vector<1x16xf32>,
        %get3A_1716 = arith.index_cast %add3A_1636 : i32 to index
        %get3A_1717 = arith.constant 112 : index
        %get3A_1718 = tpu.vector_load %arg13[%get3A_1716, %get3A_1717] {strides = array<i32>} : memref<128x128xf32, #tpu.memory_space<vmem>>, vector<1x16xf32>,
        %get3A_1719 = vector.shape_cast %get3A_1718 : vector<1x16xf32> to vector<16xf32>
        %mul3A_1720 = vector.broadcast %squeeze3A_1638 : f32 to vector<16xf32>
        %mul3A_1721 = arith.mulf %get3A_1719, %mul3A_1720 : vector<16xf32>
        %swap3A_1722 = arith.index_cast %add3A_1636 : i32 to index
        %swap3A_1723 = arith.constant 112 : index
        %swap3A_1724 = tpu.vector_load %arg13[%swap3A_1722, %swap3A_1723] {strides = array<i32>} : memref<128x128xf32, #tpu.memory_space<vmem>>, vector<1x16xf32>,
        %swap3A_1725 = vector.shape_cast %swap3A_1724 : vector<1x16xf32> to vector<16xf32>
        %swap3A_1726 = vector.shape_cast %mul3A_1721 : vector<16xf32> to vector<1x16xf32>
        tpu.vector_store %arg13[%swap3A_1722, %swap3A_1723], %swap3A_1726 {strides = array<i32>} : memref<128x128xf32, #tpu.memory_space<vmem>>, vector<1x16xf32>,
        %mul3A_1727 = arith.constant 16 : i32
        %mul3A_1728 = arith.muli %scan3A_406, %mul3A_1727 : i32
        %add3A_1729 = arith.constant 14 : i32
        %add3A_1730 = arith.addi %mul3A_1728, %add3A_1729 : i32
        %slice3A_1731 = vector.extract_strided_slice %get3A_413 {offsets = [14], sizes = [1], strides = [1]} : vector<16xf32> to vector<1xf32>
        %squeeze3A_1732 = vector.extract %slice3A_1731[0] : f32 from vector<1xf32>
        %get3A_1733 = arith.index_cast %add3A_1730 : i32 to index
        %get3A_1734 = arith.constant 0 : index
        %get3A_1735 = tpu.vector_load %arg13[%get3A_1733, %get3A_1734] {strides = array<i32>} : memref<128x128xf32, #tpu.memory_space<vmem>>, vector<1x16xf32>,
        %get3A_1736 = vector.shape_cast %get3A_1735 : vector<1x16xf32> to vector<16xf32>
        %mul3A_1737 = vector.broadcast %squeeze3A_1732 : f32 to vector<16xf32>
        %mul3A_1738 = arith.mulf %get3A_1736, %mul3A_1737 : vector<16xf32>
        %swap3A_1739 = arith.index_cast %add3A_1730 : i32 to index
        %swap3A_1740 = arith.constant 0 : index
        %swap3A_1741 = tpu.vector_load %arg13[%swap3A_1739, %swap3A_1740] {strides = array<i32>} : memref<128x128xf32, #tpu.memory_space<vmem>>, vector<1x16xf32>,
        %swap3A_1742 = vector.shape_cast %swap3A_1741 : vector<1x16xf32> to vector<16xf32>
        %swap3A_1743 = vector.shape_cast %mul3A_1738 : vector<16xf32> to vector<1x16xf32>
        tpu.vector_store %arg13[%swap3A_1739, %swap3A_1740], %swap3A_1743 {strides = array<i32>} : memref<128x128xf32, #tpu.memory_space<vmem>>, vector<1x16xf32>,
        %get3A_1744 = arith.index_cast %add3A_1730 : i32 to index
        %get3A_1745 = arith.constant 16 : index
        %get3A_1746 = tpu.vector_load %arg13[%get3A_1744, %get3A_1745] {strides = array<i32>} : memref<128x128xf32, #tpu.memory_space<vmem>>, vector<1x16xf32>,
        %get3A_1747 = vector.shape_cast %get3A_1746 : vector<1x16xf32> to vector<16xf32>
        %mul3A_1748 = vector.broadcast %squeeze3A_1732 : f32 to vector<16xf32>
        %mul3A_1749 = arith.mulf %get3A_1747, %mul3A_1748 : vector<16xf32>
        %swap3A_1750 = arith.index_cast %add3A_1730 : i32 to index
        %swap3A_1751 = arith.constant 16 : index
        %swap3A_1752 = tpu.vector_load %arg13[%swap3A_1750, %swap3A_1751] {strides = array<i32>} : memref<128x128xf32, #tpu.memory_space<vmem>>, vector<1x16xf32>,
        %swap3A_1753 = vector.shape_cast %swap3A_1752 : vector<1x16xf32> to vector<16xf32>
        %swap3A_1754 = vector.shape_cast %mul3A_1749 : vector<16xf32> to vector<1x16xf32>
        tpu.vector_store %arg13[%swap3A_1750, %swap3A_1751], %swap3A_1754 {strides = array<i32>} : memref<128x128xf32, #tpu.memory_space<vmem>>, vector<1x16xf32>,
        %get3A_1755 = arith.index_cast %add3A_1730 : i32 to index
        %get3A_1756 = arith.constant 32 : index
        %get3A_1757 = tpu.vector_load %arg13[%get3A_1755, %get3A_1756] {strides = array<i32>} : memref<128x128xf32, #tpu.memory_space<vmem>>, vector<1x16xf32>,
        %get3A_1758 = vector.shape_cast %get3A_1757 : vector<1x16xf32> to vector<16xf32>
        %mul3A_1759 = vector.broadcast %squeeze3A_1732 : f32 to vector<16xf32>
        %mul3A_1760 = arith.mulf %get3A_1758, %mul3A_1759 : vector<16xf32>
        %swap3A_1761 = arith.index_cast %add3A_1730 : i32 to index
        %swap3A_1762 = arith.constant 32 : index
        %swap3A_1763 = tpu.vector_load %arg13[%swap3A_1761, %swap3A_1762] {strides = array<i32>} : memref<128x128xf32, #tpu.memory_space<vmem>>, vector<1x16xf32>,
        %swap3A_1764 = vector.shape_cast %swap3A_1763 : vector<1x16xf32> to vector<16xf32>
        %swap3A_1765 = vector.shape_cast %mul3A_1760 : vector<16xf32> to vector<1x16xf32>
        tpu.vector_store %arg13[%swap3A_1761, %swap3A_1762], %swap3A_1765 {strides = array<i32>} : memref<128x128xf32, #tpu.memory_space<vmem>>, vector<1x16xf32>,
        %get3A_1766 = arith.index_cast %add3A_1730 : i32 to index
        %get3A_1767 = arith.constant 48 : index
        %get3A_1768 = tpu.vector_load %arg13[%get3A_1766, %get3A_1767] {strides = array<i32>} : memref<128x128xf32, #tpu.memory_space<vmem>>, vector<1x16xf32>,
        %get3A_1769 = vector.shape_cast %get3A_1768 : vector<1x16xf32> to vector<16xf32>
        %mul3A_1770 = vector.broadcast %squeeze3A_1732 : f32 to vector<16xf32>
        %mul3A_1771 = arith.mulf %get3A_1769, %mul3A_1770 : vector<16xf32>
        %swap3A_1772 = arith.index_cast %add3A_1730 : i32 to index
        %swap3A_1773 = arith.constant 48 : index
        %swap3A_1774 = tpu.vector_load %arg13[%swap3A_1772, %swap3A_1773] {strides = array<i32>} : memref<128x128xf32, #tpu.memory_space<vmem>>, vector<1x16xf32>,
        %swap3A_1775 = vector.shape_cast %swap3A_1774 : vector<1x16xf32> to vector<16xf32>
        %swap3A_1776 = vector.shape_cast %mul3A_1771 : vector<16xf32> to vector<1x16xf32>
        tpu.vector_store %arg13[%swap3A_1772, %swap3A_1773], %swap3A_1776 {strides = array<i32>} : memref<128x128xf32, #tpu.memory_space<vmem>>, vector<1x16xf32>,
        %get3A_1777 = arith.index_cast %add3A_1730 : i32 to index
        %get3A_1778 = arith.constant 64 : index
        %get3A_1779 = tpu.vector_load %arg13[%get3A_1777, %get3A_1778] {strides = array<i32>} : memref<128x128xf32, #tpu.memory_space<vmem>>, vector<1x16xf32>,
        %get3A_1780 = vector.shape_cast %get3A_1779 : vector<1x16xf32> to vector<16xf32>
        %mul3A_1781 = vector.broadcast %squeeze3A_1732 : f32 to vector<16xf32>
        %mul3A_1782 = arith.mulf %get3A_1780, %mul3A_1781 : vector<16xf32>
        %swap3A_1783 = arith.index_cast %add3A_1730 : i32 to index
        %swap3A_1784 = arith.constant 64 : index
        %swap3A_1785 = tpu.vector_load %arg13[%swap3A_1783, %swap3A_1784] {strides = array<i32>} : memref<128x128xf32, #tpu.memory_space<vmem>>, vector<1x16xf32>,
        %swap3A_1786 = vector.shape_cast %swap3A_1785 : vector<1x16xf32> to vector<16xf32>
        %swap3A_1787 = vector.shape_cast %mul3A_1782 : vector<16xf32> to vector<1x16xf32>
        tpu.vector_store %arg13[%swap3A_1783, %swap3A_1784], %swap3A_1787 {strides = array<i32>} : memref<128x128xf32, #tpu.memory_space<vmem>>, vector<1x16xf32>,
        %get3A_1788 = arith.index_cast %add3A_1730 : i32 to index
        %get3A_1789 = arith.constant 80 : index
        %get3A_1790 = tpu.vector_load %arg13[%get3A_1788, %get3A_1789] {strides = array<i32>} : memref<128x128xf32, #tpu.memory_space<vmem>>, vector<1x16xf32>,
        %get3A_1791 = vector.shape_cast %get3A_1790 : vector<1x16xf32> to vector<16xf32>
        %mul3A_1792 = vector.broadcast %squeeze3A_1732 : f32 to vector<16xf32>
        %mul3A_1793 = arith.mulf %get3A_1791, %mul3A_1792 : vector<16xf32>
        %swap3A_1794 = arith.index_cast %add3A_1730 : i32 to index
        %swap3A_1795 = arith.constant 80 : index
        %swap3A_1796 = tpu.vector_load %arg13[%swap3A_1794, %swap3A_1795] {strides = array<i32>} : memref<128x128xf32, #tpu.memory_space<vmem>>, vector<1x16xf32>,
        %swap3A_1797 = vector.shape_cast %swap3A_1796 : vector<1x16xf32> to vector<16xf32>
        %swap3A_1798 = vector.shape_cast %mul3A_1793 : vector<16xf32> to vector<1x16xf32>
        tpu.vector_store %arg13[%swap3A_1794, %swap3A_1795], %swap3A_1798 {strides = array<i32>} : memref<128x128xf32, #tpu.memory_space<vmem>>, vector<1x16xf32>,
        %get3A_1799 = arith.index_cast %add3A_1730 : i32 to index
        %get3A_1800 = arith.constant 96 : index
        %get3A_1801 = tpu.vector_load %arg13[%get3A_1799, %get3A_1800] {strides = array<i32>} : memref<128x128xf32, #tpu.memory_space<vmem>>, vector<1x16xf32>,
        %get3A_1802 = vector.shape_cast %get3A_1801 : vector<1x16xf32> to vector<16xf32>
        %mul3A_1803 = vector.broadcast %squeeze3A_1732 : f32 to vector<16xf32>
        %mul3A_1804 = arith.mulf %get3A_1802, %mul3A_1803 : vector<16xf32>
        %swap3A_1805 = arith.index_cast %add3A_1730 : i32 to index
        %swap3A_1806 = arith.constant 96 : index
        %swap3A_1807 = tpu.vector_load %arg13[%swap3A_1805, %swap3A_1806] {strides = array<i32>} : memref<128x128xf32, #tpu.memory_space<vmem>>, vector<1x16xf32>,
        %swap3A_1808 = vector.shape_cast %swap3A_1807 : vector<1x16xf32> to vector<16xf32>
        %swap3A_1809 = vector.shape_cast %mul3A_1804 : vector<16xf32> to vector<1x16xf32>
        tpu.vector_store %arg13[%swap3A_1805, %swap3A_1806], %swap3A_1809 {strides = array<i32>} : memref<128x128xf32, #tpu.memory_space<vmem>>, vector<1x16xf32>,
        %get3A_1810 = arith.index_cast %add3A_1730 : i32 to index
        %get3A_1811 = arith.constant 112 : index
        %get3A_1812 = tpu.vector_load %arg13[%get3A_1810, %get3A_1811] {strides = array<i32>} : memref<128x128xf32, #tpu.memory_space<vmem>>, vector<1x16xf32>,
        %get3A_1813 = vector.shape_cast %get3A_1812 : vector<1x16xf32> to vector<16xf32>
        %mul3A_1814 = vector.broadcast %squeeze3A_1732 : f32 to vector<16xf32>
        %mul3A_1815 = arith.mulf %get3A_1813, %mul3A_1814 : vector<16xf32>
        %swap3A_1816 = arith.index_cast %add3A_1730 : i32 to index
        %swap3A_1817 = arith.constant 112 : index
        %swap3A_1818 = tpu.vector_load %arg13[%swap3A_1816, %swap3A_1817] {strides = array<i32>} : memref<128x128xf32, #tpu.memory_space<vmem>>, vector<1x16xf32>,
        %swap3A_1819 = vector.shape_cast %swap3A_1818 : vector<1x16xf32> to vector<16xf32>
        %swap3A_1820 = vector.shape_cast %mul3A_1815 : vector<16xf32> to vector<1x16xf32>
        tpu.vector_store %arg13[%swap3A_1816, %swap3A_1817], %swap3A_1820 {strides = array<i32>} : memref<128x128xf32, #tpu.memory_space<vmem>>, vector<1x16xf32>,
        %mul3A_1821 = arith.constant 16 : i32
        %mul3A_1822 = arith.muli %scan3A_406, %mul3A_1821 : i32
        %add3A_1823 = arith.constant 15 : i32
        %add3A_1824 = arith.addi %mul3A_1822, %add3A_1823 : i32
        %slice3A_1825 = vector.extract_strided_slice %get3A_413 {offsets = [15], sizes = [1], strides = [1]} : vector<16xf32> to vector<1xf32>
        %squeeze3A_1826 = vector.extract %slice3A_1825[0] : f32 from vector<1xf32>
        %get3A_1827 = arith.index_cast %add3A_1824 : i32 to index
        %get3A_1828 = arith.constant 0 : index
        %get3A_1829 = tpu.vector_load %arg13[%get3A_1827, %get3A_1828] {strides = array<i32>} : memref<128x128xf32, #tpu.memory_space<vmem>>, vector<1x16xf32>,
        %get3A_1830 = vector.shape_cast %get3A_1829 : vector<1x16xf32> to vector<16xf32>
        %mul3A_1831 = vector.broadcast %squeeze3A_1826 : f32 to vector<16xf32>
        %mul3A_1832 = arith.mulf %get3A_1830, %mul3A_1831 : vector<16xf32>
        %swap3A_1833 = arith.index_cast %add3A_1824 : i32 to index
        %swap3A_1834 = arith.constant 0 : index
        %swap3A_1835 = tpu.vector_load %arg13[%swap3A_1833, %swap3A_1834] {strides = array<i32>} : memref<128x128xf32, #tpu.memory_space<vmem>>, vector<1x16xf32>,
        %swap3A_1836 = vector.shape_cast %swap3A_1835 : vector<1x16xf32> to vector<16xf32>
        %swap3A_1837 = vector.shape_cast %mul3A_1832 : vector<16xf32> to vector<1x16xf32>
        tpu.vector_store %arg13[%swap3A_1833, %swap3A_1834], %swap3A_1837 {strides = array<i32>} : memref<128x128xf32, #tpu.memory_space<vmem>>, vector<1x16xf32>,
        %get3A_1838 = arith.index_cast %add3A_1824 : i32 to index
        %get3A_1839 = arith.constant 16 : index
        %get3A_1840 = tpu.vector_load %arg13[%get3A_1838, %get3A_1839] {strides = array<i32>} : memref<128x128xf32, #tpu.memory_space<vmem>>, vector<1x16xf32>,
        %get3A_1841 = vector.shape_cast %get3A_1840 : vector<1x16xf32> to vector<16xf32>
        %mul3A_1842 = vector.broadcast %squeeze3A_1826 : f32 to vector<16xf32>
        %mul3A_1843 = arith.mulf %get3A_1841, %mul3A_1842 : vector<16xf32>
        %swap3A_1844 = arith.index_cast %add3A_1824 : i32 to index
        %swap3A_1845 = arith.constant 16 : index
        %swap3A_1846 = tpu.vector_load %arg13[%swap3A_1844, %swap3A_1845] {strides = array<i32>} : memref<128x128xf32, #tpu.memory_space<vmem>>, vector<1x16xf32>,
        %swap3A_1847 = vector.shape_cast %swap3A_1846 : vector<1x16xf32> to vector<16xf32>
        %swap3A_1848 = vector.shape_cast %mul3A_1843 : vector<16xf32> to vector<1x16xf32>
        tpu.vector_store %arg13[%swap3A_1844, %swap3A_1845], %swap3A_1848 {strides = array<i32>} : memref<128x128xf32, #tpu.memory_space<vmem>>, vector<1x16xf32>,
        %get3A_1849 = arith.index_cast %add3A_1824 : i32 to index
        %get3A_1850 = arith.constant 32 : index
        %get3A_1851 = tpu.vector_load %arg13[%get3A_1849, %get3A_1850] {strides = array<i32>} : memref<128x128xf32, #tpu.memory_space<vmem>>, vector<1x16xf32>,
        %get3A_1852 = vector.shape_cast %get3A_1851 : vector<1x16xf32> to vector<16xf32>
        %mul3A_1853 = vector.broadcast %squeeze3A_1826 : f32 to vector<16xf32>
        %mul3A_1854 = arith.mulf %get3A_1852, %mul3A_1853 : vector<16xf32>
        %swap3A_1855 = arith.index_cast %add3A_1824 : i32 to index
        %swap3A_1856 = arith.constant 32 : index
        %swap3A_1857 = tpu.vector_load %arg13[%swap3A_1855, %swap3A_1856] {strides = array<i32>} : memref<128x128xf32, #tpu.memory_space<vmem>>, vector<1x16xf32>,
        %swap3A_1858 = vector.shape_cast %swap3A_1857 : vector<1x16xf32> to vector<16xf32>
        %swap3A_1859 = vector.shape_cast %mul3A_1854 : vector<16xf32> to vector<1x16xf32>
        tpu.vector_store %arg13[%swap3A_1855, %swap3A_1856], %swap3A_1859 {strides = array<i32>} : memref<128x128xf32, #tpu.memory_space<vmem>>, vector<1x16xf32>,
        %get3A_1860 = arith.index_cast %add3A_1824 : i32 to index
        %get3A_1861 = arith.constant 48 : index
        %get3A_1862 = tpu.vector_load %arg13[%get3A_1860, %get3A_1861] {strides = array<i32>} : memref<128x128xf32, #tpu.memory_space<vmem>>, vector<1x16xf32>,
        %get3A_1863 = vector.shape_cast %get3A_1862 : vector<1x16xf32> to vector<16xf32>
        %mul3A_1864 = vector.broadcast %squeeze3A_1826 : f32 to vector<16xf32>
        %mul3A_1865 = arith.mulf %get3A_1863, %mul3A_1864 : vector<16xf32>
        %swap3A_1866 = arith.index_cast %add3A_1824 : i32 to index
        %swap3A_1867 = arith.constant 48 : index
        %swap3A_1868 = tpu.vector_load %arg13[%swap3A_1866, %swap3A_1867] {strides = array<i32>} : memref<128x128xf32, #tpu.memory_space<vmem>>, vector<1x16xf32>,
        %swap3A_1869 = vector.shape_cast %swap3A_1868 : vector<1x16xf32> to vector<16xf32>
        %swap3A_1870 = vector.shape_cast %mul3A_1865 : vector<16xf32> to vector<1x16xf32>
        tpu.vector_store %arg13[%swap3A_1866, %swap3A_1867], %swap3A_1870 {strides = array<i32>} : memref<128x128xf32, #tpu.memory_space<vmem>>, vector<1x16xf32>,
        %get3A_1871 = arith.index_cast %add3A_1824 : i32 to index
        %get3A_1872 = arith.constant 64 : index
        %get3A_1873 = tpu.vector_load %arg13[%get3A_1871, %get3A_1872] {strides = array<i32>} : memref<128x128xf32, #tpu.memory_space<vmem>>, vector<1x16xf32>,
        %get3A_1874 = vector.shape_cast %get3A_1873 : vector<1x16xf32> to vector<16xf32>
        %mul3A_1875 = vector.broadcast %squeeze3A_1826 : f32 to vector<16xf32>
        %mul3A_1876 = arith.mulf %get3A_1874, %mul3A_1875 : vector<16xf32>
        %swap3A_1877 = arith.index_cast %add3A_1824 : i32 to index
        %swap3A_1878 = arith.constant 64 : index
        %swap3A_1879 = tpu.vector_load %arg13[%swap3A_1877, %swap3A_1878] {strides = array<i32>} : memref<128x128xf32, #tpu.memory_space<vmem>>, vector<1x16xf32>,
        %swap3A_1880 = vector.shape_cast %swap3A_1879 : vector<1x16xf32> to vector<16xf32>
        %swap3A_1881 = vector.shape_cast %mul3A_1876 : vector<16xf32> to vector<1x16xf32>
        tpu.vector_store %arg13[%swap3A_1877, %swap3A_1878], %swap3A_1881 {strides = array<i32>} : memref<128x128xf32, #tpu.memory_space<vmem>>, vector<1x16xf32>,
        %get3A_1882 = arith.index_cast %add3A_1824 : i32 to index
        %get3A_1883 = arith.constant 80 : index
        %get3A_1884 = tpu.vector_load %arg13[%get3A_1882, %get3A_1883] {strides = array<i32>} : memref<128x128xf32, #tpu.memory_space<vmem>>, vector<1x16xf32>,
        %get3A_1885 = vector.shape_cast %get3A_1884 : vector<1x16xf32> to vector<16xf32>
        %mul3A_1886 = vector.broadcast %squeeze3A_1826 : f32 to vector<16xf32>
        %mul3A_1887 = arith.mulf %get3A_1885, %mul3A_1886 : vector<16xf32>
        %swap3A_1888 = arith.index_cast %add3A_1824 : i32 to index
        %swap3A_1889 = arith.constant 80 : index
        %swap3A_1890 = tpu.vector_load %arg13[%swap3A_1888, %swap3A_1889] {strides = array<i32>} : memref<128x128xf32, #tpu.memory_space<vmem>>, vector<1x16xf32>,
        %swap3A_1891 = vector.shape_cast %swap3A_1890 : vector<1x16xf32> to vector<16xf32>
        %swap3A_1892 = vector.shape_cast %mul3A_1887 : vector<16xf32> to vector<1x16xf32>
        tpu.vector_store %arg13[%swap3A_1888, %swap3A_1889], %swap3A_1892 {strides = array<i32>} : memref<128x128xf32, #tpu.memory_space<vmem>>, vector<1x16xf32>,
        %get3A_1893 = arith.index_cast %add3A_1824 : i32 to index
        %get3A_1894 = arith.constant 96 : index
        %get3A_1895 = tpu.vector_load %arg13[%get3A_1893, %get3A_1894] {strides = array<i32>} : memref<128x128xf32, #tpu.memory_space<vmem>>, vector<1x16xf32>,
        %get3A_1896 = vector.shape_cast %get3A_1895 : vector<1x16xf32> to vector<16xf32>
        %mul3A_1897 = vector.broadcast %squeeze3A_1826 : f32 to vector<16xf32>
        %mul3A_1898 = arith.mulf %get3A_1896, %mul3A_1897 : vector<16xf32>
        %swap3A_1899 = arith.index_cast %add3A_1824 : i32 to index
        %swap3A_1900 = arith.constant 96 : index
        %swap3A_1901 = tpu.vector_load %arg13[%swap3A_1899, %swap3A_1900] {strides = array<i32>} : memref<128x128xf32, #tpu.memory_space<vmem>>, vector<1x16xf32>,
        %swap3A_1902 = vector.shape_cast %swap3A_1901 : vector<1x16xf32> to vector<16xf32>
        %swap3A_1903 = vector.shape_cast %mul3A_1898 : vector<16xf32> to vector<1x16xf32>
        tpu.vector_store %arg13[%swap3A_1899, %swap3A_1900], %swap3A_1903 {strides = array<i32>} : memref<128x128xf32, #tpu.memory_space<vmem>>, vector<1x16xf32>,
        %get3A_1904 = arith.index_cast %add3A_1824 : i32 to index
        %get3A_1905 = arith.constant 112 : index
        %get3A_1906 = tpu.vector_load %arg13[%get3A_1904, %get3A_1905] {strides = array<i32>} : memref<128x128xf32, #tpu.memory_space<vmem>>, vector<1x16xf32>,
        %get3A_1907 = vector.shape_cast %get3A_1906 : vector<1x16xf32> to vector<16xf32>
        %mul3A_1908 = vector.broadcast %squeeze3A_1826 : f32 to vector<16xf32>
        %mul3A_1909 = arith.mulf %get3A_1907, %mul3A_1908 : vector<16xf32>
        %swap3A_1910 = arith.index_cast %add3A_1824 : i32 to index
        %swap3A_1911 = arith.constant 112 : index
        %swap3A_1912 = tpu.vector_load %arg13[%swap3A_1910, %swap3A_1911] {strides = array<i32>} : memref<128x128xf32, #tpu.memory_space<vmem>>, vector<1x16xf32>,
        %swap3A_1913 = vector.shape_cast %swap3A_1912 : vector<1x16xf32> to vector<16xf32>
        %swap3A_1914 = vector.shape_cast %mul3A_1909 : vector<16xf32> to vector<1x16xf32>
        tpu.vector_store %arg13[%swap3A_1910, %swap3A_1911], %swap3A_1914 {strides = array<i32>} : memref<128x128xf32, #tpu.memory_space<vmem>>, vector<1x16xf32>,
        %scan3A_1915 = arith.constant 0 : i32
        scf.yield %scan3A_1915 : i32
      }
      %scan3A_387 = arith.constant 8 : i32
      %dma_wait3A_388 = arith.constant 0 : i32
      %dma_wait3A_389 = tpu.memref_slice %arg9[%rem3A_327, %rem3A_329, %dma_wait3A_388] : memref<2x8x128xi32, #tpu.memory_space<vmem>> -> memref<1x1x128xi32, #tpu.memory_space<vmem>>
      %dma_wait3A_390 = tpu.memref_squeeze %dma_wait3A_389 : memref<1x1x128xi32, #tpu.memory_space<vmem>> -> memref<128xi32, #tpu.memory_space<vmem>>
      %dma_wait3A_391 = arith.constant 0 : i32
      %dma_wait3A_392 = arith.constant 0 : i32
      %dma_wait3A_393 = tpu.memref_slice %arg8[%dma_wait3A_391, %dma_wait3A_392] : memref<10240x128xf32, #tpu.memory_space<vmem_shared>> -> memref<10240x128xf32, #tpu.memory_space<vmem_shared>>
      tpu.wait_indirect_dma semaphore(%arg16 : memref<!tpu.dma_semaphore, #tpu.memory_space<semaphore_mem>>) src(%arg12 : memref<128x128xf32, #tpu.memory_space<vmem>>) dst(%dma_wait3A_393 : memref<10240x128xf32, #tpu.memory_space<vmem_shared>>)
      %lt3A_394 = arith.constant 39 : i32
      %lt3A_395 = arith.cmpi slt, %scan3A_318, %lt3A_394 : i32
      %convert_element_type3A_396 = arith.extui %lt3A_395 : i1 to i32
      %cond3A_397 = arith.constant 0 : i32
      %cond3A_398 = arith.cmpi ne, %convert_element_type3A_396, %cond3A_397 : i32
      scf.if %cond3A_398 {
        %add3A_406 = arith.constant 2 : i32
        %add3A_407 = arith.addi %mul3A_321, %add3A_406 : i32
        %div3A_408 = arith.constant 8 : i32
        %div3A_409 = arith.divsi %add3A_407, %div3A_408 : i32
        %rem3A_410 = arith.constant 2 : i32
        %rem3A_411 = arith.remsi %div3A_409, %rem3A_410 : i32
        %rem3A_412 = arith.constant 8 : i32
        %rem3A_413 = arith.remsi %add3A_407, %rem3A_412 : i32
        %add3A_414 = arith.constant 2 : i32
        %add3A_415 = arith.addi %mul3A_321, %add3A_414 : i32
        %rem3A_416 = arith.constant 8 : i32
        %rem3A_417 = arith.remsi %add3A_415, %rem3A_416 : i32
        %eq3A_418 = arith.constant 0 : i32
        %eq3A_419 = arith.cmpi eq, %rem3A_417, %eq3A_418 : i32
        %convert_element_type3A_420 = arith.extui %eq3A_419 : i1 to i32
        %cond3A_421 = arith.constant 0 : i32
        %cond3A_422 = arith.cmpi ne, %convert_element_type3A_420, %cond3A_421 : i32
        scf.if %cond3A_422 {
          %add3A_429 = arith.constant 2 : i32
          %add3A_430 = arith.addi %mul3A_321, %add3A_429 : i32
          %div3A_431 = arith.constant 8 : i32
          %div3A_432 = arith.divsi %add3A_430, %div3A_431 : i32
          %mul3A_433 = arith.constant 8 : i32
          %mul3A_434 = arith.muli %div3A_432, %mul3A_433 : i32
          %multiple_of3A = tpu.assume_multiple %mul3A_434, 8 : i32
          %eq3A_435 = arith.constant 0 : i32
          %eq3A_436 = arith.cmpi eq, %rem3A_411, %eq3A_435 : i32
          %convert_element_type3A_437 = arith.extui %eq3A_436 : i1 to i32
          %cond3A_438 = arith.constant 0 : i32
          %cond3A_439 = arith.cmpi ne, %convert_element_type3A_437, %cond3A_438 : i32
          scf.if %cond3A_439 {
            %dma_wait3A_445 = arith.constant 0 : i32
            %dma_wait3A_446 = arith.constant 0 : i32
            %dma_wait3A_447 = arith.constant 0 : i32
            %dma_wait3A_448 = tpu.memref_slice %arg9[%dma_wait3A_445, %dma_wait3A_446, %dma_wait3A_447] : memref<2x8x128xi32, #tpu.memory_space<vmem>> -> memref<1x8x128xi32, #tpu.memory_space<vmem>>
            %dma_wait3A_449 = tpu.memref_squeeze %dma_wait3A_448 : memref<1x8x128xi32, #tpu.memory_space<vmem>> -> memref<8x128xi32, #tpu.memory_space<vmem>>
            %dma_wait3A_450 = arith.constant 0 : i32
            %dma_wait3A_451 = tpu.memref_slice %arg3[%add3A, %multiple_of3A, %dma_wait3A_450] : memref<32x80x128xi32, #tpu.memory_space<hbm>> -> memref<1x8x128xi32, #tpu.memory_space<hbm>>
            %dma_wait3A_452 = tpu.memref_squeeze %dma_wait3A_451 : memref<1x8x128xi32, #tpu.memory_space<hbm>> -> memref<8x128xi32, #tpu.memory_space<hbm>>
            %dma_wait3A_453 = arith.constant 0 : i32
            %dma_wait3A_454 = arith.constant 0 : i32
            %dma_wait3A_455 = tpu.memref_slice %arg9[%dma_wait3A_445, %dma_wait3A_453, %dma_wait3A_454] : memref<2x8x128xi32, #tpu.memory_space<vmem>> -> memref<1x8x128xi32, #tpu.memory_space<vmem>>
            %dma_wait3A_456 = tpu.memref_squeeze %dma_wait3A_455 : memref<1x8x128xi32, #tpu.memory_space<vmem>> -> memref<8x128xi32, #tpu.memory_space<vmem>>
            %dma_wait3A_457 = arith.constant 0 : i32
            %dma_wait3A_458 = tpu.memref_slice %arg3[%add3A, %multiple_of3A, %dma_wait3A_457] : memref<32x80x128xi32, #tpu.memory_space<hbm>> -> memref<1x8x128xi32, #tpu.memory_space<hbm>>
            %dma_wait3A_459 = tpu.memref_squeeze %dma_wait3A_458 : memref<1x8x128xi32, #tpu.memory_space<hbm>> -> memref<8x128xi32, #tpu.memory_space<hbm>>
            tpu.wait_dma2 semaphore(%arg18 : memref<!tpu.dma_semaphore, #tpu.memory_space<semaphore_mem>>) src(%dma_wait3A_459 : memref<8x128xi32, #tpu.memory_space<hbm>>) dst(%dma_wait3A_456 : memref<8x128xi32, #tpu.memory_space<vmem>>)
            %dma_wait3A_460 = arith.constant 0 : i32
            %dma_wait3A_461 = arith.constant 0 : i32
            %dma_wait3A_462 = arith.constant 0 : i32
            %dma_wait3A_463 = tpu.memref_slice %arg10[%dma_wait3A_460, %dma_wait3A_461, %dma_wait3A_462] : memref<2x8x128xi32, #tpu.memory_space<vmem>> -> memref<1x8x128xi32, #tpu.memory_space<vmem>>
            %dma_wait3A_464 = tpu.memref_squeeze %dma_wait3A_463 : memref<1x8x128xi32, #tpu.memory_space<vmem>> -> memref<8x128xi32, #tpu.memory_space<vmem>>
            %dma_wait3A_465 = arith.constant 0 : i32
            %dma_wait3A_466 = tpu.memref_slice %arg4[%add3A, %multiple_of3A, %dma_wait3A_465] : memref<32x80x128xi32, #tpu.memory_space<hbm>> -> memref<1x8x128xi32, #tpu.memory_space<hbm>>
            %dma_wait3A_467 = tpu.memref_squeeze %dma_wait3A_466 : memref<1x8x128xi32, #tpu.memory_space<hbm>> -> memref<8x128xi32, #tpu.memory_space<hbm>>
            %dma_wait3A_468 = arith.constant 0 : i32
            %dma_wait3A_469 = arith.constant 0 : i32
            %dma_wait3A_470 = tpu.memref_slice %arg10[%dma_wait3A_460, %dma_wait3A_468, %dma_wait3A_469] : memref<2x8x128xi32, #tpu.memory_space<vmem>> -> memref<1x8x128xi32, #tpu.memory_space<vmem>>
            %dma_wait3A_471 = tpu.memref_squeeze %dma_wait3A_470 : memref<1x8x128xi32, #tpu.memory_space<vmem>> -> memref<8x128xi32, #tpu.memory_space<vmem>>
            %dma_wait3A_472 = arith.constant 0 : i32
            %dma_wait3A_473 = tpu.memref_slice %arg4[%add3A, %multiple_of3A, %dma_wait3A_472] : memref<32x80x128xi32, #tpu.memory_space<hbm>> -> memref<1x8x128xi32, #tpu.memory_space<hbm>>
            %dma_wait3A_474 = tpu.memref_squeeze %dma_wait3A_473 : memref<1x8x128xi32, #tpu.memory_space<hbm>> -> memref<8x128xi32, #tpu.memory_space<hbm>>
            tpu.wait_dma2 semaphore(%arg18 : memref<!tpu.dma_semaphore, #tpu.memory_space<semaphore_mem>>) src(%dma_wait3A_474 : memref<8x128xi32, #tpu.memory_space<hbm>>) dst(%dma_wait3A_471 : memref<8x128xi32, #tpu.memory_space<vmem>>)
            %dma_wait3A_475 = arith.constant 0 : i32
            %dma_wait3A_476 = arith.constant 0 : i32
            %dma_wait3A_477 = arith.constant 0 : i32
            %dma_wait3A_478 = tpu.memref_slice %arg11[%dma_wait3A_475, %dma_wait3A_476, %dma_wait3A_477] : memref<2x8x128xf32, #tpu.memory_space<vmem>> -> memref<1x8x128xf32, #tpu.memory_space<vmem>>
            %dma_wait3A_479 = tpu.memref_squeeze %dma_wait3A_478 : memref<1x8x128xf32, #tpu.memory_space<vmem>> -> memref<8x128xf32, #tpu.memory_space<vmem>>
            %dma_wait3A_480 = arith.constant 0 : i32
            %dma_wait3A_481 = tpu.memref_slice %arg5[%add3A, %multiple_of3A, %dma_wait3A_480] : memref<32x80x128xf32, #tpu.memory_space<hbm>> -> memref<1x8x128xf32, #tpu.memory_space<hbm>>
            %dma_wait3A_482 = tpu.memref_squeeze %dma_wait3A_481 : memref<1x8x128xf32, #tpu.memory_space<hbm>> -> memref<8x128xf32, #tpu.memory_space<hbm>>
            %dma_wait3A_483 = arith.constant 0 : i32
            %dma_wait3A_484 = arith.constant 0 : i32
            %dma_wait3A_485 = tpu.memref_slice %arg11[%dma_wait3A_475, %dma_wait3A_483, %dma_wait3A_484] : memref<2x8x128xf32, #tpu.memory_space<vmem>> -> memref<1x8x128xf32, #tpu.memory_space<vmem>>
            %dma_wait3A_486 = tpu.memref_squeeze %dma_wait3A_485 : memref<1x8x128xf32, #tpu.memory_space<vmem>> -> memref<8x128xf32, #tpu.memory_space<vmem>>
            %dma_wait3A_487 = arith.constant 0 : i32
            %dma_wait3A_488 = tpu.memref_slice %arg5[%add3A, %multiple_of3A, %dma_wait3A_487] : memref<32x80x128xf32, #tpu.memory_space<hbm>> -> memref<1x8x128xf32, #tpu.memory_space<hbm>>
            %dma_wait3A_489 = tpu.memref_squeeze %dma_wait3A_488 : memref<1x8x128xf32, #tpu.memory_space<hbm>> -> memref<8x128xf32, #tpu.memory_space<hbm>>
            tpu.wait_dma2 semaphore(%arg18 : memref<!tpu.dma_semaphore, #tpu.memory_space<semaphore_mem>>) src(%dma_wait3A_489 : memref<8x128xf32, #tpu.memory_space<hbm>>) dst(%dma_wait3A_486 : memref<8x128xf32, #tpu.memory_space<vmem>>)
          } else {
          }
          %eq3A_440 = arith.constant 1 : i32
          %eq3A_441 = arith.cmpi eq, %rem3A_411, %eq3A_440 : i32
          %convert_element_type3A_442 = arith.extui %eq3A_441 : i1 to i32
          %cond3A_443 = arith.constant 0 : i32
          %cond3A_444 = arith.cmpi ne, %convert_element_type3A_442, %cond3A_443 : i32
          scf.if %cond3A_444 {
            %dma_wait3A_445 = arith.constant 1 : i32
            %dma_wait3A_446 = arith.constant 0 : i32
            %dma_wait3A_447 = arith.constant 0 : i32
            %dma_wait3A_448 = tpu.memref_slice %arg9[%dma_wait3A_445, %dma_wait3A_446, %dma_wait3A_447] : memref<2x8x128xi32, #tpu.memory_space<vmem>> -> memref<1x8x128xi32, #tpu.memory_space<vmem>>
            %dma_wait3A_449 = tpu.memref_squeeze %dma_wait3A_448 : memref<1x8x128xi32, #tpu.memory_space<vmem>> -> memref<8x128xi32, #tpu.memory_space<vmem>>
            %dma_wait3A_450 = arith.constant 0 : i32
            %dma_wait3A_451 = tpu.memref_slice %arg3[%add3A, %multiple_of3A, %dma_wait3A_450] : memref<32x80x128xi32, #tpu.memory_space<hbm>> -> memref<1x8x128xi32, #tpu.memory_space<hbm>>
            %dma_wait3A_452 = tpu.memref_squeeze %dma_wait3A_451 : memref<1x8x128xi32, #tpu.memory_space<hbm>> -> memref<8x128xi32, #tpu.memory_space<hbm>>
            %dma_wait3A_453 = arith.constant 0 : i32
            %dma_wait3A_454 = arith.constant 0 : i32
            %dma_wait3A_455 = tpu.memref_slice %arg9[%dma_wait3A_445, %dma_wait3A_453, %dma_wait3A_454] : memref<2x8x128xi32, #tpu.memory_space<vmem>> -> memref<1x8x128xi32, #tpu.memory_space<vmem>>
            %dma_wait3A_456 = tpu.memref_squeeze %dma_wait3A_455 : memref<1x8x128xi32, #tpu.memory_space<vmem>> -> memref<8x128xi32, #tpu.memory_space<vmem>>
            %dma_wait3A_457 = arith.constant 0 : i32
            %dma_wait3A_458 = tpu.memref_slice %arg3[%add3A, %multiple_of3A, %dma_wait3A_457] : memref<32x80x128xi32, #tpu.memory_space<hbm>> -> memref<1x8x128xi32, #tpu.memory_space<hbm>>
            %dma_wait3A_459 = tpu.memref_squeeze %dma_wait3A_458 : memref<1x8x128xi32, #tpu.memory_space<hbm>> -> memref<8x128xi32, #tpu.memory_space<hbm>>
            tpu.wait_dma2 semaphore(%arg19 : memref<!tpu.dma_semaphore, #tpu.memory_space<semaphore_mem>>) src(%dma_wait3A_459 : memref<8x128xi32, #tpu.memory_space<hbm>>) dst(%dma_wait3A_456 : memref<8x128xi32, #tpu.memory_space<vmem>>)
            %dma_wait3A_460 = arith.constant 1 : i32
            %dma_wait3A_461 = arith.constant 0 : i32
            %dma_wait3A_462 = arith.constant 0 : i32
            %dma_wait3A_463 = tpu.memref_slice %arg10[%dma_wait3A_460, %dma_wait3A_461, %dma_wait3A_462] : memref<2x8x128xi32, #tpu.memory_space<vmem>> -> memref<1x8x128xi32, #tpu.memory_space<vmem>>
            %dma_wait3A_464 = tpu.memref_squeeze %dma_wait3A_463 : memref<1x8x128xi32, #tpu.memory_space<vmem>> -> memref<8x128xi32, #tpu.memory_space<vmem>>
            %dma_wait3A_465 = arith.constant 0 : i32
            %dma_wait3A_466 = tpu.memref_slice %arg4[%add3A, %multiple_of3A, %dma_wait3A_465] : memref<32x80x128xi32, #tpu.memory_space<hbm>> -> memref<1x8x128xi32, #tpu.memory_space<hbm>>
            %dma_wait3A_467 = tpu.memref_squeeze %dma_wait3A_466 : memref<1x8x128xi32, #tpu.memory_space<hbm>> -> memref<8x128xi32, #tpu.memory_space<hbm>>
            %dma_wait3A_468 = arith.constant 0 : i32
            %dma_wait3A_469 = arith.constant 0 : i32
            %dma_wait3A_470 = tpu.memref_slice %arg10[%dma_wait3A_460, %dma_wait3A_468, %dma_wait3A_469] : memref<2x8x128xi32, #tpu.memory_space<vmem>> -> memref<1x8x128xi32, #tpu.memory_space<vmem>>
            %dma_wait3A_471 = tpu.memref_squeeze %dma_wait3A_470 : memref<1x8x128xi32, #tpu.memory_space<vmem>> -> memref<8x128xi32, #tpu.memory_space<vmem>>
            %dma_wait3A_472 = arith.constant 0 : i32
            %dma_wait3A_473 = tpu.memref_slice %arg4[%add3A, %multiple_of3A, %dma_wait3A_472] : memref<32x80x128xi32, #tpu.memory_space<hbm>> -> memref<1x8x128xi32, #tpu.memory_space<hbm>>
            %dma_wait3A_474 = tpu.memref_squeeze %dma_wait3A_473 : memref<1x8x128xi32, #tpu.memory_space<hbm>> -> memref<8x128xi32, #tpu.memory_space<hbm>>
            tpu.wait_dma2 semaphore(%arg19 : memref<!tpu.dma_semaphore, #tpu.memory_space<semaphore_mem>>) src(%dma_wait3A_474 : memref<8x128xi32, #tpu.memory_space<hbm>>) dst(%dma_wait3A_471 : memref<8x128xi32, #tpu.memory_space<vmem>>)
            %dma_wait3A_475 = arith.constant 1 : i32
            %dma_wait3A_476 = arith.constant 0 : i32
            %dma_wait3A_477 = arith.constant 0 : i32
            %dma_wait3A_478 = tpu.memref_slice %arg11[%dma_wait3A_475, %dma_wait3A_476, %dma_wait3A_477] : memref<2x8x128xf32, #tpu.memory_space<vmem>> -> memref<1x8x128xf32, #tpu.memory_space<vmem>>
            %dma_wait3A_479 = tpu.memref_squeeze %dma_wait3A_478 : memref<1x8x128xf32, #tpu.memory_space<vmem>> -> memref<8x128xf32, #tpu.memory_space<vmem>>
            %dma_wait3A_480 = arith.constant 0 : i32
            %dma_wait3A_481 = tpu.memref_slice %arg5[%add3A, %multiple_of3A, %dma_wait3A_480] : memref<32x80x128xf32, #tpu.memory_space<hbm>> -> memref<1x8x128xf32, #tpu.memory_space<hbm>>
            %dma_wait3A_482 = tpu.memref_squeeze %dma_wait3A_481 : memref<1x8x128xf32, #tpu.memory_space<hbm>> -> memref<8x128xf32, #tpu.memory_space<hbm>>
            %dma_wait3A_483 = arith.constant 0 : i32
            %dma_wait3A_484 = arith.constant 0 : i32
            %dma_wait3A_485 = tpu.memref_slice %arg11[%dma_wait3A_475, %dma_wait3A_483, %dma_wait3A_484] : memref<2x8x128xf32, #tpu.memory_space<vmem>> -> memref<1x8x128xf32, #tpu.memory_space<vmem>>
            %dma_wait3A_486 = tpu.memref_squeeze %dma_wait3A_485 : memref<1x8x128xf32, #tpu.memory_space<vmem>> -> memref<8x128xf32, #tpu.memory_space<vmem>>
            %dma_wait3A_487 = arith.constant 0 : i32
            %dma_wait3A_488 = tpu.memref_slice %arg5[%add3A, %multiple_of3A, %dma_wait3A_487] : memref<32x80x128xf32, #tpu.memory_space<hbm>> -> memref<1x8x128xf32, #tpu.memory_space<hbm>>
            %dma_wait3A_489 = tpu.memref_squeeze %dma_wait3A_488 : memref<1x8x128xf32, #tpu.memory_space<hbm>> -> memref<8x128xf32, #tpu.memory_space<hbm>>
            tpu.wait_dma2 semaphore(%arg19 : memref<!tpu.dma_semaphore, #tpu.memory_space<semaphore_mem>>) src(%dma_wait3A_489 : memref<8x128xf32, #tpu.memory_space<hbm>>) dst(%dma_wait3A_486 : memref<8x128xf32, #tpu.memory_space<vmem>>)
          } else {
          }
        } else {
        }
        %dma_start3A_423 = arith.constant 0 : i32
        %dma_start3A_424 = tpu.memref_slice %arg10[%rem3A_411, %rem3A_413, %dma_start3A_423] : memref<2x8x128xi32, #tpu.memory_space<vmem>> -> memref<1x1x128xi32, #tpu.memory_space<vmem>>
        %dma_start3A_425 = tpu.memref_squeeze %dma_start3A_424 : memref<1x1x128xi32, #tpu.memory_space<vmem>> -> memref<128xi32, #tpu.memory_space<vmem>>
        %dma_start3A_426 = arith.constant 0 : i32
        %dma_start3A_427 = arith.constant 0 : i32
        %dma_start3A_428 = tpu.memref_slice %arg2[%dma_start3A_426, %dma_start3A_427] : memref<10240x128xf32, #tpu.memory_space<hbm>> -> memref<10240x128xf32, #tpu.memory_space<hbm>>
        tpu.enqueue_indirect_dma source(%dma_start3A_428 : memref<10240x128xf32, #tpu.memory_space<hbm>>) target(%arg12 : memref<128x128xf32, #tpu.memory_space<vmem>>) offsets(%dma_start3A_425 : memref<128xi32, #tpu.memory_space<vmem>>) semaphore(%arg14 : memref<!tpu.dma_semaphore, #tpu.memory_space<semaphore_mem>>)
      } else {
      }
      %dma_start3A_399 = arith.constant 0 : i32
      %dma_start3A_400 = tpu.memref_slice %arg9[%rem3A_327, %rem3A_335, %dma_start3A_399] : memref<2x8x128xi32, #tpu.memory_space<vmem>> -> memref<1x1x128xi32, #tpu.memory_space<vmem>>
      %dma_start3A_401 = tpu.memref_squeeze %dma_start3A_400 : memref<1x1x128xi32, #tpu.memory_space<vmem>> -> memref<128xi32, #tpu.memory_space<vmem>>
      %dma_start3A_402 = arith.constant 0 : i32
      %dma_start3A_403 = arith.constant 0 : i32
      %dma_start3A_404 = tpu.memref_slice %arg8[%dma_start3A_402, %dma_start3A_403] : memref<10240x128xf32, #tpu.memory_space<vmem_shared>> -> memref<10240x128xf32, #tpu.memory_space<vmem_shared>>
      tpu.enqueue_indirect_dma source(%arg13 : memref<128x128xf32, #tpu.memory_space<vmem>>) target(%dma_start3A_404 : memref<10240x128xf32, #tpu.memory_space<vmem_shared>>) offsets(%dma_start3A_401 : memref<128xi32, #tpu.memory_space<vmem>>) semaphore(%arg17 : memref<!tpu.dma_semaphore, #tpu.memory_space<semaphore_mem>>) {add = true}
      %scan3A_405 = arith.constant 0 : i32
      scf.yield %scan3A_405 : i32
    }
    %scan3A_234 = arith.constant 40 : i32
    %div3A = arith.constant 79 : i32
    %div3A_235 = arith.constant 8 : i32
    %div3A_236 = arith.divsi %div3A, %div3A_235 : i32
    %rem3A = arith.constant 2 : i32
    %rem3A_237 = arith.remsi %div3A_236, %rem3A : i32
    %rem3A_238 = arith.constant 79 : i32
    %rem3A_239 = arith.constant 8 : i32
    %rem3A_240 = arith.remsi %rem3A_238, %rem3A_239 : i32
    %dma_wait3A_241 = arith.constant 0 : i32
    %dma_wait3A_242 = tpu.memref_slice %arg9[%rem3A_237, %rem3A_240, %dma_wait3A_241] : memref<2x8x128xi32, #tpu.memory_space<vmem>> -> memref<1x1x128xi32, #tpu.memory_space<vmem>>
    %dma_wait3A_243 = tpu.memref_squeeze %dma_wait3A_242 : memref<1x1x128xi32, #tpu.memory_space<vmem>> -> memref<128xi32, #tpu.memory_space<vmem>>
    %dma_wait3A_244 = arith.constant 0 : i32
    %dma_wait3A_245 = arith.constant 0 : i32
    %dma_wait3A_246 = tpu.memref_slice %arg8[%dma_wait3A_244, %dma_wait3A_245] : memref<10240x128xf32, #tpu.memory_space<vmem_shared>> -> memref<10240x128xf32, #tpu.memory_space<vmem_shared>>
    tpu.wait_indirect_dma semaphore(%arg17 : memref<!tpu.dma_semaphore, #tpu.memory_space<semaphore_mem>>) src(%arg13 : memref<128x128xf32, #tpu.memory_space<vmem>>) dst(%dma_wait3A_246 : memref<10240x128xf32, #tpu.memory_space<vmem_shared>>)
    %barrier3A_247 = arith.constant 0 : index
    tpu.barrier barrier_id(%barrier3A_247)
    %add3A_248 = arith.constant 0 : i32
    %add3A_249 = arith.addi %mul3A_2, %add3A_248 : i32
    %dma_start3A_250 = arith.constant 0 : i32
    %dma_start3A_251 = tpu.memref_slice %arg6[%arg0, %add3A_249, %dma_start3A_250] : memref<2x10240x128xf32, #tpu.memory_space<hbm>> -> memref<1x128x128xf32, #tpu.memory_space<hbm>>
    %dma_start3A_252 = tpu.memref_squeeze %dma_start3A_251 : memref<1x128x128xf32, #tpu.memory_space<hbm>> -> memref<128x128xf32, #tpu.memory_space<hbm>>
    %dma_start3A_253 = arith.constant 0 : i32
    %dma_start3A_254 = tpu.memref_slice %arg8[%add3A_249, %dma_start3A_253] : memref<10240x128xf32, #tpu.memory_space<vmem_shared>> -> memref<128x128xf32, #tpu.memory_space<vmem_shared>>
    tpu.enqueue_dma source(%dma_start3A_254 : memref<128x128xf32, #tpu.memory_space<vmem_shared>>) target(%dma_start3A_252 : memref<128x128xf32, #tpu.memory_space<hbm>>) target_semaphore(%arg16 : memref<!tpu.dma_semaphore, #tpu.memory_space<semaphore_mem>>)
    %add3A_255 = arith.constant 128 : i32
    %add3A_256 = arith.addi %mul3A_2, %add3A_255 : i32
    %dma_start3A_257 = arith.constant 0 : i32
    %dma_start3A_258 = tpu.memref_slice %arg6[%arg0, %add3A_256, %dma_start3A_257] : memref<2x10240x128xf32, #tpu.memory_space<hbm>> -> memref<1x128x128xf32, #tpu.memory_space<hbm>>
    %dma_start3A_259 = tpu.memref_squeeze %dma_start3A_258 : memref<1x128x128xf32, #tpu.memory_space<hbm>> -> memref<128x128xf32, #tpu.memory_space<hbm>>
    %dma_start3A_260 = arith.constant 0 : i32
    %dma_start3A_261 = tpu.memref_slice %arg8[%add3A_256, %dma_start3A_260] : memref<10240x128xf32, #tpu.memory_space<vmem_shared>> -> memref<128x128xf32, #tpu.memory_space<vmem_shared>>
    tpu.enqueue_dma source(%dma_start3A_261 : memref<128x128xf32, #tpu.memory_space<vmem_shared>>) target(%dma_start3A_259 : memref<128x128xf32, #tpu.memory_space<hbm>>) target_semaphore(%arg16 : memref<!tpu.dma_semaphore, #tpu.memory_space<semaphore_mem>>)
    %add3A_262 = arith.constant 256 : i32
    %add3A_263 = arith.addi %mul3A_2, %add3A_262 : i32
    %dma_start3A_264 = arith.constant 0 : i32
    %dma_start3A_265 = tpu.memref_slice %arg6[%arg0, %add3A_263, %dma_start3A_264] : memref<2x10240x128xf32, #tpu.memory_space<hbm>> -> memref<1x128x128xf32, #tpu.memory_space<hbm>>
    %dma_start3A_266 = tpu.memref_squeeze %dma_start3A_265 : memref<1x128x128xf32, #tpu.memory_space<hbm>> -> memref<128x128xf32, #tpu.memory_space<hbm>>
    %dma_start3A_267 = arith.constant 0 : i32
    %dma_start3A_268 = tpu.memref_slice %arg8[%add3A_263, %dma_start3A_267] : memref<10240x128xf32, #tpu.memory_space<vmem_shared>> -> memref<128x128xf32, #tpu.memory_space<vmem_shared>>
    tpu.enqueue_dma source(%dma_start3A_268 : memref<128x128xf32, #tpu.memory_space<vmem_shared>>) target(%dma_start3A_266 : memref<128x128xf32, #tpu.memory_space<hbm>>) target_semaphore(%arg16 : memref<!tpu.dma_semaphore, #tpu.memory_space<semaphore_mem>>)
    %add3A_269 = arith.constant 384 : i32
    %add3A_270 = arith.addi %mul3A_2, %add3A_269 : i32
    %dma_start3A_271 = arith.constant 0 : i32
    %dma_start3A_272 = tpu.memref_slice %arg6[%arg0, %add3A_270, %dma_start3A_271] : memref<2x10240x128xf32, #tpu.memory_space<hbm>> -> memref<1x128x128xf32, #tpu.memory_space<hbm>>
    %dma_start3A_273 = tpu.memref_squeeze %dma_start3A_272 : memref<1x128x128xf32, #tpu.memory_space<hbm>> -> memref<128x128xf32, #tpu.memory_space<hbm>>
    %dma_start3A_274 = arith.constant 0 : i32
    %dma_start3A_275 = tpu.memref_slice %arg8[%add3A_270, %dma_start3A_274] : memref<10240x128xf32, #tpu.memory_space<vmem_shared>> -> memref<128x128xf32, #tpu.memory_space<vmem_shared>>
    tpu.enqueue_dma source(%dma_start3A_275 : memref<128x128xf32, #tpu.memory_space<vmem_shared>>) target(%dma_start3A_273 : memref<128x128xf32, #tpu.memory_space<hbm>>) target_semaphore(%arg16 : memref<!tpu.dma_semaphore, #tpu.memory_space<semaphore_mem>>)
    %add3A_276 = arith.constant 512 : i32
    %add3A_277 = arith.addi %mul3A_2, %add3A_276 : i32
    %dma_start3A_278 = arith.constant 0 : i32
    %dma_start3A_279 = tpu.memref_slice %arg6[%arg0, %add3A_277, %dma_start3A_278] : memref<2x10240x128xf32, #tpu.memory_space<hbm>> -> memref<1x128x128xf32, #tpu.memory_space<hbm>>
    %dma_start3A_280 = tpu.memref_squeeze %dma_start3A_279 : memref<1x128x128xf32, #tpu.memory_space<hbm>> -> memref<128x128xf32, #tpu.memory_space<hbm>>
    %dma_start3A_281 = arith.constant 0 : i32
    %dma_start3A_282 = tpu.memref_slice %arg8[%add3A_277, %dma_start3A_281] : memref<10240x128xf32, #tpu.memory_space<vmem_shared>> -> memref<128x128xf32, #tpu.memory_space<vmem_shared>>
    tpu.enqueue_dma source(%dma_start3A_282 : memref<128x128xf32, #tpu.memory_space<vmem_shared>>) target(%dma_start3A_280 : memref<128x128xf32, #tpu.memory_space<hbm>>) target_semaphore(%arg16 : memref<!tpu.dma_semaphore, #tpu.memory_space<semaphore_mem>>)
    %add3A_283 = arith.constant 0 : i32
    %add3A_284 = arith.addi %mul3A_2, %add3A_283 : i32
    %dma_wait3A_285 = arith.constant 0 : i32
    %dma_wait3A_286 = tpu.memref_slice %arg6[%arg0, %add3A_284, %dma_wait3A_285] : memref<2x10240x128xf32, #tpu.memory_space<hbm>> -> memref<1x128x128xf32, #tpu.memory_space<hbm>>
    %dma_wait3A_287 = tpu.memref_squeeze %dma_wait3A_286 : memref<1x128x128xf32, #tpu.memory_space<hbm>> -> memref<128x128xf32, #tpu.memory_space<hbm>>
    %dma_wait3A_288 = arith.constant 0 : i32
    %dma_wait3A_289 = tpu.memref_slice %arg8[%add3A_284, %dma_wait3A_288] : memref<10240x128xf32, #tpu.memory_space<vmem_shared>> -> memref<128x128xf32, #tpu.memory_space<vmem_shared>>
    tpu.wait_dma2 semaphore(%arg16 : memref<!tpu.dma_semaphore, #tpu.memory_space<semaphore_mem>>) src(%dma_wait3A_289 : memref<128x128xf32, #tpu.memory_space<vmem_shared>>) dst(%dma_wait3A_287 : memref<128x128xf32, #tpu.memory_space<hbm>>)
    %add3A_290 = arith.constant 128 : i32
    %add3A_291 = arith.addi %mul3A_2, %add3A_290 : i32
    %dma_wait3A_292 = arith.constant 0 : i32
    %dma_wait3A_293 = tpu.memref_slice %arg6[%arg0, %add3A_291, %dma_wait3A_292] : memref<2x10240x128xf32, #tpu.memory_space<hbm>> -> memref<1x128x128xf32, #tpu.memory_space<hbm>>
    %dma_wait3A_294 = tpu.memref_squeeze %dma_wait3A_293 : memref<1x128x128xf32, #tpu.memory_space<hbm>> -> memref<128x128xf32, #tpu.memory_space<hbm>>
    %dma_wait3A_295 = arith.constant 0 : i32
    %dma_wait3A_296 = tpu.memref_slice %arg8[%add3A_291, %dma_wait3A_295] : memref<10240x128xf32, #tpu.memory_space<vmem_shared>> -> memref<128x128xf32, #tpu.memory_space<vmem_shared>>
    tpu.wait_dma2 semaphore(%arg16 : memref<!tpu.dma_semaphore, #tpu.memory_space<semaphore_mem>>) src(%dma_wait3A_296 : memref<128x128xf32, #tpu.memory_space<vmem_shared>>) dst(%dma_wait3A_294 : memref<128x128xf32, #tpu.memory_space<hbm>>)
    %add3A_297 = arith.constant 256 : i32
    %add3A_298 = arith.addi %mul3A_2, %add3A_297 : i32
    %dma_wait3A_299 = arith.constant 0 : i32
    %dma_wait3A_300 = tpu.memref_slice %arg6[%arg0, %add3A_298, %dma_wait3A_299] : memref<2x10240x128xf32, #tpu.memory_space<hbm>> -> memref<1x128x128xf32, #tpu.memory_space<hbm>>
    %dma_wait3A_301 = tpu.memref_squeeze %dma_wait3A_300 : memref<1x128x128xf32, #tpu.memory_space<hbm>> -> memref<128x128xf32, #tpu.memory_space<hbm>>
    %dma_wait3A_302 = arith.constant 0 : i32
    %dma_wait3A_303 = tpu.memref_slice %arg8[%add3A_298, %dma_wait3A_302] : memref<10240x128xf32, #tpu.memory_space<vmem_shared>> -> memref<128x128xf32, #tpu.memory_space<vmem_shared>>
    tpu.wait_dma2 semaphore(%arg16 : memref<!tpu.dma_semaphore, #tpu.memory_space<semaphore_mem>>) src(%dma_wait3A_303 : memref<128x128xf32, #tpu.memory_space<vmem_shared>>) dst(%dma_wait3A_301 : memref<128x128xf32, #tpu.memory_space<hbm>>)
    %add3A_304 = arith.constant 384 : i32
    %add3A_305 = arith.addi %mul3A_2, %add3A_304 : i32
    %dma_wait3A_306 = arith.constant 0 : i32
    %dma_wait3A_307 = tpu.memref_slice %arg6[%arg0, %add3A_305, %dma_wait3A_306] : memref<2x10240x128xf32, #tpu.memory_space<hbm>> -> memref<1x128x128xf32, #tpu.memory_space<hbm>>
    %dma_wait3A_308 = tpu.memref_squeeze %dma_wait3A_307 : memref<1x128x128xf32, #tpu.memory_space<hbm>> -> memref<128x128xf32, #tpu.memory_space<hbm>>
    %dma_wait3A_309 = arith.constant 0 : i32
    %dma_wait3A_310 = tpu.memref_slice %arg8[%add3A_305, %dma_wait3A_309] : memref<10240x128xf32, #tpu.memory_space<vmem_shared>> -> memref<128x128xf32, #tpu.memory_space<vmem_shared>>
    tpu.wait_dma2 semaphore(%arg16 : memref<!tpu.dma_semaphore, #tpu.memory_space<semaphore_mem>>) src(%dma_wait3A_310 : memref<128x128xf32, #tpu.memory_space<vmem_shared>>) dst(%dma_wait3A_308 : memref<128x128xf32, #tpu.memory_space<hbm>>)
    %add3A_311 = arith.constant 512 : i32
    %add3A_312 = arith.addi %mul3A_2, %add3A_311 : i32
    %dma_wait3A_313 = arith.constant 0 : i32
    %dma_wait3A_314 = tpu.memref_slice %arg6[%arg0, %add3A_312, %dma_wait3A_313] : memref<2x10240x128xf32, #tpu.memory_space<hbm>> -> memref<1x128x128xf32, #tpu.memory_space<hbm>>
    %dma_wait3A_315 = tpu.memref_squeeze %dma_wait3A_314 : memref<1x128x128xf32, #tpu.memory_space<hbm>> -> memref<128x128xf32, #tpu.memory_space<hbm>>
    %dma_wait3A_316 = arith.constant 0 : i32
    %dma_wait3A_317 = tpu.memref_slice %arg8[%add3A_312, %dma_wait3A_316] : memref<10240x128xf32, #tpu.memory_space<vmem_shared>> -> memref<128x128xf32, #tpu.memory_space<vmem_shared>>
    tpu.wait_dma2 semaphore(%arg16 : memref<!tpu.dma_semaphore, #tpu.memory_space<semaphore_mem>>) src(%dma_wait3A_317 : memref<128x128xf32, #tpu.memory_space<vmem_shared>>) dst(%dma_wait3A_315 : memref<128x128xf32, #tpu.memory_space<hbm>>)
    return
  }
}

module attributes {stable_mosaic.version = 14 : i64} {
  func.func @_tc_filter_kernel(%arg0: i32, %arg1: memref<1024x128xf32, #tpu.memory_space<vmem>>, %arg2: memref<2x1024x128xf32, #tpu.memory_space<vmem>>, %arg3: memref<128x128xf32, #tpu.memory_space<vmem>>, %arg4: memref<1024x256xf32, #tpu.memory_space<vmem>>) attributes {dimension_semantics = [#tpu.dimension_semantics<arbitrary>], iteration_bounds = array<i64: 10>, scalar_prefetch = 0 : i64, scratch_operands = 0 : i64, tpu.core_type = #tpu.core_type<tc>, window_params = [{transform_indices = @transform_0, window_bounds = array<i64: 1024, 128>}, {transform_indices = @transform_1, window_bounds = array<i64: 2, 1024, 128>}, {pipeline_mode = #tpu.pipeline_mode<synchronous>, transform_indices = @transform_2, window_bounds = array<i64: 128, 128>}, {transform_indices = @transform_3, window_bounds = array<i64: 1024, 256>}]} {
    %get3A = arith.constant 0 : index
    %get3A_0 = arith.constant 0 : index
    %get3A_1 = vector.load %arg1[%get3A, %get3A_0] : memref<1024x128xf32, #tpu.memory_space<vmem>>, vector<1024x128xf32>
    %get3A_2 = arith.constant 0 : index
    %get3A_3 = arith.constant 0 : index
    %get3A_4 = arith.constant 0 : index
    %get3A_5 = vector.load %arg2[%get3A_2, %get3A_3, %get3A_4] : memref<2x1024x128xf32, #tpu.memory_space<vmem>>, vector<1x1024x128xf32>
    %get3A_6 = vector.shape_cast %get3A_5 : vector<1x1024x128xf32> to vector<1024x128xf32>
    %get3A_7 = arith.constant 1 : index
    %get3A_8 = arith.constant 0 : index
    %get3A_9 = arith.constant 0 : index
    %get3A_10 = vector.load %arg2[%get3A_7, %get3A_8, %get3A_9] : memref<2x1024x128xf32, #tpu.memory_space<vmem>>, vector<1x1024x128xf32>
    %get3A_11 = vector.shape_cast %get3A_10 : vector<1x1024x128xf32> to vector<1024x128xf32>
    %add3A = arith.addf %get3A_6, %get3A_11 : vector<1024x128xf32>
    %mul3A = arith.constant 2.000000e+00 : f32
    %mul3A_12 = vector.broadcast %mul3A : f32 to vector<1024x128xf32>
    %mul3A_13 = arith.mulf %mul3A_12, %get3A_1 : vector<1024x128xf32>
    %sub3A = arith.subf %mul3A_13, %add3A : vector<1024x128xf32>
    %get3A_14 = arith.constant 0 : index
    %get3A_15 = arith.constant 0 : index
    %get3A_16 = vector.load %arg3[%get3A_14, %get3A_15] : memref<128x128xf32, #tpu.memory_space<vmem>>, vector<128x128xf32>
    %dot_general3A = arith.constant dense<0.000000e+00> : vector<1024x128xf32>
    %dot_general3A_17 = tpu.matmul %sub3A, %get3A_16, %dot_general3A {dimension_numbers = #tpu.dot_dimension_numbers<[1], [0], [0], [1], [0, 0, 1, 1], [], []>, transpose_lhs_hint = false} : vector<1024x128xf32>, vector<128x128xf32>, vector<1024x128xf32> -> vector<1024x128xf32>
    %logistic3A = arith.negf %dot_general3A_17 : vector<1024x128xf32>
    %logistic3A_18 = math.exp %logistic3A : vector<1024x128xf32>
    %logistic3A_19 = arith.constant 1.000000e+00 : f32
    %logistic3A_20 = vector.broadcast %logistic3A_19 : f32 to vector<1024x128xf32>
    %logistic3A_21 = arith.addf %logistic3A_20, %logistic3A_18 : vector<1024x128xf32>
    %logistic3A_22 = arith.divf %logistic3A_20, %logistic3A_21 : vector<1024x128xf32>
    %swap3A = arith.constant 0 : index
    %swap3A_23 = arith.constant 0 : index
    %swap3A_24 = vector.load %arg4[%swap3A, %swap3A_23] : memref<1024x256xf32, #tpu.memory_space<vmem>>, vector<1024x128xf32>
    tpu.vector_store %arg4[%swap3A, %swap3A_23], %get3A_1 {strides = array<i32>} : memref<1024x256xf32, #tpu.memory_space<vmem>>, vector<1024x128xf32>,
    %swap3A_25 = arith.constant 0 : index
    %swap3A_26 = arith.constant 128 : index
    %swap3A_27 = vector.load %arg4[%swap3A_25, %swap3A_26] : memref<1024x256xf32, #tpu.memory_space<vmem>>, vector<1024x128xf32>
    tpu.vector_store %arg4[%swap3A_25, %swap3A_26], %logistic3A_22 {strides = array<i32>} : memref<1024x256xf32, #tpu.memory_space<vmem>>, vector<1024x128xf32>,
    return
  }
  func.func @transform_0(%arg0: i32) -> (i32, i32) {
    %c0_i32 = arith.constant 0 : i32
    %c0_i32_0 = arith.constant 0 : i32
    return %arg0, %c0_i32 : i32, i32
  }
  func.func @transform_1(%arg0: i32) -> (i32, i32, i32) {
    %c0_i32 = arith.constant 0 : i32
    %c0_i32_0 = arith.constant 0 : i32
    %c0_i32_1 = arith.constant 0 : i32
    return %c0_i32, %arg0, %c0_i32_0 : i32, i32, i32
  }
  func.func @transform_2(%arg0: i32) -> (i32, i32) {
    %c0_i32 = arith.constant 0 : i32
    %c0_i32_0 = arith.constant 0 : i32
    %c0_i32_1 = arith.constant 0 : i32
    return %c0_i32, %c0_i32_0 : i32, i32
  }
  func.func @transform_3(%arg0: i32) -> (i32, i32) {
    %c0_i32 = arith.constant 0 : i32
    %c0_i32_0 = arith.constant 0 : i32
    return %arg0, %c0_i32 : i32, i32
  }
}

</mosaic_0001>

<sc_bundles>
// kernel: kernel.4.cloned.1.call-start
scs
__scs_entry_jumppad:
0x0: {  	(pc) =	sbr.rel $0x88, $3  }
0x1: {  	(tag) =	ssettag $0x0;
	lr =	simm.s32 $0x1  }
0x2: {  	[smem:$0x3F9C] =	sst lr;
	_ =	strace $0xD0000000  }
0x3: {  	_ = 	snop  }
0x4: {  	_ = 	snop  }
0x5: {  	_ = 	snop  }
0x6: {  	_ = 	snop  }
0x7: {  	_ = 	snop  }
__scs_overlays_trampoline_lowered:
0x8: {  	[smem:$0x3FAB] =	sst s0  }
0x9: {  	[smem:$0x3FAC] =	sst s1  }
0xa: {  	[smem:$0x3FAD] =	sst s2  }
0xb: {  	[smem:$0x3FAE] =	sst s3  }
0xc: {  	[smem:$0x3FAF] =	sst s4  }
0xd: {  	[smem:$0x3FB0] =	sst s5  }
0xe: {  	[smem:$0x3FB1] =	sst s6  }
0xf: {  	[smem:$0x3FB2] =	sst s7  }
0x10: {  	[smem:$0x3FB3] =	sst s8  }
0x11: {  	[smem:$0x3FB4] =	sst s9;
	s0 =	simm.s32 @!p0 $0x0  }
0x12: {  	s1 =	sld [smem:$0x3F9A];
	s0 =	simm.s32 @p0 $0x1  }
0x13: {  	[smem:$0x3FB5] =	sst s0;
	s0 =	simm.s32 @!p1 $0x0  }
0x14: {  	s2 =	sld [smem:$0x3F99];
	s0 =	simm.s32 @p1 $0x1  }
0x15: {  	[smem:$0x3FB6] =	sst s0;
	s0 =	simm.s32 @!p2 $0x0  }
0x16: {  	s3 =	sld [smem:$0x3FDB];
	s0 =	simm.s32 @p2 $0x1  }
0x17: {  	s4 =	simm.s32 $0x1BF5;
	[smem:$0x3FB8] =	sst s0  }
0x18: {  	s0 =	sld [smem:$0x3F9B];
	_ =	swait.ge [sflag:s4], $0x0  }
0x19: {  	s7 =	sld [smem:$0x3F9C]  }
0x1a: {  	s8 =	sadd.s32 $0xFFFFE003, lr  }
0x1b: {  	s9 =	sadd.s32 $0xFFFFFEF7, lr;
	s5 =	simm.s32 $0xFFFFFFFF;
	p2 =	slt.u32 s8, $0xFFFFF086  }
0x1c: {  	p1 =	slt.u32 s9, $0xF7A;
	s5 =	simm.s32 @!p2 $0x0  }
0x1d: {  	s5 =	simm.s32 @p1 $0x1;
	p0 =	seq.s32 s7, s2  }
0x1e: {  	s7 =	smul.u32 @!p0 $0xF7A, s2;
	p2 =	seq.s32 @!p0 s5, $0x0  }
0x1f: {  	s9 =	smul.u32 $0xF7A, s1;
	s8 =	simm.s32 @!p0 $0x1BF5;
	p2 =	por !p2, p0  }
0x20: {  	[sflag:s8] =	ssyncset.s32 @!p0 $0xFFFFF086;
	s6 =	sadd.s32 @!p0 s3, s7;
	s7 =	simm.s32 @!p0 $0x108  }
0x21: {  	s3 =	sadd.s32 s3, s9;
	s6 =	sadd.s32 @!p0 $0x88, s6;
	s7 =	simm.s32 @p2 $0x1082  }
0x22: {  	[simem:s7], [sflag:s8] =	dma.local @!p0 [hbm:s6], $0xF7A  }
0x23: {  	s9 =	sor.u32 $0xD0000000, s2;
	s6 =	simm.s32 $0x108;
	_ =	swait.ge @!p0 [sflag:s8], $0x0  }
0x24: {  	s3 =	sadd.s32 $0x88, s3;
	s6 =	simm.s32 @!p1 $0x1082;
	[sflag:s4] =	ssyncset.s32 $0xFFFFF086  }
0x25: {  	[simem:s6], [sflag:s4] =	dma.local [hbm:s3], $0xF7A  }
0x26: {  	[smem:$0x3F9C] =	sst s1;
	(tag) =	ssettag s2;
	_ =	strace s9  }
0x27: {  	s1 =	sld [smem:$0x3FAC]  }
0x28: {  	s2 =	sld [smem:$0x3FAD]  }
0x29: {  	s4 =	sld [smem:$0x3FAF]  }
0x2a: {  	p0 =	seq.s32 s5, $0x0;
	s5 =	sld [smem:$0x3FB0]  }
0x2b: {  	s6 =	sld [smem:$0x3FB1]  }
0x2c: {  	s7 =	sld [smem:$0x3FB2]  }
0x2d: {  	s3 =	simm.s32 $0x108;
	s8 =	sld [smem:$0x3FB3]  }
0x2e: {  	s3 =	simm.s32 @!p0 $0x1082;
	s9 =	sld [smem:$0x3FB4]  }
0x2f: {  	lr =	sadd.s32 s0, s3;
	s0 =	sld [smem:$0x3FAB]  }
0x30: {  	s3 =	sld [smem:$0x3FAE]  }
0x31: {  	[smem:$0x3FB7] =	sst s10  }
0x32: {  	s10 =	sld [smem:$0x3FB5];
	_ =	sdelay $0x3  }
0x33: {  	p0 =	seq.s32 s10, $0x1;
	s10 =	sld [smem:$0x3FB7];
	_ =	sdelay $0x3  }
0x34: {  	[smem:$0x3FB7] =	sst s10  }
0x35: {  	s10 =	sld [smem:$0x3FB6];
	_ =	sdelay $0x3  }
0x36: {  	p1 =	seq.s32 s10, $0x1;
	s10 =	sld [smem:$0x3FB7];
	_ =	sdelay $0x3  }
0x37: {  	[smem:$0x3FB7] =	sst s10  }
0x38: {  	s10 =	sld [smem:$0x3FB8]  }
0x39: {  	_ = 	snop;
	(pc) =	sbr.ind lr, $3  }
0x3a: {  	_ = 	snop  }
0x3b: {  	_ = 	snop  }
0x3c: {  	p2 =	seq.s32 s10, $0x1;
	s10 =	sld [smem:$0x3FB7]  }
0x3d: {  	_ =	shalt  }
0x3e: {  	_ =	shalt  }
0x3f: {  	_ =	shalt  }
0x40: {  	_ =	shalt  }
0x41: {  	_ =	shalt  }
0x42: {  	_ =	shalt  }
0x43: {  	_ =	shalt  }
0x44: {  	_ =	shalt  }
0x45: {  	_ =	shalt  }
0x46: {  	_ =	shalt  }
0x47: {  	_ =	shalt  }
0x48: {  	_ =	shalt  }
0x49: {  	_ =	shalt  }
0x4a: {  	_ =	shalt  }
0x4b: {  	_ =	shalt  }
0x4c: {  	_ =	shalt  }
0x4d: {  	_ =	shalt  }
0x4e: {  	_ =	shalt  }
0x4f: {  	_ =	shalt  }
0x50: {  	_ =	shalt  }
0x51: {  	_ =	shalt  }
0x52: {  	_ =	shalt  }
0x53: {  	_ =	shalt  }
0x54: {  	_ =	shalt  }
0x55: {  	_ =	shalt  }
0x56: {  	_ =	shalt  }
0x57: {  	_ =	shalt  }
0x58: {  	_ =	shalt  }
0x59: {  	_ =	shalt  }
0x5a: {  	_ =	shalt  }
0x5b: {  	_ =	shalt  }
0x5c: {  	_ =	shalt  }
0x5d: {  	_ =	shalt  }
0x5e: {  	_ =	shalt  }
0x5f: {  	_ =	shalt  }
0x60: {  	_ =	shalt  }
0x61: {  	_ =	shalt  }
0x62: {  	_ =	shalt  }
0x63: {  	_ =	shalt  }
0x64: {  	_ =	shalt  }
0x65: {  	_ =	shalt  }
0x66: {  	_ =	shalt  }
0x67: {  	_ =	shalt  }
0x68: {  	_ =	shalt  }
0x69: {  	_ =	shalt  }
0x6a: {  	_ =	shalt  }
0x6b: {  	_ =	shalt  }
0x6c: {  	_ =	shalt  }
0x6d: {  	_ =	shalt  }
0x6e: {  	_ =	shalt  }
0x6f: {  	_ =	shalt  }
0x70: {  	_ =	shalt  }
0x71: {  	_ =	shalt  }
0x72: {  	_ =	shalt  }
0x73: {  	_ =	shalt  }
0x74: {  	_ =	shalt  }
0x75: {  	_ =	shalt  }
0x76: {  	_ =	shalt  }
0x77: {  	_ =	shalt  }
0x78: {  	_ =	shalt  }
0x79: {  	_ =	shalt  }
0x7a: {  	_ =	shalt  }
0x7b: {  	_ =	shalt  }
0x7c: {  	_ =	shalt  }
0x7d: {  	_ =	shalt  }
0x7e: {  	_ =	shalt  }
0x7f: {  	_ =	shalt  }
0x80: {  	_ =	shalt  }
0x81: {  	_ =	shalt  }
0x82: {  	_ =	shalt  }
0x83: {  	_ =	shalt  }
0x84: {  	_ =	shalt  }
0x85: {  	_ =	shalt  }
0x86: {  	_ =	shalt  }
0x87: {  	_ =	shalt  }
.Lfunc_end0:
.L_simem_size_0:
called_computation_lowered:
.L_overlay_start_0:
0x88: {  	s2 =	sld [smem:$0x3FD9]  }
0x89: {  	s3 =	sld [smem:$0x3FFE];
	_ =	sdelay $0x1  }
0x8a: {  	s1 =	srdreg.scid  }
0x8b: {  	s0 =	sand.u32 $0x1, s1  }
0x8c: {  	s14 =	sshll.u32 s0, $0xA;
	s2 =	sadd.s32 s3, s2  }
0x8d: {  	s2 =	sadd.s32 s2, s14  }
0x8e: {  	[smem:$0x3FC3] =	sst s2  }
0x8f: {  	_ = 	snop  }
0x90: {  	s2 =	sld [smem:$0x3FD0];
	_ =	sdelay $0x2  }
0x91: {  	s15 =	simm.s32 $0xA;
	s4 =	simm.s32 $0x10  }
0x92: {  	[smem:s4], [sflag:s15] =	dma.local [hbm:s2], $0x1  }
0x93: {  	_ =	swait.eq [sflag:s15], $0x1  }
0x94: {  	[sflag:s15] =	ssyncset.done $0x0  }
0x95: {  	s16 =	sld [smem:$0x10];
	[sflag:s15] =	ssyncadd.s32 $0xFFFFFFFF  }
0x96: {  	s17 =	sld [smem:$0x11];
	(tm) =	ssettm $0x1  }
0x97: {  	s18 =	sld [smem:$0x3FFB];
	_ =	sdelay $0x3  }
0x98: {  	_ =	strace s18  }
0x99: {  	s4 =	sld [smem:$0x3FFC];
	_ =	sdelay $0x3  }
0x9a: {  	_ =	strace s4  }
0x9b: {  	s4 =	sld [smem:$0x3FFD];
	_ =	sdelay $0x3  }
0x9c: {  	_ =	strace s4  }
0x9d: {  	_ =	strace $0x8FFFFFFF  }
0x9e: {  	s19 =	sld [smem:$0x3FDB];
	_ =	sdelay $0x1  }
0x9f: {  	s5 =	simm.s32 $_scs_section_size  }
0xa0: {  	s6 =	simm.s32 $_size__tile_overlayer_lowered;
	s7 =	simm.s32 $_tile_overlayer_lowered  }
0xa1: {  	s22 =	simm.s32 $0x1BFF;
	s21 =	sshll.u32 s7, $0x1;
	s4 =	sadd.s32 s5, s19  }
0xa2: {  	s8 =	simm.s32 $0x0;
	s20 =	sshll.u32 s6, $0x1;
	s6 =	sadd.s32 s21, s4  }
0xa3: {  	[timem:s8], [sflag:s22] =	dma.local [hbm:s6], s20  }
0xa4: {  	_ =	swait.ge [sflag:s22], s20  }
0xa5: {  	s5 =	ssub.s32 $0x0, s20;
	[sflag:s22] =	ssyncset.done $0x0  }
0xa6: {  	[sflag:s22] =	ssyncadd.s32 s5;
	_ =	sdelay $0x1  }
0xa7: {  	s23 =	simm.s32 $0x1B8B  }
0xa8: {  	_ =	swait.ge [sflag:s23], $0x1  }
0xa9: {  	[sflag:s23] =	ssyncset.done $0x0  }
0xaa: {  	s25 =	simm.s32 $0x1B8E;
	s24 =	sld [smem:$0x3FFE];
	[sflag:s23] =	ssyncadd.s32 $0xFFFFFFFF  }
0xab: {  	s26 =	simm.s32 $execute0_lowered;
	[smem:$0x3FD2] =	sst s25  }
0xac: {  	s6 =	sshll.u32 s26, $0x1;
	_ =	strace $0x80000046;
	[dreg:$0x1] =	wrdreg $0xFFFFFFFF  }
0xad: {  	s28 =	simm.s32 $_size_execute0_lowered;
	s4 =	sadd.s32 s4, s6;
	[dreg:$0x0] =	wrdreg $0x0  }
0xae: {  	s6 =	sshll.u32 s28, $0x1;
	[dreg:$0x2] =	wrdreg s4  }
0xaf: {  	[dreg:$0x3] =	wrdreg s6  }
0xb0: {  	[dreg:$0x4] =	wrdreg $0xC0  }
0xb1: {  	_ =	task [dreg:s8], $0x5FFFF  }
0xb2: {  	[dreg:$0x1] =	wrdreg $0xFFFFFFFF  }
0xb3: {  	[dreg:$0x0] =	wrdreg $0x60  }
0xb4: {  	[dreg:$0x2] =	wrdreg s24  }
0xb5: {  	[dreg:$0x3] =	wrdreg s16  }
0xb6: {  	[dreg:$0x4] =	wrdreg s17  }
0xb7: {  	[dreg:$0x5] =	wrdreg $0x0  }
0xb8: {  	[dreg:$0x6] =	wrdreg $0x9  }
0xb9: {  	_ =	task.clear_ibuf [dreg:s8], $0x7FFFF;
	_ =	strace $0x90000046  }
0xba: {  	s29 =	simm.s32 $0x9;
	_ =	strace $0x80000048  }
0xbb: {  	_ =	swait.ge [sflag:s29], $0x1  }
0xbc: {  	[sflag:s29] =	ssyncadd.s32 $0xFFFFFFFF  }
0xbd: {  	_ =	strace $0x90000048  }
0xbe: {  	_ =	sfence  }
0xbf: {  	s30 =	sld [smem:$0x0];
	_ =	sdelay $0x2  }
0xc0: {  	s31 =	sshll.u32 s1, $0xD;
	s1 =	sshrl.u32 s1, $0x2  }
0xc1: {  	s3 =	sand.u32 $0x4000, s31;
	s1 =	sadd.s32 s1, s30  }
0xc2: {  	s0 =	sor.u32 s3, s0;
	s1 =	sshll.u32 s1, $0x11  }
0xc3: {  	s0 =	sor.u32 s1, s0  }
0xc4: {  	s0 =	sadd.s32 $0x8F2B, s0  }
0xc5: {  	[sflag:s0] =	ssyncadd.remote.s32 $0x1  }
0xc6: {  	_ =	sfence.sel $0xFFFF  }
0xc7: {  	[dreg:$0x0] =	wrdreg $0xFFFFFFFF;
	(pc) =	sbr.abs _section_cstart, $3  }
0xc8: {  	[dreg:$0x1] =	wrdreg $0xFFFFFFFF  }
0xc9: {  	_ =	task.clear_ibuf [dreg:s8], $0x2FFFF;
	_ =	strace $0x9FFFFFFF  }
0xca: {  	(tm) =	ssettm $0x7FFFFFFF  }
0xcb: {  	_ =	shalt  }
tec
execute0_lowered:
.L_overlay_start_1:
0x0: {  	(tag) =	ssettag $0x1  }
0x1: {  	s0 =	rddreg [dreg:$0x0]  }
0x2: {  	s1 =	rddreg [dreg:$0x1]  }
0x3: {  	s2 =	rddreg [dreg:$0x2]  }
0x4: {  	s3 =	rddreg [dreg:$0x3];
	s4 =	srdreg.scid;
	s5 =	simm.s32 $0x0  }
0x5: {  	s12 =	stileid.u32;
	s29 =	simm.s32 $0x2;
	s30 =	simm.s32 $0x5  }
0x6: {  	s31 =	simm.s32 $0x80;
	s4 =	sand.u32 $0x1, s4;
	[smem:$0x7FF] =	sst s5  }
0x7: {  	s11 =	smul.u32 $0x50000, s12;
	s6 =	sshll.u32 s4, $0x4;
	_ =	strace $0x80000047  }
0x8: {  	s8 =	ssub.s32 $0x2, s4;
	s4 =	smul.u32 $0x140000, s4;
	s7 =	sor.u32 s12, s6  }
0x9: {  	s6 =	sadd.s32 $0xB000, s0;
	s10 =	sshrl.u32 s8, $0x1;
	s12 =	smul.u32 $0x14000, s12  }
0xa: {  	s11 =	sshrl.u32 s11, $0x2;
	s9 =	smul.u32 $0x2800, s7;
	s7 =	sadd.s32 $0x1000, s0  }
0xb: {  	s0 =	sadd.s32 $0x33000, s0;
	s8 =	ssub.s32 s8, s10;
	s21 =	sadd.s32 $0x4000, s12  }
0xc: {  	s14 =	sadd.s32 $0x8000, s12;
	s15 =	sadd.s32 s12, s4;
	s22 =	sadd.s32 $0xC000, s12  }
0xd: {  	s12 =	sadd.s32 $0x10000, s12;
	s17 =	sshrl.u32 s9, $0x3;
	s16 =	sadd.s32 s4, s21  }
0xe: {  	s15 =	sshrl.u32 s15, $0x3;
	s24 =	sadd.s32 s4, s14;
	s25 =	sadd.s32 s4, s22  }
0xf: {  	s4 =	sadd.s32 s4, s12;
	s22 =	sadd.s32 s22, s3;
	s13 =	sadd.s32 s1, s17  }
0x10: {  	s18 =	sadd.s32 s2, s17;
	s19 =	sadd.s32 s7, s17;
	[dreg:$0x5] =	wrdreg s13  }
0x11: {  	s10 =	sor.u32 $0x80, s17;
	s16 =	sshrl.u32 s16, $0x3;
	[dreg:$0x6] =	wrdreg s18  }
0x12: {  	s15 =	sadd.s32 s0, s15;
	s4 =	sshrl.u32 s4, $0x3;
	[dreg:$0x7] =	wrdreg s19  }
0x13: {  	s20 =	sadd.s32 s1, s10;
	[dreg:$0x9] =	wrdreg s15;
	s23 =	sadd.s32 s0, s16  }
0x14: {  	s15 =	sshrl.u32 s24, $0x3;
	s16 =	sshrl.u32 s25, $0x3;
	s28 =	sadd.s32 s2, s10  }
0x15: {  	s18 =	sadd.s32 s7, s10;
	s19 =	sadd.s32 s11, s3;
	s24 =	smax.u32 s8, $0x1  }
0x16: {  	s25 =	sor.u32 $0x400, s9;
	s13 =	simm.s32 $0x14800;
	s8 =	simm.s32 $0x3  }
0x17: {  	s9 =	simm.s32 $0x4;
	s10 =	simm.s32 $0x0;
	[dreg:$0x8] =	wrdreg s20  }
.Ltmp0:
0x18: {  	[dreg:$0xa] =	wrdreg s23;
	s15 =	sadd.s32 s0, s15;
	(pc) =	sbr.rel .LBB2_1-.Ltmp0, $4  }
0x19: {  	s26 =	sadd.s32 s0, s16;
	s0 =	sadd.s32 s0, s4;
	[dreg:$0xe] =	wrdreg s28  }
0x1a: {  	s20 =	sadd.s32 s21, s3;
	s21 =	sadd.s32 s14, s3;
	[dreg:$0xb] =	wrdreg s15  }
0x1b: {  	s23 =	sadd.s32 s12, s3;
	s4 =	simm.s32 $0x1;
	[dreg:$0xc] =	wrdreg s26  }
0x1c: {  	v0 =	vimm.f32 $0.0e+00;
	[dreg:$0xd] =	wrdreg s0;
	s26 =	simm.s32 $0x15800;
	s0 =	simm.s32 $0x19800  }
.LBB2_12:
0x1d: {  	[spmem:s3] =	stream.indirect.scatter.add.f32 [tilespmem:s0], [sflag:$0x4], $0x80, s12, s31, $0xb8;
	[tilespmem:$0x1D800] =	vst v63  }
0x1e: {  	_ =	swait.ge [sflag:s9], $0x4000  }
0x1f: {  	[sflag:s9] =	ssyncset.done $0x0  }
0x20: {  	s11 =	stileid.u32;
	[sflag:s9] =	ssyncadd.s32 $0xFFFFC000  }
0x21: {  	s11 =	sshll.u32 s11, $0x6;
	[bflag:$0x0] =	sbarrier.arrive $0xFFFF  }
0x22: {  	s14 =	sshrl.u32 s19, $0x3;
	s11 =	sor.u32 $0x1C03, s11;
	s13 =	rddreg [dreg:$0x9]  }
0x23: {  	[hbm:s13], [sflag:s11] =	dma.local [spmem:s14], $0x800  }
0x24: {  	s15 =	sshrl.u32 s20, $0x3;
	s13 =	rddreg [dreg:$0xa]  }
0x25: {  	[hbm:s13], [sflag:s11] =	dma.local [spmem:s15], $0x800  }
0x26: {  	s16 =	sshrl.u32 s21, $0x3;
	s13 =	rddreg [dreg:$0xb]  }
0x27: {  	[hbm:s13], [sflag:s11] =	dma.local [spmem:s16], $0x800  }
0x28: {  	s17 =	sshrl.u32 s22, $0x3;
	s13 =	rddreg [dreg:$0xc]  }
0x29: {  	[hbm:s13], [sflag:s11] =	dma.local [spmem:s17], $0x800  }
0x2a: {  	s28 =	sshrl.u32 s23, $0x3;
	s13 =	rddreg [dreg:$0xd]  }
0x2b: {  	[hbm:s13], [sflag:s11] =	dma.local [spmem:s28], $0x800  }
0x2c: {  	_ =	swait.ge [sflag:s8], $0x800  }
0x2d: {  	[sflag:s8] =	ssyncset.done $0x0  }
0x2e: {  	[sflag:s8] =	ssyncadd.s32 $0xFFFFF800  }
0x2f: {  	_ =	swait.ge [sflag:s8], $0x800  }
0x30: {  	[sflag:s8] =	ssyncset.done $0x0  }
0x31: {  	[sflag:s8] =	ssyncadd.s32 $0xFFFFF800  }
0x32: {  	_ =	swait.ge [sflag:s8], $0x800  }
0x33: {  	[sflag:s8] =	ssyncset.done $0x0  }
0x34: {  	s10 =	sadd.s32 $0x1, s10;
	[sflag:s8] =	ssyncadd.s32 $0xFFFFF800  }
0x35: {  	p0 =	sne.s32 s10, s24;
	_ =	swait.ge [sflag:s8], $0x800  }
.Ltmp1:
0x36: {  	[sflag:s8] =	ssyncset.done $0x0;
	(pc) =	sbr.rel @!p0 .LBB2_13-.Ltmp1, $4  }
0x37: {  	[sflag:s8] =	ssyncadd.s32 $0xFFFFF800  }
0x38: {  	_ =	swait.ge [sflag:s8], $0x800  }
0x39: {  	[sflag:s8] =	ssyncset.done $0x0  }
0x3a: {  	s13 =	simm.s32 $0x14800;
	[sflag:s8] =	ssyncadd.s32 $0xFFFFF800  }
.LBB2_1:
0x3b: {  	s11 =	rddreg [dreg:$0x5];
	s12 =	simm.s32 $0x14000  }
0x3c: {  	[tilespmem:s12], [sflag:$0x5] =	stream.linear.gather [hbm4b:s11+s5], $0x400, $0x38;
	[tilespmem:$0x1D800] =	vst v63  }
0x3d: {  	s16 =	rddreg [dreg:$0x6]  }
0x3e: {  	[tilespmem:s13], [sflag:$0x5] =	stream.linear.gather [hbm4b:s16+s5], $0x400, $0x38;
	[tilespmem:$0x1D800] =	vst v63  }
0x3f: {  	s17 =	rddreg [dreg:$0x7];
	s28 =	simm.s32 $0x15000  }
0x40: {  	[tilespmem:s28], [sflag:$0x5] =	stream.linear.gather [hbm4b:s17+s5], $0x400, $0x38;
	[tilespmem:$0x1D800] =	vst v63  }
0x41: {  	s14 =	rddreg [dreg:$0x8];
	s15 =	simm.s32 $0x14400  }
0x42: {  	[tilespmem:s15], [sflag:$0x6] =	stream.linear.gather [hbm4b:s14+s5], $0x400, $0x38;
	[tilespmem:$0x1D800] =	vst v63  }
0x43: {  	s16 =	rddreg [dreg:$0xe];
	s17 =	simm.s32 $0x14C00  }
0x44: {  	[tilespmem:s17], [sflag:$0x6] =	stream.linear.gather [hbm4b:s16+s5], $0x400, $0x38;
	[tilespmem:$0x1D800] =	vst v63  }
0x45: {  	s11 =	simm.s32 $0x0;
	s12 =	simm.s32 $0x200;
	s28 =	simm.s32 $0x15400  }
0x46: {  	[tilespmem:s28], [sflag:$0x6] =	stream.linear.gather [hbm4b:s18+s5], $0x400, $0x38;
	[tilespmem:$0x1D800] =	vst v63  }
.LBB2_2:
0x47: {  	p0 =	sne.s32 s12, $0xFE00;
	[tilespmem:s11+$0x15870] =	vst v0  }
0x48: {  	[tilespmem:s11+$0x15800] =	vst v0  }
0x49: {  	[tilespmem:s11+$0x15810] =	vst v0  }
.Ltmp2:
0x4a: {  	[tilespmem:s11+$0x15820] =	vst v0;
	(pc) =	sbr.rel @p0 .LBB2_2-.Ltmp2, $4  }
0x4b: {  	[tilespmem:s11+$0x15830] =	vst v0  }
0x4c: {  	[tilespmem:s11+$0x15840] =	vst v0  }
0x4d: {  	[tilespmem:s11+$0x15850] =	vst v0  }
0x4e: {  	[tilespmem:s11+$0x15860] =	vst v0;
	s11 =	sshra.s32 s12, $0x2;
	s12 =	sadd.s32 $0x200, s12  }
0x4f: {  	[tilespmem:s11+$0x15870] =	vst v0  }
0x50: {  	[tilespmem:s11+$0x15800] =	vst v0  }
0x51: {  	[tilespmem:s11+$0x15810] =	vst v0  }
0x52: {  	[tilespmem:s11+$0x15820] =	vst v0  }
0x53: {  	[tilespmem:s11+$0x15830] =	vst v0  }
0x54: {  	[tilespmem:s11+$0x15840] =	vst v0  }
0x55: {  	[tilespmem:s11+$0x15850] =	vst v0  }
0x56: {  	[tilespmem:s11+$0x15860] =	vst v0  }
0x57: {  	[spmem:s19] =	stream.linear.scatter [tilespmem:s26], [sflag:$0x2], $0x4000, $0x38;
	[tilespmem:$0x1D800] =	vst v63  }
0x58: {  	_ = 	snop  }
0x59: {  	[spmem:s20] =	stream.linear.scatter [tilespmem:s26], [sflag:$0x2], $0x4000, $0x38;
	[tilespmem:$0x1D800] =	vst v63  }
0x5a: {  	_ = 	snop  }
0x5b: {  	[spmem:s21] =	stream.linear.scatter [tilespmem:s26], [sflag:$0x2], $0x4000, $0x38;
	[tilespmem:$0x1D800] =	vst v63  }
0x5c: {  	_ = 	snop  }
0x5d: {  	[spmem:s22] =	stream.linear.scatter [tilespmem:s26], [sflag:$0x2], $0x4000, $0x38;
	[tilespmem:$0x1D800] =	vst v63  }
0x5e: {  	_ = 	snop  }
0x5f: {  	[spmem:s23] =	stream.linear.scatter [tilespmem:s26], [sflag:$0x2], $0x4000, $0x38;
	[tilespmem:$0x1D800] =	vst v63  }
0x60: {  	_ =	swait.ge [sflag:s29], $0x4000  }
0x61: {  	[sflag:s29] =	ssyncset.done $0x0  }
0x62: {  	[sflag:s29] =	ssyncadd.s32 $0xFFFFC000  }
0x63: {  	_ =	swait.ge [sflag:s29], $0x4000  }
0x64: {  	[sflag:s29] =	ssyncset.done $0x0  }
0x65: {  	[sflag:s29] =	ssyncadd.s32 $0xFFFFC000  }
0x66: {  	_ =	swait.ge [sflag:s29], $0x4000  }
0x67: {  	[sflag:s29] =	ssyncset.done $0x0  }
0x68: {  	[sflag:s29] =	ssyncadd.s32 $0xFFFFC000  }
0x69: {  	_ =	swait.ge [sflag:s29], $0x4000  }
0x6a: {  	[sflag:s29] =	ssyncset.done $0x0  }
0x6b: {  	[sflag:s29] =	ssyncadd.s32 $0xFFFFC000  }
0x6c: {  	_ =	swait.ge [sflag:s29], $0x4000  }
0x6d: {  	[sflag:s29] =	ssyncset.done $0x0  }
0x6e: {  	[sflag:s29] =	ssyncadd.s32 $0xFFFFC000  }
0x6f: {  	[bflag:$0x0] =	sbarrier.arrive $0xFFFF  }
0x70: {  	_ =	swait.ge [sflag:s30], $0x400  }
0x71: {  	[sflag:s30] =	ssyncset.done $0x0  }
0x72: {  	[sflag:s30] =	ssyncadd.s32 $0xFFFFFC00  }
0x73: {  	_ =	swait.ge [sflag:s30], $0x400  }
0x74: {  	[sflag:s30] =	ssyncset.done $0x0  }
0x75: {  	[sflag:s30] =	ssyncadd.s32 $0xFFFFFC00  }
0x76: {  	_ =	swait.ge [sflag:s30], $0x400  }
0x77: {  	[sflag:s30] =	ssyncset.done $0x0  }
0x78: {  	s28 =	simm.s32 $0x0;
	[sflag:s30] =	ssyncadd.s32 $0xFFFFFC00  }
0x79: {  	[tilespmem:s26], [sflag:$0x1] =	stream.indirect.gather [hbm4b:s6+s31], $0x80, s13, s31, $0xb8;
	[tilespmem:$0x1D800] =	vst v63  }
.LBB2_4:
0x7a: {  	p0 =	seq.s32 s28, $0x0  }
.Ltmp3:
0x7b: {  	_ = 	snop;
	(pc) =	sbr.rel @p0 .LBB2_6-.Ltmp3, $2  }
0x7c: {  	_ =	sdelay $0x2  }
0x7d: {  	s11 =	sshrl.u32 s28, $0x2  }
0x7e: {  	s12 =	sand.u32 $0x3, s28;
	p0 =	sgt.u32 s28, $0x23  }
0x7f: {  	p1 =	sne.s32 @!p0 s12, $0x0  }
0x80: {  	p2 =	por p1, p0  }
0x81: {  	s12 =	sand.u32 @!p2 $0x1, s11  }
0x82: {  	_ =	swait.ge [sflag:s9], $0x4000;
	s13 =	sshll.u32 @!p2 s11, $0xA;
	p3 =	seq.s32 @!p2 s12, $0x1  }
0x83: {  	[sflag:s9] =	ssyncset.done $0x0;
	s12 =	sadd.s32 @!p2 s25, s13;
	p4 =	por @!p0 !p3, p1  }
0x84: {  	[sflag:s9] =	ssyncadd.s32 $0xFFFFC000;
	s12 =	sshrl.u32 @!p2 s12, $0x3;
	p4 =	por p4, p0  }
0x85: {  	s13 =	sadd.s32 @!p2 s1, s12;
	s14 =	simm.s32 @!p4 $0x0;
	s15 =	simm.s32 @!p4 $0x14000  }
0x86: {  	[tilespmem:s15], [sflag:$0x5] =	stream.linear.gather @!p4 [hbm4b:s13+s14], $0x400, $0x38;
	[tilespmem:$0x1D800] =	vst v63  }
0x87: {  	p1 =	por @!p0 p3, p1;
	s16 =	simm.s32 @!p4 $0x14800;
	s15 =	sadd.s32 @!p2 s2, s12  }
0x88: {  	[tilespmem:s16], [sflag:$0x5] =	stream.linear.gather @!p4 [hbm4b:s15+s14], $0x400, $0x38;
	[tilespmem:$0x1D800] =	vst v63  }
0x89: {  	p0 =	por p1, p0;
	s12 =	sadd.s32 @!p2 s7, s12;
	s16 =	simm.s32 @!p4 $0x15000  }
0x8a: {  	[tilespmem:s16], [sflag:$0x5] =	stream.linear.gather @!p4 [hbm4b:s12+s14], $0x400, $0x38;
	[tilespmem:$0x1D800] =	vst v63  }
0x8b: {  	s14 =	simm.s32 @!p0 $0x0;
	s16 =	simm.s32 @!p0 $0x14400  }
0x8c: {  	[tilespmem:s16], [sflag:$0x6] =	stream.linear.gather @!p0 [hbm4b:s13+s14], $0x400, $0x38;
	[tilespmem:$0x1D800] =	vst v63  }
0x8d: {  	s13 =	simm.s32 @!p0 $0x14C00  }
0x8e: {  	[tilespmem:s13], [sflag:$0x6] =	stream.linear.gather @!p0 [hbm4b:s15+s14], $0x400, $0x38;
	[tilespmem:$0x1D800] =	vst v63  }
0x8f: {  	s13 =	simm.s32 @!p0 $0x15400  }
0x90: {  	[tilespmem:s13], [sflag:$0x6] =	stream.linear.gather @!p0 [hbm4b:s12+s14], $0x400, $0x38;
	[tilespmem:$0x1D800] =	vst v63  }
.LBB2_6:
0x91: {  	s12 =	sshll.u32 s28, $0xA  }
0x92: {  	s11 =	sshll.u32 s11, $0xA;
	s12 =	sand.u32 $0xC00, s12  }
0x93: {  	s15 =	sshll.u32 s28, $0x8;
	s13 =	sand.u32 $0x400, s11;
	s14 =	sshrl.u32 s12, $0x2  }
0x94: {  	s11 =	sand.u32 $0x300, s15;
	s15 =	sor.u32 s14, s13  }
0x95: {  	s12 =	sor.u32 s13, s11;
	s16 =	sor.u32 $0x15000, s15  }
0x96: {  	s17 =	sor.u32 $0x14880, s12;
	v1 =	vmov s16  }
0x97: {  	[tilespmem:s0], [sflag:$0x2] =	stream.indirect.gather [hbm4b:s6+s31], $0x80, s17, s31, $0xb8;
	[tilespmem:$0x1D800] =	vst v63  }
0x98: {  	_ =	swait.ge [sflag:s4], $0x4000  }
0x99: {  	s16 =	simm.s32 $0x0;
	[sflag:s4] =	ssyncset.done $0x0  }
0x9a: {  	s17 =	simm.s32 $0x0;
	s11 =	sand.u32 $0x3FFFFFF0, s16;
	[sflag:s4] =	ssyncadd.s32 $0xFFFFC000  }
0x9b: {  	s15 =	sand.u32 $0x3FFFF800, s17;
	v2 =	vld.idx.msk [tilespmem:v1+s11+$0x0 ss:$0x1], $0xffff  }
0x9c: {  	v8 =	vld [tilespmem:s15+$0x158C0]  }
0x9d: {  	v4 =	vld [tilespmem:s15+$0x15820]  }
0x9e: {  	v5 =	vld [tilespmem:s15+$0x15830]  }
0x9f: {  	v11 =	vld [tilespmem:s15+$0x15860]  }
0xa0: {  	v12 =	vld [tilespmem:s15+$0x15870];
	v3 =	vbroadcast v2, $0x0  }
0xa1: {  	v13 =	vld [tilespmem:s15+$0x15880]  }
0xa2: {  	v14 =	vld [tilespmem:s15+$0x15890];
	v4 =	vmul.f32 v4, v3  }
0xa3: {  	v15 =	vld [tilespmem:s15+$0x158A0];
	v5 =	vmul.f32 v5, v3  }
0xa4: {  	v10 =	vld [tilespmem:s15+$0x158B0];
	v21 =	vbroadcast v2, $0x1;
	v20 =	vmul.f32 v11, v3;
	[tilespmem:s15+$0x15820] =	vst v4  }
0xa5: {  	v9 =	vld [tilespmem:s15+$0x158D0];
	v12 =	vmul.f32 v12, v3;
	[tilespmem:s15+$0x15830] =	vst v5  }
0xa6: {  	v7 =	vld [tilespmem:s15+$0x15D70];
	v13 =	vmul.f32 v13, v21;
	[tilespmem:s15+$0x15860] =	vst v20  }
0xa7: {  	v23 =	vld [tilespmem:s15+$0x158F0];
	v14 =	vmul.f32 v14, v21;
	[tilespmem:s15+$0x15870] =	vst v12  }
0xa8: {  	v24 =	vld [tilespmem:s15+$0x15900];
	v15 =	vmul.f32 v15, v21;
	[tilespmem:s15+$0x15880] =	vst v13  }
0xa9: {  	v25 =	vld [tilespmem:s15+$0x15910];
	v10 =	vmul.f32 v10, v21;
	[tilespmem:s15+$0x15890] =	vst v14  }
0xaa: {  	v22 =	vld [tilespmem:s15+$0x158E0];
	v8 =	vmul.f32 v8, v21;
	[tilespmem:s15+$0x158A0] =	vst v15  }
0xab: {  	v26 =	vld [tilespmem:s15+$0x15920];
	v16 =	vbroadcast v2, $0x2;
	v9 =	vmul.f32 v9, v21;
	[tilespmem:s15+$0x158B0] =	vst v10  }
0xac: {  	v27 =	vld [tilespmem:s15+$0x15930];
	v11 =	vmul.f32 v23, v21;
	[tilespmem:s15+$0x158C0] =	vst v8  }
0xad: {  	v28 =	vld [tilespmem:s15+$0x15940];
	v6 =	vbroadcast v2, $0xA;
	v30 =	vmul.f32 v24, v16;
	[tilespmem:s15+$0x158D0] =	vst v9  }
0xae: {  	v29 =	vld [tilespmem:s15+$0x15950];
	v32 =	vmul.f32 v25, v16;
	[tilespmem:s15+$0x158F0] =	vst v11  }
0xaf: {  	v31 =	vld [tilespmem:s15+$0x15960];
	v4 =	vmul.f32 v7, v6;
	[tilespmem:s15+$0x15900] =	vst v30  }
0xb0: {  	v33 =	vld [tilespmem:s15+$0x15970];
	v12 =	vmul.f32 v22, v21;
	[tilespmem:s15+$0x15910] =	vst v32  }
0xb1: {  	v34 =	vld [tilespmem:s15+$0x15980];
	v10 =	vmul.f32 v26, v16;
	[tilespmem:s15+$0x15D70] =	vst v4  }
0xb2: {  	v35 =	vld [tilespmem:s15+$0x15990];
	v8 =	vmul.f32 v27, v16;
	[tilespmem:s15+$0x158E0] =	vst v12  }
0xb3: {  	v36 =	vld [tilespmem:s15+$0x159A0];
	v9 =	vmul.f32 v28, v16;
	[tilespmem:s15+$0x15920] =	vst v10  }
0xb4: {  	v37 =	vld [tilespmem:s15+$0x159B0];
	v39 =	vbroadcast v2, $0x3;
	v11 =	vmul.f32 v31, v16;
	[tilespmem:s15+$0x15930] =	vst v8  }
0xb5: {  	v38 =	vld [tilespmem:s15+$0x159C0];
	v13 =	vmul.f32 v33, v16;
	[tilespmem:s15+$0x15940] =	vst v9  }
0xb6: {  	v40 =	vld [tilespmem:s15+$0x159D0];
	v14 =	vmul.f32 v34, v39;
	[tilespmem:s15+$0x15960] =	vst v11  }
0xb7: {  	v41 =	vld [tilespmem:s15+$0x159E0];
	v12 =	vmul.f32 v29, v16;
	[tilespmem:s15+$0x15970] =	vst v13  }
0xb8: {  	v42 =	vld [tilespmem:s15+$0x159F0];
	v10 =	vmul.f32 v35, v39;
	[tilespmem:s15+$0x15980] =	vst v14  }
0xb9: {  	v43 =	vld [tilespmem:s15+$0x15A00];
	v8 =	vmul.f32 v36, v39;
	[tilespmem:s15+$0x15950] =	vst v12  }
0xba: {  	v44 =	vld [tilespmem:s15+$0x15A10];
	v9 =	vmul.f32 v37, v39;
	[tilespmem:s15+$0x15990] =	vst v10  }
0xbb: {  	v45 =	vld [tilespmem:s15+$0x15A20];
	v11 =	vmul.f32 v40, v39;
	[tilespmem:s15+$0x159A0] =	vst v8  }
0xbc: {  	v46 =	vld [tilespmem:s15+$0x15A30];
	v13 =	vmul.f32 v41, v39;
	[tilespmem:s15+$0x159B0] =	vst v9  }
0xbd: {  	v47 =	vld [tilespmem:s15+$0x15A40];
	v48 =	vbroadcast v2, $0x4;
	v14 =	vmul.f32 v42, v39;
	[tilespmem:s15+$0x159D0] =	vst v11  }
0xbe: {  	v49 =	vld [tilespmem:s15+$0x15A50];
	v12 =	vmul.f32 v38, v39;
	[tilespmem:s15+$0x159E0] =	vst v13  }
0xbf: {  	v50 =	vld [tilespmem:s15+$0x15A60];
	v10 =	vmul.f32 v43, v48;
	[tilespmem:s15+$0x159F0] =	vst v14  }
0xc0: {  	v51 =	vld [tilespmem:s15+$0x15A70];
	v8 =	vmul.f32 v44, v48;
	[tilespmem:s15+$0x159C0] =	vst v12  }
0xc1: {  	v52 =	vld [tilespmem:s15+$0x15A80];
	v9 =	vmul.f32 v45, v48;
	[tilespmem:s15+$0x15A00] =	vst v10  }
0xc2: {  	v53 =	vld [tilespmem:s15+$0x15A90];
	v11 =	vmul.f32 v47, v48;
	[tilespmem:s15+$0x15A10] =	vst v8  }
0xc3: {  	v54 =	vld [tilespmem:s15+$0x15AA0];
	v13 =	vmul.f32 v49, v48;
	[tilespmem:s15+$0x15A20] =	vst v9  }
0xc4: {  	v55 =	vld [tilespmem:s15+$0x15AB0];
	v14 =	vmul.f32 v50, v48;
	[tilespmem:s15+$0x15A40] =	vst v11  }
0xc5: {  	v56 =	vld [tilespmem:s15+$0x15AC0];
	v57 =	vbroadcast v2, $0x5;
	v12 =	vmul.f32 v46, v48;
	[tilespmem:s15+$0x15A50] =	vst v13  }
0xc6: {  	v58 =	vld [tilespmem:s15+$0x15AD0];
	v10 =	vmul.f32 v51, v48;
	[tilespmem:s15+$0x15A60] =	vst v14  }
0xc7: {  	v59 =	vld [tilespmem:s15+$0x15AE0];
	v8 =	vmul.f32 v52, v57;
	[tilespmem:s15+$0x15A30] =	vst v12  }
0xc8: {  	v60 =	vld [tilespmem:s15+$0x15AF0];
	v9 =	vmul.f32 v53, v57;
	[tilespmem:s15+$0x15A70] =	vst v10  }
0xc9: {  	v61 =	vld [tilespmem:s15+$0x15B00];
	v11 =	vmul.f32 v55, v57;
	[tilespmem:s15+$0x15A80] =	vst v8  }
0xca: {  	v62 =	vld [tilespmem:s15+$0x15B10];
	v13 =	vmul.f32 v56, v57;
	[tilespmem:s15+$0x15A90] =	vst v9  }
0xcb: {  	v63 =	vld [tilespmem:s15+$0x15B20];
	v14 =	vmul.f32 v58, v57;
	[tilespmem:s15+$0x15AB0] =	vst v11  }
0xcc: {  	v20 =	vld [tilespmem:s15+$0x15B30];
	v12 =	vmul.f32 v54, v57;
	[tilespmem:s15+$0x15AC0] =	vst v13  }
0xcd: {  	v21 =	vld [tilespmem:s15+$0x15B40];
	v22 =	vbroadcast v2, $0x6;
	v10 =	vmul.f32 v59, v57;
	[tilespmem:s15+$0x15AD0] =	vst v14  }
0xce: {  	v23 =	vld [tilespmem:s15+$0x15B50];
	v8 =	vmul.f32 v60, v57;
	[tilespmem:s15+$0x15AA0] =	vst v12  }
0xcf: {  	v24 =	vld [tilespmem:s15+$0x15B60];
	v9 =	vmul.f32 v61, v22;
	[tilespmem:s15+$0x15AE0] =	vst v10  }
0xd0: {  	v25 =	vld [tilespmem:s15+$0x15B70];
	v11 =	vmul.f32 v63, v22;
	[tilespmem:s15+$0x15AF0] =	vst v8  }
0xd1: {  	v5 =	vld [tilespmem:s15+$0x15D80];
	v13 =	vmul.f32 v20, v22;
	[tilespmem:s15+$0x15B00] =	vst v9  }
0xd2: {  	v27 =	vld [tilespmem:s15+$0x15B90];
	v14 =	vmul.f32 v21, v22;
	[tilespmem:s15+$0x15B20] =	vst v11  }
0xd3: {  	v28 =	vld [tilespmem:s15+$0x15BA0];
	v12 =	vmul.f32 v62, v22;
	[tilespmem:s15+$0x15B30] =	vst v13  }
0xd4: {  	v29 =	vld [tilespmem:s15+$0x15BB0];
	v10 =	vmul.f32 v23, v22;
	[tilespmem:s15+$0x15B40] =	vst v14  }
0xd5: {  	v31 =	vbroadcast v2, $0x7;
	v53 =	vld [tilespmem:s15+$0x15D00];
	v8 =	vmul.f32 v24, v22;
	[tilespmem:s15+$0x15B10] =	vst v12  }
0xd6: {  	v58 =	vld [tilespmem:s15+$0x15D50];
	v9 =	vmul.f32 v25, v22;
	[tilespmem:s15+$0x15B50] =	vst v10  }
0xd7: {  	v26 =	vld [tilespmem:s15+$0x15B80];
	v11 =	vmul.f32 v27, v31;
	[tilespmem:s15+$0x15B60] =	vst v8  }
0xd8: {  	v30 =	vld [tilespmem:s15+$0x15BC0];
	v13 =	vmul.f32 v28, v31;
	[tilespmem:s15+$0x15B70] =	vst v9  }
0xd9: {  	v32 =	vld [tilespmem:s15+$0x15BD0];
	v14 =	vmul.f32 v29, v31;
	[tilespmem:s15+$0x15B90] =	vst v11  }
0xda: {  	v33 =	vld [tilespmem:s15+$0x15BE0];
	v59 =	vmul.f32 v53, v6;
	[tilespmem:s15+$0x15BA0] =	vst v13  }
0xdb: {  	v35 =	vld [tilespmem:s15+$0x15C00];
	v21 =	vmul.f32 v58, v6;
	[tilespmem:s15+$0x15BB0] =	vst v14  }
0xdc: {  	v36 =	vld [tilespmem:s15+$0x15C10];
	v12 =	vmul.f32 v26, v31;
	[tilespmem:s15+$0x15D00] =	vst v59  }
0xdd: {  	v37 =	vld [tilespmem:s15+$0x15C20];
	v10 =	vmul.f32 v30, v31;
	[tilespmem:s15+$0x15D50] =	vst v21  }
0xde: {  	v7 =	vld [tilespmem:s15+$0x15D90];
	v40 =	vbroadcast v2, $0x8;
	v8 =	vmul.f32 v32, v31;
	[tilespmem:s15+$0x15B80] =	vst v12  }
0xdf: {  	v34 =	vld [tilespmem:s15+$0x15BF0];
	v9 =	vmul.f32 v33, v31;
	[tilespmem:s15+$0x15BC0] =	vst v10  }
0xe0: {  	v57 =	vld [tilespmem:s15+$0x15D40];
	v11 =	vmul.f32 v35, v40;
	[tilespmem:s15+$0x15BD0] =	vst v8  }
0xe1: {  	v61 =	vld [tilespmem:s15+$0x15800];
	v24 =	vbroadcast v2, $0xB;
	v13 =	vmul.f32 v36, v40;
	[tilespmem:s15+$0x15BE0] =	vst v9  }
0xe2: {  	v4 =	vld [tilespmem:s15+$0x15FD0];
	v14 =	vmul.f32 v37, v40;
	[tilespmem:s15+$0x15C00] =	vst v11  }
0xe3: {  	v38 =	vld [tilespmem:s15+$0x15C30];
	v5 =	vmul.f32 v5, v24;
	[tilespmem:s15+$0x15C10] =	vst v13  }
0xe4: {  	v39 =	vld [tilespmem:s15+$0x15C40];
	v7 =	vmul.f32 v7, v24;
	[tilespmem:s15+$0x15C20] =	vst v14  }
0xe5: {  	v41 =	vld [tilespmem:s15+$0x15C50];
	v19 =	vmul.f32 v57, v6;
	[tilespmem:s15+$0x15D80] =	vst v5  }
0xe6: {  	v43 =	vld [tilespmem:s15+$0x15C70];
	v25 =	vmul.f32 v3, v61;
	[tilespmem:s15+$0x15D90] =	vst v7  }
0xe7: {  	v44 =	vld [tilespmem:s15+$0x15C80];
	v12 =	vmul.f32 v34, v31;
	[tilespmem:s15+$0x15D40] =	vst v19  }
0xe8: {  	v45 =	vld [tilespmem:s15+$0x15C90];
	v10 =	vmul.f32 v38, v40;
	[tilespmem:s15+$0x15800] =	vst v25  }
0xe9: {  	v27 =	vld [tilespmem:s15+$0x15DD0];
	v8 =	vmul.f32 v39, v40;
	[tilespmem:s15+$0x15BF0] =	vst v12  }
0xea: {  	v49 =	vbroadcast v2, $0x9;
	v29 =	vld [tilespmem:s15+$0x15DF0];
	v9 =	vmul.f32 v41, v40;
	[tilespmem:s15+$0x15C30] =	vst v10  }
0xeb: {  	v42 =	vld [tilespmem:s15+$0x15C60];
	v11 =	vmul.f32 v43, v40;
	[tilespmem:s15+$0x15C40] =	vst v8  }
0xec: {  	v46 =	vld [tilespmem:s15+$0x15CA0];
	v13 =	vmul.f32 v44, v49;
	[tilespmem:s15+$0x15C50] =	vst v9  }
0xed: {  	v47 =	vld [tilespmem:s15+$0x15CB0];
	v14 =	vmul.f32 v45, v49;
	[tilespmem:s15+$0x15C70] =	vst v11  }
0xee: {  	v48 =	vld [tilespmem:s15+$0x15CC0];
	v32 =	vmul.f32 v27, v24;
	[tilespmem:s15+$0x15C80] =	vst v13  }
0xef: {  	v51 =	vld [tilespmem:s15+$0x15CE0];
	v7 =	vmul.f32 v29, v24;
	[tilespmem:s15+$0x15C90] =	vst v14  }
0xf0: {  	v52 =	vld [tilespmem:s15+$0x15CF0];
	v12 =	vmul.f32 v42, v40;
	[tilespmem:s15+$0x15DD0] =	vst v32  }
0xf1: {  	v10 =	vmul.f32 v46, v49;
	[tilespmem:s15+$0x15DF0] =	vst v7  }
0xf2: {  	v28 =	vld [tilespmem:s15+$0x15DE0];
	v8 =	vmul.f32 v47, v49;
	[tilespmem:s15+$0x15C60] =	vst v12  }
0xf3: {  	v30 =	vld [tilespmem:s15+$0x15E00];
	v9 =	vmul.f32 v48, v49;
	[tilespmem:s15+$0x15CA0] =	vst v10  }
0xf4: {  	v50 =	vld [tilespmem:s15+$0x15CD0];
	v5 =	vbroadcast v2, $0xF;
	v11 =	vmul.f32 v51, v49;
	[tilespmem:s15+$0x15CB0] =	vst v8  }
0xf5: {  	v54 =	vld [tilespmem:s15+$0x15D10];
	v13 =	vmul.f32 v52, v49;
	[tilespmem:s15+$0x15CC0] =	vst v9  }
0xf6: {  	v55 =	vld [tilespmem:s15+$0x15D20];
	v35 =	vbroadcast v2, $0xC;
	v4 =	vmul.f32 v4, v5;
	[tilespmem:s15+$0x15CE0] =	vst v11  }
0xf7: {  	v56 =	vld [tilespmem:s15+$0x15D30];
	v40 =	vmul.f32 v28, v24;
	[tilespmem:s15+$0x15CF0] =	vst v13  }
0xf8: {  	v60 =	vld [tilespmem:s15+$0x15D60];
	v16 =	vmul.f32 v30, v35;
	[tilespmem:s15+$0x15FD0] =	vst v4  }
0xf9: {  	v62 =	vld [tilespmem:s15+$0x15810];
	v12 =	vmul.f32 v50, v49;
	[tilespmem:s15+$0x15DE0] =	vst v40  }
0xfa: {  	v63 =	vld [tilespmem:s15+$0x15840];
	v10 =	vmul.f32 v54, v6;
	[tilespmem:s15+$0x15E00] =	vst v16  }
0xfb: {  	v20 =	vld [tilespmem:s15+$0x15850];
	v8 =	vmul.f32 v55, v6;
	[tilespmem:s15+$0x15CD0] =	vst v12  }
0xfc: {  	v33 =	vld [tilespmem:s15+$0x15E30];
	v9 =	vmul.f32 v56, v6;
	[tilespmem:s15+$0x15D10] =	vst v10  }
0xfd: {  	v61 =	vld [tilespmem:s15+$0x15FF0];
	v6 =	vmul.f32 v60, v6;
	[tilespmem:s15+$0x15D20] =	vst v8  }
0xfe: {  	v38 =	vld [tilespmem:s15+$0x15E70];
	v13 =	vmul.f32 v62, v3;
	[tilespmem:s15+$0x15D30] =	vst v9  }
0xff: {  	v22 =	vld [tilespmem:s15+$0x15DA0];
	v4 =	vmul.f32 v63, v3;
	[tilespmem:s15+$0x15D60] =	vst v6  }
0x100: {  	v23 =	vld [tilespmem:s15+$0x15DB0];
	v3 =	vmul.f32 v20, v3;
	[tilespmem:s15+$0x15810] =	vst v13  }
0x101: {  	v26 =	vld [tilespmem:s15+$0x15DC0];
	v62 =	vmul.f32 v33, v35;
	[tilespmem:s15+$0x15840] =	vst v4  }
0x102: {  	v31 =	vld [tilespmem:s15+$0x15E10];
	v63 =	vmul.f32 v61, v5;
	[tilespmem:s15+$0x15850] =	vst v3  }
0x103: {  	v34 =	vld [tilespmem:s15+$0x15E40];
	v16 =	vmul.f32 v38, v35;
	[tilespmem:s15+$0x15E30] =	vst v62  }
0x104: {  	v41 =	vld [tilespmem:s15+$0x15EA0];
	v8 =	vmul.f32 v22, v24;
	[tilespmem:s15+$0x15FF0] =	vst v63  }
0x105: {  	v46 =	vld [tilespmem:s15+$0x15EE0];
	v9 =	vmul.f32 v23, v24;
	[tilespmem:s15+$0x15E70] =	vst v16  }
0x106: {  	v6 =	vmul.f32 v26, v24;
	v3 =	vld [tilespmem:s15+$0x15E90];
	[tilespmem:s15+$0x15DA0] =	vst v8  }
0x107: {  	v36 =	vld [tilespmem:s15+$0x15E50];
	v44 =	vbroadcast v2, $0xD;
	v10 =	vmul.f32 v31, v35;
	[tilespmem:s15+$0x15DB0] =	vst v9  }
0x108: {  	v37 =	vld [tilespmem:s15+$0x15E60];
	v13 =	vmul.f32 v34, v35;
	[tilespmem:s15+$0x15DC0] =	vst v6  }
0x109: {  	v39 =	vld [tilespmem:s15+$0x15E80];
	v12 =	vmul.f32 v41, v44;
	[tilespmem:s15+$0x15E10] =	vst v10  }
0x10a: {  	v42 =	vld [tilespmem:s15+$0x15EB0];
	v51 =	vmul.f32 v46, v44;
	[tilespmem:s15+$0x15E40] =	vst v13  }
0x10b: {  	v48 =	vld [tilespmem:s15+$0x15F10];
	[tilespmem:s15+$0x15EA0] =	vst v12;
	v3 =	vmul.f32 v3, v44  }
0x10c: {  	v49 =	vld [tilespmem:s15+$0x15F20];
	v9 =	vmul.f32 v36, v35;
	[tilespmem:s15+$0x15EE0] =	vst v51  }
0x10d: {  	v6 =	vmul.f32 v37, v35;
	[tilespmem:s15+$0x15E90] =	vst v3;
	v3 =	vld [tilespmem:s15+$0x15F00]  }
0x10e: {  	v2 =	vbroadcast v2, $0xE;
	v50 =	vld [tilespmem:s15+$0x15F30];
	v10 =	vmul.f32 v39, v44;
	[tilespmem:s15+$0x15E50] =	vst v9  }
0x10f: {  	v45 =	vld [tilespmem:s15+$0x15ED0];
	v13 =	vmul.f32 v42, v44;
	[tilespmem:s15+$0x15E60] =	vst v6  }
0x110: {  	v47 =	vld [tilespmem:s15+$0x15EF0];
	v12 =	vmul.f32 v48, v2;
	[tilespmem:s15+$0x15E80] =	vst v10  }
0x111: {  	v43 =	vld [tilespmem:s15+$0x15EC0];
	v11 =	vmul.f32 v49, v2;
	[tilespmem:s15+$0x15EB0] =	vst v13  }
0x112: {  	v55 =	vld [tilespmem:s15+$0x15F80];
	[tilespmem:s15+$0x15F10] =	vst v12;
	v3 =	vmul.f32 v3, v2  }
0x113: {  	v57 =	vld [tilespmem:s15+$0x15FA0];
	v7 =	vmul.f32 v50, v2;
	[tilespmem:s15+$0x15F20] =	vst v11  }
0x114: {  	v6 =	vmul.f32 v45, v44;
	[tilespmem:s15+$0x15F00] =	vst v3;
	v3 =	vld [tilespmem:s15+$0x15F70]  }
0x115: {  	v52 =	vld [tilespmem:s15+$0x15F40];
	v10 =	vmul.f32 v47, v44;
	[tilespmem:s15+$0x15F30] =	vst v7  }
0x116: {  	v56 =	vld [tilespmem:s15+$0x15F90];
	v9 =	vmul.f32 v43, v44;
	[tilespmem:s15+$0x15ED0] =	vst v6  }
0x117: {  	v54 =	vld [tilespmem:s15+$0x15F60];
	v12 =	vmul.f32 v55, v5;
	[tilespmem:s15+$0x15EF0] =	vst v10  }
0x118: {  	v58 =	vld [tilespmem:s15+$0x15FB0];
	v7 =	vmul.f32 v57, v5;
	[tilespmem:s15+$0x15EC0] =	vst v9  }
0x119: {  	v53 =	vld [tilespmem:s15+$0x15F50];
	[tilespmem:s15+$0x15F80] =	vst v12;
	v3 =	vmul.f32 v3, v2  }
0x11a: {  	v59 =	vld [tilespmem:s15+$0x15FC0];
	v6 =	vmul.f32 v52, v2;
	[tilespmem:s15+$0x15FA0] =	vst v7  }
0x11b: {  	v60 =	vld [tilespmem:s15+$0x15FE0];
	[tilespmem:s15+$0x15F70] =	vst v3;
	v3 =	vmul.f32 v56, v5  }
0x11c: {  	v10 =	vmul.f32 v54, v2;
	[tilespmem:s15+$0x15F40] =	vst v6  }
0x11d: {  	v4 =	vld [tilespmem:s15+$0x15E20];
	[tilespmem:s15+$0x15F90] =	vst v3;
	v3 =	vmul.f32 v58, v5  }
0x11e: {  	[tilespmem:s15+$0x15F60] =	vst v10;
	v2 =	vmul.f32 v53, v2  }
0x11f: {  	[tilespmem:s15+$0x15FB0] =	vst v3;
	v3 =	vmul.f32 v59, v5  }
0x120: {  	[tilespmem:s15+$0x15F50] =	vst v2;
	v5 =	vmul.f32 v60, v5  }
0x121: {  	[tilespmem:s15+$0x15FC0] =	vst v3  }
0x122: {  	s12 =	sor.u32 $0x80, s12;
	s16 =	simm.s32 $0x1;
	s11 =	sshll.u32 s28, $0x1;
	v3 =	vmul.f32 v4, v35;
	[tilespmem:s15+$0x15FE0] =	vst v5  }
.LBB2_7:
0x123: {  	s17 =	sshll.u32 s16, $0x4  }
0x124: {  	p0 =	sne.s32 s16, $0x7;
	[tilespmem:s15+$0x15E20] =	vst v3;
	s15 =	smov.u32 s16;
	s16 =	sadd.s32 $0x1, s16  }
0x125: {  	s17 =	sand.u32 $0x3FFFFFF0, s17  }
0x126: {  	v2 =	vld.idx.msk [tilespmem:v1+s17+$0x0 ss:$0x1], $0xffff  }
0x127: {  	s15 =	sshll.u32 s15, $0xB  }
0x128: {  	s15 =	sand.u32 $0x3FFFF800, s15  }
0x129: {  	v9 =	vld [tilespmem:s15+$0x158C0]  }
0x12a: {  	v10 =	vld [tilespmem:s15+$0x158D0]  }
0x12b: {  	v11 =	vld [tilespmem:s15+$0x158B0]  }
0x12c: {  	v3 =	vbroadcast v2, $0x0;
	v8 =	vbroadcast v2, $0x4;
	v4 =	vld [tilespmem:s15+$0x15820]  }
0x12d: {  	v6 =	vld [tilespmem:s15+$0x15830]  }
0x12e: {  	v7 =	vld [tilespmem:s15+$0x15D70]  }
0x12f: {  	v12 =	vld [tilespmem:s15+$0x15860]  }
0x130: {  	v13 =	vld [tilespmem:s15+$0x15870]  }
0x131: {  	v5 =	vbroadcast v2, $0xA;
	v4 =	vmul.f32 v4, v3;
	v14 =	vld [tilespmem:s15+$0x15880]  }
0x132: {  	v6 =	vmul.f32 v6, v3;
	v15 =	vld [tilespmem:s15+$0x15890]  }
0x133: {  	[tilespmem:s15+$0x15820] =	vst v4;
	v16 =	vld [tilespmem:s15+$0x158A0];
	v4 =	vmul.f32 v7, v5  }
0x134: {  	[tilespmem:s15+$0x15830] =	vst v6;
	v7 =	vmul.f32 v12, v3;
	v12 =	vbroadcast v2, $0x1;
	v6 =	vld [tilespmem:s15+$0x15D80]  }
0x135: {  	v13 =	vmul.f32 v13, v3;
	[tilespmem:s15+$0x15D70] =	vst v4;
	v4 =	vld [tilespmem:s15+$0x15FD0]  }
0x136: {  	[tilespmem:s15+$0x15860] =	vst v7;
	v14 =	vmul.f32 v14, v12;
	v7 =	vld [tilespmem:s15+$0x15D90]  }
0x137: {  	[tilespmem:s15+$0x15870] =	vst v13;
	v13 =	vmul.f32 v15, v12;
	v15 =	vld [tilespmem:s15+$0x158E0]  }
0x138: {  	[tilespmem:s15+$0x15880] =	vst v14;
	v14 =	vmul.f32 v16, v12;
	v16 =	vld [tilespmem:s15+$0x158F0]  }
0x139: {  	v11 =	vmul.f32 v11, v12;
	[tilespmem:s15+$0x15890] =	vst v13;
	v13 =	vld [tilespmem:s15+$0x15900]  }
0x13a: {  	v9 =	vmul.f32 v9, v12;
	[tilespmem:s15+$0x158A0] =	vst v14;
	v14 =	vld [tilespmem:s15+$0x15910]  }
0x13b: {  	v10 =	vmul.f32 v10, v12;
	[tilespmem:s15+$0x158B0] =	vst v11;
	v11 =	vld [tilespmem:s15+$0x15920]  }
0x13c: {  	[tilespmem:s15+$0x158C0] =	vst v9;
	v9 =	vmul.f32 v15, v12;
	v15 =	vbroadcast v2, $0x2;
	v17 =	vld [tilespmem:s15+$0x15930]  }
0x13d: {  	[tilespmem:s15+$0x158D0] =	vst v10;
	v10 =	vmul.f32 v16, v12;
	v12 =	vld [tilespmem:s15+$0x15940]  }
0x13e: {  	[tilespmem:s15+$0x158E0] =	vst v9;
	v9 =	vmul.f32 v13, v15;
	v13 =	vld [tilespmem:s15+$0x15950]  }
0x13f: {  	[tilespmem:s15+$0x158F0] =	vst v10;
	v10 =	vmul.f32 v14, v15;
	v14 =	vld [tilespmem:s15+$0x15960]  }
0x140: {  	[tilespmem:s15+$0x15900] =	vst v9;
	v9 =	vmul.f32 v11, v15;
	v11 =	vld [tilespmem:s15+$0x15970]  }
0x141: {  	[tilespmem:s15+$0x15910] =	vst v10;
	v10 =	vmul.f32 v17, v15;
	v16 =	vld [tilespmem:s15+$0x15980]  }
0x142: {  	[tilespmem:s15+$0x15920] =	vst v9;
	v9 =	vmul.f32 v12, v15;
	v12 =	vld [tilespmem:s15+$0x15990]  }
0x143: {  	[tilespmem:s15+$0x15930] =	vst v10;
	v10 =	vmul.f32 v13, v15;
	v13 =	vld [tilespmem:s15+$0x159A0]  }
0x144: {  	[tilespmem:s15+$0x15940] =	vst v9;
	v9 =	vmul.f32 v14, v15;
	v14 =	vbroadcast v2, $0x3;
	v17 =	vld [tilespmem:s15+$0x159B0]  }
0x145: {  	[tilespmem:s15+$0x15950] =	vst v10;
	v10 =	vmul.f32 v11, v15;
	v11 =	vld [tilespmem:s15+$0x159C0]  }
0x146: {  	[tilespmem:s15+$0x15960] =	vst v9;
	v9 =	vmul.f32 v16, v14;
	v15 =	vld [tilespmem:s15+$0x159D0]  }
0x147: {  	[tilespmem:s15+$0x15970] =	vst v10;
	v10 =	vmul.f32 v12, v14;
	v12 =	vld [tilespmem:s15+$0x159E0]  }
0x148: {  	[tilespmem:s15+$0x15980] =	vst v9;
	v9 =	vmul.f32 v13, v14;
	v13 =	vld [tilespmem:s15+$0x159F0]  }
0x149: {  	[tilespmem:s15+$0x15990] =	vst v10;
	v10 =	vmul.f32 v17, v14;
	v16 =	vld [tilespmem:s15+$0x15A00]  }
0x14a: {  	[tilespmem:s15+$0x159A0] =	vst v9;
	v9 =	vmul.f32 v11, v14;
	v11 =	vld [tilespmem:s15+$0x15A10]  }
0x14b: {  	[tilespmem:s15+$0x159B0] =	vst v10;
	v10 =	vmul.f32 v15, v14;
	v15 =	vld [tilespmem:s15+$0x15A20]  }
0x14c: {  	[tilespmem:s15+$0x159C0] =	vst v9;
	v9 =	vmul.f32 v12, v14;
	v12 =	vld [tilespmem:s15+$0x15A30]  }
0x14d: {  	[tilespmem:s15+$0x159D0] =	vst v10;
	v10 =	vmul.f32 v13, v14;
	v13 =	vld [tilespmem:s15+$0x15A40]  }
0x14e: {  	[tilespmem:s15+$0x159E0] =	vst v9;
	v9 =	vmul.f32 v16, v8;
	v14 =	vld [tilespmem:s15+$0x15A50]  }
0x14f: {  	[tilespmem:s15+$0x159F0] =	vst v10;
	v10 =	vmul.f32 v11, v8;
	v11 =	vld [tilespmem:s15+$0x15A60]  }
0x150: {  	[tilespmem:s15+$0x15A00] =	vst v9;
	v9 =	vmul.f32 v15, v8;
	v15 =	vld [tilespmem:s15+$0x15A70]  }
0x151: {  	[tilespmem:s15+$0x15A10] =	vst v10;
	v10 =	vmul.f32 v12, v8;
	v12 =	vld [tilespmem:s15+$0x15A80]  }
0x152: {  	[tilespmem:s15+$0x15A20] =	vst v9;
	v9 =	vmul.f32 v13, v8;
	v13 =	vld [tilespmem:s15+$0x15A90]  }
0x153: {  	[tilespmem:s15+$0x15A30] =	vst v10;
	v10 =	vmul.f32 v14, v8;
	v14 =	vld [tilespmem:s15+$0x15AA0]  }
0x154: {  	[tilespmem:s15+$0x15A40] =	vst v9;
	v9 =	vmul.f32 v11, v8;
	v11 =	vbroadcast v2, $0x5;
	v16 =	vld [tilespmem:s15+$0x15AB0]  }
0x155: {  	[tilespmem:s15+$0x15A50] =	vst v10;
	v8 =	vmul.f32 v15, v8;
	v10 =	vld [tilespmem:s15+$0x15AC0]  }
0x156: {  	[tilespmem:s15+$0x15A60] =	vst v9;
	v9 =	vmul.f32 v12, v11;
	v12 =	vld [tilespmem:s15+$0x15AD0]  }
0x157: {  	[tilespmem:s15+$0x15A70] =	vst v8;
	v8 =	vmul.f32 v13, v11;
	v13 =	vld [tilespmem:s15+$0x15AE0]  }
0x158: {  	[tilespmem:s15+$0x15A80] =	vst v9;
	v9 =	vmul.f32 v14, v11;
	v14 =	vld [tilespmem:s15+$0x15AF0]  }
0x159: {  	[tilespmem:s15+$0x15A90] =	vst v8;
	v8 =	vmul.f32 v16, v11;
	v15 =	vld [tilespmem:s15+$0x15B00]  }
0x15a: {  	[tilespmem:s15+$0x15AA0] =	vst v9;
	v9 =	vmul.f32 v10, v11;
	v10 =	vld [tilespmem:s15+$0x15B10]  }
0x15b: {  	[tilespmem:s15+$0x15AB0] =	vst v8;
	v8 =	vmul.f32 v12, v11;
	v12 =	vld [tilespmem:s15+$0x15B20]  }
0x15c: {  	[tilespmem:s15+$0x15AC0] =	vst v9;
	v9 =	vmul.f32 v13, v11;
	v13 =	vbroadcast v2, $0x6;
	v16 =	vld [tilespmem:s15+$0x15B30]  }
0x15d: {  	[tilespmem:s15+$0x15AD0] =	vst v8;
	v8 =	vmul.f32 v14, v11;
	v11 =	vld [tilespmem:s15+$0x15B40]  }
0x15e: {  	[tilespmem:s15+$0x15AE0] =	vst v9;
	v9 =	vmul.f32 v15, v13;
	v14 =	vld [tilespmem:s15+$0x15B50]  }
0x15f: {  	[tilespmem:s15+$0x15AF0] =	vst v8;
	v8 =	vmul.f32 v10, v13;
	v10 =	vld [tilespmem:s15+$0x15B60]  }
0x160: {  	[tilespmem:s15+$0x15B00] =	vst v9;
	v9 =	vmul.f32 v12, v13;
	v12 =	vld [tilespmem:s15+$0x15B70]  }
0x161: {  	[tilespmem:s15+$0x15B10] =	vst v8;
	v8 =	vmul.f32 v16, v13;
	v15 =	vld [tilespmem:s15+$0x15B80]  }
0x162: {  	[tilespmem:s15+$0x15B20] =	vst v9;
	v9 =	vmul.f32 v11, v13;
	v11 =	vld [tilespmem:s15+$0x15B90]  }
0x163: {  	[tilespmem:s15+$0x15B30] =	vst v8;
	v8 =	vmul.f32 v14, v13;
	v14 =	vld [tilespmem:s15+$0x15BA0]  }
0x164: {  	[tilespmem:s15+$0x15B40] =	vst v9;
	v9 =	vmul.f32 v10, v13;
	v10 =	vbroadcast v2, $0x7;
	v16 =	vld [tilespmem:s15+$0x15BB0]  }
0x165: {  	[tilespmem:s15+$0x15B50] =	vst v8;
	v8 =	vmul.f32 v12, v13;
	v12 =	vld [tilespmem:s15+$0x15BC0]  }
0x166: {  	[tilespmem:s15+$0x15B60] =	vst v9;
	v9 =	vmul.f32 v15, v10;
	v13 =	vld [tilespmem:s15+$0x15BD0]  }
0x167: {  	[tilespmem:s15+$0x15B70] =	vst v8;
	v8 =	vmul.f32 v11, v10;
	v11 =	vld [tilespmem:s15+$0x15BE0]  }
0x168: {  	[tilespmem:s15+$0x15B80] =	vst v9;
	v9 =	vmul.f32 v14, v10;
	v14 =	vld [tilespmem:s15+$0x15BF0]  }
0x169: {  	[tilespmem:s15+$0x15B90] =	vst v8;
	v8 =	vmul.f32 v16, v10;
	v15 =	vld [tilespmem:s15+$0x15C00]  }
0x16a: {  	[tilespmem:s15+$0x15BA0] =	vst v9;
	v9 =	vmul.f32 v12, v10;
	v12 =	vld [tilespmem:s15+$0x15C10]  }
0x16b: {  	[tilespmem:s15+$0x15BB0] =	vst v8;
	v8 =	vmul.f32 v13, v10;
	v13 =	vld [tilespmem:s15+$0x15C20]  }
0x16c: {  	[tilespmem:s15+$0x15BC0] =	vst v9;
	v9 =	vmul.f32 v11, v10;
	v11 =	vbroadcast v2, $0x8;
	v16 =	vld [tilespmem:s15+$0x15C30]  }
0x16d: {  	[tilespmem:s15+$0x15BD0] =	vst v8;
	v8 =	vmul.f32 v14, v10;
	v10 =	vld [tilespmem:s15+$0x15C40]  }
0x16e: {  	[tilespmem:s15+$0x15BE0] =	vst v9;
	v9 =	vmul.f32 v15, v11;
	v14 =	vld [tilespmem:s15+$0x15C50]  }
0x16f: {  	[tilespmem:s15+$0x15BF0] =	vst v8;
	v8 =	vmul.f32 v12, v11;
	v12 =	vld [tilespmem:s15+$0x15C60]  }
0x170: {  	[tilespmem:s15+$0x15C00] =	vst v9;
	v9 =	vmul.f32 v13, v11;
	v13 =	vld [tilespmem:s15+$0x15C70]  }
0x171: {  	[tilespmem:s15+$0x15C10] =	vst v8;
	v8 =	vmul.f32 v16, v11;
	v15 =	vld [tilespmem:s15+$0x15C80]  }
0x172: {  	[tilespmem:s15+$0x15C20] =	vst v9;
	v9 =	vmul.f32 v10, v11;
	v10 =	vld [tilespmem:s15+$0x15C90]  }
0x173: {  	[tilespmem:s15+$0x15C30] =	vst v8;
	v8 =	vmul.f32 v14, v11;
	v14 =	vld [tilespmem:s15+$0x15CA0]  }
0x174: {  	[tilespmem:s15+$0x15C40] =	vst v9;
	v9 =	vmul.f32 v12, v11;
	v12 =	vbroadcast v2, $0x9;
	v16 =	vld [tilespmem:s15+$0x15CB0]  }
0x175: {  	[tilespmem:s15+$0x15C50] =	vst v8;
	v8 =	vmul.f32 v13, v11;
	v11 =	vld [tilespmem:s15+$0x15CC0]  }
0x176: {  	[tilespmem:s15+$0x15C60] =	vst v9;
	v9 =	vmul.f32 v15, v12;
	v13 =	vld [tilespmem:s15+$0x15CD0]  }
0x177: {  	[tilespmem:s15+$0x15C70] =	vst v8;
	v8 =	vmul.f32 v10, v12;
	v10 =	vld [tilespmem:s15+$0x15CE0]  }
0x178: {  	[tilespmem:s15+$0x15C80] =	vst v9;
	v9 =	vmul.f32 v14, v12;
	v14 =	vld [tilespmem:s15+$0x15CF0]  }
0x179: {  	[tilespmem:s15+$0x15C90] =	vst v8;
	v8 =	vmul.f32 v16, v12;
	v15 =	vld [tilespmem:s15+$0x15D00]  }
0x17a: {  	[tilespmem:s15+$0x15CA0] =	vst v9;
	v9 =	vmul.f32 v11, v12;
	v11 =	vld [tilespmem:s15+$0x15D10]  }
0x17b: {  	[tilespmem:s15+$0x15CB0] =	vst v8;
	v8 =	vmul.f32 v13, v12;
	v13 =	vld [tilespmem:s15+$0x15D20]  }
0x17c: {  	[tilespmem:s15+$0x15CC0] =	vst v9;
	v9 =	vmul.f32 v10, v12;
	v10 =	vld [tilespmem:s15+$0x15D30]  }
0x17d: {  	[tilespmem:s15+$0x15CD0] =	vst v8;
	v8 =	vmul.f32 v14, v12;
	v12 =	vld [tilespmem:s15+$0x15D40]  }
0x17e: {  	[tilespmem:s15+$0x15CE0] =	vst v9;
	v9 =	vmul.f32 v15, v5;
	v14 =	vld [tilespmem:s15+$0x15D50]  }
0x17f: {  	[tilespmem:s15+$0x15CF0] =	vst v8;
	v8 =	vmul.f32 v11, v5;
	v11 =	vld [tilespmem:s15+$0x15D60]  }
0x180: {  	v15 =	vld [tilespmem:s15+$0x15800];
	[tilespmem:s15+$0x15D00] =	vst v9;
	v9 =	vmul.f32 v13, v5  }
0x181: {  	v13 =	vld [tilespmem:s15+$0x15810];
	[tilespmem:s15+$0x15D10] =	vst v8;
	v8 =	vmul.f32 v10, v5  }
0x182: {  	v10 =	vld [tilespmem:s15+$0x15840];
	[tilespmem:s15+$0x15D20] =	vst v9;
	v9 =	vmul.f32 v12, v5  }
0x183: {  	v12 =	vld [tilespmem:s15+$0x15850];
	[tilespmem:s15+$0x15D30] =	vst v8;
	v8 =	vmul.f32 v14, v5  }
0x184: {  	[tilespmem:s15+$0x15D40] =	vst v9;
	v9 =	vmul.f32 v11, v5;
	v11 =	vbroadcast v2, $0xB;
	v14 =	vld [tilespmem:s15+$0x15DA0]  }
0x185: {  	v5 =	vbroadcast v2, $0xF;
	v15 =	vmul.f32 v3, v15;
	[tilespmem:s15+$0x15D50] =	vst v8;
	v8 =	vld [tilespmem:s15+$0x15DB0]  }
0x186: {  	v13 =	vmul.f32 v13, v3;
	[tilespmem:s15+$0x15D60] =	vst v9;
	v6 =	vmul.f32 v6, v11;
	v9 =	vld [tilespmem:s15+$0x15DC0]  }
0x187: {  	v7 =	vmul.f32 v7, v11;
	[tilespmem:s15+$0x15800] =	vst v15;
	v10 =	vmul.f32 v10, v3;
	v15 =	vld [tilespmem:s15+$0x15DD0]  }
0x188: {  	v4 =	vmul.f32 v4, v5;
	v12 =	vmul.f32 v12, v3;
	[tilespmem:s15+$0x15D80] =	vst v6;
	v3 =	vld [tilespmem:s15+$0x15DE0]  }
0x189: {  	[tilespmem:s15+$0x15D90] =	vst v7;
	v6 =	vmul.f32 v14, v11;
	v7 =	vld [tilespmem:s15+$0x15DF0]  }
0x18a: {  	v8 =	vmul.f32 v8, v11;
	v14 =	vld [tilespmem:s15+$0x15E00];
	[tilespmem:s15+$0x15FD0] =	vst v4  }
0x18b: {  	[tilespmem:s15+$0x15810] =	vst v13;
	v4 =	vmul.f32 v9, v11;
	v9 =	vld [tilespmem:s15+$0x15E10]  }
0x18c: {  	[tilespmem:s15+$0x15840] =	vst v10;
	v10 =	vmul.f32 v15, v11;
	v13 =	vld [tilespmem:s15+$0x15E20]  }
0x18d: {  	v15 =	vbroadcast v2, $0xC;
	[tilespmem:s15+$0x15DA0] =	vst v6;
	v6 =	vmul.f32 v3, v11;
	v16 =	vld [tilespmem:s15+$0x15E30]  }
0x18e: {  	[tilespmem:s15+$0x15DD0] =	vst v10;
	v7 =	vmul.f32 v7, v11;
	v10 =	vld [tilespmem:s15+$0x15E40]  }
0x18f: {  	[tilespmem:s15+$0x15DB0] =	vst v8;
	v3 =	vmul.f32 v14, v15;
	v8 =	vld [tilespmem:s15+$0x15E50]  }
0x190: {  	[tilespmem:s15+$0x15DC0] =	vst v4;
	v4 =	vmul.f32 v9, v15;
	v9 =	vld [tilespmem:s15+$0x15E60]  }
0x191: {  	[tilespmem:s15+$0x15E00] =	vst v3;
	v3 =	vmul.f32 v13, v15;
	v11 =	vld [tilespmem:s15+$0x15E70]  }
0x192: {  	[tilespmem:s15+$0x15E10] =	vst v4;
	v4 =	vld [tilespmem:s15+$0x15E80]  }
0x193: {  	[tilespmem:s15+$0x15850] =	vst v12;
	v10 =	vmul.f32 v10, v15;
	v12 =	vld [tilespmem:s15+$0x15E90]  }
0x194: {  	[tilespmem:s15+$0x15DE0] =	vst v6;
	v6 =	vmul.f32 v8, v15;
	v8 =	vld [tilespmem:s15+$0x15EA0]  }
0x195: {  	[tilespmem:s15+$0x15E40] =	vst v10;
	v9 =	vmul.f32 v9, v15;
	v10 =	vbroadcast v2, $0xD;
	v13 =	vld [tilespmem:s15+$0x15EB0]  }
0x196: {  	[tilespmem:s15+$0x15E50] =	vst v6;
	v6 =	vmul.f32 v11, v15;
	v11 =	vld [tilespmem:s15+$0x15EC0]  }
0x197: {  	[tilespmem:s15+$0x15E60] =	vst v9;
	v4 =	vmul.f32 v4, v10;
	v9 =	vld [tilespmem:s15+$0x15ED0]  }
0x198: {  	[tilespmem:s15+$0x15E70] =	vst v6;
	v6 =	vmul.f32 v12, v10;
	v12 =	vld [tilespmem:s15+$0x15EE0]  }
0x199: {  	[tilespmem:s15+$0x15E80] =	vst v4;
	v4 =	vmul.f32 v8, v10;
	v8 =	vld [tilespmem:s15+$0x15EF0]  }
0x19a: {  	[tilespmem:s15+$0x15E90] =	vst v6;
	v6 =	vmul.f32 v13, v10;
	v13 =	vld [tilespmem:s15+$0x15F00]  }
0x19b: {  	[tilespmem:s15+$0x15EA0] =	vst v4;
	v4 =	vmul.f32 v11, v10;
	v11 =	vld [tilespmem:s15+$0x15F10]  }
0x19c: {  	[tilespmem:s15+$0x15EB0] =	vst v6;
	v6 =	vmul.f32 v9, v10;
	v9 =	vld [tilespmem:s15+$0x15F20]  }
0x19d: {  	v2 =	vbroadcast v2, $0xE;
	[tilespmem:s15+$0x15DF0] =	vst v7;
	v7 =	vmul.f32 v12, v10;
	v12 =	vld [tilespmem:s15+$0x15F30]  }
0x19e: {  	[tilespmem:s15+$0x15ED0] =	vst v6;
	v6 =	vmul.f32 v8, v10;
	v8 =	vld [tilespmem:s15+$0x15F40]  }
0x19f: {  	[tilespmem:s15+$0x15EE0] =	vst v7;
	v7 =	vmul.f32 v13, v2;
	v10 =	vld [tilespmem:s15+$0x15F50]  }
0x1a0: {  	[tilespmem:s15+$0x15EF0] =	vst v6;
	v6 =	vmul.f32 v11, v2;
	v11 =	vld [tilespmem:s15+$0x15F60]  }
0x1a1: {  	[tilespmem:s15+$0x15F00] =	vst v7;
	v7 =	vmul.f32 v9, v2;
	v9 =	vld [tilespmem:s15+$0x15F70]  }
0x1a2: {  	[tilespmem:s15+$0x15F10] =	vst v6;
	v6 =	vmul.f32 v12, v2;
	v12 =	vld [tilespmem:s15+$0x15F80]  }
0x1a3: {  	[tilespmem:s15+$0x15F20] =	vst v7;
	v7 =	vmul.f32 v8, v2;
	v8 =	vld [tilespmem:s15+$0x15F90]  }
0x1a4: {  	[tilespmem:s15+$0x15F30] =	vst v6;
	v6 =	vmul.f32 v10, v2;
	v10 =	vld [tilespmem:s15+$0x15FA0]  }
0x1a5: {  	[tilespmem:s15+$0x15F40] =	vst v7;
	v7 =	vmul.f32 v11, v2;
	v11 =	vld [tilespmem:s15+$0x15FB0]  }
0x1a6: {  	[tilespmem:s15+$0x15EC0] =	vst v4;
	v2 =	vmul.f32 v9, v2;
	v4 =	vld [tilespmem:s15+$0x15FC0]  }
0x1a7: {  	[tilespmem:s15+$0x15F60] =	vst v7;
	v7 =	vmul.f32 v12, v5;
	v9 =	vld [tilespmem:s15+$0x15FE0]  }
0x1a8: {  	[tilespmem:s15+$0x15F70] =	vst v2;
	v2 =	vmul.f32 v8, v5;
	v8 =	vld [tilespmem:s15+$0x15FF0]  }
0x1a9: {  	[tilespmem:s15+$0x15F80] =	vst v7;
	v7 =	vmul.f32 v10, v5  }
0x1aa: {  	[tilespmem:s15+$0x15F90] =	vst v2;
	v2 =	vmul.f32 v11, v5  }
0x1ab: {  	v10 =	vmul.f32 v16, v15;
	[tilespmem:s15+$0x15FA0] =	vst v7  }
0x1ac: {  	[tilespmem:s15+$0x15FB0] =	vst v2;
	v2 =	vmul.f32 v4, v5  }
.Ltmp4:
0x1ad: {  	[tilespmem:s15+$0x15E30] =	vst v10;
	v4 =	vmul.f32 v8, v5;
	(pc) =	sbr.rel @p0 .LBB2_7-.Ltmp4, $4  }
0x1ae: {  	[tilespmem:s15+$0x15FC0] =	vst v2  }
0x1af: {  	v2 =	vmul.f32 v9, v5;
	[tilespmem:s15+$0x15FF0] =	vst v4  }
0x1b0: {  	[tilespmem:s15+$0x15F50] =	vst v6  }
0x1b1: {  	[tilespmem:s15+$0x15FE0] =	vst v2  }
0x1b2: {  	s13 =	sadd.s32 s14, s13;
	s17 =	sor.u32 $0x15000, s12  }
0x1b3: {  	[tilespmem:s15+$0x15E20] =	vst v3;
	s13 =	sor.u32 $0x14000, s13;
	v1 =	vmov s17  }
0x1b4: {  	[spmem:s3] =	stream.indirect.scatter.add.f32 [tilespmem:s26], [sflag:$0x3], $0x80, s13, s31, $0xb8;
	[tilespmem:$0x1D800] =	vst v63  }
0x1b5: {  	_ =	swait.ge [sflag:s29], $0x4000  }
0x1b6: {  	s16 =	simm.s32 $0x0;
	[sflag:s29] =	ssyncset.done $0x0  }
0x1b7: {  	s17 =	simm.s32 $0x0;
	s13 =	sand.u32 $0x3FFFFFF0, s16;
	[sflag:s29] =	ssyncadd.s32 $0xFFFFC000  }
0x1b8: {  	v2 =	vld.idx.msk [tilespmem:v1+s13+$0x0 ss:$0x1], $0xffff;
	s13 =	sand.u32 $0x3FFFF800, s17  }
0x1b9: {  	v8 =	vld [tilespmem:s13+$0x198C0]  }
0x1ba: {  	v4 =	vld [tilespmem:s13+$0x19820]  }
0x1bb: {  	v5 =	vld [tilespmem:s13+$0x19830]  }
0x1bc: {  	v11 =	vld [tilespmem:s13+$0x19860]  }
0x1bd: {  	v12 =	vld [tilespmem:s13+$0x19870];
	v3 =	vbroadcast v2, $0x0  }
0x1be: {  	v13 =	vld [tilespmem:s13+$0x19880]  }
0x1bf: {  	v14 =	vld [tilespmem:s13+$0x19890];
	v4 =	vmul.f32 v4, v3  }
0x1c0: {  	v15 =	vld [tilespmem:s13+$0x198A0];
	v5 =	vmul.f32 v5, v3  }
0x1c1: {  	v10 =	vld [tilespmem:s13+$0x198B0];
	v21 =	vbroadcast v2, $0x1;
	v20 =	vmul.f32 v11, v3;
	[tilespmem:s13+$0x19820] =	vst v4  }
0x1c2: {  	v9 =	vld [tilespmem:s13+$0x198D0];
	v12 =	vmul.f32 v12, v3;
	[tilespmem:s13+$0x19830] =	vst v5  }
0x1c3: {  	v7 =	vld [tilespmem:s13+$0x19D70];
	v13 =	vmul.f32 v13, v21;
	[tilespmem:s13+$0x19860] =	vst v20  }
0x1c4: {  	v23 =	vld [tilespmem:s13+$0x198F0];
	v14 =	vmul.f32 v14, v21;
	[tilespmem:s13+$0x19870] =	vst v12  }
0x1c5: {  	v24 =	vld [tilespmem:s13+$0x19900];
	v15 =	vmul.f32 v15, v21;
	[tilespmem:s13+$0x19880] =	vst v13  }
0x1c6: {  	v25 =	vld [tilespmem:s13+$0x19910];
	v10 =	vmul.f32 v10, v21;
	[tilespmem:s13+$0x19890] =	vst v14  }
0x1c7: {  	v22 =	vld [tilespmem:s13+$0x198E0];
	v8 =	vmul.f32 v8, v21;
	[tilespmem:s13+$0x198A0] =	vst v15  }
0x1c8: {  	v26 =	vld [tilespmem:s13+$0x19920];
	v16 =	vbroadcast v2, $0x2;
	v9 =	vmul.f32 v9, v21;
	[tilespmem:s13+$0x198B0] =	vst v10  }
0x1c9: {  	v27 =	vld [tilespmem:s13+$0x19930];
	v11 =	vmul.f32 v23, v21;
	[tilespmem:s13+$0x198C0] =	vst v8  }
0x1ca: {  	v28 =	vld [tilespmem:s13+$0x19940];
	v6 =	vbroadcast v2, $0xA;
	v30 =	vmul.f32 v24, v16;
	[tilespmem:s13+$0x198D0] =	vst v9  }
0x1cb: {  	v29 =	vld [tilespmem:s13+$0x19950];
	v32 =	vmul.f32 v25, v16;
	[tilespmem:s13+$0x198F0] =	vst v11  }
0x1cc: {  	v31 =	vld [tilespmem:s13+$0x19960];
	v4 =	vmul.f32 v7, v6;
	[tilespmem:s13+$0x19900] =	vst v30  }
0x1cd: {  	v33 =	vld [tilespmem:s13+$0x19970];
	v12 =	vmul.f32 v22, v21;
	[tilespmem:s13+$0x19910] =	vst v32  }
0x1ce: {  	v34 =	vld [tilespmem:s13+$0x19980];
	v10 =	vmul.f32 v26, v16;
	[tilespmem:s13+$0x19D70] =	vst v4  }
0x1cf: {  	v35 =	vld [tilespmem:s13+$0x19990];
	v8 =	vmul.f32 v27, v16;
	[tilespmem:s13+$0x198E0] =	vst v12  }
0x1d0: {  	v36 =	vld [tilespmem:s13+$0x199A0];
	v9 =	vmul.f32 v28, v16;
	[tilespmem:s13+$0x19920] =	vst v10  }
0x1d1: {  	v37 =	vld [tilespmem:s13+$0x199B0];
	v39 =	vbroadcast v2, $0x3;
	v11 =	vmul.f32 v31, v16;
	[tilespmem:s13+$0x19930] =	vst v8  }
0x1d2: {  	v38 =	vld [tilespmem:s13+$0x199C0];
	v13 =	vmul.f32 v33, v16;
	[tilespmem:s13+$0x19940] =	vst v9  }
0x1d3: {  	v40 =	vld [tilespmem:s13+$0x199D0];
	v14 =	vmul.f32 v34, v39;
	[tilespmem:s13+$0x19960] =	vst v11  }
0x1d4: {  	v41 =	vld [tilespmem:s13+$0x199E0];
	v12 =	vmul.f32 v29, v16;
	[tilespmem:s13+$0x19970] =	vst v13  }
0x1d5: {  	v42 =	vld [tilespmem:s13+$0x199F0];
	v10 =	vmul.f32 v35, v39;
	[tilespmem:s13+$0x19980] =	vst v14  }
0x1d6: {  	v43 =	vld [tilespmem:s13+$0x19A00];
	v8 =	vmul.f32 v36, v39;
	[tilespmem:s13+$0x19950] =	vst v12  }
0x1d7: {  	v44 =	vld [tilespmem:s13+$0x19A10];
	v9 =	vmul.f32 v37, v39;
	[tilespmem:s13+$0x19990] =	vst v10  }
0x1d8: {  	v45 =	vld [tilespmem:s13+$0x19A20];
	v11 =	vmul.f32 v40, v39;
	[tilespmem:s13+$0x199A0] =	vst v8  }
0x1d9: {  	v46 =	vld [tilespmem:s13+$0x19A30];
	v13 =	vmul.f32 v41, v39;
	[tilespmem:s13+$0x199B0] =	vst v9  }
0x1da: {  	v47 =	vld [tilespmem:s13+$0x19A40];
	v48 =	vbroadcast v2, $0x4;
	v14 =	vmul.f32 v42, v39;
	[tilespmem:s13+$0x199D0] =	vst v11  }
0x1db: {  	v49 =	vld [tilespmem:s13+$0x19A50];
	v12 =	vmul.f32 v38, v39;
	[tilespmem:s13+$0x199E0] =	vst v13  }
0x1dc: {  	v50 =	vld [tilespmem:s13+$0x19A60];
	v10 =	vmul.f32 v43, v48;
	[tilespmem:s13+$0x199F0] =	vst v14  }
0x1dd: {  	v51 =	vld [tilespmem:s13+$0x19A70];
	v8 =	vmul.f32 v44, v48;
	[tilespmem:s13+$0x199C0] =	vst v12  }
0x1de: {  	v52 =	vld [tilespmem:s13+$0x19A80];
	v9 =	vmul.f32 v45, v48;
	[tilespmem:s13+$0x19A00] =	vst v10  }
0x1df: {  	v53 =	vld [tilespmem:s13+$0x19A90];
	v11 =	vmul.f32 v47, v48;
	[tilespmem:s13+$0x19A10] =	vst v8  }
0x1e0: {  	v54 =	vld [tilespmem:s13+$0x19AA0];
	v13 =	vmul.f32 v49, v48;
	[tilespmem:s13+$0x19A20] =	vst v9  }
0x1e1: {  	v55 =	vld [tilespmem:s13+$0x19AB0];
	v14 =	vmul.f32 v50, v48;
	[tilespmem:s13+$0x19A40] =	vst v11  }
0x1e2: {  	v56 =	vld [tilespmem:s13+$0x19AC0];
	v57 =	vbroadcast v2, $0x5;
	v12 =	vmul.f32 v46, v48;
	[tilespmem:s13+$0x19A50] =	vst v13  }
0x1e3: {  	v58 =	vld [tilespmem:s13+$0x19AD0];
	v10 =	vmul.f32 v51, v48;
	[tilespmem:s13+$0x19A60] =	vst v14  }
0x1e4: {  	v59 =	vld [tilespmem:s13+$0x19AE0];
	v8 =	vmul.f32 v52, v57;
	[tilespmem:s13+$0x19A30] =	vst v12  }
0x1e5: {  	v60 =	vld [tilespmem:s13+$0x19AF0];
	v9 =	vmul.f32 v53, v57;
	[tilespmem:s13+$0x19A70] =	vst v10  }
0x1e6: {  	v61 =	vld [tilespmem:s13+$0x19B00];
	v11 =	vmul.f32 v55, v57;
	[tilespmem:s13+$0x19A80] =	vst v8  }
0x1e7: {  	v62 =	vld [tilespmem:s13+$0x19B10];
	v13 =	vmul.f32 v56, v57;
	[tilespmem:s13+$0x19A90] =	vst v9  }
0x1e8: {  	v63 =	vld [tilespmem:s13+$0x19B20];
	v14 =	vmul.f32 v58, v57;
	[tilespmem:s13+$0x19AB0] =	vst v11  }
0x1e9: {  	v20 =	vld [tilespmem:s13+$0x19B30];
	v12 =	vmul.f32 v54, v57;
	[tilespmem:s13+$0x19AC0] =	vst v13  }
0x1ea: {  	v21 =	vld [tilespmem:s13+$0x19B40];
	v22 =	vbroadcast v2, $0x6;
	v10 =	vmul.f32 v59, v57;
	[tilespmem:s13+$0x19AD0] =	vst v14  }
0x1eb: {  	v23 =	vld [tilespmem:s13+$0x19B50];
	v8 =	vmul.f32 v60, v57;
	[tilespmem:s13+$0x19AA0] =	vst v12  }
0x1ec: {  	v24 =	vld [tilespmem:s13+$0x19B60];
	v9 =	vmul.f32 v61, v22;
	[tilespmem:s13+$0x19AE0] =	vst v10  }
0x1ed: {  	v25 =	vld [tilespmem:s13+$0x19B70];
	v11 =	vmul.f32 v63, v22;
	[tilespmem:s13+$0x19AF0] =	vst v8  }
0x1ee: {  	v5 =	vld [tilespmem:s13+$0x19D80];
	v13 =	vmul.f32 v20, v22;
	[tilespmem:s13+$0x19B00] =	vst v9  }
0x1ef: {  	v27 =	vld [tilespmem:s13+$0x19B90];
	v14 =	vmul.f32 v21, v22;
	[tilespmem:s13+$0x19B20] =	vst v11  }
0x1f0: {  	v28 =	vld [tilespmem:s13+$0x19BA0];
	v12 =	vmul.f32 v62, v22;
	[tilespmem:s13+$0x19B30] =	vst v13  }
0x1f1: {  	v29 =	vld [tilespmem:s13+$0x19BB0];
	v10 =	vmul.f32 v23, v22;
	[tilespmem:s13+$0x19B40] =	vst v14  }
0x1f2: {  	v31 =	vbroadcast v2, $0x7;
	v53 =	vld [tilespmem:s13+$0x19D00];
	v8 =	vmul.f32 v24, v22;
	[tilespmem:s13+$0x19B10] =	vst v12  }
0x1f3: {  	v58 =	vld [tilespmem:s13+$0x19D50];
	v9 =	vmul.f32 v25, v22;
	[tilespmem:s13+$0x19B50] =	vst v10  }
0x1f4: {  	v26 =	vld [tilespmem:s13+$0x19B80];
	v11 =	vmul.f32 v27, v31;
	[tilespmem:s13+$0x19B60] =	vst v8  }
0x1f5: {  	v30 =	vld [tilespmem:s13+$0x19BC0];
	v13 =	vmul.f32 v28, v31;
	[tilespmem:s13+$0x19B70] =	vst v9  }
0x1f6: {  	v32 =	vld [tilespmem:s13+$0x19BD0];
	v14 =	vmul.f32 v29, v31;
	[tilespmem:s13+$0x19B90] =	vst v11  }
0x1f7: {  	v33 =	vld [tilespmem:s13+$0x19BE0];
	v59 =	vmul.f32 v53, v6;
	[tilespmem:s13+$0x19BA0] =	vst v13  }
0x1f8: {  	v35 =	vld [tilespmem:s13+$0x19C00];
	v21 =	vmul.f32 v58, v6;
	[tilespmem:s13+$0x19BB0] =	vst v14  }
0x1f9: {  	v36 =	vld [tilespmem:s13+$0x19C10];
	v12 =	vmul.f32 v26, v31;
	[tilespmem:s13+$0x19D00] =	vst v59  }
0x1fa: {  	v37 =	vld [tilespmem:s13+$0x19C20];
	v10 =	vmul.f32 v30, v31;
	[tilespmem:s13+$0x19D50] =	vst v21  }
0x1fb: {  	v7 =	vld [tilespmem:s13+$0x19D90];
	v40 =	vbroadcast v2, $0x8;
	v8 =	vmul.f32 v32, v31;
	[tilespmem:s13+$0x19B80] =	vst v12  }
0x1fc: {  	v34 =	vld [tilespmem:s13+$0x19BF0];
	v9 =	vmul.f32 v33, v31;
	[tilespmem:s13+$0x19BC0] =	vst v10  }
0x1fd: {  	v57 =	vld [tilespmem:s13+$0x19D40];
	v11 =	vmul.f32 v35, v40;
	[tilespmem:s13+$0x19BD0] =	vst v8  }
0x1fe: {  	v61 =	vld [tilespmem:s13+$0x19800];
	v24 =	vbroadcast v2, $0xB;
	v13 =	vmul.f32 v36, v40;
	[tilespmem:s13+$0x19BE0] =	vst v9  }
0x1ff: {  	v4 =	vld [tilespmem:s13+$0x19FD0];
	v14 =	vmul.f32 v37, v40;
	[tilespmem:s13+$0x19C00] =	vst v11  }
0x200: {  	v38 =	vld [tilespmem:s13+$0x19C30];
	v5 =	vmul.f32 v5, v24;
	[tilespmem:s13+$0x19C10] =	vst v13  }
0x201: {  	v39 =	vld [tilespmem:s13+$0x19C40];
	v7 =	vmul.f32 v7, v24;
	[tilespmem:s13+$0x19C20] =	vst v14  }
0x202: {  	v41 =	vld [tilespmem:s13+$0x19C50];
	v19 =	vmul.f32 v57, v6;
	[tilespmem:s13+$0x19D80] =	vst v5  }
0x203: {  	v43 =	vld [tilespmem:s13+$0x19C70];
	v25 =	vmul.f32 v3, v61;
	[tilespmem:s13+$0x19D90] =	vst v7  }
0x204: {  	v44 =	vld [tilespmem:s13+$0x19C80];
	v12 =	vmul.f32 v34, v31;
	[tilespmem:s13+$0x19D40] =	vst v19  }
0x205: {  	v45 =	vld [tilespmem:s13+$0x19C90];
	v10 =	vmul.f32 v38, v40;
	[tilespmem:s13+$0x19800] =	vst v25  }
0x206: {  	v27 =	vld [tilespmem:s13+$0x19DD0];
	v8 =	vmul.f32 v39, v40;
	[tilespmem:s13+$0x19BF0] =	vst v12  }
0x207: {  	v49 =	vbroadcast v2, $0x9;
	v29 =	vld [tilespmem:s13+$0x19DF0];
	v9 =	vmul.f32 v41, v40;
	[tilespmem:s13+$0x19C30] =	vst v10  }
0x208: {  	v42 =	vld [tilespmem:s13+$0x19C60];
	v11 =	vmul.f32 v43, v40;
	[tilespmem:s13+$0x19C40] =	vst v8  }
0x209: {  	v46 =	vld [tilespmem:s13+$0x19CA0];
	v13 =	vmul.f32 v44, v49;
	[tilespmem:s13+$0x19C50] =	vst v9  }
0x20a: {  	v47 =	vld [tilespmem:s13+$0x19CB0];
	v14 =	vmul.f32 v45, v49;
	[tilespmem:s13+$0x19C70] =	vst v11  }
0x20b: {  	v48 =	vld [tilespmem:s13+$0x19CC0];
	v32 =	vmul.f32 v27, v24;
	[tilespmem:s13+$0x19C80] =	vst v13  }
0x20c: {  	v51 =	vld [tilespmem:s13+$0x19CE0];
	v7 =	vmul.f32 v29, v24;
	[tilespmem:s13+$0x19C90] =	vst v14  }
0x20d: {  	v52 =	vld [tilespmem:s13+$0x19CF0];
	v12 =	vmul.f32 v42, v40;
	[tilespmem:s13+$0x19DD0] =	vst v32  }
0x20e: {  	v10 =	vmul.f32 v46, v49;
	[tilespmem:s13+$0x19DF0] =	vst v7  }
0x20f: {  	v28 =	vld [tilespmem:s13+$0x19DE0];
	v8 =	vmul.f32 v47, v49;
	[tilespmem:s13+$0x19C60] =	vst v12  }
0x210: {  	v30 =	vld [tilespmem:s13+$0x19E00];
	v9 =	vmul.f32 v48, v49;
	[tilespmem:s13+$0x19CA0] =	vst v10  }
0x211: {  	v50 =	vld [tilespmem:s13+$0x19CD0];
	v5 =	vbroadcast v2, $0xF;
	v11 =	vmul.f32 v51, v49;
	[tilespmem:s13+$0x19CB0] =	vst v8  }
0x212: {  	v54 =	vld [tilespmem:s13+$0x19D10];
	v13 =	vmul.f32 v52, v49;
	[tilespmem:s13+$0x19CC0] =	vst v9  }
0x213: {  	v55 =	vld [tilespmem:s13+$0x19D20];
	v35 =	vbroadcast v2, $0xC;
	v4 =	vmul.f32 v4, v5;
	[tilespmem:s13+$0x19CE0] =	vst v11  }
0x214: {  	v56 =	vld [tilespmem:s13+$0x19D30];
	v40 =	vmul.f32 v28, v24;
	[tilespmem:s13+$0x19CF0] =	vst v13  }
0x215: {  	v60 =	vld [tilespmem:s13+$0x19D60];
	v16 =	vmul.f32 v30, v35;
	[tilespmem:s13+$0x19FD0] =	vst v4  }
0x216: {  	v62 =	vld [tilespmem:s13+$0x19810];
	v12 =	vmul.f32 v50, v49;
	[tilespmem:s13+$0x19DE0] =	vst v40  }
0x217: {  	v63 =	vld [tilespmem:s13+$0x19840];
	v10 =	vmul.f32 v54, v6;
	[tilespmem:s13+$0x19E00] =	vst v16  }
0x218: {  	v20 =	vld [tilespmem:s13+$0x19850];
	v8 =	vmul.f32 v55, v6;
	[tilespmem:s13+$0x19CD0] =	vst v12  }
0x219: {  	v33 =	vld [tilespmem:s13+$0x19E30];
	v9 =	vmul.f32 v56, v6;
	[tilespmem:s13+$0x19D10] =	vst v10  }
0x21a: {  	v61 =	vld [tilespmem:s13+$0x19FF0];
	v6 =	vmul.f32 v60, v6;
	[tilespmem:s13+$0x19D20] =	vst v8  }
0x21b: {  	v38 =	vld [tilespmem:s13+$0x19E70];
	v13 =	vmul.f32 v62, v3;
	[tilespmem:s13+$0x19D30] =	vst v9  }
0x21c: {  	v22 =	vld [tilespmem:s13+$0x19DA0];
	v4 =	vmul.f32 v63, v3;
	[tilespmem:s13+$0x19D60] =	vst v6  }
0x21d: {  	v23 =	vld [tilespmem:s13+$0x19DB0];
	v3 =	vmul.f32 v20, v3;
	[tilespmem:s13+$0x19810] =	vst v13  }
0x21e: {  	v26 =	vld [tilespmem:s13+$0x19DC0];
	v62 =	vmul.f32 v33, v35;
	[tilespmem:s13+$0x19840] =	vst v4  }
0x21f: {  	v31 =	vld [tilespmem:s13+$0x19E10];
	v63 =	vmul.f32 v61, v5;
	[tilespmem:s13+$0x19850] =	vst v3  }
0x220: {  	v34 =	vld [tilespmem:s13+$0x19E40];
	v16 =	vmul.f32 v38, v35;
	[tilespmem:s13+$0x19E30] =	vst v62  }
0x221: {  	v41 =	vld [tilespmem:s13+$0x19EA0];
	v8 =	vmul.f32 v22, v24;
	[tilespmem:s13+$0x19FF0] =	vst v63  }
0x222: {  	v46 =	vld [tilespmem:s13+$0x19EE0];
	v9 =	vmul.f32 v23, v24;
	[tilespmem:s13+$0x19E70] =	vst v16  }
0x223: {  	v6 =	vmul.f32 v26, v24;
	v3 =	vld [tilespmem:s13+$0x19E90];
	[tilespmem:s13+$0x19DA0] =	vst v8  }
0x224: {  	v36 =	vld [tilespmem:s13+$0x19E50];
	v44 =	vbroadcast v2, $0xD;
	v10 =	vmul.f32 v31, v35;
	[tilespmem:s13+$0x19DB0] =	vst v9  }
0x225: {  	v37 =	vld [tilespmem:s13+$0x19E60];
	v13 =	vmul.f32 v34, v35;
	[tilespmem:s13+$0x19DC0] =	vst v6  }
0x226: {  	v39 =	vld [tilespmem:s13+$0x19E80];
	v12 =	vmul.f32 v41, v44;
	[tilespmem:s13+$0x19E10] =	vst v10  }
0x227: {  	v42 =	vld [tilespmem:s13+$0x19EB0];
	v51 =	vmul.f32 v46, v44;
	[tilespmem:s13+$0x19E40] =	vst v13  }
0x228: {  	v48 =	vld [tilespmem:s13+$0x19F10];
	[tilespmem:s13+$0x19EA0] =	vst v12;
	v3 =	vmul.f32 v3, v44  }
0x229: {  	v49 =	vld [tilespmem:s13+$0x19F20];
	v9 =	vmul.f32 v36, v35;
	[tilespmem:s13+$0x19EE0] =	vst v51  }
0x22a: {  	v6 =	vmul.f32 v37, v35;
	[tilespmem:s13+$0x19E90] =	vst v3;
	v3 =	vld [tilespmem:s13+$0x19F00]  }
0x22b: {  	v2 =	vbroadcast v2, $0xE;
	v50 =	vld [tilespmem:s13+$0x19F30];
	v10 =	vmul.f32 v39, v44;
	[tilespmem:s13+$0x19E50] =	vst v9  }
0x22c: {  	v45 =	vld [tilespmem:s13+$0x19ED0];
	v13 =	vmul.f32 v42, v44;
	[tilespmem:s13+$0x19E60] =	vst v6  }
0x22d: {  	v47 =	vld [tilespmem:s13+$0x19EF0];
	v12 =	vmul.f32 v48, v2;
	[tilespmem:s13+$0x19E80] =	vst v10  }
0x22e: {  	v43 =	vld [tilespmem:s13+$0x19EC0];
	v11 =	vmul.f32 v49, v2;
	[tilespmem:s13+$0x19EB0] =	vst v13  }
0x22f: {  	v55 =	vld [tilespmem:s13+$0x19F80];
	[tilespmem:s13+$0x19F10] =	vst v12;
	v3 =	vmul.f32 v3, v2  }
0x230: {  	v57 =	vld [tilespmem:s13+$0x19FA0];
	v7 =	vmul.f32 v50, v2;
	[tilespmem:s13+$0x19F20] =	vst v11  }
0x231: {  	v6 =	vmul.f32 v45, v44;
	[tilespmem:s13+$0x19F00] =	vst v3;
	v3 =	vld [tilespmem:s13+$0x19F70]  }
0x232: {  	v52 =	vld [tilespmem:s13+$0x19F40];
	v10 =	vmul.f32 v47, v44;
	[tilespmem:s13+$0x19F30] =	vst v7  }
0x233: {  	v56 =	vld [tilespmem:s13+$0x19F90];
	v9 =	vmul.f32 v43, v44;
	[tilespmem:s13+$0x19ED0] =	vst v6  }
0x234: {  	v54 =	vld [tilespmem:s13+$0x19F60];
	v12 =	vmul.f32 v55, v5;
	[tilespmem:s13+$0x19EF0] =	vst v10  }
0x235: {  	v58 =	vld [tilespmem:s13+$0x19FB0];
	v7 =	vmul.f32 v57, v5;
	[tilespmem:s13+$0x19EC0] =	vst v9  }
0x236: {  	v53 =	vld [tilespmem:s13+$0x19F50];
	[tilespmem:s13+$0x19F80] =	vst v12;
	v3 =	vmul.f32 v3, v2  }
0x237: {  	v59 =	vld [tilespmem:s13+$0x19FC0];
	v6 =	vmul.f32 v52, v2;
	[tilespmem:s13+$0x19FA0] =	vst v7  }
0x238: {  	v60 =	vld [tilespmem:s13+$0x19FE0];
	[tilespmem:s13+$0x19F70] =	vst v3;
	v3 =	vmul.f32 v56, v5  }
0x239: {  	v10 =	vmul.f32 v54, v2;
	[tilespmem:s13+$0x19F40] =	vst v6  }
0x23a: {  	v4 =	vld [tilespmem:s13+$0x19E20];
	[tilespmem:s13+$0x19F90] =	vst v3;
	v3 =	vmul.f32 v58, v5  }
0x23b: {  	[tilespmem:s13+$0x19F60] =	vst v10;
	v2 =	vmul.f32 v53, v2  }
0x23c: {  	[tilespmem:s13+$0x19FB0] =	vst v3;
	v3 =	vmul.f32 v59, v5  }
0x23d: {  	[tilespmem:s13+$0x19F50] =	vst v2;
	v5 =	vmul.f32 v60, v5  }
0x23e: {  	[tilespmem:s13+$0x19FC0] =	vst v3  }
0x23f: {  	s14 =	simm.s32 $0x1;
	v3 =	vmul.f32 v4, v35;
	[tilespmem:s13+$0x19FE0] =	vst v5  }
.LBB2_9:
0x240: {  	s15 =	sshll.u32 s14, $0x4  }
0x241: {  	p0 =	sne.s32 s14, $0x7;
	[tilespmem:s13+$0x19E20] =	vst v3;
	s13 =	smov.u32 s14;
	s14 =	sadd.s32 $0x1, s14  }
0x242: {  	s15 =	sand.u32 $0x3FFFFFF0, s15  }
0x243: {  	v2 =	vld.idx.msk [tilespmem:v1+s15+$0x0 ss:$0x1], $0xffff  }
0x244: {  	s13 =	sshll.u32 s13, $0xB  }
0x245: {  	s13 =	sand.u32 $0x3FFFF800, s13  }
0x246: {  	v9 =	vld [tilespmem:s13+$0x198C0]  }
0x247: {  	v10 =	vld [tilespmem:s13+$0x198D0]  }
0x248: {  	v11 =	vld [tilespmem:s13+$0x198B0]  }
0x249: {  	v3 =	vbroadcast v2, $0x0;
	v8 =	vbroadcast v2, $0x4;
	v4 =	vld [tilespmem:s13+$0x19820]  }
0x24a: {  	v6 =	vld [tilespmem:s13+$0x19830]  }
0x24b: {  	v7 =	vld [tilespmem:s13+$0x19D70]  }
0x24c: {  	v12 =	vld [tilespmem:s13+$0x19860]  }
0x24d: {  	v13 =	vld [tilespmem:s13+$0x19870]  }
0x24e: {  	v5 =	vbroadcast v2, $0xA;
	v4 =	vmul.f32 v4, v3;
	v14 =	vld [tilespmem:s13+$0x19880]  }
0x24f: {  	v6 =	vmul.f32 v6, v3;
	v15 =	vld [tilespmem:s13+$0x19890]  }
0x250: {  	[tilespmem:s13+$0x19820] =	vst v4;
	v16 =	vld [tilespmem:s13+$0x198A0];
	v4 =	vmul.f32 v7, v5  }
0x251: {  	[tilespmem:s13+$0x19830] =	vst v6;
	v7 =	vmul.f32 v12, v3;
	v12 =	vbroadcast v2, $0x1;
	v6 =	vld [tilespmem:s13+$0x19D80]  }
0x252: {  	v13 =	vmul.f32 v13, v3;
	[tilespmem:s13+$0x19D70] =	vst v4;
	v4 =	vld [tilespmem:s13+$0x19FD0]  }
0x253: {  	[tilespmem:s13+$0x19860] =	vst v7;
	v14 =	vmul.f32 v14, v12;
	v7 =	vld [tilespmem:s13+$0x19D90]  }
0x254: {  	[tilespmem:s13+$0x19870] =	vst v13;
	v13 =	vmul.f32 v15, v12;
	v15 =	vld [tilespmem:s13+$0x198E0]  }
0x255: {  	[tilespmem:s13+$0x19880] =	vst v14;
	v14 =	vmul.f32 v16, v12;
	v16 =	vld [tilespmem:s13+$0x198F0]  }
0x256: {  	v11 =	vmul.f32 v11, v12;
	[tilespmem:s13+$0x19890] =	vst v13;
	v13 =	vld [tilespmem:s13+$0x19900]  }
0x257: {  	v9 =	vmul.f32 v9, v12;
	[tilespmem:s13+$0x198A0] =	vst v14;
	v14 =	vld [tilespmem:s13+$0x19910]  }
0x258: {  	v10 =	vmul.f32 v10, v12;
	[tilespmem:s13+$0x198B0] =	vst v11;
	v11 =	vld [tilespmem:s13+$0x19920]  }
0x259: {  	[tilespmem:s13+$0x198C0] =	vst v9;
	v9 =	vmul.f32 v15, v12;
	v15 =	vbroadcast v2, $0x2;
	v17 =	vld [tilespmem:s13+$0x19930]  }
0x25a: {  	[tilespmem:s13+$0x198D0] =	vst v10;
	v10 =	vmul.f32 v16, v12;
	v12 =	vld [tilespmem:s13+$0x19940]  }
0x25b: {  	[tilespmem:s13+$0x198E0] =	vst v9;
	v9 =	vmul.f32 v13, v15;
	v13 =	vld [tilespmem:s13+$0x19950]  }
0x25c: {  	[tilespmem:s13+$0x198F0] =	vst v10;
	v10 =	vmul.f32 v14, v15;
	v14 =	vld [tilespmem:s13+$0x19960]  }
0x25d: {  	[tilespmem:s13+$0x19900] =	vst v9;
	v9 =	vmul.f32 v11, v15;
	v11 =	vld [tilespmem:s13+$0x19970]  }
0x25e: {  	[tilespmem:s13+$0x19910] =	vst v10;
	v10 =	vmul.f32 v17, v15;
	v16 =	vld [tilespmem:s13+$0x19980]  }
0x25f: {  	[tilespmem:s13+$0x19920] =	vst v9;
	v9 =	vmul.f32 v12, v15;
	v12 =	vld [tilespmem:s13+$0x19990]  }
0x260: {  	[tilespmem:s13+$0x19930] =	vst v10;
	v10 =	vmul.f32 v13, v15;
	v13 =	vld [tilespmem:s13+$0x199A0]  }
0x261: {  	[tilespmem:s13+$0x19940] =	vst v9;
	v9 =	vmul.f32 v14, v15;
	v14 =	vbroadcast v2, $0x3;
	v17 =	vld [tilespmem:s13+$0x199B0]  }
0x262: {  	[tilespmem:s13+$0x19950] =	vst v10;
	v10 =	vmul.f32 v11, v15;
	v11 =	vld [tilespmem:s13+$0x199C0]  }
0x263: {  	[tilespmem:s13+$0x19960] =	vst v9;
	v9 =	vmul.f32 v16, v14;
	v15 =	vld [tilespmem:s13+$0x199D0]  }
0x264: {  	[tilespmem:s13+$0x19970] =	vst v10;
	v10 =	vmul.f32 v12, v14;
	v12 =	vld [tilespmem:s13+$0x199E0]  }
0x265: {  	[tilespmem:s13+$0x19980] =	vst v9;
	v9 =	vmul.f32 v13, v14;
	v13 =	vld [tilespmem:s13+$0x199F0]  }
0x266: {  	[tilespmem:s13+$0x19990] =	vst v10;
	v10 =	vmul.f32 v17, v14;
	v16 =	vld [tilespmem:s13+$0x19A00]  }
0x267: {  	[tilespmem:s13+$0x199A0] =	vst v9;
	v9 =	vmul.f32 v11, v14;
	v11 =	vld [tilespmem:s13+$0x19A10]  }
0x268: {  	[tilespmem:s13+$0x199B0] =	vst v10;
	v10 =	vmul.f32 v15, v14;
	v15 =	vld [tilespmem:s13+$0x19A20]  }
0x269: {  	[tilespmem:s13+$0x199C0] =	vst v9;
	v9 =	vmul.f32 v12, v14;
	v12 =	vld [tilespmem:s13+$0x19A30]  }
0x26a: {  	[tilespmem:s13+$0x199D0] =	vst v10;
	v10 =	vmul.f32 v13, v14;
	v13 =	vld [tilespmem:s13+$0x19A40]  }
0x26b: {  	[tilespmem:s13+$0x199E0] =	vst v9;
	v9 =	vmul.f32 v16, v8;
	v14 =	vld [tilespmem:s13+$0x19A50]  }
0x26c: {  	[tilespmem:s13+$0x199F0] =	vst v10;
	v10 =	vmul.f32 v11, v8;
	v11 =	vld [tilespmem:s13+$0x19A60]  }
0x26d: {  	[tilespmem:s13+$0x19A00] =	vst v9;
	v9 =	vmul.f32 v15, v8;
	v15 =	vld [tilespmem:s13+$0x19A70]  }
0x26e: {  	[tilespmem:s13+$0x19A10] =	vst v10;
	v10 =	vmul.f32 v12, v8;
	v12 =	vld [tilespmem:s13+$0x19A80]  }
0x26f: {  	[tilespmem:s13+$0x19A20] =	vst v9;
	v9 =	vmul.f32 v13, v8;
	v13 =	vld [tilespmem:s13+$0x19A90]  }
0x270: {  	[tilespmem:s13+$0x19A30] =	vst v10;
	v10 =	vmul.f32 v14, v8;
	v14 =	vld [tilespmem:s13+$0x19AA0]  }
0x271: {  	[tilespmem:s13+$0x19A40] =	vst v9;
	v9 =	vmul.f32 v11, v8;
	v11 =	vbroadcast v2, $0x5;
	v16 =	vld [tilespmem:s13+$0x19AB0]  }
0x272: {  	[tilespmem:s13+$0x19A50] =	vst v10;
	v8 =	vmul.f32 v15, v8;
	v10 =	vld [tilespmem:s13+$0x19AC0]  }
0x273: {  	[tilespmem:s13+$0x19A60] =	vst v9;
	v9 =	vmul.f32 v12, v11;
	v12 =	vld [tilespmem:s13+$0x19AD0]  }
0x274: {  	[tilespmem:s13+$0x19A70] =	vst v8;
	v8 =	vmul.f32 v13, v11;
	v13 =	vld [tilespmem:s13+$0x19AE0]  }
0x275: {  	[tilespmem:s13+$0x19A80] =	vst v9;
	v9 =	vmul.f32 v14, v11;
	v14 =	vld [tilespmem:s13+$0x19AF0]  }
0x276: {  	[tilespmem:s13+$0x19A90] =	vst v8;
	v8 =	vmul.f32 v16, v11;
	v15 =	vld [tilespmem:s13+$0x19B00]  }
0x277: {  	[tilespmem:s13+$0x19AA0] =	vst v9;
	v9 =	vmul.f32 v10, v11;
	v10 =	vld [tilespmem:s13+$0x19B10]  }
0x278: {  	[tilespmem:s13+$0x19AB0] =	vst v8;
	v8 =	vmul.f32 v12, v11;
	v12 =	vld [tilespmem:s13+$0x19B20]  }
0x279: {  	[tilespmem:s13+$0x19AC0] =	vst v9;
	v9 =	vmul.f32 v13, v11;
	v13 =	vbroadcast v2, $0x6;
	v16 =	vld [tilespmem:s13+$0x19B30]  }
0x27a: {  	[tilespmem:s13+$0x19AD0] =	vst v8;
	v8 =	vmul.f32 v14, v11;
	v11 =	vld [tilespmem:s13+$0x19B40]  }
0x27b: {  	[tilespmem:s13+$0x19AE0] =	vst v9;
	v9 =	vmul.f32 v15, v13;
	v14 =	vld [tilespmem:s13+$0x19B50]  }
0x27c: {  	[tilespmem:s13+$0x19AF0] =	vst v8;
	v8 =	vmul.f32 v10, v13;
	v10 =	vld [tilespmem:s13+$0x19B60]  }
0x27d: {  	[tilespmem:s13+$0x19B00] =	vst v9;
	v9 =	vmul.f32 v12, v13;
	v12 =	vld [tilespmem:s13+$0x19B70]  }
0x27e: {  	[tilespmem:s13+$0x19B10] =	vst v8;
	v8 =	vmul.f32 v16, v13;
	v15 =	vld [tilespmem:s13+$0x19B80]  }
0x27f: {  	[tilespmem:s13+$0x19B20] =	vst v9;
	v9 =	vmul.f32 v11, v13;
	v11 =	vld [tilespmem:s13+$0x19B90]  }
0x280: {  	[tilespmem:s13+$0x19B30] =	vst v8;
	v8 =	vmul.f32 v14, v13;
	v14 =	vld [tilespmem:s13+$0x19BA0]  }
0x281: {  	[tilespmem:s13+$0x19B40] =	vst v9;
	v9 =	vmul.f32 v10, v13;
	v10 =	vbroadcast v2, $0x7;
	v16 =	vld [tilespmem:s13+$0x19BB0]  }
0x282: {  	[tilespmem:s13+$0x19B50] =	vst v8;
	v8 =	vmul.f32 v12, v13;
	v12 =	vld [tilespmem:s13+$0x19BC0]  }
0x283: {  	[tilespmem:s13+$0x19B60] =	vst v9;
	v9 =	vmul.f32 v15, v10;
	v13 =	vld [tilespmem:s13+$0x19BD0]  }
0x284: {  	[tilespmem:s13+$0x19B70] =	vst v8;
	v8 =	vmul.f32 v11, v10;
	v11 =	vld [tilespmem:s13+$0x19BE0]  }
0x285: {  	[tilespmem:s13+$0x19B80] =	vst v9;
	v9 =	vmul.f32 v14, v10;
	v14 =	vld [tilespmem:s13+$0x19BF0]  }
0x286: {  	[tilespmem:s13+$0x19B90] =	vst v8;
	v8 =	vmul.f32 v16, v10;
	v15 =	vld [tilespmem:s13+$0x19C00]  }
0x287: {  	[tilespmem:s13+$0x19BA0] =	vst v9;
	v9 =	vmul.f32 v12, v10;
	v12 =	vld [tilespmem:s13+$0x19C10]  }
0x288: {  	[tilespmem:s13+$0x19BB0] =	vst v8;
	v8 =	vmul.f32 v13, v10;
	v13 =	vld [tilespmem:s13+$0x19C20]  }
0x289: {  	[tilespmem:s13+$0x19BC0] =	vst v9;
	v9 =	vmul.f32 v11, v10;
	v11 =	vbroadcast v2, $0x8;
	v16 =	vld [tilespmem:s13+$0x19C30]  }
0x28a: {  	[tilespmem:s13+$0x19BD0] =	vst v8;
	v8 =	vmul.f32 v14, v10;
	v10 =	vld [tilespmem:s13+$0x19C40]  }
0x28b: {  	[tilespmem:s13+$0x19BE0] =	vst v9;
	v9 =	vmul.f32 v15, v11;
	v14 =	vld [tilespmem:s13+$0x19C50]  }
0x28c: {  	[tilespmem:s13+$0x19BF0] =	vst v8;
	v8 =	vmul.f32 v12, v11;
	v12 =	vld [tilespmem:s13+$0x19C60]  }
0x28d: {  	[tilespmem:s13+$0x19C00] =	vst v9;
	v9 =	vmul.f32 v13, v11;
	v13 =	vld [tilespmem:s13+$0x19C70]  }
0x28e: {  	[tilespmem:s13+$0x19C10] =	vst v8;
	v8 =	vmul.f32 v16, v11;
	v15 =	vld [tilespmem:s13+$0x19C80]  }
0x28f: {  	[tilespmem:s13+$0x19C20] =	vst v9;
	v9 =	vmul.f32 v10, v11;
	v10 =	vld [tilespmem:s13+$0x19C90]  }
0x290: {  	[tilespmem:s13+$0x19C30] =	vst v8;
	v8 =	vmul.f32 v14, v11;
	v14 =	vld [tilespmem:s13+$0x19CA0]  }
0x291: {  	[tilespmem:s13+$0x19C40] =	vst v9;
	v9 =	vmul.f32 v12, v11;
	v12 =	vbroadcast v2, $0x9;
	v16 =	vld [tilespmem:s13+$0x19CB0]  }
0x292: {  	[tilespmem:s13+$0x19C50] =	vst v8;
	v8 =	vmul.f32 v13, v11;
	v11 =	vld [tilespmem:s13+$0x19CC0]  }
0x293: {  	[tilespmem:s13+$0x19C60] =	vst v9;
	v9 =	vmul.f32 v15, v12;
	v13 =	vld [tilespmem:s13+$0x19CD0]  }
0x294: {  	[tilespmem:s13+$0x19C70] =	vst v8;
	v8 =	vmul.f32 v10, v12;
	v10 =	vld [tilespmem:s13+$0x19CE0]  }
0x295: {  	[tilespmem:s13+$0x19C80] =	vst v9;
	v9 =	vmul.f32 v14, v12;
	v14 =	vld [tilespmem:s13+$0x19CF0]  }
0x296: {  	[tilespmem:s13+$0x19C90] =	vst v8;
	v8 =	vmul.f32 v16, v12;
	v15 =	vld [tilespmem:s13+$0x19D00]  }
0x297: {  	[tilespmem:s13+$0x19CA0] =	vst v9;
	v9 =	vmul.f32 v11, v12;
	v11 =	vld [tilespmem:s13+$0x19D10]  }
0x298: {  	[tilespmem:s13+$0x19CB0] =	vst v8;
	v8 =	vmul.f32 v13, v12;
	v13 =	vld [tilespmem:s13+$0x19D20]  }
0x299: {  	[tilespmem:s13+$0x19CC0] =	vst v9;
	v9 =	vmul.f32 v10, v12;
	v10 =	vld [tilespmem:s13+$0x19D30]  }
0x29a: {  	[tilespmem:s13+$0x19CD0] =	vst v8;
	v8 =	vmul.f32 v14, v12;
	v12 =	vld [tilespmem:s13+$0x19D40]  }
0x29b: {  	[tilespmem:s13+$0x19CE0] =	vst v9;
	v9 =	vmul.f32 v15, v5;
	v14 =	vld [tilespmem:s13+$0x19D50]  }
0x29c: {  	[tilespmem:s13+$0x19CF0] =	vst v8;
	v8 =	vmul.f32 v11, v5;
	v11 =	vld [tilespmem:s13+$0x19D60]  }
0x29d: {  	v15 =	vld [tilespmem:s13+$0x19800];
	[tilespmem:s13+$0x19D00] =	vst v9;
	v9 =	vmul.f32 v13, v5  }
0x29e: {  	v13 =	vld [tilespmem:s13+$0x19810];
	[tilespmem:s13+$0x19D10] =	vst v8;
	v8 =	vmul.f32 v10, v5  }
0x29f: {  	v10 =	vld [tilespmem:s13+$0x19840];
	[tilespmem:s13+$0x19D20] =	vst v9;
	v9 =	vmul.f32 v12, v5  }
0x2a0: {  	v12 =	vld [tilespmem:s13+$0x19850];
	[tilespmem:s13+$0x19D30] =	vst v8;
	v8 =	vmul.f32 v14, v5  }
0x2a1: {  	[tilespmem:s13+$0x19D40] =	vst v9;
	v9 =	vmul.f32 v11, v5;
	v11 =	vbroadcast v2, $0xB;
	v14 =	vld [tilespmem:s13+$0x19DA0]  }
0x2a2: {  	v5 =	vbroadcast v2, $0xF;
	v15 =	vmul.f32 v3, v15;
	[tilespmem:s13+$0x19D50] =	vst v8;
	v8 =	vld [tilespmem:s13+$0x19DB0]  }
0x2a3: {  	v13 =	vmul.f32 v13, v3;
	[tilespmem:s13+$0x19D60] =	vst v9;
	v6 =	vmul.f32 v6, v11;
	v9 =	vld [tilespmem:s13+$0x19DC0]  }
0x2a4: {  	v7 =	vmul.f32 v7, v11;
	[tilespmem:s13+$0x19800] =	vst v15;
	v10 =	vmul.f32 v10, v3;
	v15 =	vld [tilespmem:s13+$0x19DD0]  }
0x2a5: {  	v4 =	vmul.f32 v4, v5;
	v12 =	vmul.f32 v12, v3;
	[tilespmem:s13+$0x19D80] =	vst v6;
	v3 =	vld [tilespmem:s13+$0x19DE0]  }
0x2a6: {  	[tilespmem:s13+$0x19D90] =	vst v7;
	v6 =	vmul.f32 v14, v11;
	v7 =	vld [tilespmem:s13+$0x19DF0]  }
0x2a7: {  	v8 =	vmul.f32 v8, v11;
	v14 =	vld [tilespmem:s13+$0x19E00];
	[tilespmem:s13+$0x19FD0] =	vst v4  }
0x2a8: {  	[tilespmem:s13+$0x19810] =	vst v13;
	v4 =	vmul.f32 v9, v11;
	v9 =	vld [tilespmem:s13+$0x19E10]  }
0x2a9: {  	[tilespmem:s13+$0x19840] =	vst v10;
	v10 =	vmul.f32 v15, v11;
	v13 =	vld [tilespmem:s13+$0x19E20]  }
0x2aa: {  	v15 =	vbroadcast v2, $0xC;
	[tilespmem:s13+$0x19DA0] =	vst v6;
	v6 =	vmul.f32 v3, v11;
	v16 =	vld [tilespmem:s13+$0x19E30]  }
0x2ab: {  	[tilespmem:s13+$0x19DD0] =	vst v10;
	v7 =	vmul.f32 v7, v11;
	v10 =	vld [tilespmem:s13+$0x19E40]  }
0x2ac: {  	[tilespmem:s13+$0x19DB0] =	vst v8;
	v3 =	vmul.f32 v14, v15;
	v8 =	vld [tilespmem:s13+$0x19E50]  }
0x2ad: {  	[tilespmem:s13+$0x19DC0] =	vst v4;
	v4 =	vmul.f32 v9, v15;
	v9 =	vld [tilespmem:s13+$0x19E60]  }
0x2ae: {  	[tilespmem:s13+$0x19E00] =	vst v3;
	v3 =	vmul.f32 v13, v15;
	v11 =	vld [tilespmem:s13+$0x19E70]  }
0x2af: {  	[tilespmem:s13+$0x19E10] =	vst v4;
	v4 =	vld [tilespmem:s13+$0x19E80]  }
0x2b0: {  	[tilespmem:s13+$0x19850] =	vst v12;
	v10 =	vmul.f32 v10, v15;
	v12 =	vld [tilespmem:s13+$0x19E90]  }
0x2b1: {  	[tilespmem:s13+$0x19DE0] =	vst v6;
	v6 =	vmul.f32 v8, v15;
	v8 =	vld [tilespmem:s13+$0x19EA0]  }
0x2b2: {  	[tilespmem:s13+$0x19E40] =	vst v10;
	v9 =	vmul.f32 v9, v15;
	v10 =	vbroadcast v2, $0xD;
	v13 =	vld [tilespmem:s13+$0x19EB0]  }
0x2b3: {  	[tilespmem:s13+$0x19E50] =	vst v6;
	v6 =	vmul.f32 v11, v15;
	v11 =	vld [tilespmem:s13+$0x19EC0]  }
0x2b4: {  	[tilespmem:s13+$0x19E60] =	vst v9;
	v4 =	vmul.f32 v4, v10;
	v9 =	vld [tilespmem:s13+$0x19ED0]  }
0x2b5: {  	[tilespmem:s13+$0x19E70] =	vst v6;
	v6 =	vmul.f32 v12, v10;
	v12 =	vld [tilespmem:s13+$0x19EE0]  }
0x2b6: {  	[tilespmem:s13+$0x19E80] =	vst v4;
	v4 =	vmul.f32 v8, v10;
	v8 =	vld [tilespmem:s13+$0x19EF0]  }
0x2b7: {  	[tilespmem:s13+$0x19E90] =	vst v6;
	v6 =	vmul.f32 v13, v10;
	v13 =	vld [tilespmem:s13+$0x19F00]  }
0x2b8: {  	[tilespmem:s13+$0x19EA0] =	vst v4;
	v4 =	vmul.f32 v11, v10;
	v11 =	vld [tilespmem:s13+$0x19F10]  }
0x2b9: {  	[tilespmem:s13+$0x19EB0] =	vst v6;
	v6 =	vmul.f32 v9, v10;
	v9 =	vld [tilespmem:s13+$0x19F20]  }
0x2ba: {  	v2 =	vbroadcast v2, $0xE;
	[tilespmem:s13+$0x19DF0] =	vst v7;
	v7 =	vmul.f32 v12, v10;
	v12 =	vld [tilespmem:s13+$0x19F30]  }
0x2bb: {  	[tilespmem:s13+$0x19ED0] =	vst v6;
	v6 =	vmul.f32 v8, v10;
	v8 =	vld [tilespmem:s13+$0x19F40]  }
0x2bc: {  	[tilespmem:s13+$0x19EE0] =	vst v7;
	v7 =	vmul.f32 v13, v2;
	v10 =	vld [tilespmem:s13+$0x19F50]  }
0x2bd: {  	[tilespmem:s13+$0x19EF0] =	vst v6;
	v6 =	vmul.f32 v11, v2;
	v11 =	vld [tilespmem:s13+$0x19F60]  }
0x2be: {  	[tilespmem:s13+$0x19F00] =	vst v7;
	v7 =	vmul.f32 v9, v2;
	v9 =	vld [tilespmem:s13+$0x19F70]  }
0x2bf: {  	[tilespmem:s13+$0x19F10] =	vst v6;
	v6 =	vmul.f32 v12, v2;
	v12 =	vld [tilespmem:s13+$0x19F80]  }
0x2c0: {  	[tilespmem:s13+$0x19F20] =	vst v7;
	v7 =	vmul.f32 v8, v2;
	v8 =	vld [tilespmem:s13+$0x19F90]  }
0x2c1: {  	[tilespmem:s13+$0x19F30] =	vst v6;
	v6 =	vmul.f32 v10, v2;
	v10 =	vld [tilespmem:s13+$0x19FA0]  }
0x2c2: {  	[tilespmem:s13+$0x19F40] =	vst v7;
	v7 =	vmul.f32 v11, v2;
	v11 =	vld [tilespmem:s13+$0x19FB0]  }
0x2c3: {  	[tilespmem:s13+$0x19EC0] =	vst v4;
	v2 =	vmul.f32 v9, v2;
	v4 =	vld [tilespmem:s13+$0x19FC0]  }
0x2c4: {  	[tilespmem:s13+$0x19F60] =	vst v7;
	v7 =	vmul.f32 v12, v5;
	v9 =	vld [tilespmem:s13+$0x19FE0]  }
0x2c5: {  	[tilespmem:s13+$0x19F70] =	vst v2;
	v2 =	vmul.f32 v8, v5;
	v8 =	vld [tilespmem:s13+$0x19FF0]  }
0x2c6: {  	[tilespmem:s13+$0x19F80] =	vst v7;
	v7 =	vmul.f32 v10, v5  }
0x2c7: {  	[tilespmem:s13+$0x19F90] =	vst v2;
	v2 =	vmul.f32 v11, v5  }
0x2c8: {  	v10 =	vmul.f32 v16, v15;
	[tilespmem:s13+$0x19FA0] =	vst v7  }
0x2c9: {  	[tilespmem:s13+$0x19FB0] =	vst v2;
	v2 =	vmul.f32 v4, v5  }
.Ltmp5:
0x2ca: {  	[tilespmem:s13+$0x19E30] =	vst v10;
	v4 =	vmul.f32 v8, v5;
	(pc) =	sbr.rel @p0 .LBB2_9-.Ltmp5, $4  }
0x2cb: {  	[tilespmem:s13+$0x19FC0] =	vst v2  }
0x2cc: {  	v2 =	vmul.f32 v9, v5;
	[tilespmem:s13+$0x19FF0] =	vst v4  }
0x2cd: {  	[tilespmem:s13+$0x19F50] =	vst v6  }
0x2ce: {  	[tilespmem:s13+$0x19FE0] =	vst v2  }
0x2cf: {  	p0 =	seq.s32 s28, $0x27  }
.Ltmp6:
0x2d0: {  	_ = 	snop;
	(pc) =	sbr.rel @p0 .LBB2_12-.Ltmp6, $4  }
0x2d1: {  	[tilespmem:s13+$0x19E20] =	vst v3  }
0x2d2: {  	_ =	swait.ge [sflag:s8], $0x4000  }
0x2d3: {  	[sflag:s8] =	ssyncset.done $0x0  }
0x2d4: {  	s12 =	sor.u32 $0x14000, s12;
	[sflag:s8] =	ssyncadd.s32 $0xFFFFC000  }
0x2d5: {  	s11 =	sadd.s32 $0x2, s11  }
0x2d6: {  	s13 =	sand.u32 $0x6, s11  }
0x2d7: {  	s11 =	sshrl.u32 s11, $0x3;
	p0 =	sne.s32 s13, $0x0  }
0x2d8: {  	s14 =	sand.u32 @!p0 $0x1, s11  }
0x2d9: {  	p1 =	seq.s32 @!p0 s14, $0x1  }
0x2da: {  	s14 =	simm.s32 @!p0 $0x6;
	p1 =	por !p1, p0  }
0x2db: {  	s14 =	simm.s32 @p1 $0x5  }
0x2dc: {  	_ =	swait.ge @!p0 [sflag:s14], $0x400  }
0x2dd: {  	[sflag:s14] =	ssyncset.done @!p0 $0x0  }
0x2de: {  	[sflag:s14] =	ssyncadd.s32 @!p0 $0xFFFFFC00  }
0x2df: {  	_ =	swait.ge @!p0 [sflag:s14], $0x400  }
0x2e0: {  	[sflag:s14] =	ssyncset.done @!p0 $0x0  }
0x2e1: {  	s11 =	sshll.u32 s11, $0xA;
	[sflag:s14] =	ssyncadd.s32 @!p0 $0xFFFFFC00  }
0x2e2: {  	s13 =	sshll.u32 s13, $0x7;
	s11 =	sand.u32 $0x400, s11;
	_ =	swait.ge @!p0 [sflag:s14], $0x400  }
.Ltmp7:
0x2e3: {  	s11 =	sor.u32 s13, s11;
	[sflag:s14] =	ssyncset.done @!p0 $0x0;
	(pc) =	sbr.rel .LBB2_4-.Ltmp7, $4  }
0x2e4: {  	s11 =	sor.u32 $0x14800, s11;
	[sflag:s14] =	ssyncadd.s32 @!p0 $0xFFFFFC00  }
0x2e5: {  	[tilespmem:s26], [sflag:$0x1] =	stream.indirect.gather [hbm4b:s6+s31], $0x80, s11, s31, $0xb8;
	[tilespmem:$0x1D800] =	vst v63  }
0x2e6: {  	s28 =	sadd.s32 $0x1, s28  }
0x2e7: {  	[spmem:s3] =	stream.indirect.scatter.add.f32 [tilespmem:s0], [sflag:$0x4], $0x80, s12, s31, $0xb8;
	[tilespmem:$0x1D800] =	vst v63  }
.LBB2_13:
0x2e8: {  	_ =	sfence.sel $0x180000  }
0x2e9: {  	[bflag:$0x0] =	sbarrier.arrive $0xFFFF  }
0x2ea: {  	_ =	strace $0x90000047  }
0x2eb: {  	s0 =	stileid.u32;
	[bflag:$0x2] =	sbarrier.arrive $0xFFFF  }
0x2ec: {  	p0 =	sne.s32 s0, $0x0;
	s0 =	rddreg [dreg:$0x4]  }
0x2ed: {  	s0 =	sadd.s32 @!p0 $0x100000, s0  }
0x2ee: {  	[sflag:s0] =	ssyncadd.tile.s32 @!p0 $0x1;
	_ =	shalt  }
.Lfunc_end2:
_tile_overlayer_lowered:
.L_overlay_start_2:
0x2ef: {  	(tag) =	ssettag $0x2  }
0x2f0: {  	s0 =	rddreg [dreg:$0x0];
	s2 =	stileid.u32  }
0x2f1: {  	s1 =	rddreg [dreg:$0x1];
	p0 =	sne.s32 s2, $0x0  }
0x2f2: {  	s3 =	rddreg [dreg:$0x2];
	[bflag:$0x3] =	sbarrier.arrive $0xFFFF;
	s2 =	simm.s32 @!p0 $0x1C07  }
0x2f3: {  	[timem:s3], [sflag:s2] =	dma.local @!p0 [hbm:s0], s1  }
0x2f4: {  	s0 =	simm.s32 @!p0 $0x7  }
0x2f5: {  	_ =	swait.ge @!p0 [sflag:s0], s1  }
0x2f6: {  	s1 =	ssub.s32 @!p0 $0x0, s1;
	[sflag:s0] =	ssyncset.done @!p0 $0x0  }
0x2f7: {  	[sflag:s0] =	ssyncadd.s32 @!p0 s1  }
0x2f8: {  	[bflag:$0x3] =	sbarrier.arrive $0xFFFF  }
0x2f9: {  	_ =	shalt  }

</sc_bundles>
